<compile_context>
chip_gen: v7x
topology: tpu7x:2x2x1
jax: 0.10.2.dev20260603
libtpu: 0.0.44.dev20260713+nightly
codegen_flags: <defaults>
</compile_context>

<pallas_src>
import functools

import jax
import jax.numpy as jnp
from jax import lax
from jax.experimental import pallas as pl
from jax.experimental.pallas import tpu as pltpu
from jax.experimental.pallas import tpu_sc as plsc

_N = 10000
_E = 160000
_R = 3
_NTILES = 32
_PTILE = 5120
_EPAD = _NTILES * _PTILE
_NPAD = 10240
_ZROWS = _NPAD // 16

_mesh = plsc.VectorSubcoreMesh(core_axis_name="c", subcore_axis_name="s")
_sc_params = pltpu.CompilerParams(use_tc_tiling_on_sc=False)



_DEG_K = 1
_DEG_S = _PTILE // (_DEG_K * 128)


@functools.partial(
    pl.kernel,
    out_type=jax.ShapeDtypeStruct((6, 2, _NPAD, 16), jnp.float32),
    mesh=_mesh,
    scratch_types=[
        pltpu.VMEM((6, _DEG_S, _DEG_K * 128), jnp.int32),
        pltpu.VMEM((_DEG_K * 128, 16), jnp.float32),
        pltpu.VMEM_SHARED((_NPAD, 16), jnp.float32),
    ],
    compiler_params=_sc_params,
)
def _sc_degrees(idx_hbm, ones_hbm, zeros_hbm, out_hbm, idx_v, ones_v, acc):
    c = lax.axis_index("c")
    s = lax.axis_index("s")
    w = c * 16 + s
    pltpu.sync_copy(idx_hbm.at[w], idx_v)
    pltpu.sync_copy(ones_hbm, ones_v)
    for j in range(6):
        pltpu.sync_copy(zeros_hbm.at[pl.ds(s * _ZROWS, _ZROWS)],
                        acc.at[pl.ds(s * _ZROWS, _ZROWS)])
        plsc.subcore_barrier()

        def step(i, carry):
            pltpu.sync_copy(ones_v, acc.at[idx_v.at[j, i]], add=True)
            return carry

        lax.fori_loop(0, _DEG_S, step, 0)
        plsc.subcore_barrier()
        pltpu.sync_copy(acc.at[pl.ds(s * _ZROWS, _ZROWS)],
                        out_hbm.at[j, c, pl.ds(s * _ZROWS, _ZROWS)])
        plsc.subcore_barrier()


def _make_sc_segsum(d, k, n_tab):
    steps = _PTILE // (k * 128)
    chunk = k * 128

    @functools.partial(
        pl.kernel,
        out_type=jax.ShapeDtypeStruct((n_tab, 2, _NPAD, d), jnp.float32),
        mesh=_mesh,
        scratch_types=[
            pltpu.VMEM((_R, steps, chunk), jnp.int32),
            pltpu.VMEM((_R, steps, chunk), jnp.int32),
            pltpu.VMEM((chunk, d), jnp.float32),
            pltpu.SemaphoreType.DMA,
            pltpu.VMEM_SHARED((_NPAD, d), jnp.float32),
        ],
        compiler_params=_sc_params,
    )
    def segsum(tables, src_hbm, dst_hbm, zeros_hbm, out_hbm,
               src_v, dst_v, rows_v, gsem, acc):
        c = lax.axis_index("c")
        s = lax.axis_index("s")
        w = c * 16 + s
        pltpu.sync_copy(src_hbm.at[w], src_v)
        pltpu.sync_copy(dst_hbm.at[w], dst_v)
        for t in range(n_tab):
            r = t % _R
            pltpu.sync_copy(zeros_hbm.at[pl.ds(s * _ZROWS, _ZROWS)],
                            acc.at[pl.ds(s * _ZROWS, _ZROWS)])
            plsc.subcore_barrier()

            def step(i, carry):
                pltpu.async_copy(tables.at[t].at[src_v.at[r, i]],
                                 rows_v, gsem).wait()
                pltpu.sync_copy(rows_v, acc.at[dst_v.at[r, i]],
                                add=True)
                return carry

            lax.fori_loop(0, steps, step, 0)
            plsc.subcore_barrier()
            pltpu.sync_copy(acc.at[pl.ds(s * _ZROWS, _ZROWS)],
                            out_hbm.at[t, c, pl.ds(s * _ZROWS, _ZROWS)])
            plsc.subcore_barrier()

    return segsum


_SEG_K = 4
_sc_segsum_64 = _make_sc_segsum(64, _SEG_K, _R)
_sc_segsum_64x2 = _make_sc_segsum(64, _SEG_K, 2 * _R)



_BN = 1000


def _norm_from(degref, j):
    deg = degref[j, 0, :, 0] + degref[j, 1, :, 0]
    return lax.rsqrt(jnp.maximum(deg, 1.0))


def _scale_matmul_body(h_ref, deg_ref, w_ref, out_ref):
    onorm = _norm_from(deg_ref, 0)
    out_ref[0] = jnp.dot(h_ref[...] * onorm[:, None], w_ref[0],
                         preferred_element_type=jnp.float32)


def _tc_scale_matmul(h, degp, w3):
    nr, din, dout = w3.shape
    grid = (nr, _N // _BN)
    return pl.pallas_call(
        _scale_matmul_body,
        grid=grid,
        in_specs=[
            pl.BlockSpec((_BN, din), lambda r, i: (i, 0)),
            pl.BlockSpec((1, 2, _BN, 16), lambda r, i: (2 * (r % _R), 0, i, 0)),
            pl.BlockSpec((1, din, dout), lambda r, i: (r, 0, 0)),
        ],
        out_specs=pl.BlockSpec((1, _BN, dout), lambda r, i: (r, i, 0)),
        out_shape=jax.ShapeDtypeStruct((nr, _N, dout), jnp.float32),
    )(h, degp, w3)


def _scale_only_body(h_ref, deg_ref, out_ref):
    onorm = _norm_from(deg_ref, 0)
    out_ref[0] = h_ref[...] * onorm[:, None]


def _tc_scale_only(h, degp):
    d = h.shape[1]
    grid = (_R, _N // _BN)
    return pl.pallas_call(
        _scale_only_body,
        grid=grid,
        in_specs=[
            pl.BlockSpec((_BN, d), lambda r, i: (i, 0)),
            pl.BlockSpec((1, 2, _BN, 16), lambda r, i: (2 * r, 0, i, 0)),
        ],
        out_specs=pl.BlockSpec((1, _BN, d), lambda r, i: (r, i, 0)),
        out_shape=jax.ShapeDtypeStruct((_R, _N, d), jnp.float32),
    )(h, degp)


def _combine_body(p_ref, deg_ref, b_ref, out_ref, *, relu):
    acc = None
    for r in range(_R):
        innorm = _norm_from(deg_ref, 2 * r + 1)
        part = (p_ref[r, 0] + p_ref[r, 1]) * innorm[:, None] + b_ref[r][None, :]
        acc = part if acc is None else acc + part
    out_ref[...] = jnp.maximum(acc, 0.0) if relu else acc


def _tc_combine(partials, degp, b, relu):
    d = partials.shape[-1]
    grid = (_N // _BN,)
    return pl.pallas_call(
        functools.partial(_combine_body, relu=relu),
        grid=grid,
        in_specs=[
            pl.BlockSpec((_R, 2, _BN, d), lambda i: (0, 0, i, 0)),
            pl.BlockSpec((6, 2, _BN, 16), lambda i: (0, 0, i, 0)),
            pl.BlockSpec((_R, d), lambda i: (0, 0)),
        ],
        out_specs=pl.BlockSpec((_BN, d), lambda i: (i, 0)),
        out_shape=jax.ShapeDtypeStruct((_N, d), jnp.float32),
    )(partials, degp, b)


def _combine2_body(p_ref, deg_ref, b_ref, out_ref):
    acc = None
    for r in range(_R):
        innorm = _norm_from(deg_ref, 2 * r + 1)
        part = jnp.concatenate(
            [p_ref[r, 0] + p_ref[r, 1], p_ref[r + _R, 0] + p_ref[r + _R, 1]],
            axis=1) * innorm[:, None] + b_ref[r][None, :]
        acc = part if acc is None else acc + part
    out_ref[...] = jnp.maximum(acc, 0.0)


def _tc_combine2(p, degp, b):
    grid = (_N // _BN,)
    return pl.pallas_call(
        _combine2_body,
        grid=grid,
        in_specs=[
            pl.BlockSpec((2 * _R, 2, _BN, 64), lambda i: (0, 0, i, 0)),
            pl.BlockSpec((6, 2, _BN, 16), lambda i: (0, 0, i, 0)),
            pl.BlockSpec((_R, 128), lambda i: (0, 0)),
        ],
        out_specs=pl.BlockSpec((_BN, 128), lambda i: (i, 0)),
        out_shape=jax.ShapeDtypeStruct((_N, 128), jnp.float32),
    )(p, degp, b)


def _final_body(p_ref, deg_ref, w_ref, b_ref, out_ref):
    acc = None
    for r in range(_R):
        innorm = _norm_from(deg_ref, 2 * r + 1)
        part = jnp.dot((p_ref[r, 0] + p_ref[r, 1]) * innorm[:, None], w_ref[r],
                       preferred_element_type=jnp.float32) + b_ref[r][None, :]
        acc = part if acc is None else acc + part
    out_ref[...] = acc


def _tc_final(partials, degp, w3p, b3p):
    grid = (_N // _BN,)
    return pl.pallas_call(
        _final_body,
        grid=grid,
        in_specs=[
            pl.BlockSpec((_R, 2, _BN, 64), lambda i: (0, 0, i, 0)),
            pl.BlockSpec((6, 2, _BN, 16), lambda i: (0, 0, i, 0)),
            pl.BlockSpec((_R, 64, 128), lambda i: (0, 0, 0)),
            pl.BlockSpec((_R, 128), lambda i: (0, 0)),
        ],
        out_specs=pl.BlockSpec((_BN, 128), lambda i: (i, 0)),
        out_shape=jax.ShapeDtypeStruct((_N, 128), jnp.float32),
    )(partials, degp, w3p, b3p)



def _pad_flat(idx, fill):
    pad = jnp.full((_EPAD - _E,), fill, jnp.int32)
    return jnp.concatenate([idx, pad]).reshape(_NTILES, _PTILE)


def _seg_shape(k):
    return (_NTILES, _R, _PTILE // (k * 128), k * 128)


def kernel(x, ei0, ei1, ei2, W1_0, b1_0, W1_1, b1_1, W1_2, b1_2,
           W2_0, b2_0, W2_1, b2_1, W2_2, b2_2,
           W3_0, b3_0, W3_1, b3_1, W3_2, b3_2):
    eis = [ei0, ei1, ei2]
    deg_idx = jnp.stack(
        [_pad_flat(eis[r][i], _N) for r in range(_R) for i in (0, 1)],
        axis=1).reshape(_NTILES, 6, _DEG_S, _DEG_K * 128)
    srcs = jnp.stack([_pad_flat(eis[r][0], 0) for r in range(_R)], axis=1)
    dsts = jnp.stack([_pad_flat(eis[r][1], _N) for r in range(_R)], axis=1)
    src4 = srcs.reshape(_seg_shape(_SEG_K))
    dst4 = dsts.reshape(_seg_shape(_SEG_K))

    ones16 = jnp.ones((_DEG_K * 128, 16), jnp.float32)
    zeros16 = jnp.zeros((_NPAD, 16), jnp.float32)
    zeros64 = jnp.zeros((_NPAD, 64), jnp.float32)

    degp = _sc_degrees(deg_idx, ones16, zeros16)

    w1 = jnp.stack([W1_0, W1_1, W1_2])
    b1 = jnp.stack([b1_0, b1_1, b1_2])
    w2 = jnp.stack([W2_0, W2_1, W2_2])
    b2 = jnp.stack([b2_0, b2_1, b2_2])
    w3 = jnp.stack([W3_0, W3_1, W3_2])
    b3 = jnp.stack([b3_0, b3_1, b3_2])
    w3p = jnp.pad(w3, ((0, 0), (0, 0), (0, 126)))
    b3p = jnp.pad(b3, ((0, 0), (0, 126)))

    w1s = jnp.concatenate([w1[:, :, :64], w1[:, :, 64:]], axis=0)
    hw6 = _tc_scale_matmul(x, degp, w1s)
    parts6 = _sc_segsum_64x2(hw6, src4, dst4, zeros64)
    h = _tc_combine2(parts6, degp, b1)

    hw = _tc_scale_matmul(h, degp, w2)
    parts = _sc_segsum_64(hw, src4, dst4, zeros64)
    h = _tc_combine(parts, degp, b2, relu=True)

    hs = _tc_scale_only(h, degp)
    parts = _sc_segsum_64(hs, src4, dst4, zeros64)
    out = _tc_final(parts, degp, w3p, b3p)
    return out[:, :2]

# --- scband reference (transcript-rebuilt; emitter-appended) ---
"""Pipeline reference for scband-hetero-gcn-13391708029898 (READ-ONLY COPY).

The authoritative reference and input builder live on the scoring server;
editing this copy changes nothing except your own understanding.
"""

import jax, jax.numpy as jnp
import numpy as np

N = 10000
E = 160000
D_IN = 128
H1 = 128
H2 = 64
C = 2
R = 3

def _xavier(key, fan_in, fan_out):
    s = float(np.sqrt(6.0 / (fan_in + fan_out)))
    return jax.random.uniform(key, (fan_in, fan_out), dtype=jnp.float32, minval=-s, maxval=s)

def setup_inputs(seed: int = 0):
    key = jax.random.key(seed)
    ks = jax.random.split(key, 32)
    inp = {}
    inp["x"] = jax.random.normal(ks[0], (N, D_IN), dtype=jnp.float32)
    for r in range(R):
        inp[f"ei{r}"] = jax.random.randint(ks[1 + r], (2, E), 0, N, dtype=jnp.int32)
    dims = [(1, D_IN, H1), (2, H1, H2), (3, H2, C)]
    k = 4
    for (l, fi, fo) in dims:
        for r in range(R):
            inp[f"W{l}_{r}"] = _xavier(ks[k], fi, fo)
            k += 1
            inp[f"b{l}_{r}"] = jnp.zeros((fo,), dtype=jnp.float32)
    return inp

def _graph_conv(x, src, dst, W, b):
    # DGL GraphConv with norm='both': h' = D_in^{-1/2} A (D_out^{-1/2} x) W + b
    ones = jnp.ones((src.shape[0],), dtype=jnp.float32)
    out_deg = jax.ops.segment_sum(ones, src, num_segments=N)
    in_deg = jax.ops.segment_sum(ones, dst, num_segments=N)
    out_norm = jnp.clip(out_deg, 1.0, None) ** -0.5
    in_norm = jnp.clip(in_deg, 1.0, None) ** -0.5
    h = x * out_norm[:, None]
    h = h @ W  # in_feats >= out_feats so DGL multiplies W before aggregation
    msg = jnp.take(h, src, axis=0)
    agg = jax.ops.segment_sum(msg, dst, num_segments=N)
    agg = agg * in_norm[:, None]
    return agg + b

def reference(x, ei0, ei1, ei2, W1_0, b1_0, W1_1, b1_1, W1_2, b1_2, W2_0, b2_0, W2_1, b2_1, W2_2, b2_2, W3_0, b3_0, W3_1, b3_1, W3_2, b3_2):
    edges = [ei0, ei1, ei2]
    Ws = [[W1_0, W1_1, W1_2], [W2_0, W2_1, W2_2], [W3_0, W3_1, W3_2]]
    bs = [[b1_0, b1_1, b1_2], [b2_0, b2_1, b2_2], [b3_0, b3_1, b3_2]]
    h = x
    for l in range(3):
        acc = None
        for r in range(R):
            out = _graph_conv(h, edges[r][0], edges[r][1], Ws[l][r], bs[l][r])
            acc = out if acc is None else acc + out  # HeteroGraphConv aggregate='sum'
        h = jax.nn.relu(acc) if l < 2 else acc
    return h

if __name__ == "__main__":
    import jax
    _d = setup_inputs()
    print(jax.jit(kernel)(*tuple(_d.values())))

</pallas_src>

<mosaic_0001>
#map = affine_map<(d0, d1) -> (0, 0, 0)>
#map1 = affine_map<(d0, d1) -> (0, 0, 0, 0)>
#map2 = affine_map<(d0, d1) -> (0, 0)>
module attributes {stable_mosaic.version = 14 : i64} {
  func.func @segsum(%arg0: i32, %arg1: i32, %arg2: memref<6x10000x64xf32, #tpu.memory_space<hbm>>, %arg3: memref<32x3x10x512xi32, #tpu.memory_space<hbm>>, %arg4: memref<32x3x10x512xi32, #tpu.memory_space<hbm>>, %arg5: memref<10240x64xf32, #tpu.memory_space<hbm>>, %arg6: memref<6x2x10240x64xf32, #tpu.memory_space<hbm>>, %arg7: memref<3x10x512xi32, #tpu.memory_space<vmem>>, %arg8: memref<3x10x512xi32, #tpu.memory_space<vmem>>, %arg9: memref<512x64xf32, #tpu.memory_space<vmem>>, %arg10: memref<!tpu.dma_semaphore, #tpu.memory_space<semaphore_mem>>, %arg11: memref<10240x64xf32, #tpu.memory_space<vmem_shared>>) attributes {dimension_semantics = [#tpu.dimension_semantics<core_parallel>, #tpu.dimension_semantics<subcore_parallel>], iteration_bounds = array<i64: 2, 16>, scalar_prefetch = 0 : i64, scratch_operands = 5 : i64, tpu.core_type = #tpu.core_type<sc_vector_subcore>, window_params = [{transform_indices = #map}, {transform_indices = #map1}, {transform_indices = #map1}, {transform_indices = #map2}, {transform_indices = #map1}]} {
    %mul3A = arith.constant 16 : i32
    %mul3A_0 = arith.muli %arg0, %mul3A : i32
    %add3A = arith.addi %mul3A_0, %arg1 : i32
    "tpu.region"() ({
      %run_scoped3A_106 = tpu.sem_alloc : memref<!tpu.dma_semaphore, #tpu.memory_space<semaphore_mem>>
      %dma_start3A = arith.constant 0 : i32
      %dma_start3A_107 = arith.constant 0 : i32
      %dma_start3A_108 = arith.constant 0 : i32
      %dma_start3A_109 = tpu.memref_slice %arg3[%add3A, %dma_start3A, %dma_start3A_107, %dma_start3A_108] : memref<32x3x10x512xi32, #tpu.memory_space<hbm>> -> memref<1x3x10x512xi32, #tpu.memory_space<hbm>>
      %dma_start3A_110 = tpu.memref_squeeze %dma_start3A_109 : memref<1x3x10x512xi32, #tpu.memory_space<hbm>> -> memref<3x10x512xi32, #tpu.memory_space<hbm>>
      %dma_start3A_111 = arith.constant 0 : i32
      %dma_start3A_112 = arith.constant 0 : i32
      %dma_start3A_113 = arith.constant 0 : i32
      %dma_start3A_114 = tpu.memref_slice %arg3[%add3A, %dma_start3A_111, %dma_start3A_112, %dma_start3A_113] : memref<32x3x10x512xi32, #tpu.memory_space<hbm>> -> memref<1x3x10x512xi32, #tpu.memory_space<hbm>>
      %dma_start3A_115 = tpu.memref_squeeze %dma_start3A_114 : memref<1x3x10x512xi32, #tpu.memory_space<hbm>> -> memref<3x10x512xi32, #tpu.memory_space<hbm>>
      tpu.enqueue_dma source(%dma_start3A_115 : memref<3x10x512xi32, #tpu.memory_space<hbm>>) target(%arg7 : memref<3x10x512xi32, #tpu.memory_space<vmem>>) target_semaphore(%run_scoped3A_106 : memref<!tpu.dma_semaphore, #tpu.memory_space<semaphore_mem>>)
      %dma_wait3A = arith.constant 0 : i32
      %dma_wait3A_116 = arith.constant 0 : i32
      %dma_wait3A_117 = arith.constant 0 : i32
      %dma_wait3A_118 = tpu.memref_slice %arg3[%add3A, %dma_wait3A, %dma_wait3A_116, %dma_wait3A_117] : memref<32x3x10x512xi32, #tpu.memory_space<hbm>> -> memref<1x3x10x512xi32, #tpu.memory_space<hbm>>
      %dma_wait3A_119 = tpu.memref_squeeze %dma_wait3A_118 : memref<1x3x10x512xi32, #tpu.memory_space<hbm>> -> memref<3x10x512xi32, #tpu.memory_space<hbm>>
      %dma_wait3A_120 = arith.constant 0 : i32
      %dma_wait3A_121 = arith.constant 0 : i32
      %dma_wait3A_122 = arith.constant 0 : i32
      %dma_wait3A_123 = tpu.memref_slice %arg3[%add3A, %dma_wait3A_120, %dma_wait3A_121, %dma_wait3A_122] : memref<32x3x10x512xi32, #tpu.memory_space<hbm>> -> memref<1x3x10x512xi32, #tpu.memory_space<hbm>>
      %dma_wait3A_124 = tpu.memref_squeeze %dma_wait3A_123 : memref<1x3x10x512xi32, #tpu.memory_space<hbm>> -> memref<3x10x512xi32, #tpu.memory_space<hbm>>
      tpu.wait_dma2 semaphore(%run_scoped3A_106 : memref<!tpu.dma_semaphore, #tpu.memory_space<semaphore_mem>>) src(%dma_wait3A_124 : memref<3x10x512xi32, #tpu.memory_space<hbm>>) dst(%arg7 : memref<3x10x512xi32, #tpu.memory_space<vmem>>)
      tpu.yield
    }) : () -> ()
    "tpu.region"() ({
      %run_scoped3A_106 = tpu.sem_alloc : memref<!tpu.dma_semaphore, #tpu.memory_space<semaphore_mem>>
      %dma_start3A = arith.constant 0 : i32
      %dma_start3A_107 = arith.constant 0 : i32
      %dma_start3A_108 = arith.constant 0 : i32
      %dma_start3A_109 = tpu.memref_slice %arg4[%add3A, %dma_start3A, %dma_start3A_107, %dma_start3A_108] : memref<32x3x10x512xi32, #tpu.memory_space<hbm>> -> memref<1x3x10x512xi32, #tpu.memory_space<hbm>>
      %dma_start3A_110 = tpu.memref_squeeze %dma_start3A_109 : memref<1x3x10x512xi32, #tpu.memory_space<hbm>> -> memref<3x10x512xi32, #tpu.memory_space<hbm>>
      %dma_start3A_111 = arith.constant 0 : i32
      %dma_start3A_112 = arith.constant 0 : i32
      %dma_start3A_113 = arith.constant 0 : i32
      %dma_start3A_114 = tpu.memref_slice %arg4[%add3A, %dma_start3A_111, %dma_start3A_112, %dma_start3A_113] : memref<32x3x10x512xi32, #tpu.memory_space<hbm>> -> memref<1x3x10x512xi32, #tpu.memory_space<hbm>>
      %dma_start3A_115 = tpu.memref_squeeze %dma_start3A_114 : memref<1x3x10x512xi32, #tpu.memory_space<hbm>> -> memref<3x10x512xi32, #tpu.memory_space<hbm>>
      tpu.enqueue_dma source(%dma_start3A_115 : memref<3x10x512xi32, #tpu.memory_space<hbm>>) target(%arg8 : memref<3x10x512xi32, #tpu.memory_space<vmem>>) target_semaphore(%run_scoped3A_106 : memref<!tpu.dma_semaphore, #tpu.memory_space<semaphore_mem>>)
      %dma_wait3A = arith.constant 0 : i32
      %dma_wait3A_116 = arith.constant 0 : i32
      %dma_wait3A_117 = arith.constant 0 : i32
      %dma_wait3A_118 = tpu.memref_slice %arg4[%add3A, %dma_wait3A, %dma_wait3A_116, %dma_wait3A_117] : memref<32x3x10x512xi32, #tpu.memory_space<hbm>> -> memref<1x3x10x512xi32, #tpu.memory_space<hbm>>
      %dma_wait3A_119 = tpu.memref_squeeze %dma_wait3A_118 : memref<1x3x10x512xi32, #tpu.memory_space<hbm>> -> memref<3x10x512xi32, #tpu.memory_space<hbm>>
      %dma_wait3A_120 = arith.constant 0 : i32
      %dma_wait3A_121 = arith.constant 0 : i32
      %dma_wait3A_122 = arith.constant 0 : i32
      %dma_wait3A_123 = tpu.memref_slice %arg4[%add3A, %dma_wait3A_120, %dma_wait3A_121, %dma_wait3A_122] : memref<32x3x10x512xi32, #tpu.memory_space<hbm>> -> memref<1x3x10x512xi32, #tpu.memory_space<hbm>>
      %dma_wait3A_124 = tpu.memref_squeeze %dma_wait3A_123 : memref<1x3x10x512xi32, #tpu.memory_space<hbm>> -> memref<3x10x512xi32, #tpu.memory_space<hbm>>
      tpu.wait_dma2 semaphore(%run_scoped3A_106 : memref<!tpu.dma_semaphore, #tpu.memory_space<semaphore_mem>>) src(%dma_wait3A_124 : memref<3x10x512xi32, #tpu.memory_space<hbm>>) dst(%arg8 : memref<3x10x512xi32, #tpu.memory_space<vmem>>)
      tpu.yield
    }) : () -> ()
    %mul3A_1 = arith.constant 640 : i32
    %mul3A_2 = arith.muli %arg1, %mul3A_1 : i32
    %mul3A_3 = arith.constant 640 : i32
    %mul3A_4 = arith.muli %arg1, %mul3A_3 : i32
    "tpu.region"() ({
      %run_scoped3A_106 = tpu.sem_alloc : memref<!tpu.dma_semaphore, #tpu.memory_space<semaphore_mem>>
      %dma_start3A = arith.constant 0 : i32
      %dma_start3A_107 = tpu.memref_slice %arg11[%mul3A_4, %dma_start3A] : memref<10240x64xf32, #tpu.memory_space<vmem_shared>> -> memref<640x64xf32, #tpu.memory_space<vmem_shared>>
      %dma_start3A_108 = arith.constant 0 : i32
      %dma_start3A_109 = tpu.memref_slice %arg5[%mul3A_2, %dma_start3A_108] : memref<10240x64xf32, #tpu.memory_space<hbm>> -> memref<640x64xf32, #tpu.memory_space<hbm>>
      tpu.enqueue_dma source(%dma_start3A_109 : memref<640x64xf32, #tpu.memory_space<hbm>>) target(%dma_start3A_107 : memref<640x64xf32, #tpu.memory_space<vmem_shared>>) target_semaphore(%run_scoped3A_106 : memref<!tpu.dma_semaphore, #tpu.memory_space<semaphore_mem>>)
      %dma_wait3A = arith.constant 0 : i32
      %dma_wait3A_110 = tpu.memref_slice %arg11[%mul3A_4, %dma_wait3A] : memref<10240x64xf32, #tpu.memory_space<vmem_shared>> -> memref<640x64xf32, #tpu.memory_space<vmem_shared>>
      %dma_wait3A_111 = arith.constant 0 : i32
      %dma_wait3A_112 = tpu.memref_slice %arg5[%mul3A_2, %dma_wait3A_111] : memref<10240x64xf32, #tpu.memory_space<hbm>> -> memref<640x64xf32, #tpu.memory_space<hbm>>
      tpu.wait_dma2 semaphore(%run_scoped3A_106 : memref<!tpu.dma_semaphore, #tpu.memory_space<semaphore_mem>>) src(%dma_wait3A_112 : memref<640x64xf32, #tpu.memory_space<hbm>>) dst(%dma_wait3A_110 : memref<640x64xf32, #tpu.memory_space<vmem_shared>>)
      tpu.yield
    }) : () -> ()
    %barrier3A = arith.constant 0 : index
    tpu.barrier barrier_id(%barrier3A)
    %scan3A = arith.constant 0 : i32
    %scan3A_5 = arith.constant 0 : i32
    %scan3A_6 = arith.constant 10 : i32
    %scan3A_7 = arith.addi %scan3A_5, %scan3A_6 : i32
    %scan3A_8 = arith.constant 1 : i32
    scf.for %scan3A_106 = %scan3A_5 to %scan3A_7 step %scan3A_8  : i32 {
      %dma_start3A = arith.constant 0 : i32
      %dma_start3A_107 = arith.constant 0 : i32
      %dma_start3A_108 = arith.constant 0 : i32
      %dma_start3A_109 = tpu.memref_slice %arg7[%dma_start3A_107, %scan3A_106, %dma_start3A_108] : memref<3x10x512xi32, #tpu.memory_space<vmem>> -> memref<1x1x512xi32, #tpu.memory_space<vmem>>
      %dma_start3A_110 = tpu.memref_squeeze %dma_start3A_109 : memref<1x1x512xi32, #tpu.memory_space<vmem>> -> memref<512xi32, #tpu.memory_space<vmem>>
      %dma_start3A_111 = arith.constant 0 : i32
      %dma_start3A_112 = arith.constant 0 : i32
      %dma_start3A_113 = tpu.memref_slice %arg2[%dma_start3A, %dma_start3A_111, %dma_start3A_112] : memref<6x10000x64xf32, #tpu.memory_space<hbm>> -> memref<1x10000x64xf32, #tpu.memory_space<hbm>>
      %dma_start3A_114 = tpu.memref_squeeze %dma_start3A_113 : memref<1x10000x64xf32, #tpu.memory_space<hbm>> -> memref<10000x64xf32, #tpu.memory_space<hbm>>
      %dma_start3A_115 = arith.constant 0 : i32
      %dma_start3A_116 = arith.constant 0 : i32
      %dma_start3A_117 = tpu.memref_slice %dma_start3A_114[%dma_start3A_115, %dma_start3A_116] : memref<10000x64xf32, #tpu.memory_space<hbm>> -> memref<10000x64xf32, #tpu.memory_space<hbm>>
      tpu.enqueue_indirect_dma source(%dma_start3A_117 : memref<10000x64xf32, #tpu.memory_space<hbm>>) target(%arg9 : memref<512x64xf32, #tpu.memory_space<vmem>>) offsets(%dma_start3A_110 : memref<512xi32, #tpu.memory_space<vmem>>) semaphore(%arg10 : memref<!tpu.dma_semaphore, #tpu.memory_space<semaphore_mem>>)
      %dma_wait3A = arith.constant 0 : i32
      %dma_wait3A_118 = arith.constant 0 : i32
      %dma_wait3A_119 = arith.constant 0 : i32
      %dma_wait3A_120 = tpu.memref_slice %arg7[%dma_wait3A_118, %scan3A_106, %dma_wait3A_119] : memref<3x10x512xi32, #tpu.memory_space<vmem>> -> memref<1x1x512xi32, #tpu.memory_space<vmem>>
      %dma_wait3A_121 = tpu.memref_squeeze %dma_wait3A_120 : memref<1x1x512xi32, #tpu.memory_space<vmem>> -> memref<512xi32, #tpu.memory_space<vmem>>
      %dma_wait3A_122 = arith.constant 0 : i32
      %dma_wait3A_123 = arith.constant 0 : i32
      %dma_wait3A_124 = tpu.memref_slice %arg2[%dma_wait3A, %dma_wait3A_122, %dma_wait3A_123] : memref<6x10000x64xf32, #tpu.memory_space<hbm>> -> memref<1x10000x64xf32, #tpu.memory_space<hbm>>
      %dma_wait3A_125 = tpu.memref_squeeze %dma_wait3A_124 : memref<1x10000x64xf32, #tpu.memory_space<hbm>> -> memref<10000x64xf32, #tpu.memory_space<hbm>>
      %dma_wait3A_126 = arith.constant 0 : i32
      %dma_wait3A_127 = arith.constant 0 : i32
      %dma_wait3A_128 = tpu.memref_slice %dma_wait3A_125[%dma_wait3A_126, %dma_wait3A_127] : memref<10000x64xf32, #tpu.memory_space<hbm>> -> memref<10000x64xf32, #tpu.memory_space<hbm>>
      tpu.wait_indirect_dma semaphore(%arg10 : memref<!tpu.dma_semaphore, #tpu.memory_space<semaphore_mem>>) src(%dma_wait3A_128 : memref<10000x64xf32, #tpu.memory_space<hbm>>) dst(%arg9 : memref<512x64xf32, #tpu.memory_space<vmem>>)
      %run_scoped3A_129 = arith.constant 0 : i32
      "tpu.region"() ({
        %run_scoped3A_130 = tpu.sem_alloc : memref<!tpu.dma_semaphore, #tpu.memory_space<semaphore_mem>>
        %dma_start3A_131 = arith.constant 0 : i32
        %dma_start3A_132 = tpu.memref_slice %arg8[%run_scoped3A_129, %scan3A_106, %dma_start3A_131] : memref<3x10x512xi32, #tpu.memory_space<vmem>> -> memref<1x1x512xi32, #tpu.memory_space<vmem>>
        %dma_start3A_133 = tpu.memref_squeeze %dma_start3A_132 : memref<1x1x512xi32, #tpu.memory_space<vmem>> -> memref<512xi32, #tpu.memory_space<vmem>>
        %dma_start3A_134 = arith.constant 0 : i32
        %dma_start3A_135 = arith.constant 0 : i32
        %dma_start3A_136 = tpu.memref_slice %arg11[%dma_start3A_134, %dma_start3A_135] : memref<10240x64xf32, #tpu.memory_space<vmem_shared>> -> memref<10240x64xf32, #tpu.memory_space<vmem_shared>>
        tpu.enqueue_indirect_dma source(%arg9 : memref<512x64xf32, #tpu.memory_space<vmem>>) target(%dma_start3A_136 : memref<10240x64xf32, #tpu.memory_space<vmem_shared>>) offsets(%dma_start3A_133 : memref<512xi32, #tpu.memory_space<vmem>>) semaphore(%run_scoped3A_130 : memref<!tpu.dma_semaphore, #tpu.memory_space<semaphore_mem>>) {add = true}
        %dma_wait3A_137 = arith.constant 0 : i32
        %dma_wait3A_138 = tpu.memref_slice %arg8[%run_scoped3A_129, %scan3A_106, %dma_wait3A_137] : memref<3x10x512xi32, #tpu.memory_space<vmem>> -> memref<1x1x512xi32, #tpu.memory_space<vmem>>
        %dma_wait3A_139 = tpu.memref_squeeze %dma_wait3A_138 : memref<1x1x512xi32, #tpu.memory_space<vmem>> -> memref<512xi32, #tpu.memory_space<vmem>>
        %dma_wait3A_140 = arith.constant 0 : i32
        %dma_wait3A_141 = arith.constant 0 : i32
        %dma_wait3A_142 = tpu.memref_slice %arg11[%dma_wait3A_140, %dma_wait3A_141] : memref<10240x64xf32, #tpu.memory_space<vmem_shared>> -> memref<10240x64xf32, #tpu.memory_space<vmem_shared>>
        tpu.wait_indirect_dma semaphore(%run_scoped3A_130 : memref<!tpu.dma_semaphore, #tpu.memory_space<semaphore_mem>>) src(%arg9 : memref<512x64xf32, #tpu.memory_space<vmem>>) dst(%dma_wait3A_142 : memref<10240x64xf32, #tpu.memory_space<vmem_shared>>)
        tpu.yield
      }) : () -> ()
    }
    %scan3A_9 = arith.constant 10 : i32
    %barrier3A_10 = arith.constant 0 : index
    tpu.barrier barrier_id(%barrier3A_10)
    %mul3A_11 = arith.constant 640 : i32
    %mul3A_12 = arith.muli %arg1, %mul3A_11 : i32
    %mul3A_13 = arith.constant 640 : i32
    %mul3A_14 = arith.muli %arg1, %mul3A_13 : i32
    %run_scoped3A = arith.constant 0 : i32
    "tpu.region"() ({
      %run_scoped3A_106 = tpu.sem_alloc : memref<!tpu.dma_semaphore, #tpu.memory_space<semaphore_mem>>
      %dma_start3A = arith.constant 0 : i32
      %dma_start3A_107 = tpu.memref_slice %arg6[%run_scoped3A, %arg0, %mul3A_14, %dma_start3A] : memref<6x2x10240x64xf32, #tpu.memory_space<hbm>> -> memref<1x1x640x64xf32, #tpu.memory_space<hbm>>
      %dma_start3A_108 = tpu.memref_squeeze %dma_start3A_107 : memref<1x1x640x64xf32, #tpu.memory_space<hbm>> -> memref<640x64xf32, #tpu.memory_space<hbm>>
      %dma_start3A_109 = arith.constant 0 : i32
      %dma_start3A_110 = tpu.memref_slice %arg11[%mul3A_12, %dma_start3A_109] : memref<10240x64xf32, #tpu.memory_space<vmem_shared>> -> memref<640x64xf32, #tpu.memory_space<vmem_shared>>
      tpu.enqueue_dma source(%dma_start3A_110 : memref<640x64xf32, #tpu.memory_space<vmem_shared>>) target(%dma_start3A_108 : memref<640x64xf32, #tpu.memory_space<hbm>>) target_semaphore(%run_scoped3A_106 : memref<!tpu.dma_semaphore, #tpu.memory_space<semaphore_mem>>)
      %dma_wait3A = arith.constant 0 : i32
      %dma_wait3A_111 = tpu.memref_slice %arg6[%run_scoped3A, %arg0, %mul3A_14, %dma_wait3A] : memref<6x2x10240x64xf32, #tpu.memory_space<hbm>> -> memref<1x1x640x64xf32, #tpu.memory_space<hbm>>
      %dma_wait3A_112 = tpu.memref_squeeze %dma_wait3A_111 : memref<1x1x640x64xf32, #tpu.memory_space<hbm>> -> memref<640x64xf32, #tpu.memory_space<hbm>>
      %dma_wait3A_113 = arith.constant 0 : i32
      %dma_wait3A_114 = tpu.memref_slice %arg11[%mul3A_12, %dma_wait3A_113] : memref<10240x64xf32, #tpu.memory_space<vmem_shared>> -> memref<640x64xf32, #tpu.memory_space<vmem_shared>>
      tpu.wait_dma2 semaphore(%run_scoped3A_106 : memref<!tpu.dma_semaphore, #tpu.memory_space<semaphore_mem>>) src(%dma_wait3A_114 : memref<640x64xf32, #tpu.memory_space<vmem_shared>>) dst(%dma_wait3A_112 : memref<640x64xf32, #tpu.memory_space<hbm>>)
      tpu.yield
    }) : () -> ()
    %barrier3A_15 = arith.constant 0 : index
    tpu.barrier barrier_id(%barrier3A_15)
    %mul3A_16 = arith.constant 640 : i32
    %mul3A_17 = arith.muli %arg1, %mul3A_16 : i32
    %mul3A_18 = arith.constant 640 : i32
    %mul3A_19 = arith.muli %arg1, %mul3A_18 : i32
    "tpu.region"() ({
      %run_scoped3A_106 = tpu.sem_alloc : memref<!tpu.dma_semaphore, #tpu.memory_space<semaphore_mem>>
      %dma_start3A = arith.constant 0 : i32
      %dma_start3A_107 = tpu.memref_slice %arg11[%mul3A_19, %dma_start3A] : memref<10240x64xf32, #tpu.memory_space<vmem_shared>> -> memref<640x64xf32, #tpu.memory_space<vmem_shared>>
      %dma_start3A_108 = arith.constant 0 : i32
      %dma_start3A_109 = tpu.memref_slice %arg5[%mul3A_17, %dma_start3A_108] : memref<10240x64xf32, #tpu.memory_space<hbm>> -> memref<640x64xf32, #tpu.memory_space<hbm>>
      tpu.enqueue_dma source(%dma_start3A_109 : memref<640x64xf32, #tpu.memory_space<hbm>>) target(%dma_start3A_107 : memref<640x64xf32, #tpu.memory_space<vmem_shared>>) target_semaphore(%run_scoped3A_106 : memref<!tpu.dma_semaphore, #tpu.memory_space<semaphore_mem>>)
      %dma_wait3A = arith.constant 0 : i32
      %dma_wait3A_110 = tpu.memref_slice %arg11[%mul3A_19, %dma_wait3A] : memref<10240x64xf32, #tpu.memory_space<vmem_shared>> -> memref<640x64xf32, #tpu.memory_space<vmem_shared>>
      %dma_wait3A_111 = arith.constant 0 : i32
      %dma_wait3A_112 = tpu.memref_slice %arg5[%mul3A_17, %dma_wait3A_111] : memref<10240x64xf32, #tpu.memory_space<hbm>> -> memref<640x64xf32, #tpu.memory_space<hbm>>
      tpu.wait_dma2 semaphore(%run_scoped3A_106 : memref<!tpu.dma_semaphore, #tpu.memory_space<semaphore_mem>>) src(%dma_wait3A_112 : memref<640x64xf32, #tpu.memory_space<hbm>>) dst(%dma_wait3A_110 : memref<640x64xf32, #tpu.memory_space<vmem_shared>>)
      tpu.yield
    }) : () -> ()
    %barrier3A_20 = arith.constant 0 : index
    tpu.barrier barrier_id(%barrier3A_20)
    %scan3A_21 = arith.constant 0 : i32
    %scan3A_22 = arith.constant 0 : i32
    %scan3A_23 = arith.constant 10 : i32
    %scan3A_24 = arith.addi %scan3A_22, %scan3A_23 : i32
    %scan3A_25 = arith.constant 1 : i32
    scf.for %scan3A_106 = %scan3A_22 to %scan3A_24 step %scan3A_25  : i32 {
      %dma_start3A = arith.constant 1 : i32
      %dma_start3A_107 = arith.constant 1 : i32
      %dma_start3A_108 = arith.constant 0 : i32
      %dma_start3A_109 = tpu.memref_slice %arg7[%dma_start3A_107, %scan3A_106, %dma_start3A_108] : memref<3x10x512xi32, #tpu.memory_space<vmem>> -> memref<1x1x512xi32, #tpu.memory_space<vmem>>
      %dma_start3A_110 = tpu.memref_squeeze %dma_start3A_109 : memref<1x1x512xi32, #tpu.memory_space<vmem>> -> memref<512xi32, #tpu.memory_space<vmem>>
      %dma_start3A_111 = arith.constant 0 : i32
      %dma_start3A_112 = arith.constant 0 : i32
      %dma_start3A_113 = tpu.memref_slice %arg2[%dma_start3A, %dma_start3A_111, %dma_start3A_112] : memref<6x10000x64xf32, #tpu.memory_space<hbm>> -> memref<1x10000x64xf32, #tpu.memory_space<hbm>>
      %dma_start3A_114 = tpu.memref_squeeze %dma_start3A_113 : memref<1x10000x64xf32, #tpu.memory_space<hbm>> -> memref<10000x64xf32, #tpu.memory_space<hbm>>
      %dma_start3A_115 = arith.constant 0 : i32
      %dma_start3A_116 = arith.constant 0 : i32
      %dma_start3A_117 = tpu.memref_slice %dma_start3A_114[%dma_start3A_115, %dma_start3A_116] : memref<10000x64xf32, #tpu.memory_space<hbm>> -> memref<10000x64xf32, #tpu.memory_space<hbm>>
      tpu.enqueue_indirect_dma source(%dma_start3A_117 : memref<10000x64xf32, #tpu.memory_space<hbm>>) target(%arg9 : memref<512x64xf32, #tpu.memory_space<vmem>>) offsets(%dma_start3A_110 : memref<512xi32, #tpu.memory_space<vmem>>) semaphore(%arg10 : memref<!tpu.dma_semaphore, #tpu.memory_space<semaphore_mem>>)
      %dma_wait3A = arith.constant 1 : i32
      %dma_wait3A_118 = arith.constant 1 : i32
      %dma_wait3A_119 = arith.constant 0 : i32
      %dma_wait3A_120 = tpu.memref_slice %arg7[%dma_wait3A_118, %scan3A_106, %dma_wait3A_119] : memref<3x10x512xi32, #tpu.memory_space<vmem>> -> memref<1x1x512xi32, #tpu.memory_space<vmem>>
      %dma_wait3A_121 = tpu.memref_squeeze %dma_wait3A_120 : memref<1x1x512xi32, #tpu.memory_space<vmem>> -> memref<512xi32, #tpu.memory_space<vmem>>
      %dma_wait3A_122 = arith.constant 0 : i32
      %dma_wait3A_123 = arith.constant 0 : i32
      %dma_wait3A_124 = tpu.memref_slice %arg2[%dma_wait3A, %dma_wait3A_122, %dma_wait3A_123] : memref<6x10000x64xf32, #tpu.memory_space<hbm>> -> memref<1x10000x64xf32, #tpu.memory_space<hbm>>
      %dma_wait3A_125 = tpu.memref_squeeze %dma_wait3A_124 : memref<1x10000x64xf32, #tpu.memory_space<hbm>> -> memref<10000x64xf32, #tpu.memory_space<hbm>>
      %dma_wait3A_126 = arith.constant 0 : i32
      %dma_wait3A_127 = arith.constant 0 : i32
      %dma_wait3A_128 = tpu.memref_slice %dma_wait3A_125[%dma_wait3A_126, %dma_wait3A_127] : memref<10000x64xf32, #tpu.memory_space<hbm>> -> memref<10000x64xf32, #tpu.memory_space<hbm>>
      tpu.wait_indirect_dma semaphore(%arg10 : memref<!tpu.dma_semaphore, #tpu.memory_space<semaphore_mem>>) src(%dma_wait3A_128 : memref<10000x64xf32, #tpu.memory_space<hbm>>) dst(%arg9 : memref<512x64xf32, #tpu.memory_space<vmem>>)
      %run_scoped3A_129 = arith.constant 1 : i32
      "tpu.region"() ({
        %run_scoped3A_130 = tpu.sem_alloc : memref<!tpu.dma_semaphore, #tpu.memory_space<semaphore_mem>>
        %dma_start3A_131 = arith.constant 0 : i32
        %dma_start3A_132 = tpu.memref_slice %arg8[%run_scoped3A_129, %scan3A_106, %dma_start3A_131] : memref<3x10x512xi32, #tpu.memory_space<vmem>> -> memref<1x1x512xi32, #tpu.memory_space<vmem>>
        %dma_start3A_133 = tpu.memref_squeeze %dma_start3A_132 : memref<1x1x512xi32, #tpu.memory_space<vmem>> -> memref<512xi32, #tpu.memory_space<vmem>>
        %dma_start3A_134 = arith.constant 0 : i32
        %dma_start3A_135 = arith.constant 0 : i32
        %dma_start3A_136 = tpu.memref_slice %arg11[%dma_start3A_134, %dma_start3A_135] : memref<10240x64xf32, #tpu.memory_space<vmem_shared>> -> memref<10240x64xf32, #tpu.memory_space<vmem_shared>>
        tpu.enqueue_indirect_dma source(%arg9 : memref<512x64xf32, #tpu.memory_space<vmem>>) target(%dma_start3A_136 : memref<10240x64xf32, #tpu.memory_space<vmem_shared>>) offsets(%dma_start3A_133 : memref<512xi32, #tpu.memory_space<vmem>>) semaphore(%run_scoped3A_130 : memref<!tpu.dma_semaphore, #tpu.memory_space<semaphore_mem>>) {add = true}
        %dma_wait3A_137 = arith.constant 0 : i32
        %dma_wait3A_138 = tpu.memref_slice %arg8[%run_scoped3A_129, %scan3A_106, %dma_wait3A_137] : memref<3x10x512xi32, #tpu.memory_space<vmem>> -> memref<1x1x512xi32, #tpu.memory_space<vmem>>
        %dma_wait3A_139 = tpu.memref_squeeze %dma_wait3A_138 : memref<1x1x512xi32, #tpu.memory_space<vmem>> -> memref<512xi32, #tpu.memory_space<vmem>>
        %dma_wait3A_140 = arith.constant 0 : i32
        %dma_wait3A_141 = arith.constant 0 : i32
        %dma_wait3A_142 = tpu.memref_slice %arg11[%dma_wait3A_140, %dma_wait3A_141] : memref<10240x64xf32, #tpu.memory_space<vmem_shared>> -> memref<10240x64xf32, #tpu.memory_space<vmem_shared>>
        tpu.wait_indirect_dma semaphore(%run_scoped3A_130 : memref<!tpu.dma_semaphore, #tpu.memory_space<semaphore_mem>>) src(%arg9 : memref<512x64xf32, #tpu.memory_space<vmem>>) dst(%dma_wait3A_142 : memref<10240x64xf32, #tpu.memory_space<vmem_shared>>)
        tpu.yield
      }) : () -> ()
    }
    %scan3A_26 = arith.constant 10 : i32
    %barrier3A_27 = arith.constant 0 : index
    tpu.barrier barrier_id(%barrier3A_27)
    %mul3A_28 = arith.constant 640 : i32
    %mul3A_29 = arith.muli %arg1, %mul3A_28 : i32
    %mul3A_30 = arith.constant 640 : i32
    %mul3A_31 = arith.muli %arg1, %mul3A_30 : i32
    %run_scoped3A_32 = arith.constant 1 : i32
    "tpu.region"() ({
      %run_scoped3A_106 = tpu.sem_alloc : memref<!tpu.dma_semaphore, #tpu.memory_space<semaphore_mem>>
      %dma_start3A = arith.constant 0 : i32
      %dma_start3A_107 = tpu.memref_slice %arg6[%run_scoped3A_32, %arg0, %mul3A_31, %dma_start3A] : memref<6x2x10240x64xf32, #tpu.memory_space<hbm>> -> memref<1x1x640x64xf32, #tpu.memory_space<hbm>>
      %dma_start3A_108 = tpu.memref_squeeze %dma_start3A_107 : memref<1x1x640x64xf32, #tpu.memory_space<hbm>> -> memref<640x64xf32, #tpu.memory_space<hbm>>
      %dma_start3A_109 = arith.constant 0 : i32
      %dma_start3A_110 = tpu.memref_slice %arg11[%mul3A_29, %dma_start3A_109] : memref<10240x64xf32, #tpu.memory_space<vmem_shared>> -> memref<640x64xf32, #tpu.memory_space<vmem_shared>>
      tpu.enqueue_dma source(%dma_start3A_110 : memref<640x64xf32, #tpu.memory_space<vmem_shared>>) target(%dma_start3A_108 : memref<640x64xf32, #tpu.memory_space<hbm>>) target_semaphore(%run_scoped3A_106 : memref<!tpu.dma_semaphore, #tpu.memory_space<semaphore_mem>>)
      %dma_wait3A = arith.constant 0 : i32
      %dma_wait3A_111 = tpu.memref_slice %arg6[%run_scoped3A_32, %arg0, %mul3A_31, %dma_wait3A] : memref<6x2x10240x64xf32, #tpu.memory_space<hbm>> -> memref<1x1x640x64xf32, #tpu.memory_space<hbm>>
      %dma_wait3A_112 = tpu.memref_squeeze %dma_wait3A_111 : memref<1x1x640x64xf32, #tpu.memory_space<hbm>> -> memref<640x64xf32, #tpu.memory_space<hbm>>
      %dma_wait3A_113 = arith.constant 0 : i32
      %dma_wait3A_114 = tpu.memref_slice %arg11[%mul3A_29, %dma_wait3A_113] : memref<10240x64xf32, #tpu.memory_space<vmem_shared>> -> memref<640x64xf32, #tpu.memory_space<vmem_shared>>
      tpu.wait_dma2 semaphore(%run_scoped3A_106 : memref<!tpu.dma_semaphore, #tpu.memory_space<semaphore_mem>>) src(%dma_wait3A_114 : memref<640x64xf32, #tpu.memory_space<vmem_shared>>) dst(%dma_wait3A_112 : memref<640x64xf32, #tpu.memory_space<hbm>>)
      tpu.yield
    }) : () -> ()
    %barrier3A_33 = arith.constant 0 : index
    tpu.barrier barrier_id(%barrier3A_33)
    %mul3A_34 = arith.constant 640 : i32
    %mul3A_35 = arith.muli %arg1, %mul3A_34 : i32
    %mul3A_36 = arith.constant 640 : i32
    %mul3A_37 = arith.muli %arg1, %mul3A_36 : i32
    "tpu.region"() ({
      %run_scoped3A_106 = tpu.sem_alloc : memref<!tpu.dma_semaphore, #tpu.memory_space<semaphore_mem>>
      %dma_start3A = arith.constant 0 : i32
      %dma_start3A_107 = tpu.memref_slice %arg11[%mul3A_37, %dma_start3A] : memref<10240x64xf32, #tpu.memory_space<vmem_shared>> -> memref<640x64xf32, #tpu.memory_space<vmem_shared>>
      %dma_start3A_108 = arith.constant 0 : i32
      %dma_start3A_109 = tpu.memref_slice %arg5[%mul3A_35, %dma_start3A_108] : memref<10240x64xf32, #tpu.memory_space<hbm>> -> memref<640x64xf32, #tpu.memory_space<hbm>>
      tpu.enqueue_dma source(%dma_start3A_109 : memref<640x64xf32, #tpu.memory_space<hbm>>) target(%dma_start3A_107 : memref<640x64xf32, #tpu.memory_space<vmem_shared>>) target_semaphore(%run_scoped3A_106 : memref<!tpu.dma_semaphore, #tpu.memory_space<semaphore_mem>>)
      %dma_wait3A = arith.constant 0 : i32
      %dma_wait3A_110 = tpu.memref_slice %arg11[%mul3A_37, %dma_wait3A] : memref<10240x64xf32, #tpu.memory_space<vmem_shared>> -> memref<640x64xf32, #tpu.memory_space<vmem_shared>>
      %dma_wait3A_111 = arith.constant 0 : i32
      %dma_wait3A_112 = tpu.memref_slice %arg5[%mul3A_35, %dma_wait3A_111] : memref<10240x64xf32, #tpu.memory_space<hbm>> -> memref<640x64xf32, #tpu.memory_space<hbm>>
      tpu.wait_dma2 semaphore(%run_scoped3A_106 : memref<!tpu.dma_semaphore, #tpu.memory_space<semaphore_mem>>) src(%dma_wait3A_112 : memref<640x64xf32, #tpu.memory_space<hbm>>) dst(%dma_wait3A_110 : memref<640x64xf32, #tpu.memory_space<vmem_shared>>)
      tpu.yield
    }) : () -> ()
    %barrier3A_38 = arith.constant 0 : index
    tpu.barrier barrier_id(%barrier3A_38)
    %scan3A_39 = arith.constant 0 : i32
    %scan3A_40 = arith.constant 0 : i32
    %scan3A_41 = arith.constant 10 : i32
    %scan3A_42 = arith.addi %scan3A_40, %scan3A_41 : i32
    %scan3A_43 = arith.constant 1 : i32
    scf.for %scan3A_106 = %scan3A_40 to %scan3A_42 step %scan3A_43  : i32 {
      %dma_start3A = arith.constant 2 : i32
      %dma_start3A_107 = arith.constant 2 : i32
      %dma_start3A_108 = arith.constant 0 : i32
      %dma_start3A_109 = tpu.memref_slice %arg7[%dma_start3A_107, %scan3A_106, %dma_start3A_108] : memref<3x10x512xi32, #tpu.memory_space<vmem>> -> memref<1x1x512xi32, #tpu.memory_space<vmem>>
      %dma_start3A_110 = tpu.memref_squeeze %dma_start3A_109 : memref<1x1x512xi32, #tpu.memory_space<vmem>> -> memref<512xi32, #tpu.memory_space<vmem>>
      %dma_start3A_111 = arith.constant 0 : i32
      %dma_start3A_112 = arith.constant 0 : i32
      %dma_start3A_113 = tpu.memref_slice %arg2[%dma_start3A, %dma_start3A_111, %dma_start3A_112] : memref<6x10000x64xf32, #tpu.memory_space<hbm>> -> memref<1x10000x64xf32, #tpu.memory_space<hbm>>
      %dma_start3A_114 = tpu.memref_squeeze %dma_start3A_113 : memref<1x10000x64xf32, #tpu.memory_space<hbm>> -> memref<10000x64xf32, #tpu.memory_space<hbm>>
      %dma_start3A_115 = arith.constant 0 : i32
      %dma_start3A_116 = arith.constant 0 : i32
      %dma_start3A_117 = tpu.memref_slice %dma_start3A_114[%dma_start3A_115, %dma_start3A_116] : memref<10000x64xf32, #tpu.memory_space<hbm>> -> memref<10000x64xf32, #tpu.memory_space<hbm>>
      tpu.enqueue_indirect_dma source(%dma_start3A_117 : memref<10000x64xf32, #tpu.memory_space<hbm>>) target(%arg9 : memref<512x64xf32, #tpu.memory_space<vmem>>) offsets(%dma_start3A_110 : memref<512xi32, #tpu.memory_space<vmem>>) semaphore(%arg10 : memref<!tpu.dma_semaphore, #tpu.memory_space<semaphore_mem>>)
      %dma_wait3A = arith.constant 2 : i32
      %dma_wait3A_118 = arith.constant 2 : i32
      %dma_wait3A_119 = arith.constant 0 : i32
      %dma_wait3A_120 = tpu.memref_slice %arg7[%dma_wait3A_118, %scan3A_106, %dma_wait3A_119] : memref<3x10x512xi32, #tpu.memory_space<vmem>> -> memref<1x1x512xi32, #tpu.memory_space<vmem>>
      %dma_wait3A_121 = tpu.memref_squeeze %dma_wait3A_120 : memref<1x1x512xi32, #tpu.memory_space<vmem>> -> memref<512xi32, #tpu.memory_space<vmem>>
      %dma_wait3A_122 = arith.constant 0 : i32
      %dma_wait3A_123 = arith.constant 0 : i32
      %dma_wait3A_124 = tpu.memref_slice %arg2[%dma_wait3A, %dma_wait3A_122, %dma_wait3A_123] : memref<6x10000x64xf32, #tpu.memory_space<hbm>> -> memref<1x10000x64xf32, #tpu.memory_space<hbm>>
      %dma_wait3A_125 = tpu.memref_squeeze %dma_wait3A_124 : memref<1x10000x64xf32, #tpu.memory_space<hbm>> -> memref<10000x64xf32, #tpu.memory_space<hbm>>
      %dma_wait3A_126 = arith.constant 0 : i32
      %dma_wait3A_127 = arith.constant 0 : i32
      %dma_wait3A_128 = tpu.memref_slice %dma_wait3A_125[%dma_wait3A_126, %dma_wait3A_127] : memref<10000x64xf32, #tpu.memory_space<hbm>> -> memref<10000x64xf32, #tpu.memory_space<hbm>>
      tpu.wait_indirect_dma semaphore(%arg10 : memref<!tpu.dma_semaphore, #tpu.memory_space<semaphore_mem>>) src(%dma_wait3A_128 : memref<10000x64xf32, #tpu.memory_space<hbm>>) dst(%arg9 : memref<512x64xf32, #tpu.memory_space<vmem>>)
      %run_scoped3A_129 = arith.constant 2 : i32
      "tpu.region"() ({
        %run_scoped3A_130 = tpu.sem_alloc : memref<!tpu.dma_semaphore, #tpu.memory_space<semaphore_mem>>
        %dma_start3A_131 = arith.constant 0 : i32
        %dma_start3A_132 = tpu.memref_slice %arg8[%run_scoped3A_129, %scan3A_106, %dma_start3A_131] : memref<3x10x512xi32, #tpu.memory_space<vmem>> -> memref<1x1x512xi32, #tpu.memory_space<vmem>>
        %dma_start3A_133 = tpu.memref_squeeze %dma_start3A_132 : memref<1x1x512xi32, #tpu.memory_space<vmem>> -> memref<512xi32, #tpu.memory_space<vmem>>
        %dma_start3A_134 = arith.constant 0 : i32
        %dma_start3A_135 = arith.constant 0 : i32
        %dma_start3A_136 = tpu.memref_slice %arg11[%dma_start3A_134, %dma_start3A_135] : memref<10240x64xf32, #tpu.memory_space<vmem_shared>> -> memref<10240x64xf32, #tpu.memory_space<vmem_shared>>
        tpu.enqueue_indirect_dma source(%arg9 : memref<512x64xf32, #tpu.memory_space<vmem>>) target(%dma_start3A_136 : memref<10240x64xf32, #tpu.memory_space<vmem_shared>>) offsets(%dma_start3A_133 : memref<512xi32, #tpu.memory_space<vmem>>) semaphore(%run_scoped3A_130 : memref<!tpu.dma_semaphore, #tpu.memory_space<semaphore_mem>>) {add = true}
        %dma_wait3A_137 = arith.constant 0 : i32
        %dma_wait3A_138 = tpu.memref_slice %arg8[%run_scoped3A_129, %scan3A_106, %dma_wait3A_137] : memref<3x10x512xi32, #tpu.memory_space<vmem>> -> memref<1x1x512xi32, #tpu.memory_space<vmem>>
        %dma_wait3A_139 = tpu.memref_squeeze %dma_wait3A_138 : memref<1x1x512xi32, #tpu.memory_space<vmem>> -> memref<512xi32, #tpu.memory_space<vmem>>
        %dma_wait3A_140 = arith.constant 0 : i32
        %dma_wait3A_141 = arith.constant 0 : i32
        %dma_wait3A_142 = tpu.memref_slice %arg11[%dma_wait3A_140, %dma_wait3A_141] : memref<10240x64xf32, #tpu.memory_space<vmem_shared>> -> memref<10240x64xf32, #tpu.memory_space<vmem_shared>>
        tpu.wait_indirect_dma semaphore(%run_scoped3A_130 : memref<!tpu.dma_semaphore, #tpu.memory_space<semaphore_mem>>) src(%arg9 : memref<512x64xf32, #tpu.memory_space<vmem>>) dst(%dma_wait3A_142 : memref<10240x64xf32, #tpu.memory_space<vmem_shared>>)
        tpu.yield
      }) : () -> ()
    }
    %scan3A_44 = arith.constant 10 : i32
    %barrier3A_45 = arith.constant 0 : index
    tpu.barrier barrier_id(%barrier3A_45)
    %mul3A_46 = arith.constant 640 : i32
    %mul3A_47 = arith.muli %arg1, %mul3A_46 : i32
    %mul3A_48 = arith.constant 640 : i32
    %mul3A_49 = arith.muli %arg1, %mul3A_48 : i32
    %run_scoped3A_50 = arith.constant 2 : i32
    "tpu.region"() ({
      %run_scoped3A_106 = tpu.sem_alloc : memref<!tpu.dma_semaphore, #tpu.memory_space<semaphore_mem>>
      %dma_start3A = arith.constant 0 : i32
      %dma_start3A_107 = tpu.memref_slice %arg6[%run_scoped3A_50, %arg0, %mul3A_49, %dma_start3A] : memref<6x2x10240x64xf32, #tpu.memory_space<hbm>> -> memref<1x1x640x64xf32, #tpu.memory_space<hbm>>
      %dma_start3A_108 = tpu.memref_squeeze %dma_start3A_107 : memref<1x1x640x64xf32, #tpu.memory_space<hbm>> -> memref<640x64xf32, #tpu.memory_space<hbm>>
      %dma_start3A_109 = arith.constant 0 : i32
      %dma_start3A_110 = tpu.memref_slice %arg11[%mul3A_47, %dma_start3A_109] : memref<10240x64xf32, #tpu.memory_space<vmem_shared>> -> memref<640x64xf32, #tpu.memory_space<vmem_shared>>
      tpu.enqueue_dma source(%dma_start3A_110 : memref<640x64xf32, #tpu.memory_space<vmem_shared>>) target(%dma_start3A_108 : memref<640x64xf32, #tpu.memory_space<hbm>>) target_semaphore(%run_scoped3A_106 : memref<!tpu.dma_semaphore, #tpu.memory_space<semaphore_mem>>)
      %dma_wait3A = arith.constant 0 : i32
      %dma_wait3A_111 = tpu.memref_slice %arg6[%run_scoped3A_50, %arg0, %mul3A_49, %dma_wait3A] : memref<6x2x10240x64xf32, #tpu.memory_space<hbm>> -> memref<1x1x640x64xf32, #tpu.memory_space<hbm>>
      %dma_wait3A_112 = tpu.memref_squeeze %dma_wait3A_111 : memref<1x1x640x64xf32, #tpu.memory_space<hbm>> -> memref<640x64xf32, #tpu.memory_space<hbm>>
      %dma_wait3A_113 = arith.constant 0 : i32
      %dma_wait3A_114 = tpu.memref_slice %arg11[%mul3A_47, %dma_wait3A_113] : memref<10240x64xf32, #tpu.memory_space<vmem_shared>> -> memref<640x64xf32, #tpu.memory_space<vmem_shared>>
      tpu.wait_dma2 semaphore(%run_scoped3A_106 : memref<!tpu.dma_semaphore, #tpu.memory_space<semaphore_mem>>) src(%dma_wait3A_114 : memref<640x64xf32, #tpu.memory_space<vmem_shared>>) dst(%dma_wait3A_112 : memref<640x64xf32, #tpu.memory_space<hbm>>)
      tpu.yield
    }) : () -> ()
    %barrier3A_51 = arith.constant 0 : index
    tpu.barrier barrier_id(%barrier3A_51)
    %mul3A_52 = arith.constant 640 : i32
    %mul3A_53 = arith.muli %arg1, %mul3A_52 : i32
    %mul3A_54 = arith.constant 640 : i32
    %mul3A_55 = arith.muli %arg1, %mul3A_54 : i32
    "tpu.region"() ({
      %run_scoped3A_106 = tpu.sem_alloc : memref<!tpu.dma_semaphore, #tpu.memory_space<semaphore_mem>>
      %dma_start3A = arith.constant 0 : i32
      %dma_start3A_107 = tpu.memref_slice %arg11[%mul3A_55, %dma_start3A] : memref<10240x64xf32, #tpu.memory_space<vmem_shared>> -> memref<640x64xf32, #tpu.memory_space<vmem_shared>>
      %dma_start3A_108 = arith.constant 0 : i32
      %dma_start3A_109 = tpu.memref_slice %arg5[%mul3A_53, %dma_start3A_108] : memref<10240x64xf32, #tpu.memory_space<hbm>> -> memref<640x64xf32, #tpu.memory_space<hbm>>
      tpu.enqueue_dma source(%dma_start3A_109 : memref<640x64xf32, #tpu.memory_space<hbm>>) target(%dma_start3A_107 : memref<640x64xf32, #tpu.memory_space<vmem_shared>>) target_semaphore(%run_scoped3A_106 : memref<!tpu.dma_semaphore, #tpu.memory_space<semaphore_mem>>)
      %dma_wait3A = arith.constant 0 : i32
      %dma_wait3A_110 = tpu.memref_slice %arg11[%mul3A_55, %dma_wait3A] : memref<10240x64xf32, #tpu.memory_space<vmem_shared>> -> memref<640x64xf32, #tpu.memory_space<vmem_shared>>
      %dma_wait3A_111 = arith.constant 0 : i32
      %dma_wait3A_112 = tpu.memref_slice %arg5[%mul3A_53, %dma_wait3A_111] : memref<10240x64xf32, #tpu.memory_space<hbm>> -> memref<640x64xf32, #tpu.memory_space<hbm>>
      tpu.wait_dma2 semaphore(%run_scoped3A_106 : memref<!tpu.dma_semaphore, #tpu.memory_space<semaphore_mem>>) src(%dma_wait3A_112 : memref<640x64xf32, #tpu.memory_space<hbm>>) dst(%dma_wait3A_110 : memref<640x64xf32, #tpu.memory_space<vmem_shared>>)
      tpu.yield
    }) : () -> ()
    %barrier3A_56 = arith.constant 0 : index
    tpu.barrier barrier_id(%barrier3A_56)
    %scan3A_57 = arith.constant 0 : i32
    %scan3A_58 = arith.constant 0 : i32
    %scan3A_59 = arith.constant 10 : i32
    %scan3A_60 = arith.addi %scan3A_58, %scan3A_59 : i32
    %scan3A_61 = arith.constant 1 : i32
    scf.for %scan3A_106 = %scan3A_58 to %scan3A_60 step %scan3A_61  : i32 {
      %dma_start3A = arith.constant 3 : i32
      %dma_start3A_107 = arith.constant 0 : i32
      %dma_start3A_108 = arith.constant 0 : i32
      %dma_start3A_109 = tpu.memref_slice %arg7[%dma_start3A_107, %scan3A_106, %dma_start3A_108] : memref<3x10x512xi32, #tpu.memory_space<vmem>> -> memref<1x1x512xi32, #tpu.memory_space<vmem>>
      %dma_start3A_110 = tpu.memref_squeeze %dma_start3A_109 : memref<1x1x512xi32, #tpu.memory_space<vmem>> -> memref<512xi32, #tpu.memory_space<vmem>>
      %dma_start3A_111 = arith.constant 0 : i32
      %dma_start3A_112 = arith.constant 0 : i32
      %dma_start3A_113 = tpu.memref_slice %arg2[%dma_start3A, %dma_start3A_111, %dma_start3A_112] : memref<6x10000x64xf32, #tpu.memory_space<hbm>> -> memref<1x10000x64xf32, #tpu.memory_space<hbm>>
      %dma_start3A_114 = tpu.memref_squeeze %dma_start3A_113 : memref<1x10000x64xf32, #tpu.memory_space<hbm>> -> memref<10000x64xf32, #tpu.memory_space<hbm>>
      %dma_start3A_115 = arith.constant 0 : i32
      %dma_start3A_116 = arith.constant 0 : i32
      %dma_start3A_117 = tpu.memref_slice %dma_start3A_114[%dma_start3A_115, %dma_start3A_116] : memref<10000x64xf32, #tpu.memory_space<hbm>> -> memref<10000x64xf32, #tpu.memory_space<hbm>>
      tpu.enqueue_indirect_dma source(%dma_start3A_117 : memref<10000x64xf32, #tpu.memory_space<hbm>>) target(%arg9 : memref<512x64xf32, #tpu.memory_space<vmem>>) offsets(%dma_start3A_110 : memref<512xi32, #tpu.memory_space<vmem>>) semaphore(%arg10 : memref<!tpu.dma_semaphore, #tpu.memory_space<semaphore_mem>>)
      %dma_wait3A = arith.constant 3 : i32
      %dma_wait3A_118 = arith.constant 0 : i32
      %dma_wait3A_119 = arith.constant 0 : i32
      %dma_wait3A_120 = tpu.memref_slice %arg7[%dma_wait3A_118, %scan3A_106, %dma_wait3A_119] : memref<3x10x512xi32, #tpu.memory_space<vmem>> -> memref<1x1x512xi32, #tpu.memory_space<vmem>>
      %dma_wait3A_121 = tpu.memref_squeeze %dma_wait3A_120 : memref<1x1x512xi32, #tpu.memory_space<vmem>> -> memref<512xi32, #tpu.memory_space<vmem>>
      %dma_wait3A_122 = arith.constant 0 : i32
      %dma_wait3A_123 = arith.constant 0 : i32
      %dma_wait3A_124 = tpu.memref_slice %arg2[%dma_wait3A, %dma_wait3A_122, %dma_wait3A_123] : memref<6x10000x64xf32, #tpu.memory_space<hbm>> -> memref<1x10000x64xf32, #tpu.memory_space<hbm>>
      %dma_wait3A_125 = tpu.memref_squeeze %dma_wait3A_124 : memref<1x10000x64xf32, #tpu.memory_space<hbm>> -> memref<10000x64xf32, #tpu.memory_space<hbm>>
      %dma_wait3A_126 = arith.constant 0 : i32
      %dma_wait3A_127 = arith.constant 0 : i32
      %dma_wait3A_128 = tpu.memref_slice %dma_wait3A_125[%dma_wait3A_126, %dma_wait3A_127] : memref<10000x64xf32, #tpu.memory_space<hbm>> -> memref<10000x64xf32, #tpu.memory_space<hbm>>
      tpu.wait_indirect_dma semaphore(%arg10 : memref<!tpu.dma_semaphore, #tpu.memory_space<semaphore_mem>>) src(%dma_wait3A_128 : memref<10000x64xf32, #tpu.memory_space<hbm>>) dst(%arg9 : memref<512x64xf32, #tpu.memory_space<vmem>>)
      %run_scoped3A_129 = arith.constant 0 : i32
      "tpu.region"() ({
        %run_scoped3A_130 = tpu.sem_alloc : memref<!tpu.dma_semaphore, #tpu.memory_space<semaphore_mem>>
        %dma_start3A_131 = arith.constant 0 : i32
        %dma_start3A_132 = tpu.memref_slice %arg8[%run_scoped3A_129, %scan3A_106, %dma_start3A_131] : memref<3x10x512xi32, #tpu.memory_space<vmem>> -> memref<1x1x512xi32, #tpu.memory_space<vmem>>
        %dma_start3A_133 = tpu.memref_squeeze %dma_start3A_132 : memref<1x1x512xi32, #tpu.memory_space<vmem>> -> memref<512xi32, #tpu.memory_space<vmem>>
        %dma_start3A_134 = arith.constant 0 : i32
        %dma_start3A_135 = arith.constant 0 : i32
        %dma_start3A_136 = tpu.memref_slice %arg11[%dma_start3A_134, %dma_start3A_135] : memref<10240x64xf32, #tpu.memory_space<vmem_shared>> -> memref<10240x64xf32, #tpu.memory_space<vmem_shared>>
        tpu.enqueue_indirect_dma source(%arg9 : memref<512x64xf32, #tpu.memory_space<vmem>>) target(%dma_start3A_136 : memref<10240x64xf32, #tpu.memory_space<vmem_shared>>) offsets(%dma_start3A_133 : memref<512xi32, #tpu.memory_space<vmem>>) semaphore(%run_scoped3A_130 : memref<!tpu.dma_semaphore, #tpu.memory_space<semaphore_mem>>) {add = true}
        %dma_wait3A_137 = arith.constant 0 : i32
        %dma_wait3A_138 = tpu.memref_slice %arg8[%run_scoped3A_129, %scan3A_106, %dma_wait3A_137] : memref<3x10x512xi32, #tpu.memory_space<vmem>> -> memref<1x1x512xi32, #tpu.memory_space<vmem>>
        %dma_wait3A_139 = tpu.memref_squeeze %dma_wait3A_138 : memref<1x1x512xi32, #tpu.memory_space<vmem>> -> memref<512xi32, #tpu.memory_space<vmem>>
        %dma_wait3A_140 = arith.constant 0 : i32
        %dma_wait3A_141 = arith.constant 0 : i32
        %dma_wait3A_142 = tpu.memref_slice %arg11[%dma_wait3A_140, %dma_wait3A_141] : memref<10240x64xf32, #tpu.memory_space<vmem_shared>> -> memref<10240x64xf32, #tpu.memory_space<vmem_shared>>
        tpu.wait_indirect_dma semaphore(%run_scoped3A_130 : memref<!tpu.dma_semaphore, #tpu.memory_space<semaphore_mem>>) src(%arg9 : memref<512x64xf32, #tpu.memory_space<vmem>>) dst(%dma_wait3A_142 : memref<10240x64xf32, #tpu.memory_space<vmem_shared>>)
        tpu.yield
      }) : () -> ()
    }
    %scan3A_62 = arith.constant 10 : i32
    %barrier3A_63 = arith.constant 0 : index
    tpu.barrier barrier_id(%barrier3A_63)
    %mul3A_64 = arith.constant 640 : i32
    %mul3A_65 = arith.muli %arg1, %mul3A_64 : i32
    %mul3A_66 = arith.constant 640 : i32
    %mul3A_67 = arith.muli %arg1, %mul3A_66 : i32
    %run_scoped3A_68 = arith.constant 3 : i32
    "tpu.region"() ({
      %run_scoped3A_106 = tpu.sem_alloc : memref<!tpu.dma_semaphore, #tpu.memory_space<semaphore_mem>>
      %dma_start3A = arith.constant 0 : i32
      %dma_start3A_107 = tpu.memref_slice %arg6[%run_scoped3A_68, %arg0, %mul3A_67, %dma_start3A] : memref<6x2x10240x64xf32, #tpu.memory_space<hbm>> -> memref<1x1x640x64xf32, #tpu.memory_space<hbm>>
      %dma_start3A_108 = tpu.memref_squeeze %dma_start3A_107 : memref<1x1x640x64xf32, #tpu.memory_space<hbm>> -> memref<640x64xf32, #tpu.memory_space<hbm>>
      %dma_start3A_109 = arith.constant 0 : i32
      %dma_start3A_110 = tpu.memref_slice %arg11[%mul3A_65, %dma_start3A_109] : memref<10240x64xf32, #tpu.memory_space<vmem_shared>> -> memref<640x64xf32, #tpu.memory_space<vmem_shared>>
      tpu.enqueue_dma source(%dma_start3A_110 : memref<640x64xf32, #tpu.memory_space<vmem_shared>>) target(%dma_start3A_108 : memref<640x64xf32, #tpu.memory_space<hbm>>) target_semaphore(%run_scoped3A_106 : memref<!tpu.dma_semaphore, #tpu.memory_space<semaphore_mem>>)
      %dma_wait3A = arith.constant 0 : i32
      %dma_wait3A_111 = tpu.memref_slice %arg6[%run_scoped3A_68, %arg0, %mul3A_67, %dma_wait3A] : memref<6x2x10240x64xf32, #tpu.memory_space<hbm>> -> memref<1x1x640x64xf32, #tpu.memory_space<hbm>>
      %dma_wait3A_112 = tpu.memref_squeeze %dma_wait3A_111 : memref<1x1x640x64xf32, #tpu.memory_space<hbm>> -> memref<640x64xf32, #tpu.memory_space<hbm>>
      %dma_wait3A_113 = arith.constant 0 : i32
      %dma_wait3A_114 = tpu.memref_slice %arg11[%mul3A_65, %dma_wait3A_113] : memref<10240x64xf32, #tpu.memory_space<vmem_shared>> -> memref<640x64xf32, #tpu.memory_space<vmem_shared>>
      tpu.wait_dma2 semaphore(%run_scoped3A_106 : memref<!tpu.dma_semaphore, #tpu.memory_space<semaphore_mem>>) src(%dma_wait3A_114 : memref<640x64xf32, #tpu.memory_space<vmem_shared>>) dst(%dma_wait3A_112 : memref<640x64xf32, #tpu.memory_space<hbm>>)
      tpu.yield
    }) : () -> ()
    %barrier3A_69 = arith.constant 0 : index
    tpu.barrier barrier_id(%barrier3A_69)
    %mul3A_70 = arith.constant 640 : i32
    %mul3A_71 = arith.muli %arg1, %mul3A_70 : i32
    %mul3A_72 = arith.constant 640 : i32
    %mul3A_73 = arith.muli %arg1, %mul3A_72 : i32
    "tpu.region"() ({
      %run_scoped3A_106 = tpu.sem_alloc : memref<!tpu.dma_semaphore, #tpu.memory_space<semaphore_mem>>
      %dma_start3A = arith.constant 0 : i32
      %dma_start3A_107 = tpu.memref_slice %arg11[%mul3A_73, %dma_start3A] : memref<10240x64xf32, #tpu.memory_space<vmem_shared>> -> memref<640x64xf32, #tpu.memory_space<vmem_shared>>
      %dma_start3A_108 = arith.constant 0 : i32
      %dma_start3A_109 = tpu.memref_slice %arg5[%mul3A_71, %dma_start3A_108] : memref<10240x64xf32, #tpu.memory_space<hbm>> -> memref<640x64xf32, #tpu.memory_space<hbm>>
      tpu.enqueue_dma source(%dma_start3A_109 : memref<640x64xf32, #tpu.memory_space<hbm>>) target(%dma_start3A_107 : memref<640x64xf32, #tpu.memory_space<vmem_shared>>) target_semaphore(%run_scoped3A_106 : memref<!tpu.dma_semaphore, #tpu.memory_space<semaphore_mem>>)
      %dma_wait3A = arith.constant 0 : i32
      %dma_wait3A_110 = tpu.memref_slice %arg11[%mul3A_73, %dma_wait3A] : memref<10240x64xf32, #tpu.memory_space<vmem_shared>> -> memref<640x64xf32, #tpu.memory_space<vmem_shared>>
      %dma_wait3A_111 = arith.constant 0 : i32
      %dma_wait3A_112 = tpu.memref_slice %arg5[%mul3A_71, %dma_wait3A_111] : memref<10240x64xf32, #tpu.memory_space<hbm>> -> memref<640x64xf32, #tpu.memory_space<hbm>>
      tpu.wait_dma2 semaphore(%run_scoped3A_106 : memref<!tpu.dma_semaphore, #tpu.memory_space<semaphore_mem>>) src(%dma_wait3A_112 : memref<640x64xf32, #tpu.memory_space<hbm>>) dst(%dma_wait3A_110 : memref<640x64xf32, #tpu.memory_space<vmem_shared>>)
      tpu.yield
    }) : () -> ()
    %barrier3A_74 = arith.constant 0 : index
    tpu.barrier barrier_id(%barrier3A_74)
    %scan3A_75 = arith.constant 0 : i32
    %scan3A_76 = arith.constant 0 : i32
    %scan3A_77 = arith.constant 10 : i32
    %scan3A_78 = arith.addi %scan3A_76, %scan3A_77 : i32
    %scan3A_79 = arith.constant 1 : i32
    scf.for %scan3A_106 = %scan3A_76 to %scan3A_78 step %scan3A_79  : i32 {
      %dma_start3A = arith.constant 4 : i32
      %dma_start3A_107 = arith.constant 1 : i32
      %dma_start3A_108 = arith.constant 0 : i32
      %dma_start3A_109 = tpu.memref_slice %arg7[%dma_start3A_107, %scan3A_106, %dma_start3A_108] : memref<3x10x512xi32, #tpu.memory_space<vmem>> -> memref<1x1x512xi32, #tpu.memory_space<vmem>>
      %dma_start3A_110 = tpu.memref_squeeze %dma_start3A_109 : memref<1x1x512xi32, #tpu.memory_space<vmem>> -> memref<512xi32, #tpu.memory_space<vmem>>
      %dma_start3A_111 = arith.constant 0 : i32
      %dma_start3A_112 = arith.constant 0 : i32
      %dma_start3A_113 = tpu.memref_slice %arg2[%dma_start3A, %dma_start3A_111, %dma_start3A_112] : memref<6x10000x64xf32, #tpu.memory_space<hbm>> -> memref<1x10000x64xf32, #tpu.memory_space<hbm>>
      %dma_start3A_114 = tpu.memref_squeeze %dma_start3A_113 : memref<1x10000x64xf32, #tpu.memory_space<hbm>> -> memref<10000x64xf32, #tpu.memory_space<hbm>>
      %dma_start3A_115 = arith.constant 0 : i32
      %dma_start3A_116 = arith.constant 0 : i32
      %dma_start3A_117 = tpu.memref_slice %dma_start3A_114[%dma_start3A_115, %dma_start3A_116] : memref<10000x64xf32, #tpu.memory_space<hbm>> -> memref<10000x64xf32, #tpu.memory_space<hbm>>
      tpu.enqueue_indirect_dma source(%dma_start3A_117 : memref<10000x64xf32, #tpu.memory_space<hbm>>) target(%arg9 : memref<512x64xf32, #tpu.memory_space<vmem>>) offsets(%dma_start3A_110 : memref<512xi32, #tpu.memory_space<vmem>>) semaphore(%arg10 : memref<!tpu.dma_semaphore, #tpu.memory_space<semaphore_mem>>)
      %dma_wait3A = arith.constant 4 : i32
      %dma_wait3A_118 = arith.constant 1 : i32
      %dma_wait3A_119 = arith.constant 0 : i32
      %dma_wait3A_120 = tpu.memref_slice %arg7[%dma_wait3A_118, %scan3A_106, %dma_wait3A_119] : memref<3x10x512xi32, #tpu.memory_space<vmem>> -> memref<1x1x512xi32, #tpu.memory_space<vmem>>
      %dma_wait3A_121 = tpu.memref_squeeze %dma_wait3A_120 : memref<1x1x512xi32, #tpu.memory_space<vmem>> -> memref<512xi32, #tpu.memory_space<vmem>>
      %dma_wait3A_122 = arith.constant 0 : i32
      %dma_wait3A_123 = arith.constant 0 : i32
      %dma_wait3A_124 = tpu.memref_slice %arg2[%dma_wait3A, %dma_wait3A_122, %dma_wait3A_123] : memref<6x10000x64xf32, #tpu.memory_space<hbm>> -> memref<1x10000x64xf32, #tpu.memory_space<hbm>>
      %dma_wait3A_125 = tpu.memref_squeeze %dma_wait3A_124 : memref<1x10000x64xf32, #tpu.memory_space<hbm>> -> memref<10000x64xf32, #tpu.memory_space<hbm>>
      %dma_wait3A_126 = arith.constant 0 : i32
      %dma_wait3A_127 = arith.constant 0 : i32
      %dma_wait3A_128 = tpu.memref_slice %dma_wait3A_125[%dma_wait3A_126, %dma_wait3A_127] : memref<10000x64xf32, #tpu.memory_space<hbm>> -> memref<10000x64xf32, #tpu.memory_space<hbm>>
      tpu.wait_indirect_dma semaphore(%arg10 : memref<!tpu.dma_semaphore, #tpu.memory_space<semaphore_mem>>) src(%dma_wait3A_128 : memref<10000x64xf32, #tpu.memory_space<hbm>>) dst(%arg9 : memref<512x64xf32, #tpu.memory_space<vmem>>)
      %run_scoped3A_129 = arith.constant 1 : i32
      "tpu.region"() ({
        %run_scoped3A_130 = tpu.sem_alloc : memref<!tpu.dma_semaphore, #tpu.memory_space<semaphore_mem>>
        %dma_start3A_131 = arith.constant 0 : i32
        %dma_start3A_132 = tpu.memref_slice %arg8[%run_scoped3A_129, %scan3A_106, %dma_start3A_131] : memref<3x10x512xi32, #tpu.memory_space<vmem>> -> memref<1x1x512xi32, #tpu.memory_space<vmem>>
        %dma_start3A_133 = tpu.memref_squeeze %dma_start3A_132 : memref<1x1x512xi32, #tpu.memory_space<vmem>> -> memref<512xi32, #tpu.memory_space<vmem>>
        %dma_start3A_134 = arith.constant 0 : i32
        %dma_start3A_135 = arith.constant 0 : i32
        %dma_start3A_136 = tpu.memref_slice %arg11[%dma_start3A_134, %dma_start3A_135] : memref<10240x64xf32, #tpu.memory_space<vmem_shared>> -> memref<10240x64xf32, #tpu.memory_space<vmem_shared>>
        tpu.enqueue_indirect_dma source(%arg9 : memref<512x64xf32, #tpu.memory_space<vmem>>) target(%dma_start3A_136 : memref<10240x64xf32, #tpu.memory_space<vmem_shared>>) offsets(%dma_start3A_133 : memref<512xi32, #tpu.memory_space<vmem>>) semaphore(%run_scoped3A_130 : memref<!tpu.dma_semaphore, #tpu.memory_space<semaphore_mem>>) {add = true}
        %dma_wait3A_137 = arith.constant 0 : i32
        %dma_wait3A_138 = tpu.memref_slice %arg8[%run_scoped3A_129, %scan3A_106, %dma_wait3A_137] : memref<3x10x512xi32, #tpu.memory_space<vmem>> -> memref<1x1x512xi32, #tpu.memory_space<vmem>>
        %dma_wait3A_139 = tpu.memref_squeeze %dma_wait3A_138 : memref<1x1x512xi32, #tpu.memory_space<vmem>> -> memref<512xi32, #tpu.memory_space<vmem>>
        %dma_wait3A_140 = arith.constant 0 : i32
        %dma_wait3A_141 = arith.constant 0 : i32
        %dma_wait3A_142 = tpu.memref_slice %arg11[%dma_wait3A_140, %dma_wait3A_141] : memref<10240x64xf32, #tpu.memory_space<vmem_shared>> -> memref<10240x64xf32, #tpu.memory_space<vmem_shared>>
        tpu.wait_indirect_dma semaphore(%run_scoped3A_130 : memref<!tpu.dma_semaphore, #tpu.memory_space<semaphore_mem>>) src(%arg9 : memref<512x64xf32, #tpu.memory_space<vmem>>) dst(%dma_wait3A_142 : memref<10240x64xf32, #tpu.memory_space<vmem_shared>>)
        tpu.yield
      }) : () -> ()
    }
    %scan3A_80 = arith.constant 10 : i32
    %barrier3A_81 = arith.constant 0 : index
    tpu.barrier barrier_id(%barrier3A_81)
    %mul3A_82 = arith.constant 640 : i32
    %mul3A_83 = arith.muli %arg1, %mul3A_82 : i32
    %mul3A_84 = arith.constant 640 : i32
    %mul3A_85 = arith.muli %arg1, %mul3A_84 : i32
    %run_scoped3A_86 = arith.constant 4 : i32
    "tpu.region"() ({
      %run_scoped3A_106 = tpu.sem_alloc : memref<!tpu.dma_semaphore, #tpu.memory_space<semaphore_mem>>
      %dma_start3A = arith.constant 0 : i32
      %dma_start3A_107 = tpu.memref_slice %arg6[%run_scoped3A_86, %arg0, %mul3A_85, %dma_start3A] : memref<6x2x10240x64xf32, #tpu.memory_space<hbm>> -> memref<1x1x640x64xf32, #tpu.memory_space<hbm>>
      %dma_start3A_108 = tpu.memref_squeeze %dma_start3A_107 : memref<1x1x640x64xf32, #tpu.memory_space<hbm>> -> memref<640x64xf32, #tpu.memory_space<hbm>>
      %dma_start3A_109 = arith.constant 0 : i32
      %dma_start3A_110 = tpu.memref_slice %arg11[%mul3A_83, %dma_start3A_109] : memref<10240x64xf32, #tpu.memory_space<vmem_shared>> -> memref<640x64xf32, #tpu.memory_space<vmem_shared>>
      tpu.enqueue_dma source(%dma_start3A_110 : memref<640x64xf32, #tpu.memory_space<vmem_shared>>) target(%dma_start3A_108 : memref<640x64xf32, #tpu.memory_space<hbm>>) target_semaphore(%run_scoped3A_106 : memref<!tpu.dma_semaphore, #tpu.memory_space<semaphore_mem>>)
      %dma_wait3A = arith.constant 0 : i32
      %dma_wait3A_111 = tpu.memref_slice %arg6[%run_scoped3A_86, %arg0, %mul3A_85, %dma_wait3A] : memref<6x2x10240x64xf32, #tpu.memory_space<hbm>> -> memref<1x1x640x64xf32, #tpu.memory_space<hbm>>
      %dma_wait3A_112 = tpu.memref_squeeze %dma_wait3A_111 : memref<1x1x640x64xf32, #tpu.memory_space<hbm>> -> memref<640x64xf32, #tpu.memory_space<hbm>>
      %dma_wait3A_113 = arith.constant 0 : i32
      %dma_wait3A_114 = tpu.memref_slice %arg11[%mul3A_83, %dma_wait3A_113] : memref<10240x64xf32, #tpu.memory_space<vmem_shared>> -> memref<640x64xf32, #tpu.memory_space<vmem_shared>>
      tpu.wait_dma2 semaphore(%run_scoped3A_106 : memref<!tpu.dma_semaphore, #tpu.memory_space<semaphore_mem>>) src(%dma_wait3A_114 : memref<640x64xf32, #tpu.memory_space<vmem_shared>>) dst(%dma_wait3A_112 : memref<640x64xf32, #tpu.memory_space<hbm>>)
      tpu.yield
    }) : () -> ()
    %barrier3A_87 = arith.constant 0 : index
    tpu.barrier barrier_id(%barrier3A_87)
    %mul3A_88 = arith.constant 640 : i32
    %mul3A_89 = arith.muli %arg1, %mul3A_88 : i32
    %mul3A_90 = arith.constant 640 : i32
    %mul3A_91 = arith.muli %arg1, %mul3A_90 : i32
    "tpu.region"() ({
      %run_scoped3A_106 = tpu.sem_alloc : memref<!tpu.dma_semaphore, #tpu.memory_space<semaphore_mem>>
      %dma_start3A = arith.constant 0 : i32
      %dma_start3A_107 = tpu.memref_slice %arg11[%mul3A_91, %dma_start3A] : memref<10240x64xf32, #tpu.memory_space<vmem_shared>> -> memref<640x64xf32, #tpu.memory_space<vmem_shared>>
      %dma_start3A_108 = arith.constant 0 : i32
      %dma_start3A_109 = tpu.memref_slice %arg5[%mul3A_89, %dma_start3A_108] : memref<10240x64xf32, #tpu.memory_space<hbm>> -> memref<640x64xf32, #tpu.memory_space<hbm>>
      tpu.enqueue_dma source(%dma_start3A_109 : memref<640x64xf32, #tpu.memory_space<hbm>>) target(%dma_start3A_107 : memref<640x64xf32, #tpu.memory_space<vmem_shared>>) target_semaphore(%run_scoped3A_106 : memref<!tpu.dma_semaphore, #tpu.memory_space<semaphore_mem>>)
      %dma_wait3A = arith.constant 0 : i32
      %dma_wait3A_110 = tpu.memref_slice %arg11[%mul3A_91, %dma_wait3A] : memref<10240x64xf32, #tpu.memory_space<vmem_shared>> -> memref<640x64xf32, #tpu.memory_space<vmem_shared>>
      %dma_wait3A_111 = arith.constant 0 : i32
      %dma_wait3A_112 = tpu.memref_slice %arg5[%mul3A_89, %dma_wait3A_111] : memref<10240x64xf32, #tpu.memory_space<hbm>> -> memref<640x64xf32, #tpu.memory_space<hbm>>
      tpu.wait_dma2 semaphore(%run_scoped3A_106 : memref<!tpu.dma_semaphore, #tpu.memory_space<semaphore_mem>>) src(%dma_wait3A_112 : memref<640x64xf32, #tpu.memory_space<hbm>>) dst(%dma_wait3A_110 : memref<640x64xf32, #tpu.memory_space<vmem_shared>>)
      tpu.yield
    }) : () -> ()
    %barrier3A_92 = arith.constant 0 : index
    tpu.barrier barrier_id(%barrier3A_92)
    %scan3A_93 = arith.constant 0 : i32
    %scan3A_94 = arith.constant 0 : i32
    %scan3A_95 = arith.constant 10 : i32
    %scan3A_96 = arith.addi %scan3A_94, %scan3A_95 : i32
    %scan3A_97 = arith.constant 1 : i32
    scf.for %scan3A_106 = %scan3A_94 to %scan3A_96 step %scan3A_97  : i32 {
      %dma_start3A = arith.constant 5 : i32
      %dma_start3A_107 = arith.constant 2 : i32
      %dma_start3A_108 = arith.constant 0 : i32
      %dma_start3A_109 = tpu.memref_slice %arg7[%dma_start3A_107, %scan3A_106, %dma_start3A_108] : memref<3x10x512xi32, #tpu.memory_space<vmem>> -> memref<1x1x512xi32, #tpu.memory_space<vmem>>
      %dma_start3A_110 = tpu.memref_squeeze %dma_start3A_109 : memref<1x1x512xi32, #tpu.memory_space<vmem>> -> memref<512xi32, #tpu.memory_space<vmem>>
      %dma_start3A_111 = arith.constant 0 : i32
      %dma_start3A_112 = arith.constant 0 : i32
      %dma_start3A_113 = tpu.memref_slice %arg2[%dma_start3A, %dma_start3A_111, %dma_start3A_112] : memref<6x10000x64xf32, #tpu.memory_space<hbm>> -> memref<1x10000x64xf32, #tpu.memory_space<hbm>>
      %dma_start3A_114 = tpu.memref_squeeze %dma_start3A_113 : memref<1x10000x64xf32, #tpu.memory_space<hbm>> -> memref<10000x64xf32, #tpu.memory_space<hbm>>
      %dma_start3A_115 = arith.constant 0 : i32
      %dma_start3A_116 = arith.constant 0 : i32
      %dma_start3A_117 = tpu.memref_slice %dma_start3A_114[%dma_start3A_115, %dma_start3A_116] : memref<10000x64xf32, #tpu.memory_space<hbm>> -> memref<10000x64xf32, #tpu.memory_space<hbm>>
      tpu.enqueue_indirect_dma source(%dma_start3A_117 : memref<10000x64xf32, #tpu.memory_space<hbm>>) target(%arg9 : memref<512x64xf32, #tpu.memory_space<vmem>>) offsets(%dma_start3A_110 : memref<512xi32, #tpu.memory_space<vmem>>) semaphore(%arg10 : memref<!tpu.dma_semaphore, #tpu.memory_space<semaphore_mem>>)
      %dma_wait3A = arith.constant 5 : i32
      %dma_wait3A_118 = arith.constant 2 : i32
      %dma_wait3A_119 = arith.constant 0 : i32
      %dma_wait3A_120 = tpu.memref_slice %arg7[%dma_wait3A_118, %scan3A_106, %dma_wait3A_119] : memref<3x10x512xi32, #tpu.memory_space<vmem>> -> memref<1x1x512xi32, #tpu.memory_space<vmem>>
      %dma_wait3A_121 = tpu.memref_squeeze %dma_wait3A_120 : memref<1x1x512xi32, #tpu.memory_space<vmem>> -> memref<512xi32, #tpu.memory_space<vmem>>
      %dma_wait3A_122 = arith.constant 0 : i32
      %dma_wait3A_123 = arith.constant 0 : i32
      %dma_wait3A_124 = tpu.memref_slice %arg2[%dma_wait3A, %dma_wait3A_122, %dma_wait3A_123] : memref<6x10000x64xf32, #tpu.memory_space<hbm>> -> memref<1x10000x64xf32, #tpu.memory_space<hbm>>
      %dma_wait3A_125 = tpu.memref_squeeze %dma_wait3A_124 : memref<1x10000x64xf32, #tpu.memory_space<hbm>> -> memref<10000x64xf32, #tpu.memory_space<hbm>>
      %dma_wait3A_126 = arith.constant 0 : i32
      %dma_wait3A_127 = arith.constant 0 : i32
      %dma_wait3A_128 = tpu.memref_slice %dma_wait3A_125[%dma_wait3A_126, %dma_wait3A_127] : memref<10000x64xf32, #tpu.memory_space<hbm>> -> memref<10000x64xf32, #tpu.memory_space<hbm>>
      tpu.wait_indirect_dma semaphore(%arg10 : memref<!tpu.dma_semaphore, #tpu.memory_space<semaphore_mem>>) src(%dma_wait3A_128 : memref<10000x64xf32, #tpu.memory_space<hbm>>) dst(%arg9 : memref<512x64xf32, #tpu.memory_space<vmem>>)
      %run_scoped3A_129 = arith.constant 2 : i32
      "tpu.region"() ({
        %run_scoped3A_130 = tpu.sem_alloc : memref<!tpu.dma_semaphore, #tpu.memory_space<semaphore_mem>>
        %dma_start3A_131 = arith.constant 0 : i32
        %dma_start3A_132 = tpu.memref_slice %arg8[%run_scoped3A_129, %scan3A_106, %dma_start3A_131] : memref<3x10x512xi32, #tpu.memory_space<vmem>> -> memref<1x1x512xi32, #tpu.memory_space<vmem>>
        %dma_start3A_133 = tpu.memref_squeeze %dma_start3A_132 : memref<1x1x512xi32, #tpu.memory_space<vmem>> -> memref<512xi32, #tpu.memory_space<vmem>>
        %dma_start3A_134 = arith.constant 0 : i32
        %dma_start3A_135 = arith.constant 0 : i32
        %dma_start3A_136 = tpu.memref_slice %arg11[%dma_start3A_134, %dma_start3A_135] : memref<10240x64xf32, #tpu.memory_space<vmem_shared>> -> memref<10240x64xf32, #tpu.memory_space<vmem_shared>>
        tpu.enqueue_indirect_dma source(%arg9 : memref<512x64xf32, #tpu.memory_space<vmem>>) target(%dma_start3A_136 : memref<10240x64xf32, #tpu.memory_space<vmem_shared>>) offsets(%dma_start3A_133 : memref<512xi32, #tpu.memory_space<vmem>>) semaphore(%run_scoped3A_130 : memref<!tpu.dma_semaphore, #tpu.memory_space<semaphore_mem>>) {add = true}
        %dma_wait3A_137 = arith.constant 0 : i32
        %dma_wait3A_138 = tpu.memref_slice %arg8[%run_scoped3A_129, %scan3A_106, %dma_wait3A_137] : memref<3x10x512xi32, #tpu.memory_space<vmem>> -> memref<1x1x512xi32, #tpu.memory_space<vmem>>
        %dma_wait3A_139 = tpu.memref_squeeze %dma_wait3A_138 : memref<1x1x512xi32, #tpu.memory_space<vmem>> -> memref<512xi32, #tpu.memory_space<vmem>>
        %dma_wait3A_140 = arith.constant 0 : i32
        %dma_wait3A_141 = arith.constant 0 : i32
        %dma_wait3A_142 = tpu.memref_slice %arg11[%dma_wait3A_140, %dma_wait3A_141] : memref<10240x64xf32, #tpu.memory_space<vmem_shared>> -> memref<10240x64xf32, #tpu.memory_space<vmem_shared>>
        tpu.wait_indirect_dma semaphore(%run_scoped3A_130 : memref<!tpu.dma_semaphore, #tpu.memory_space<semaphore_mem>>) src(%arg9 : memref<512x64xf32, #tpu.memory_space<vmem>>) dst(%dma_wait3A_142 : memref<10240x64xf32, #tpu.memory_space<vmem_shared>>)
        tpu.yield
      }) : () -> ()
    }
    %scan3A_98 = arith.constant 10 : i32
    %barrier3A_99 = arith.constant 0 : index
    tpu.barrier barrier_id(%barrier3A_99)
    %mul3A_100 = arith.constant 640 : i32
    %mul3A_101 = arith.muli %arg1, %mul3A_100 : i32
    %mul3A_102 = arith.constant 640 : i32
    %mul3A_103 = arith.muli %arg1, %mul3A_102 : i32
    %run_scoped3A_104 = arith.constant 5 : i32
    "tpu.region"() ({
      %run_scoped3A_106 = tpu.sem_alloc : memref<!tpu.dma_semaphore, #tpu.memory_space<semaphore_mem>>
      %dma_start3A = arith.constant 0 : i32
      %dma_start3A_107 = tpu.memref_slice %arg6[%run_scoped3A_104, %arg0, %mul3A_103, %dma_start3A] : memref<6x2x10240x64xf32, #tpu.memory_space<hbm>> -> memref<1x1x640x64xf32, #tpu.memory_space<hbm>>
      %dma_start3A_108 = tpu.memref_squeeze %dma_start3A_107 : memref<1x1x640x64xf32, #tpu.memory_space<hbm>> -> memref<640x64xf32, #tpu.memory_space<hbm>>
      %dma_start3A_109 = arith.constant 0 : i32
      %dma_start3A_110 = tpu.memref_slice %arg11[%mul3A_101, %dma_start3A_109] : memref<10240x64xf32, #tpu.memory_space<vmem_shared>> -> memref<640x64xf32, #tpu.memory_space<vmem_shared>>
      tpu.enqueue_dma source(%dma_start3A_110 : memref<640x64xf32, #tpu.memory_space<vmem_shared>>) target(%dma_start3A_108 : memref<640x64xf32, #tpu.memory_space<hbm>>) target_semaphore(%run_scoped3A_106 : memref<!tpu.dma_semaphore, #tpu.memory_space<semaphore_mem>>)
      %dma_wait3A = arith.constant 0 : i32
      %dma_wait3A_111 = tpu.memref_slice %arg6[%run_scoped3A_104, %arg0, %mul3A_103, %dma_wait3A] : memref<6x2x10240x64xf32, #tpu.memory_space<hbm>> -> memref<1x1x640x64xf32, #tpu.memory_space<hbm>>
      %dma_wait3A_112 = tpu.memref_squeeze %dma_wait3A_111 : memref<1x1x640x64xf32, #tpu.memory_space<hbm>> -> memref<640x64xf32, #tpu.memory_space<hbm>>
      %dma_wait3A_113 = arith.constant 0 : i32
      %dma_wait3A_114 = tpu.memref_slice %arg11[%mul3A_101, %dma_wait3A_113] : memref<10240x64xf32, #tpu.memory_space<vmem_shared>> -> memref<640x64xf32, #tpu.memory_space<vmem_shared>>
      tpu.wait_dma2 semaphore(%run_scoped3A_106 : memref<!tpu.dma_semaphore, #tpu.memory_space<semaphore_mem>>) src(%dma_wait3A_114 : memref<640x64xf32, #tpu.memory_space<vmem_shared>>) dst(%dma_wait3A_112 : memref<640x64xf32, #tpu.memory_space<hbm>>)
      tpu.yield
    }) : () -> ()
    %barrier3A_105 = arith.constant 0 : index
    tpu.barrier barrier_id(%barrier3A_105)
    return
  }
}

#map = affine_map<(d0, d1) -> (0, 0, 0, 0)>
#map1 = affine_map<(d0, d1) -> (0, 0)>
module attributes {stable_mosaic.version = 14 : i64} {
  func.func @_sc_degrees(%arg0: i32, %arg1: i32, %arg2: memref<32x6x40x128xi32, #tpu.memory_space<hbm>>, %arg3: memref<128x16xf32, #tpu.memory_space<hbm>>, %arg4: memref<10240x16xf32, #tpu.memory_space<hbm>>, %arg5: memref<6x2x10240x16xf32, #tpu.memory_space<hbm>>, %arg6: memref<6x40x128xi32, #tpu.memory_space<vmem>>, %arg7: memref<128x16xf32, #tpu.memory_space<vmem>>, %arg8: memref<10240x16xf32, #tpu.memory_space<vmem_shared>>) attributes {dimension_semantics = [#tpu.dimension_semantics<core_parallel>, #tpu.dimension_semantics<subcore_parallel>], iteration_bounds = array<i64: 2, 16>, scalar_prefetch = 0 : i64, scratch_operands = 3 : i64, tpu.core_type = #tpu.core_type<sc_vector_subcore>, window_params = [{transform_indices = #map}, {transform_indices = #map1}, {transform_indices = #map1}, {transform_indices = #map}]} {
    %mul3A = arith.constant 16 : i32
    %mul3A_0 = arith.muli %arg0, %mul3A : i32
    %add3A = arith.addi %mul3A_0, %arg1 : i32
    "tpu.region"() ({
      %run_scoped3A_106 = tpu.sem_alloc : memref<!tpu.dma_semaphore, #tpu.memory_space<semaphore_mem>>
      %dma_start3A = arith.constant 0 : i32
      %dma_start3A_107 = arith.constant 0 : i32
      %dma_start3A_108 = arith.constant 0 : i32
      %dma_start3A_109 = tpu.memref_slice %arg2[%add3A, %dma_start3A, %dma_start3A_107, %dma_start3A_108] : memref<32x6x40x128xi32, #tpu.memory_space<hbm>> -> memref<1x6x40x128xi32, #tpu.memory_space<hbm>>
      %dma_start3A_110 = tpu.memref_squeeze %dma_start3A_109 : memref<1x6x40x128xi32, #tpu.memory_space<hbm>> -> memref<6x40x128xi32, #tpu.memory_space<hbm>>
      %dma_start3A_111 = arith.constant 0 : i32
      %dma_start3A_112 = arith.constant 0 : i32
      %dma_start3A_113 = arith.constant 0 : i32
      %dma_start3A_114 = tpu.memref_slice %arg2[%add3A, %dma_start3A_111, %dma_start3A_112, %dma_start3A_113] : memref<32x6x40x128xi32, #tpu.memory_space<hbm>> -> memref<1x6x40x128xi32, #tpu.memory_space<hbm>>
      %dma_start3A_115 = tpu.memref_squeeze %dma_start3A_114 : memref<1x6x40x128xi32, #tpu.memory_space<hbm>> -> memref<6x40x128xi32, #tpu.memory_space<hbm>>
      tpu.enqueue_dma source(%dma_start3A_115 : memref<6x40x128xi32, #tpu.memory_space<hbm>>) target(%arg6 : memref<6x40x128xi32, #tpu.memory_space<vmem>>) target_semaphore(%run_scoped3A_106 : memref<!tpu.dma_semaphore, #tpu.memory_space<semaphore_mem>>)
      %dma_wait3A = arith.constant 0 : i32
      %dma_wait3A_116 = arith.constant 0 : i32
      %dma_wait3A_117 = arith.constant 0 : i32
      %dma_wait3A_118 = tpu.memref_slice %arg2[%add3A, %dma_wait3A, %dma_wait3A_116, %dma_wait3A_117] : memref<32x6x40x128xi32, #tpu.memory_space<hbm>> -> memref<1x6x40x128xi32, #tpu.memory_space<hbm>>
      %dma_wait3A_119 = tpu.memref_squeeze %dma_wait3A_118 : memref<1x6x40x128xi32, #tpu.memory_space<hbm>> -> memref<6x40x128xi32, #tpu.memory_space<hbm>>
      %dma_wait3A_120 = arith.constant 0 : i32
      %dma_wait3A_121 = arith.constant 0 : i32
      %dma_wait3A_122 = arith.constant 0 : i32
      %dma_wait3A_123 = tpu.memref_slice %arg2[%add3A, %dma_wait3A_120, %dma_wait3A_121, %dma_wait3A_122] : memref<32x6x40x128xi32, #tpu.memory_space<hbm>> -> memref<1x6x40x128xi32, #tpu.memory_space<hbm>>
      %dma_wait3A_124 = tpu.memref_squeeze %dma_wait3A_123 : memref<1x6x40x128xi32, #tpu.memory_space<hbm>> -> memref<6x40x128xi32, #tpu.memory_space<hbm>>
      tpu.wait_dma2 semaphore(%run_scoped3A_106 : memref<!tpu.dma_semaphore, #tpu.memory_space<semaphore_mem>>) src(%dma_wait3A_124 : memref<6x40x128xi32, #tpu.memory_space<hbm>>) dst(%arg6 : memref<6x40x128xi32, #tpu.memory_space<vmem>>)
      tpu.yield
    }) : () -> ()
    "tpu.region"() ({
      %run_scoped3A_106 = tpu.sem_alloc : memref<!tpu.dma_semaphore, #tpu.memory_space<semaphore_mem>>
      tpu.enqueue_dma source(%arg3 : memref<128x16xf32, #tpu.memory_space<hbm>>) target(%arg7 : memref<128x16xf32, #tpu.memory_space<vmem>>) target_semaphore(%run_scoped3A_106 : memref<!tpu.dma_semaphore, #tpu.memory_space<semaphore_mem>>)
      tpu.wait_dma2 semaphore(%run_scoped3A_106 : memref<!tpu.dma_semaphore, #tpu.memory_space<semaphore_mem>>) src(%arg3 : memref<128x16xf32, #tpu.memory_space<hbm>>) dst(%arg7 : memref<128x16xf32, #tpu.memory_space<vmem>>)
      tpu.yield
    }) : () -> ()
    %mul3A_1 = arith.constant 640 : i32
    %mul3A_2 = arith.muli %arg1, %mul3A_1 : i32
    %mul3A_3 = arith.constant 640 : i32
    %mul3A_4 = arith.muli %arg1, %mul3A_3 : i32
    "tpu.region"() ({
      %run_scoped3A_106 = tpu.sem_alloc : memref<!tpu.dma_semaphore, #tpu.memory_space<semaphore_mem>>
      %dma_start3A = arith.constant 0 : i32
      %dma_start3A_107 = tpu.memref_slice %arg8[%mul3A_4, %dma_start3A] : memref<10240x16xf32, #tpu.memory_space<vmem_shared>> -> memref<640x16xf32, #tpu.memory_space<vmem_shared>>
      %dma_start3A_108 = arith.constant 0 : i32
      %dma_start3A_109 = tpu.memref_slice %arg4[%mul3A_2, %dma_start3A_108] : memref<10240x16xf32, #tpu.memory_space<hbm>> -> memref<640x16xf32, #tpu.memory_space<hbm>>
      tpu.enqueue_dma source(%dma_start3A_109 : memref<640x16xf32, #tpu.memory_space<hbm>>) target(%dma_start3A_107 : memref<640x16xf32, #tpu.memory_space<vmem_shared>>) target_semaphore(%run_scoped3A_106 : memref<!tpu.dma_semaphore, #tpu.memory_space<semaphore_mem>>)
      %dma_wait3A = arith.constant 0 : i32
      %dma_wait3A_110 = tpu.memref_slice %arg8[%mul3A_4, %dma_wait3A] : memref<10240x16xf32, #tpu.memory_space<vmem_shared>> -> memref<640x16xf32, #tpu.memory_space<vmem_shared>>
      %dma_wait3A_111 = arith.constant 0 : i32
      %dma_wait3A_112 = tpu.memref_slice %arg4[%mul3A_2, %dma_wait3A_111] : memref<10240x16xf32, #tpu.memory_space<hbm>> -> memref<640x16xf32, #tpu.memory_space<hbm>>
      tpu.wait_dma2 semaphore(%run_scoped3A_106 : memref<!tpu.dma_semaphore, #tpu.memory_space<semaphore_mem>>) src(%dma_wait3A_112 : memref<640x16xf32, #tpu.memory_space<hbm>>) dst(%dma_wait3A_110 : memref<640x16xf32, #tpu.memory_space<vmem_shared>>)
      tpu.yield
    }) : () -> ()
    %barrier3A = arith.constant 0 : index
    tpu.barrier barrier_id(%barrier3A)
    %scan3A = arith.constant 0 : i32
    %scan3A_5 = arith.constant 0 : i32
    %scan3A_6 = arith.constant 40 : i32
    %scan3A_7 = arith.addi %scan3A_5, %scan3A_6 : i32
    %scan3A_8 = arith.constant 1 : i32
    scf.for %scan3A_106 = %scan3A_5 to %scan3A_7 step %scan3A_8  : i32 {
      %run_scoped3A_107 = arith.constant 0 : i32
      "tpu.region"() ({
        %run_scoped3A_108 = tpu.sem_alloc : memref<!tpu.dma_semaphore, #tpu.memory_space<semaphore_mem>>
        %dma_start3A = arith.constant 0 : i32
        %dma_start3A_109 = tpu.memref_slice %arg6[%run_scoped3A_107, %scan3A_106, %dma_start3A] : memref<6x40x128xi32, #tpu.memory_space<vmem>> -> memref<1x1x128xi32, #tpu.memory_space<vmem>>
        %dma_start3A_110 = tpu.memref_squeeze %dma_start3A_109 : memref<1x1x128xi32, #tpu.memory_space<vmem>> -> memref<128xi32, #tpu.memory_space<vmem>>
        %dma_start3A_111 = arith.constant 0 : i32
        %dma_start3A_112 = arith.constant 0 : i32
        %dma_start3A_113 = tpu.memref_slice %arg8[%dma_start3A_111, %dma_start3A_112] : memref<10240x16xf32, #tpu.memory_space<vmem_shared>> -> memref<10240x16xf32, #tpu.memory_space<vmem_shared>>
        tpu.enqueue_indirect_dma source(%arg7 : memref<128x16xf32, #tpu.memory_space<vmem>>) target(%dma_start3A_113 : memref<10240x16xf32, #tpu.memory_space<vmem_shared>>) offsets(%dma_start3A_110 : memref<128xi32, #tpu.memory_space<vmem>>) semaphore(%run_scoped3A_108 : memref<!tpu.dma_semaphore, #tpu.memory_space<semaphore_mem>>) {add = true}
        %dma_wait3A = arith.constant 0 : i32
        %dma_wait3A_114 = tpu.memref_slice %arg6[%run_scoped3A_107, %scan3A_106, %dma_wait3A] : memref<6x40x128xi32, #tpu.memory_space<vmem>> -> memref<1x1x128xi32, #tpu.memory_space<vmem>>
        %dma_wait3A_115 = tpu.memref_squeeze %dma_wait3A_114 : memref<1x1x128xi32, #tpu.memory_space<vmem>> -> memref<128xi32, #tpu.memory_space<vmem>>
        %dma_wait3A_116 = arith.constant 0 : i32
        %dma_wait3A_117 = arith.constant 0 : i32
        %dma_wait3A_118 = tpu.memref_slice %arg8[%dma_wait3A_116, %dma_wait3A_117] : memref<10240x16xf32, #tpu.memory_space<vmem_shared>> -> memref<10240x16xf32, #tpu.memory_space<vmem_shared>>
        tpu.wait_indirect_dma semaphore(%run_scoped3A_108 : memref<!tpu.dma_semaphore, #tpu.memory_space<semaphore_mem>>) src(%arg7 : memref<128x16xf32, #tpu.memory_space<vmem>>) dst(%dma_wait3A_118 : memref<10240x16xf32, #tpu.memory_space<vmem_shared>>)
        tpu.yield
      }) : () -> ()
    }
    %scan3A_9 = arith.constant 40 : i32
    %barrier3A_10 = arith.constant 0 : index
    tpu.barrier barrier_id(%barrier3A_10)
    %mul3A_11 = arith.constant 640 : i32
    %mul3A_12 = arith.muli %arg1, %mul3A_11 : i32
    %mul3A_13 = arith.constant 640 : i32
    %mul3A_14 = arith.muli %arg1, %mul3A_13 : i32
    %run_scoped3A = arith.constant 0 : i32
    "tpu.region"() ({
      %run_scoped3A_106 = tpu.sem_alloc : memref<!tpu.dma_semaphore, #tpu.memory_space<semaphore_mem>>
      %dma_start3A = arith.constant 0 : i32
      %dma_start3A_107 = tpu.memref_slice %arg5[%run_scoped3A, %arg0, %mul3A_14, %dma_start3A] : memref<6x2x10240x16xf32, #tpu.memory_space<hbm>> -> memref<1x1x640x16xf32, #tpu.memory_space<hbm>>
      %dma_start3A_108 = tpu.memref_squeeze %dma_start3A_107 : memref<1x1x640x16xf32, #tpu.memory_space<hbm>> -> memref<640x16xf32, #tpu.memory_space<hbm>>
      %dma_start3A_109 = arith.constant 0 : i32
      %dma_start3A_110 = tpu.memref_slice %arg8[%mul3A_12, %dma_start3A_109] : memref<10240x16xf32, #tpu.memory_space<vmem_shared>> -> memref<640x16xf32, #tpu.memory_space<vmem_shared>>
      tpu.enqueue_dma source(%dma_start3A_110 : memref<640x16xf32, #tpu.memory_space<vmem_shared>>) target(%dma_start3A_108 : memref<640x16xf32, #tpu.memory_space<hbm>>) target_semaphore(%run_scoped3A_106 : memref<!tpu.dma_semaphore, #tpu.memory_space<semaphore_mem>>)
      %dma_wait3A = arith.constant 0 : i32
      %dma_wait3A_111 = tpu.memref_slice %arg5[%run_scoped3A, %arg0, %mul3A_14, %dma_wait3A] : memref<6x2x10240x16xf32, #tpu.memory_space<hbm>> -> memref<1x1x640x16xf32, #tpu.memory_space<hbm>>
      %dma_wait3A_112 = tpu.memref_squeeze %dma_wait3A_111 : memref<1x1x640x16xf32, #tpu.memory_space<hbm>> -> memref<640x16xf32, #tpu.memory_space<hbm>>
      %dma_wait3A_113 = arith.constant 0 : i32
      %dma_wait3A_114 = tpu.memref_slice %arg8[%mul3A_12, %dma_wait3A_113] : memref<10240x16xf32, #tpu.memory_space<vmem_shared>> -> memref<640x16xf32, #tpu.memory_space<vmem_shared>>
      tpu.wait_dma2 semaphore(%run_scoped3A_106 : memref<!tpu.dma_semaphore, #tpu.memory_space<semaphore_mem>>) src(%dma_wait3A_114 : memref<640x16xf32, #tpu.memory_space<vmem_shared>>) dst(%dma_wait3A_112 : memref<640x16xf32, #tpu.memory_space<hbm>>)
      tpu.yield
    }) : () -> ()
    %barrier3A_15 = arith.constant 0 : index
    tpu.barrier barrier_id(%barrier3A_15)
    %mul3A_16 = arith.constant 640 : i32
    %mul3A_17 = arith.muli %arg1, %mul3A_16 : i32
    %mul3A_18 = arith.constant 640 : i32
    %mul3A_19 = arith.muli %arg1, %mul3A_18 : i32
    "tpu.region"() ({
      %run_scoped3A_106 = tpu.sem_alloc : memref<!tpu.dma_semaphore, #tpu.memory_space<semaphore_mem>>
      %dma_start3A = arith.constant 0 : i32
      %dma_start3A_107 = tpu.memref_slice %arg8[%mul3A_19, %dma_start3A] : memref<10240x16xf32, #tpu.memory_space<vmem_shared>> -> memref<640x16xf32, #tpu.memory_space<vmem_shared>>
      %dma_start3A_108 = arith.constant 0 : i32
      %dma_start3A_109 = tpu.memref_slice %arg4[%mul3A_17, %dma_start3A_108] : memref<10240x16xf32, #tpu.memory_space<hbm>> -> memref<640x16xf32, #tpu.memory_space<hbm>>
      tpu.enqueue_dma source(%dma_start3A_109 : memref<640x16xf32, #tpu.memory_space<hbm>>) target(%dma_start3A_107 : memref<640x16xf32, #tpu.memory_space<vmem_shared>>) target_semaphore(%run_scoped3A_106 : memref<!tpu.dma_semaphore, #tpu.memory_space<semaphore_mem>>)
      %dma_wait3A = arith.constant 0 : i32
      %dma_wait3A_110 = tpu.memref_slice %arg8[%mul3A_19, %dma_wait3A] : memref<10240x16xf32, #tpu.memory_space<vmem_shared>> -> memref<640x16xf32, #tpu.memory_space<vmem_shared>>
      %dma_wait3A_111 = arith.constant 0 : i32
      %dma_wait3A_112 = tpu.memref_slice %arg4[%mul3A_17, %dma_wait3A_111] : memref<10240x16xf32, #tpu.memory_space<hbm>> -> memref<640x16xf32, #tpu.memory_space<hbm>>
      tpu.wait_dma2 semaphore(%run_scoped3A_106 : memref<!tpu.dma_semaphore, #tpu.memory_space<semaphore_mem>>) src(%dma_wait3A_112 : memref<640x16xf32, #tpu.memory_space<hbm>>) dst(%dma_wait3A_110 : memref<640x16xf32, #tpu.memory_space<vmem_shared>>)
      tpu.yield
    }) : () -> ()
    %barrier3A_20 = arith.constant 0 : index
    tpu.barrier barrier_id(%barrier3A_20)
    %scan3A_21 = arith.constant 0 : i32
    %scan3A_22 = arith.constant 0 : i32
    %scan3A_23 = arith.constant 40 : i32
    %scan3A_24 = arith.addi %scan3A_22, %scan3A_23 : i32
    %scan3A_25 = arith.constant 1 : i32
    scf.for %scan3A_106 = %scan3A_22 to %scan3A_24 step %scan3A_25  : i32 {
      %run_scoped3A_107 = arith.constant 1 : i32
      "tpu.region"() ({
        %run_scoped3A_108 = tpu.sem_alloc : memref<!tpu.dma_semaphore, #tpu.memory_space<semaphore_mem>>
        %dma_start3A = arith.constant 0 : i32
        %dma_start3A_109 = tpu.memref_slice %arg6[%run_scoped3A_107, %scan3A_106, %dma_start3A] : memref<6x40x128xi32, #tpu.memory_space<vmem>> -> memref<1x1x128xi32, #tpu.memory_space<vmem>>
        %dma_start3A_110 = tpu.memref_squeeze %dma_start3A_109 : memref<1x1x128xi32, #tpu.memory_space<vmem>> -> memref<128xi32, #tpu.memory_space<vmem>>
        %dma_start3A_111 = arith.constant 0 : i32
        %dma_start3A_112 = arith.constant 0 : i32
        %dma_start3A_113 = tpu.memref_slice %arg8[%dma_start3A_111, %dma_start3A_112] : memref<10240x16xf32, #tpu.memory_space<vmem_shared>> -> memref<10240x16xf32, #tpu.memory_space<vmem_shared>>
        tpu.enqueue_indirect_dma source(%arg7 : memref<128x16xf32, #tpu.memory_space<vmem>>) target(%dma_start3A_113 : memref<10240x16xf32, #tpu.memory_space<vmem_shared>>) offsets(%dma_start3A_110 : memref<128xi32, #tpu.memory_space<vmem>>) semaphore(%run_scoped3A_108 : memref<!tpu.dma_semaphore, #tpu.memory_space<semaphore_mem>>) {add = true}
        %dma_wait3A = arith.constant 0 : i32
        %dma_wait3A_114 = tpu.memref_slice %arg6[%run_scoped3A_107, %scan3A_106, %dma_wait3A] : memref<6x40x128xi32, #tpu.memory_space<vmem>> -> memref<1x1x128xi32, #tpu.memory_space<vmem>>
        %dma_wait3A_115 = tpu.memref_squeeze %dma_wait3A_114 : memref<1x1x128xi32, #tpu.memory_space<vmem>> -> memref<128xi32, #tpu.memory_space<vmem>>
        %dma_wait3A_116 = arith.constant 0 : i32
        %dma_wait3A_117 = arith.constant 0 : i32
        %dma_wait3A_118 = tpu.memref_slice %arg8[%dma_wait3A_116, %dma_wait3A_117] : memref<10240x16xf32, #tpu.memory_space<vmem_shared>> -> memref<10240x16xf32, #tpu.memory_space<vmem_shared>>
        tpu.wait_indirect_dma semaphore(%run_scoped3A_108 : memref<!tpu.dma_semaphore, #tpu.memory_space<semaphore_mem>>) src(%arg7 : memref<128x16xf32, #tpu.memory_space<vmem>>) dst(%dma_wait3A_118 : memref<10240x16xf32, #tpu.memory_space<vmem_shared>>)
        tpu.yield
      }) : () -> ()
    }
    %scan3A_26 = arith.constant 40 : i32
    %barrier3A_27 = arith.constant 0 : index
    tpu.barrier barrier_id(%barrier3A_27)
    %mul3A_28 = arith.constant 640 : i32
    %mul3A_29 = arith.muli %arg1, %mul3A_28 : i32
    %mul3A_30 = arith.constant 640 : i32
    %mul3A_31 = arith.muli %arg1, %mul3A_30 : i32
    %run_scoped3A_32 = arith.constant 1 : i32
    "tpu.region"() ({
      %run_scoped3A_106 = tpu.sem_alloc : memref<!tpu.dma_semaphore, #tpu.memory_space<semaphore_mem>>
      %dma_start3A = arith.constant 0 : i32
      %dma_start3A_107 = tpu.memref_slice %arg5[%run_scoped3A_32, %arg0, %mul3A_31, %dma_start3A] : memref<6x2x10240x16xf32, #tpu.memory_space<hbm>> -> memref<1x1x640x16xf32, #tpu.memory_space<hbm>>
      %dma_start3A_108 = tpu.memref_squeeze %dma_start3A_107 : memref<1x1x640x16xf32, #tpu.memory_space<hbm>> -> memref<640x16xf32, #tpu.memory_space<hbm>>
      %dma_start3A_109 = arith.constant 0 : i32
      %dma_start3A_110 = tpu.memref_slice %arg8[%mul3A_29, %dma_start3A_109] : memref<10240x16xf32, #tpu.memory_space<vmem_shared>> -> memref<640x16xf32, #tpu.memory_space<vmem_shared>>
      tpu.enqueue_dma source(%dma_start3A_110 : memref<640x16xf32, #tpu.memory_space<vmem_shared>>) target(%dma_start3A_108 : memref<640x16xf32, #tpu.memory_space<hbm>>) target_semaphore(%run_scoped3A_106 : memref<!tpu.dma_semaphore, #tpu.memory_space<semaphore_mem>>)
      %dma_wait3A = arith.constant 0 : i32
      %dma_wait3A_111 = tpu.memref_slice %arg5[%run_scoped3A_32, %arg0, %mul3A_31, %dma_wait3A] : memref<6x2x10240x16xf32, #tpu.memory_space<hbm>> -> memref<1x1x640x16xf32, #tpu.memory_space<hbm>>
      %dma_wait3A_112 = tpu.memref_squeeze %dma_wait3A_111 : memref<1x1x640x16xf32, #tpu.memory_space<hbm>> -> memref<640x16xf32, #tpu.memory_space<hbm>>
      %dma_wait3A_113 = arith.constant 0 : i32
      %dma_wait3A_114 = tpu.memref_slice %arg8[%mul3A_29, %dma_wait3A_113] : memref<10240x16xf32, #tpu.memory_space<vmem_shared>> -> memref<640x16xf32, #tpu.memory_space<vmem_shared>>
      tpu.wait_dma2 semaphore(%run_scoped3A_106 : memref<!tpu.dma_semaphore, #tpu.memory_space<semaphore_mem>>) src(%dma_wait3A_114 : memref<640x16xf32, #tpu.memory_space<vmem_shared>>) dst(%dma_wait3A_112 : memref<640x16xf32, #tpu.memory_space<hbm>>)
      tpu.yield
    }) : () -> ()
    %barrier3A_33 = arith.constant 0 : index
    tpu.barrier barrier_id(%barrier3A_33)
    %mul3A_34 = arith.constant 640 : i32
    %mul3A_35 = arith.muli %arg1, %mul3A_34 : i32
    %mul3A_36 = arith.constant 640 : i32
    %mul3A_37 = arith.muli %arg1, %mul3A_36 : i32
    "tpu.region"() ({
      %run_scoped3A_106 = tpu.sem_alloc : memref<!tpu.dma_semaphore, #tpu.memory_space<semaphore_mem>>
      %dma_start3A = arith.constant 0 : i32
      %dma_start3A_107 = tpu.memref_slice %arg8[%mul3A_37, %dma_start3A] : memref<10240x16xf32, #tpu.memory_space<vmem_shared>> -> memref<640x16xf32, #tpu.memory_space<vmem_shared>>
      %dma_start3A_108 = arith.constant 0 : i32
      %dma_start3A_109 = tpu.memref_slice %arg4[%mul3A_35, %dma_start3A_108] : memref<10240x16xf32, #tpu.memory_space<hbm>> -> memref<640x16xf32, #tpu.memory_space<hbm>>
      tpu.enqueue_dma source(%dma_start3A_109 : memref<640x16xf32, #tpu.memory_space<hbm>>) target(%dma_start3A_107 : memref<640x16xf32, #tpu.memory_space<vmem_shared>>) target_semaphore(%run_scoped3A_106 : memref<!tpu.dma_semaphore, #tpu.memory_space<semaphore_mem>>)
      %dma_wait3A = arith.constant 0 : i32
      %dma_wait3A_110 = tpu.memref_slice %arg8[%mul3A_37, %dma_wait3A] : memref<10240x16xf32, #tpu.memory_space<vmem_shared>> -> memref<640x16xf32, #tpu.memory_space<vmem_shared>>
      %dma_wait3A_111 = arith.constant 0 : i32
      %dma_wait3A_112 = tpu.memref_slice %arg4[%mul3A_35, %dma_wait3A_111] : memref<10240x16xf32, #tpu.memory_space<hbm>> -> memref<640x16xf32, #tpu.memory_space<hbm>>
      tpu.wait_dma2 semaphore(%run_scoped3A_106 : memref<!tpu.dma_semaphore, #tpu.memory_space<semaphore_mem>>) src(%dma_wait3A_112 : memref<640x16xf32, #tpu.memory_space<hbm>>) dst(%dma_wait3A_110 : memref<640x16xf32, #tpu.memory_space<vmem_shared>>)
      tpu.yield
    }) : () -> ()
    %barrier3A_38 = arith.constant 0 : index
    tpu.barrier barrier_id(%barrier3A_38)
    %scan3A_39 = arith.constant 0 : i32
    %scan3A_40 = arith.constant 0 : i32
    %scan3A_41 = arith.constant 40 : i32
    %scan3A_42 = arith.addi %scan3A_40, %scan3A_41 : i32
    %scan3A_43 = arith.constant 1 : i32
    scf.for %scan3A_106 = %scan3A_40 to %scan3A_42 step %scan3A_43  : i32 {
      %run_scoped3A_107 = arith.constant 2 : i32
      "tpu.region"() ({
        %run_scoped3A_108 = tpu.sem_alloc : memref<!tpu.dma_semaphore, #tpu.memory_space<semaphore_mem>>
        %dma_start3A = arith.constant 0 : i32
        %dma_start3A_109 = tpu.memref_slice %arg6[%run_scoped3A_107, %scan3A_106, %dma_start3A] : memref<6x40x128xi32, #tpu.memory_space<vmem>> -> memref<1x1x128xi32, #tpu.memory_space<vmem>>
        %dma_start3A_110 = tpu.memref_squeeze %dma_start3A_109 : memref<1x1x128xi32, #tpu.memory_space<vmem>> -> memref<128xi32, #tpu.memory_space<vmem>>
        %dma_start3A_111 = arith.constant 0 : i32
        %dma_start3A_112 = arith.constant 0 : i32
        %dma_start3A_113 = tpu.memref_slice %arg8[%dma_start3A_111, %dma_start3A_112] : memref<10240x16xf32, #tpu.memory_space<vmem_shared>> -> memref<10240x16xf32, #tpu.memory_space<vmem_shared>>
        tpu.enqueue_indirect_dma source(%arg7 : memref<128x16xf32, #tpu.memory_space<vmem>>) target(%dma_start3A_113 : memref<10240x16xf32, #tpu.memory_space<vmem_shared>>) offsets(%dma_start3A_110 : memref<128xi32, #tpu.memory_space<vmem>>) semaphore(%run_scoped3A_108 : memref<!tpu.dma_semaphore, #tpu.memory_space<semaphore_mem>>) {add = true}
        %dma_wait3A = arith.constant 0 : i32
        %dma_wait3A_114 = tpu.memref_slice %arg6[%run_scoped3A_107, %scan3A_106, %dma_wait3A] : memref<6x40x128xi32, #tpu.memory_space<vmem>> -> memref<1x1x128xi32, #tpu.memory_space<vmem>>
        %dma_wait3A_115 = tpu.memref_squeeze %dma_wait3A_114 : memref<1x1x128xi32, #tpu.memory_space<vmem>> -> memref<128xi32, #tpu.memory_space<vmem>>
        %dma_wait3A_116 = arith.constant 0 : i32
        %dma_wait3A_117 = arith.constant 0 : i32
        %dma_wait3A_118 = tpu.memref_slice %arg8[%dma_wait3A_116, %dma_wait3A_117] : memref<10240x16xf32, #tpu.memory_space<vmem_shared>> -> memref<10240x16xf32, #tpu.memory_space<vmem_shared>>
        tpu.wait_indirect_dma semaphore(%run_scoped3A_108 : memref<!tpu.dma_semaphore, #tpu.memory_space<semaphore_mem>>) src(%arg7 : memref<128x16xf32, #tpu.memory_space<vmem>>) dst(%dma_wait3A_118 : memref<10240x16xf32, #tpu.memory_space<vmem_shared>>)
        tpu.yield
      }) : () -> ()
    }
    %scan3A_44 = arith.constant 40 : i32
    %barrier3A_45 = arith.constant 0 : index
    tpu.barrier barrier_id(%barrier3A_45)
    %mul3A_46 = arith.constant 640 : i32
    %mul3A_47 = arith.muli %arg1, %mul3A_46 : i32
    %mul3A_48 = arith.constant 640 : i32
    %mul3A_49 = arith.muli %arg1, %mul3A_48 : i32
    %run_scoped3A_50 = arith.constant 2 : i32
    "tpu.region"() ({
      %run_scoped3A_106 = tpu.sem_alloc : memref<!tpu.dma_semaphore, #tpu.memory_space<semaphore_mem>>
      %dma_start3A = arith.constant 0 : i32
      %dma_start3A_107 = tpu.memref_slice %arg5[%run_scoped3A_50, %arg0, %mul3A_49, %dma_start3A] : memref<6x2x10240x16xf32, #tpu.memory_space<hbm>> -> memref<1x1x640x16xf32, #tpu.memory_space<hbm>>
      %dma_start3A_108 = tpu.memref_squeeze %dma_start3A_107 : memref<1x1x640x16xf32, #tpu.memory_space<hbm>> -> memref<640x16xf32, #tpu.memory_space<hbm>>
      %dma_start3A_109 = arith.constant 0 : i32
      %dma_start3A_110 = tpu.memref_slice %arg8[%mul3A_47, %dma_start3A_109] : memref<10240x16xf32, #tpu.memory_space<vmem_shared>> -> memref<640x16xf32, #tpu.memory_space<vmem_shared>>
      tpu.enqueue_dma source(%dma_start3A_110 : memref<640x16xf32, #tpu.memory_space<vmem_shared>>) target(%dma_start3A_108 : memref<640x16xf32, #tpu.memory_space<hbm>>) target_semaphore(%run_scoped3A_106 : memref<!tpu.dma_semaphore, #tpu.memory_space<semaphore_mem>>)
      %dma_wait3A = arith.constant 0 : i32
      %dma_wait3A_111 = tpu.memref_slice %arg5[%run_scoped3A_50, %arg0, %mul3A_49, %dma_wait3A] : memref<6x2x10240x16xf32, #tpu.memory_space<hbm>> -> memref<1x1x640x16xf32, #tpu.memory_space<hbm>>
      %dma_wait3A_112 = tpu.memref_squeeze %dma_wait3A_111 : memref<1x1x640x16xf32, #tpu.memory_space<hbm>> -> memref<640x16xf32, #tpu.memory_space<hbm>>
      %dma_wait3A_113 = arith.constant 0 : i32
      %dma_wait3A_114 = tpu.memref_slice %arg8[%mul3A_47, %dma_wait3A_113] : memref<10240x16xf32, #tpu.memory_space<vmem_shared>> -> memref<640x16xf32, #tpu.memory_space<vmem_shared>>
      tpu.wait_dma2 semaphore(%run_scoped3A_106 : memref<!tpu.dma_semaphore, #tpu.memory_space<semaphore_mem>>) src(%dma_wait3A_114 : memref<640x16xf32, #tpu.memory_space<vmem_shared>>) dst(%dma_wait3A_112 : memref<640x16xf32, #tpu.memory_space<hbm>>)
      tpu.yield
    }) : () -> ()
    %barrier3A_51 = arith.constant 0 : index
    tpu.barrier barrier_id(%barrier3A_51)
    %mul3A_52 = arith.constant 640 : i32
    %mul3A_53 = arith.muli %arg1, %mul3A_52 : i32
    %mul3A_54 = arith.constant 640 : i32
    %mul3A_55 = arith.muli %arg1, %mul3A_54 : i32
    "tpu.region"() ({
      %run_scoped3A_106 = tpu.sem_alloc : memref<!tpu.dma_semaphore, #tpu.memory_space<semaphore_mem>>
      %dma_start3A = arith.constant 0 : i32
      %dma_start3A_107 = tpu.memref_slice %arg8[%mul3A_55, %dma_start3A] : memref<10240x16xf32, #tpu.memory_space<vmem_shared>> -> memref<640x16xf32, #tpu.memory_space<vmem_shared>>
      %dma_start3A_108 = arith.constant 0 : i32
      %dma_start3A_109 = tpu.memref_slice %arg4[%mul3A_53, %dma_start3A_108] : memref<10240x16xf32, #tpu.memory_space<hbm>> -> memref<640x16xf32, #tpu.memory_space<hbm>>
      tpu.enqueue_dma source(%dma_start3A_109 : memref<640x16xf32, #tpu.memory_space<hbm>>) target(%dma_start3A_107 : memref<640x16xf32, #tpu.memory_space<vmem_shared>>) target_semaphore(%run_scoped3A_106 : memref<!tpu.dma_semaphore, #tpu.memory_space<semaphore_mem>>)
      %dma_wait3A = arith.constant 0 : i32
      %dma_wait3A_110 = tpu.memref_slice %arg8[%mul3A_55, %dma_wait3A] : memref<10240x16xf32, #tpu.memory_space<vmem_shared>> -> memref<640x16xf32, #tpu.memory_space<vmem_shared>>
      %dma_wait3A_111 = arith.constant 0 : i32
      %dma_wait3A_112 = tpu.memref_slice %arg4[%mul3A_53, %dma_wait3A_111] : memref<10240x16xf32, #tpu.memory_space<hbm>> -> memref<640x16xf32, #tpu.memory_space<hbm>>
      tpu.wait_dma2 semaphore(%run_scoped3A_106 : memref<!tpu.dma_semaphore, #tpu.memory_space<semaphore_mem>>) src(%dma_wait3A_112 : memref<640x16xf32, #tpu.memory_space<hbm>>) dst(%dma_wait3A_110 : memref<640x16xf32, #tpu.memory_space<vmem_shared>>)
      tpu.yield
    }) : () -> ()
    %barrier3A_56 = arith.constant 0 : index
    tpu.barrier barrier_id(%barrier3A_56)
    %scan3A_57 = arith.constant 0 : i32
    %scan3A_58 = arith.constant 0 : i32
    %scan3A_59 = arith.constant 40 : i32
    %scan3A_60 = arith.addi %scan3A_58, %scan3A_59 : i32
    %scan3A_61 = arith.constant 1 : i32
    scf.for %scan3A_106 = %scan3A_58 to %scan3A_60 step %scan3A_61  : i32 {
      %run_scoped3A_107 = arith.constant 3 : i32
      "tpu.region"() ({
        %run_scoped3A_108 = tpu.sem_alloc : memref<!tpu.dma_semaphore, #tpu.memory_space<semaphore_mem>>
        %dma_start3A = arith.constant 0 : i32
        %dma_start3A_109 = tpu.memref_slice %arg6[%run_scoped3A_107, %scan3A_106, %dma_start3A] : memref<6x40x128xi32, #tpu.memory_space<vmem>> -> memref<1x1x128xi32, #tpu.memory_space<vmem>>
        %dma_start3A_110 = tpu.memref_squeeze %dma_start3A_109 : memref<1x1x128xi32, #tpu.memory_space<vmem>> -> memref<128xi32, #tpu.memory_space<vmem>>
        %dma_start3A_111 = arith.constant 0 : i32
        %dma_start3A_112 = arith.constant 0 : i32
        %dma_start3A_113 = tpu.memref_slice %arg8[%dma_start3A_111, %dma_start3A_112] : memref<10240x16xf32, #tpu.memory_space<vmem_shared>> -> memref<10240x16xf32, #tpu.memory_space<vmem_shared>>
        tpu.enqueue_indirect_dma source(%arg7 : memref<128x16xf32, #tpu.memory_space<vmem>>) target(%dma_start3A_113 : memref<10240x16xf32, #tpu.memory_space<vmem_shared>>) offsets(%dma_start3A_110 : memref<128xi32, #tpu.memory_space<vmem>>) semaphore(%run_scoped3A_108 : memref<!tpu.dma_semaphore, #tpu.memory_space<semaphore_mem>>) {add = true}
        %dma_wait3A = arith.constant 0 : i32
        %dma_wait3A_114 = tpu.memref_slice %arg6[%run_scoped3A_107, %scan3A_106, %dma_wait3A] : memref<6x40x128xi32, #tpu.memory_space<vmem>> -> memref<1x1x128xi32, #tpu.memory_space<vmem>>
        %dma_wait3A_115 = tpu.memref_squeeze %dma_wait3A_114 : memref<1x1x128xi32, #tpu.memory_space<vmem>> -> memref<128xi32, #tpu.memory_space<vmem>>
        %dma_wait3A_116 = arith.constant 0 : i32
        %dma_wait3A_117 = arith.constant 0 : i32
        %dma_wait3A_118 = tpu.memref_slice %arg8[%dma_wait3A_116, %dma_wait3A_117] : memref<10240x16xf32, #tpu.memory_space<vmem_shared>> -> memref<10240x16xf32, #tpu.memory_space<vmem_shared>>
        tpu.wait_indirect_dma semaphore(%run_scoped3A_108 : memref<!tpu.dma_semaphore, #tpu.memory_space<semaphore_mem>>) src(%arg7 : memref<128x16xf32, #tpu.memory_space<vmem>>) dst(%dma_wait3A_118 : memref<10240x16xf32, #tpu.memory_space<vmem_shared>>)
        tpu.yield
      }) : () -> ()
    }
    %scan3A_62 = arith.constant 40 : i32
    %barrier3A_63 = arith.constant 0 : index
    tpu.barrier barrier_id(%barrier3A_63)
    %mul3A_64 = arith.constant 640 : i32
    %mul3A_65 = arith.muli %arg1, %mul3A_64 : i32
    %mul3A_66 = arith.constant 640 : i32
    %mul3A_67 = arith.muli %arg1, %mul3A_66 : i32
    %run_scoped3A_68 = arith.constant 3 : i32
    "tpu.region"() ({
      %run_scoped3A_106 = tpu.sem_alloc : memref<!tpu.dma_semaphore, #tpu.memory_space<semaphore_mem>>
      %dma_start3A = arith.constant 0 : i32
      %dma_start3A_107 = tpu.memref_slice %arg5[%run_scoped3A_68, %arg0, %mul3A_67, %dma_start3A] : memref<6x2x10240x16xf32, #tpu.memory_space<hbm>> -> memref<1x1x640x16xf32, #tpu.memory_space<hbm>>
      %dma_start3A_108 = tpu.memref_squeeze %dma_start3A_107 : memref<1x1x640x16xf32, #tpu.memory_space<hbm>> -> memref<640x16xf32, #tpu.memory_space<hbm>>
      %dma_start3A_109 = arith.constant 0 : i32
      %dma_start3A_110 = tpu.memref_slice %arg8[%mul3A_65, %dma_start3A_109] : memref<10240x16xf32, #tpu.memory_space<vmem_shared>> -> memref<640x16xf32, #tpu.memory_space<vmem_shared>>
      tpu.enqueue_dma source(%dma_start3A_110 : memref<640x16xf32, #tpu.memory_space<vmem_shared>>) target(%dma_start3A_108 : memref<640x16xf32, #tpu.memory_space<hbm>>) target_semaphore(%run_scoped3A_106 : memref<!tpu.dma_semaphore, #tpu.memory_space<semaphore_mem>>)
      %dma_wait3A = arith.constant 0 : i32
      %dma_wait3A_111 = tpu.memref_slice %arg5[%run_scoped3A_68, %arg0, %mul3A_67, %dma_wait3A] : memref<6x2x10240x16xf32, #tpu.memory_space<hbm>> -> memref<1x1x640x16xf32, #tpu.memory_space<hbm>>
      %dma_wait3A_112 = tpu.memref_squeeze %dma_wait3A_111 : memref<1x1x640x16xf32, #tpu.memory_space<hbm>> -> memref<640x16xf32, #tpu.memory_space<hbm>>
      %dma_wait3A_113 = arith.constant 0 : i32
      %dma_wait3A_114 = tpu.memref_slice %arg8[%mul3A_65, %dma_wait3A_113] : memref<10240x16xf32, #tpu.memory_space<vmem_shared>> -> memref<640x16xf32, #tpu.memory_space<vmem_shared>>
      tpu.wait_dma2 semaphore(%run_scoped3A_106 : memref<!tpu.dma_semaphore, #tpu.memory_space<semaphore_mem>>) src(%dma_wait3A_114 : memref<640x16xf32, #tpu.memory_space<vmem_shared>>) dst(%dma_wait3A_112 : memref<640x16xf32, #tpu.memory_space<hbm>>)
      tpu.yield
    }) : () -> ()
    %barrier3A_69 = arith.constant 0 : index
    tpu.barrier barrier_id(%barrier3A_69)
    %mul3A_70 = arith.constant 640 : i32
    %mul3A_71 = arith.muli %arg1, %mul3A_70 : i32
    %mul3A_72 = arith.constant 640 : i32
    %mul3A_73 = arith.muli %arg1, %mul3A_72 : i32
    "tpu.region"() ({
      %run_scoped3A_106 = tpu.sem_alloc : memref<!tpu.dma_semaphore, #tpu.memory_space<semaphore_mem>>
      %dma_start3A = arith.constant 0 : i32
      %dma_start3A_107 = tpu.memref_slice %arg8[%mul3A_73, %dma_start3A] : memref<10240x16xf32, #tpu.memory_space<vmem_shared>> -> memref<640x16xf32, #tpu.memory_space<vmem_shared>>
      %dma_start3A_108 = arith.constant 0 : i32
      %dma_start3A_109 = tpu.memref_slice %arg4[%mul3A_71, %dma_start3A_108] : memref<10240x16xf32, #tpu.memory_space<hbm>> -> memref<640x16xf32, #tpu.memory_space<hbm>>
      tpu.enqueue_dma source(%dma_start3A_109 : memref<640x16xf32, #tpu.memory_space<hbm>>) target(%dma_start3A_107 : memref<640x16xf32, #tpu.memory_space<vmem_shared>>) target_semaphore(%run_scoped3A_106 : memref<!tpu.dma_semaphore, #tpu.memory_space<semaphore_mem>>)
      %dma_wait3A = arith.constant 0 : i32
      %dma_wait3A_110 = tpu.memref_slice %arg8[%mul3A_73, %dma_wait3A] : memref<10240x16xf32, #tpu.memory_space<vmem_shared>> -> memref<640x16xf32, #tpu.memory_space<vmem_shared>>
      %dma_wait3A_111 = arith.constant 0 : i32
      %dma_wait3A_112 = tpu.memref_slice %arg4[%mul3A_71, %dma_wait3A_111] : memref<10240x16xf32, #tpu.memory_space<hbm>> -> memref<640x16xf32, #tpu.memory_space<hbm>>
      tpu.wait_dma2 semaphore(%run_scoped3A_106 : memref<!tpu.dma_semaphore, #tpu.memory_space<semaphore_mem>>) src(%dma_wait3A_112 : memref<640x16xf32, #tpu.memory_space<hbm>>) dst(%dma_wait3A_110 : memref<640x16xf32, #tpu.memory_space<vmem_shared>>)
      tpu.yield
    }) : () -> ()
    %barrier3A_74 = arith.constant 0 : index
    tpu.barrier barrier_id(%barrier3A_74)
    %scan3A_75 = arith.constant 0 : i32
    %scan3A_76 = arith.constant 0 : i32
    %scan3A_77 = arith.constant 40 : i32
    %scan3A_78 = arith.addi %scan3A_76, %scan3A_77 : i32
    %scan3A_79 = arith.constant 1 : i32
    scf.for %scan3A_106 = %scan3A_76 to %scan3A_78 step %scan3A_79  : i32 {
      %run_scoped3A_107 = arith.constant 4 : i32
      "tpu.region"() ({
        %run_scoped3A_108 = tpu.sem_alloc : memref<!tpu.dma_semaphore, #tpu.memory_space<semaphore_mem>>
        %dma_start3A = arith.constant 0 : i32
        %dma_start3A_109 = tpu.memref_slice %arg6[%run_scoped3A_107, %scan3A_106, %dma_start3A] : memref<6x40x128xi32, #tpu.memory_space<vmem>> -> memref<1x1x128xi32, #tpu.memory_space<vmem>>
        %dma_start3A_110 = tpu.memref_squeeze %dma_start3A_109 : memref<1x1x128xi32, #tpu.memory_space<vmem>> -> memref<128xi32, #tpu.memory_space<vmem>>
        %dma_start3A_111 = arith.constant 0 : i32
        %dma_start3A_112 = arith.constant 0 : i32
        %dma_start3A_113 = tpu.memref_slice %arg8[%dma_start3A_111, %dma_start3A_112] : memref<10240x16xf32, #tpu.memory_space<vmem_shared>> -> memref<10240x16xf32, #tpu.memory_space<vmem_shared>>
        tpu.enqueue_indirect_dma source(%arg7 : memref<128x16xf32, #tpu.memory_space<vmem>>) target(%dma_start3A_113 : memref<10240x16xf32, #tpu.memory_space<vmem_shared>>) offsets(%dma_start3A_110 : memref<128xi32, #tpu.memory_space<vmem>>) semaphore(%run_scoped3A_108 : memref<!tpu.dma_semaphore, #tpu.memory_space<semaphore_mem>>) {add = true}
        %dma_wait3A = arith.constant 0 : i32
        %dma_wait3A_114 = tpu.memref_slice %arg6[%run_scoped3A_107, %scan3A_106, %dma_wait3A] : memref<6x40x128xi32, #tpu.memory_space<vmem>> -> memref<1x1x128xi32, #tpu.memory_space<vmem>>
        %dma_wait3A_115 = tpu.memref_squeeze %dma_wait3A_114 : memref<1x1x128xi32, #tpu.memory_space<vmem>> -> memref<128xi32, #tpu.memory_space<vmem>>
        %dma_wait3A_116 = arith.constant 0 : i32
        %dma_wait3A_117 = arith.constant 0 : i32
        %dma_wait3A_118 = tpu.memref_slice %arg8[%dma_wait3A_116, %dma_wait3A_117] : memref<10240x16xf32, #tpu.memory_space<vmem_shared>> -> memref<10240x16xf32, #tpu.memory_space<vmem_shared>>
        tpu.wait_indirect_dma semaphore(%run_scoped3A_108 : memref<!tpu.dma_semaphore, #tpu.memory_space<semaphore_mem>>) src(%arg7 : memref<128x16xf32, #tpu.memory_space<vmem>>) dst(%dma_wait3A_118 : memref<10240x16xf32, #tpu.memory_space<vmem_shared>>)
        tpu.yield
      }) : () -> ()
    }
    %scan3A_80 = arith.constant 40 : i32
    %barrier3A_81 = arith.constant 0 : index
    tpu.barrier barrier_id(%barrier3A_81)
    %mul3A_82 = arith.constant 640 : i32
    %mul3A_83 = arith.muli %arg1, %mul3A_82 : i32
    %mul3A_84 = arith.constant 640 : i32
    %mul3A_85 = arith.muli %arg1, %mul3A_84 : i32
    %run_scoped3A_86 = arith.constant 4 : i32
    "tpu.region"() ({
      %run_scoped3A_106 = tpu.sem_alloc : memref<!tpu.dma_semaphore, #tpu.memory_space<semaphore_mem>>
      %dma_start3A = arith.constant 0 : i32
      %dma_start3A_107 = tpu.memref_slice %arg5[%run_scoped3A_86, %arg0, %mul3A_85, %dma_start3A] : memref<6x2x10240x16xf32, #tpu.memory_space<hbm>> -> memref<1x1x640x16xf32, #tpu.memory_space<hbm>>
      %dma_start3A_108 = tpu.memref_squeeze %dma_start3A_107 : memref<1x1x640x16xf32, #tpu.memory_space<hbm>> -> memref<640x16xf32, #tpu.memory_space<hbm>>
      %dma_start3A_109 = arith.constant 0 : i32
      %dma_start3A_110 = tpu.memref_slice %arg8[%mul3A_83, %dma_start3A_109] : memref<10240x16xf32, #tpu.memory_space<vmem_shared>> -> memref<640x16xf32, #tpu.memory_space<vmem_shared>>
      tpu.enqueue_dma source(%dma_start3A_110 : memref<640x16xf32, #tpu.memory_space<vmem_shared>>) target(%dma_start3A_108 : memref<640x16xf32, #tpu.memory_space<hbm>>) target_semaphore(%run_scoped3A_106 : memref<!tpu.dma_semaphore, #tpu.memory_space<semaphore_mem>>)
      %dma_wait3A = arith.constant 0 : i32
      %dma_wait3A_111 = tpu.memref_slice %arg5[%run_scoped3A_86, %arg0, %mul3A_85, %dma_wait3A] : memref<6x2x10240x16xf32, #tpu.memory_space<hbm>> -> memref<1x1x640x16xf32, #tpu.memory_space<hbm>>
      %dma_wait3A_112 = tpu.memref_squeeze %dma_wait3A_111 : memref<1x1x640x16xf32, #tpu.memory_space<hbm>> -> memref<640x16xf32, #tpu.memory_space<hbm>>
      %dma_wait3A_113 = arith.constant 0 : i32
      %dma_wait3A_114 = tpu.memref_slice %arg8[%mul3A_83, %dma_wait3A_113] : memref<10240x16xf32, #tpu.memory_space<vmem_shared>> -> memref<640x16xf32, #tpu.memory_space<vmem_shared>>
      tpu.wait_dma2 semaphore(%run_scoped3A_106 : memref<!tpu.dma_semaphore, #tpu.memory_space<semaphore_mem>>) src(%dma_wait3A_114 : memref<640x16xf32, #tpu.memory_space<vmem_shared>>) dst(%dma_wait3A_112 : memref<640x16xf32, #tpu.memory_space<hbm>>)
      tpu.yield
    }) : () -> ()
    %barrier3A_87 = arith.constant 0 : index
    tpu.barrier barrier_id(%barrier3A_87)
    %mul3A_88 = arith.constant 640 : i32
    %mul3A_89 = arith.muli %arg1, %mul3A_88 : i32
    %mul3A_90 = arith.constant 640 : i32
    %mul3A_91 = arith.muli %arg1, %mul3A_90 : i32
    "tpu.region"() ({
      %run_scoped3A_106 = tpu.sem_alloc : memref<!tpu.dma_semaphore, #tpu.memory_space<semaphore_mem>>
      %dma_start3A = arith.constant 0 : i32
      %dma_start3A_107 = tpu.memref_slice %arg8[%mul3A_91, %dma_start3A] : memref<10240x16xf32, #tpu.memory_space<vmem_shared>> -> memref<640x16xf32, #tpu.memory_space<vmem_shared>>
      %dma_start3A_108 = arith.constant 0 : i32
      %dma_start3A_109 = tpu.memref_slice %arg4[%mul3A_89, %dma_start3A_108] : memref<10240x16xf32, #tpu.memory_space<hbm>> -> memref<640x16xf32, #tpu.memory_space<hbm>>
      tpu.enqueue_dma source(%dma_start3A_109 : memref<640x16xf32, #tpu.memory_space<hbm>>) target(%dma_start3A_107 : memref<640x16xf32, #tpu.memory_space<vmem_shared>>) target_semaphore(%run_scoped3A_106 : memref<!tpu.dma_semaphore, #tpu.memory_space<semaphore_mem>>)
      %dma_wait3A = arith.constant 0 : i32
      %dma_wait3A_110 = tpu.memref_slice %arg8[%mul3A_91, %dma_wait3A] : memref<10240x16xf32, #tpu.memory_space<vmem_shared>> -> memref<640x16xf32, #tpu.memory_space<vmem_shared>>
      %dma_wait3A_111 = arith.constant 0 : i32
      %dma_wait3A_112 = tpu.memref_slice %arg4[%mul3A_89, %dma_wait3A_111] : memref<10240x16xf32, #tpu.memory_space<hbm>> -> memref<640x16xf32, #tpu.memory_space<hbm>>
      tpu.wait_dma2 semaphore(%run_scoped3A_106 : memref<!tpu.dma_semaphore, #tpu.memory_space<semaphore_mem>>) src(%dma_wait3A_112 : memref<640x16xf32, #tpu.memory_space<hbm>>) dst(%dma_wait3A_110 : memref<640x16xf32, #tpu.memory_space<vmem_shared>>)
      tpu.yield
    }) : () -> ()
    %barrier3A_92 = arith.constant 0 : index
    tpu.barrier barrier_id(%barrier3A_92)
    %scan3A_93 = arith.constant 0 : i32
    %scan3A_94 = arith.constant 0 : i32
    %scan3A_95 = arith.constant 40 : i32
    %scan3A_96 = arith.addi %scan3A_94, %scan3A_95 : i32
    %scan3A_97 = arith.constant 1 : i32
    scf.for %scan3A_106 = %scan3A_94 to %scan3A_96 step %scan3A_97  : i32 {
      %run_scoped3A_107 = arith.constant 5 : i32
      "tpu.region"() ({
        %run_scoped3A_108 = tpu.sem_alloc : memref<!tpu.dma_semaphore, #tpu.memory_space<semaphore_mem>>
        %dma_start3A = arith.constant 0 : i32
        %dma_start3A_109 = tpu.memref_slice %arg6[%run_scoped3A_107, %scan3A_106, %dma_start3A] : memref<6x40x128xi32, #tpu.memory_space<vmem>> -> memref<1x1x128xi32, #tpu.memory_space<vmem>>
        %dma_start3A_110 = tpu.memref_squeeze %dma_start3A_109 : memref<1x1x128xi32, #tpu.memory_space<vmem>> -> memref<128xi32, #tpu.memory_space<vmem>>
        %dma_start3A_111 = arith.constant 0 : i32
        %dma_start3A_112 = arith.constant 0 : i32
        %dma_start3A_113 = tpu.memref_slice %arg8[%dma_start3A_111, %dma_start3A_112] : memref<10240x16xf32, #tpu.memory_space<vmem_shared>> -> memref<10240x16xf32, #tpu.memory_space<vmem_shared>>
        tpu.enqueue_indirect_dma source(%arg7 : memref<128x16xf32, #tpu.memory_space<vmem>>) target(%dma_start3A_113 : memref<10240x16xf32, #tpu.memory_space<vmem_shared>>) offsets(%dma_start3A_110 : memref<128xi32, #tpu.memory_space<vmem>>) semaphore(%run_scoped3A_108 : memref<!tpu.dma_semaphore, #tpu.memory_space<semaphore_mem>>) {add = true}
        %dma_wait3A = arith.constant 0 : i32
        %dma_wait3A_114 = tpu.memref_slice %arg6[%run_scoped3A_107, %scan3A_106, %dma_wait3A] : memref<6x40x128xi32, #tpu.memory_space<vmem>> -> memref<1x1x128xi32, #tpu.memory_space<vmem>>
        %dma_wait3A_115 = tpu.memref_squeeze %dma_wait3A_114 : memref<1x1x128xi32, #tpu.memory_space<vmem>> -> memref<128xi32, #tpu.memory_space<vmem>>
        %dma_wait3A_116 = arith.constant 0 : i32
        %dma_wait3A_117 = arith.constant 0 : i32
        %dma_wait3A_118 = tpu.memref_slice %arg8[%dma_wait3A_116, %dma_wait3A_117] : memref<10240x16xf32, #tpu.memory_space<vmem_shared>> -> memref<10240x16xf32, #tpu.memory_space<vmem_shared>>
        tpu.wait_indirect_dma semaphore(%run_scoped3A_108 : memref<!tpu.dma_semaphore, #tpu.memory_space<semaphore_mem>>) src(%arg7 : memref<128x16xf32, #tpu.memory_space<vmem>>) dst(%dma_wait3A_118 : memref<10240x16xf32, #tpu.memory_space<vmem_shared>>)
        tpu.yield
      }) : () -> ()
    }
    %scan3A_98 = arith.constant 40 : i32
    %barrier3A_99 = arith.constant 0 : index
    tpu.barrier barrier_id(%barrier3A_99)
    %mul3A_100 = arith.constant 640 : i32
    %mul3A_101 = arith.muli %arg1, %mul3A_100 : i32
    %mul3A_102 = arith.constant 640 : i32
    %mul3A_103 = arith.muli %arg1, %mul3A_102 : i32
    %run_scoped3A_104 = arith.constant 5 : i32
    "tpu.region"() ({
      %run_scoped3A_106 = tpu.sem_alloc : memref<!tpu.dma_semaphore, #tpu.memory_space<semaphore_mem>>
      %dma_start3A = arith.constant 0 : i32
      %dma_start3A_107 = tpu.memref_slice %arg5[%run_scoped3A_104, %arg0, %mul3A_103, %dma_start3A] : memref<6x2x10240x16xf32, #tpu.memory_space<hbm>> -> memref<1x1x640x16xf32, #tpu.memory_space<hbm>>
      %dma_start3A_108 = tpu.memref_squeeze %dma_start3A_107 : memref<1x1x640x16xf32, #tpu.memory_space<hbm>> -> memref<640x16xf32, #tpu.memory_space<hbm>>
      %dma_start3A_109 = arith.constant 0 : i32
      %dma_start3A_110 = tpu.memref_slice %arg8[%mul3A_101, %dma_start3A_109] : memref<10240x16xf32, #tpu.memory_space<vmem_shared>> -> memref<640x16xf32, #tpu.memory_space<vmem_shared>>
      tpu.enqueue_dma source(%dma_start3A_110 : memref<640x16xf32, #tpu.memory_space<vmem_shared>>) target(%dma_start3A_108 : memref<640x16xf32, #tpu.memory_space<hbm>>) target_semaphore(%run_scoped3A_106 : memref<!tpu.dma_semaphore, #tpu.memory_space<semaphore_mem>>)
      %dma_wait3A = arith.constant 0 : i32
      %dma_wait3A_111 = tpu.memref_slice %arg5[%run_scoped3A_104, %arg0, %mul3A_103, %dma_wait3A] : memref<6x2x10240x16xf32, #tpu.memory_space<hbm>> -> memref<1x1x640x16xf32, #tpu.memory_space<hbm>>
      %dma_wait3A_112 = tpu.memref_squeeze %dma_wait3A_111 : memref<1x1x640x16xf32, #tpu.memory_space<hbm>> -> memref<640x16xf32, #tpu.memory_space<hbm>>
      %dma_wait3A_113 = arith.constant 0 : i32
      %dma_wait3A_114 = tpu.memref_slice %arg8[%mul3A_101, %dma_wait3A_113] : memref<10240x16xf32, #tpu.memory_space<vmem_shared>> -> memref<640x16xf32, #tpu.memory_space<vmem_shared>>
      tpu.wait_dma2 semaphore(%run_scoped3A_106 : memref<!tpu.dma_semaphore, #tpu.memory_space<semaphore_mem>>) src(%dma_wait3A_114 : memref<640x16xf32, #tpu.memory_space<vmem_shared>>) dst(%dma_wait3A_112 : memref<640x16xf32, #tpu.memory_space<hbm>>)
      tpu.yield
    }) : () -> ()
    %barrier3A_105 = arith.constant 0 : index
    tpu.barrier barrier_id(%barrier3A_105)
    return
  }
}

#map = affine_map<(d0, d1) -> (0, 0, 0)>
#map1 = affine_map<(d0, d1) -> (0, 0, 0, 0)>
#map2 = affine_map<(d0, d1) -> (0, 0)>
module attributes {stable_mosaic.version = 14 : i64} {
  func.func @segsum(%arg0: i32, %arg1: i32, %arg2: memref<3x10000x64xf32, #tpu.memory_space<hbm>>, %arg3: memref<32x3x10x512xi32, #tpu.memory_space<hbm>>, %arg4: memref<32x3x10x512xi32, #tpu.memory_space<hbm>>, %arg5: memref<10240x64xf32, #tpu.memory_space<hbm>>, %arg6: memref<3x2x10240x64xf32, #tpu.memory_space<hbm>>, %arg7: memref<3x10x512xi32, #tpu.memory_space<vmem>>, %arg8: memref<3x10x512xi32, #tpu.memory_space<vmem>>, %arg9: memref<512x64xf32, #tpu.memory_space<vmem>>, %arg10: memref<!tpu.dma_semaphore, #tpu.memory_space<semaphore_mem>>, %arg11: memref<10240x64xf32, #tpu.memory_space<vmem_shared>>) attributes {dimension_semantics = [#tpu.dimension_semantics<core_parallel>, #tpu.dimension_semantics<subcore_parallel>], iteration_bounds = array<i64: 2, 16>, scalar_prefetch = 0 : i64, scratch_operands = 5 : i64, tpu.core_type = #tpu.core_type<sc_vector_subcore>, window_params = [{transform_indices = #map}, {transform_indices = #map1}, {transform_indices = #map1}, {transform_indices = #map2}, {transform_indices = #map1}]} {
    %mul3A = arith.constant 16 : i32
    %mul3A_0 = arith.muli %arg0, %mul3A : i32
    %add3A = arith.addi %mul3A_0, %arg1 : i32
    "tpu.region"() ({
      %run_scoped3A_52 = tpu.sem_alloc : memref<!tpu.dma_semaphore, #tpu.memory_space<semaphore_mem>>
      %dma_start3A = arith.constant 0 : i32
      %dma_start3A_53 = arith.constant 0 : i32
      %dma_start3A_54 = arith.constant 0 : i32
      %dma_start3A_55 = tpu.memref_slice %arg3[%add3A, %dma_start3A, %dma_start3A_53, %dma_start3A_54] : memref<32x3x10x512xi32, #tpu.memory_space<hbm>> -> memref<1x3x10x512xi32, #tpu.memory_space<hbm>>
      %dma_start3A_56 = tpu.memref_squeeze %dma_start3A_55 : memref<1x3x10x512xi32, #tpu.memory_space<hbm>> -> memref<3x10x512xi32, #tpu.memory_space<hbm>>
      %dma_start3A_57 = arith.constant 0 : i32
      %dma_start3A_58 = arith.constant 0 : i32
      %dma_start3A_59 = arith.constant 0 : i32
      %dma_start3A_60 = tpu.memref_slice %arg3[%add3A, %dma_start3A_57, %dma_start3A_58, %dma_start3A_59] : memref<32x3x10x512xi32, #tpu.memory_space<hbm>> -> memref<1x3x10x512xi32, #tpu.memory_space<hbm>>
      %dma_start3A_61 = tpu.memref_squeeze %dma_start3A_60 : memref<1x3x10x512xi32, #tpu.memory_space<hbm>> -> memref<3x10x512xi32, #tpu.memory_space<hbm>>
      tpu.enqueue_dma source(%dma_start3A_61 : memref<3x10x512xi32, #tpu.memory_space<hbm>>) target(%arg7 : memref<3x10x512xi32, #tpu.memory_space<vmem>>) target_semaphore(%run_scoped3A_52 : memref<!tpu.dma_semaphore, #tpu.memory_space<semaphore_mem>>)
      %dma_wait3A = arith.constant 0 : i32
      %dma_wait3A_62 = arith.constant 0 : i32
      %dma_wait3A_63 = arith.constant 0 : i32
      %dma_wait3A_64 = tpu.memref_slice %arg3[%add3A, %dma_wait3A, %dma_wait3A_62, %dma_wait3A_63] : memref<32x3x10x512xi32, #tpu.memory_space<hbm>> -> memref<1x3x10x512xi32, #tpu.memory_space<hbm>>
      %dma_wait3A_65 = tpu.memref_squeeze %dma_wait3A_64 : memref<1x3x10x512xi32, #tpu.memory_space<hbm>> -> memref<3x10x512xi32, #tpu.memory_space<hbm>>
      %dma_wait3A_66 = arith.constant 0 : i32
      %dma_wait3A_67 = arith.constant 0 : i32
      %dma_wait3A_68 = arith.constant 0 : i32
      %dma_wait3A_69 = tpu.memref_slice %arg3[%add3A, %dma_wait3A_66, %dma_wait3A_67, %dma_wait3A_68] : memref<32x3x10x512xi32, #tpu.memory_space<hbm>> -> memref<1x3x10x512xi32, #tpu.memory_space<hbm>>
      %dma_wait3A_70 = tpu.memref_squeeze %dma_wait3A_69 : memref<1x3x10x512xi32, #tpu.memory_space<hbm>> -> memref<3x10x512xi32, #tpu.memory_space<hbm>>
      tpu.wait_dma2 semaphore(%run_scoped3A_52 : memref<!tpu.dma_semaphore, #tpu.memory_space<semaphore_mem>>) src(%dma_wait3A_70 : memref<3x10x512xi32, #tpu.memory_space<hbm>>) dst(%arg7 : memref<3x10x512xi32, #tpu.memory_space<vmem>>)
      tpu.yield
    }) : () -> ()
    "tpu.region"() ({
      %run_scoped3A_52 = tpu.sem_alloc : memref<!tpu.dma_semaphore, #tpu.memory_space<semaphore_mem>>
      %dma_start3A = arith.constant 0 : i32
      %dma_start3A_53 = arith.constant 0 : i32
      %dma_start3A_54 = arith.constant 0 : i32
      %dma_start3A_55 = tpu.memref_slice %arg4[%add3A, %dma_start3A, %dma_start3A_53, %dma_start3A_54] : memref<32x3x10x512xi32, #tpu.memory_space<hbm>> -> memref<1x3x10x512xi32, #tpu.memory_space<hbm>>
      %dma_start3A_56 = tpu.memref_squeeze %dma_start3A_55 : memref<1x3x10x512xi32, #tpu.memory_space<hbm>> -> memref<3x10x512xi32, #tpu.memory_space<hbm>>
      %dma_start3A_57 = arith.constant 0 : i32
      %dma_start3A_58 = arith.constant 0 : i32
      %dma_start3A_59 = arith.constant 0 : i32
      %dma_start3A_60 = tpu.memref_slice %arg4[%add3A, %dma_start3A_57, %dma_start3A_58, %dma_start3A_59] : memref<32x3x10x512xi32, #tpu.memory_space<hbm>> -> memref<1x3x10x512xi32, #tpu.memory_space<hbm>>
      %dma_start3A_61 = tpu.memref_squeeze %dma_start3A_60 : memref<1x3x10x512xi32, #tpu.memory_space<hbm>> -> memref<3x10x512xi32, #tpu.memory_space<hbm>>
      tpu.enqueue_dma source(%dma_start3A_61 : memref<3x10x512xi32, #tpu.memory_space<hbm>>) target(%arg8 : memref<3x10x512xi32, #tpu.memory_space<vmem>>) target_semaphore(%run_scoped3A_52 : memref<!tpu.dma_semaphore, #tpu.memory_space<semaphore_mem>>)
      %dma_wait3A = arith.constant 0 : i32
      %dma_wait3A_62 = arith.constant 0 : i32
      %dma_wait3A_63 = arith.constant 0 : i32
      %dma_wait3A_64 = tpu.memref_slice %arg4[%add3A, %dma_wait3A, %dma_wait3A_62, %dma_wait3A_63] : memref<32x3x10x512xi32, #tpu.memory_space<hbm>> -> memref<1x3x10x512xi32, #tpu.memory_space<hbm>>
      %dma_wait3A_65 = tpu.memref_squeeze %dma_wait3A_64 : memref<1x3x10x512xi32, #tpu.memory_space<hbm>> -> memref<3x10x512xi32, #tpu.memory_space<hbm>>
      %dma_wait3A_66 = arith.constant 0 : i32
      %dma_wait3A_67 = arith.constant 0 : i32
      %dma_wait3A_68 = arith.constant 0 : i32
      %dma_wait3A_69 = tpu.memref_slice %arg4[%add3A, %dma_wait3A_66, %dma_wait3A_67, %dma_wait3A_68] : memref<32x3x10x512xi32, #tpu.memory_space<hbm>> -> memref<1x3x10x512xi32, #tpu.memory_space<hbm>>
      %dma_wait3A_70 = tpu.memref_squeeze %dma_wait3A_69 : memref<1x3x10x512xi32, #tpu.memory_space<hbm>> -> memref<3x10x512xi32, #tpu.memory_space<hbm>>
      tpu.wait_dma2 semaphore(%run_scoped3A_52 : memref<!tpu.dma_semaphore, #tpu.memory_space<semaphore_mem>>) src(%dma_wait3A_70 : memref<3x10x512xi32, #tpu.memory_space<hbm>>) dst(%arg8 : memref<3x10x512xi32, #tpu.memory_space<vmem>>)
      tpu.yield
    }) : () -> ()
    %mul3A_1 = arith.constant 640 : i32
    %mul3A_2 = arith.muli %arg1, %mul3A_1 : i32
    %mul3A_3 = arith.constant 640 : i32
    %mul3A_4 = arith.muli %arg1, %mul3A_3 : i32
    "tpu.region"() ({
      %run_scoped3A_52 = tpu.sem_alloc : memref<!tpu.dma_semaphore, #tpu.memory_space<semaphore_mem>>
      %dma_start3A = arith.constant 0 : i32
      %dma_start3A_53 = tpu.memref_slice %arg11[%mul3A_4, %dma_start3A] : memref<10240x64xf32, #tpu.memory_space<vmem_shared>> -> memref<640x64xf32, #tpu.memory_space<vmem_shared>>
      %dma_start3A_54 = arith.constant 0 : i32
      %dma_start3A_55 = tpu.memref_slice %arg5[%mul3A_2, %dma_start3A_54] : memref<10240x64xf32, #tpu.memory_space<hbm>> -> memref<640x64xf32, #tpu.memory_space<hbm>>
      tpu.enqueue_dma source(%dma_start3A_55 : memref<640x64xf32, #tpu.memory_space<hbm>>) target(%dma_start3A_53 : memref<640x64xf32, #tpu.memory_space<vmem_shared>>) target_semaphore(%run_scoped3A_52 : memref<!tpu.dma_semaphore, #tpu.memory_space<semaphore_mem>>)
      %dma_wait3A = arith.constant 0 : i32
      %dma_wait3A_56 = tpu.memref_slice %arg11[%mul3A_4, %dma_wait3A] : memref<10240x64xf32, #tpu.memory_space<vmem_shared>> -> memref<640x64xf32, #tpu.memory_space<vmem_shared>>
      %dma_wait3A_57 = arith.constant 0 : i32
      %dma_wait3A_58 = tpu.memref_slice %arg5[%mul3A_2, %dma_wait3A_57] : memref<10240x64xf32, #tpu.memory_space<hbm>> -> memref<640x64xf32, #tpu.memory_space<hbm>>
      tpu.wait_dma2 semaphore(%run_scoped3A_52 : memref<!tpu.dma_semaphore, #tpu.memory_space<semaphore_mem>>) src(%dma_wait3A_58 : memref<640x64xf32, #tpu.memory_space<hbm>>) dst(%dma_wait3A_56 : memref<640x64xf32, #tpu.memory_space<vmem_shared>>)
      tpu.yield
    }) : () -> ()
    %barrier3A = arith.constant 0 : index
    tpu.barrier barrier_id(%barrier3A)
    %scan3A = arith.constant 0 : i32
    %scan3A_5 = arith.constant 0 : i32
    %scan3A_6 = arith.constant 10 : i32
    %scan3A_7 = arith.addi %scan3A_5, %scan3A_6 : i32
    %scan3A_8 = arith.constant 1 : i32
    scf.for %scan3A_52 = %scan3A_5 to %scan3A_7 step %scan3A_8  : i32 {
      %dma_start3A = arith.constant 0 : i32
      %dma_start3A_53 = arith.constant 0 : i32
      %dma_start3A_54 = arith.constant 0 : i32
      %dma_start3A_55 = tpu.memref_slice %arg7[%dma_start3A_53, %scan3A_52, %dma_start3A_54] : memref<3x10x512xi32, #tpu.memory_space<vmem>> -> memref<1x1x512xi32, #tpu.memory_space<vmem>>
      %dma_start3A_56 = tpu.memref_squeeze %dma_start3A_55 : memref<1x1x512xi32, #tpu.memory_space<vmem>> -> memref<512xi32, #tpu.memory_space<vmem>>
      %dma_start3A_57 = arith.constant 0 : i32
      %dma_start3A_58 = arith.constant 0 : i32
      %dma_start3A_59 = tpu.memref_slice %arg2[%dma_start3A, %dma_start3A_57, %dma_start3A_58] : memref<3x10000x64xf32, #tpu.memory_space<hbm>> -> memref<1x10000x64xf32, #tpu.memory_space<hbm>>
      %dma_start3A_60 = tpu.memref_squeeze %dma_start3A_59 : memref<1x10000x64xf32, #tpu.memory_space<hbm>> -> memref<10000x64xf32, #tpu.memory_space<hbm>>
      %dma_start3A_61 = arith.constant 0 : i32
      %dma_start3A_62 = arith.constant 0 : i32
      %dma_start3A_63 = tpu.memref_slice %dma_start3A_60[%dma_start3A_61, %dma_start3A_62] : memref<10000x64xf32, #tpu.memory_space<hbm>> -> memref<10000x64xf32, #tpu.memory_space<hbm>>
      tpu.enqueue_indirect_dma source(%dma_start3A_63 : memref<10000x64xf32, #tpu.memory_space<hbm>>) target(%arg9 : memref<512x64xf32, #tpu.memory_space<vmem>>) offsets(%dma_start3A_56 : memref<512xi32, #tpu.memory_space<vmem>>) semaphore(%arg10 : memref<!tpu.dma_semaphore, #tpu.memory_space<semaphore_mem>>)
      %dma_wait3A = arith.constant 0 : i32
      %dma_wait3A_64 = arith.constant 0 : i32
      %dma_wait3A_65 = arith.constant 0 : i32
      %dma_wait3A_66 = tpu.memref_slice %arg7[%dma_wait3A_64, %scan3A_52, %dma_wait3A_65] : memref<3x10x512xi32, #tpu.memory_space<vmem>> -> memref<1x1x512xi32, #tpu.memory_space<vmem>>
      %dma_wait3A_67 = tpu.memref_squeeze %dma_wait3A_66 : memref<1x1x512xi32, #tpu.memory_space<vmem>> -> memref<512xi32, #tpu.memory_space<vmem>>
      %dma_wait3A_68 = arith.constant 0 : i32
      %dma_wait3A_69 = arith.constant 0 : i32
      %dma_wait3A_70 = tpu.memref_slice %arg2[%dma_wait3A, %dma_wait3A_68, %dma_wait3A_69] : memref<3x10000x64xf32, #tpu.memory_space<hbm>> -> memref<1x10000x64xf32, #tpu.memory_space<hbm>>
      %dma_wait3A_71 = tpu.memref_squeeze %dma_wait3A_70 : memref<1x10000x64xf32, #tpu.memory_space<hbm>> -> memref<10000x64xf32, #tpu.memory_space<hbm>>
      %dma_wait3A_72 = arith.constant 0 : i32
      %dma_wait3A_73 = arith.constant 0 : i32
      %dma_wait3A_74 = tpu.memref_slice %dma_wait3A_71[%dma_wait3A_72, %dma_wait3A_73] : memref<10000x64xf32, #tpu.memory_space<hbm>> -> memref<10000x64xf32, #tpu.memory_space<hbm>>
      tpu.wait_indirect_dma semaphore(%arg10 : memref<!tpu.dma_semaphore, #tpu.memory_space<semaphore_mem>>) src(%dma_wait3A_74 : memref<10000x64xf32, #tpu.memory_space<hbm>>) dst(%arg9 : memref<512x64xf32, #tpu.memory_space<vmem>>)
      %run_scoped3A_75 = arith.constant 0 : i32
      "tpu.region"() ({
        %run_scoped3A_76 = tpu.sem_alloc : memref<!tpu.dma_semaphore, #tpu.memory_space<semaphore_mem>>
        %dma_start3A_77 = arith.constant 0 : i32
        %dma_start3A_78 = tpu.memref_slice %arg8[%run_scoped3A_75, %scan3A_52, %dma_start3A_77] : memref<3x10x512xi32, #tpu.memory_space<vmem>> -> memref<1x1x512xi32, #tpu.memory_space<vmem>>
        %dma_start3A_79 = tpu.memref_squeeze %dma_start3A_78 : memref<1x1x512xi32, #tpu.memory_space<vmem>> -> memref<512xi32, #tpu.memory_space<vmem>>
        %dma_start3A_80 = arith.constant 0 : i32
        %dma_start3A_81 = arith.constant 0 : i32
        %dma_start3A_82 = tpu.memref_slice %arg11[%dma_start3A_80, %dma_start3A_81] : memref<10240x64xf32, #tpu.memory_space<vmem_shared>> -> memref<10240x64xf32, #tpu.memory_space<vmem_shared>>
        tpu.enqueue_indirect_dma source(%arg9 : memref<512x64xf32, #tpu.memory_space<vmem>>) target(%dma_start3A_82 : memref<10240x64xf32, #tpu.memory_space<vmem_shared>>) offsets(%dma_start3A_79 : memref<512xi32, #tpu.memory_space<vmem>>) semaphore(%run_scoped3A_76 : memref<!tpu.dma_semaphore, #tpu.memory_space<semaphore_mem>>) {add = true}
        %dma_wait3A_83 = arith.constant 0 : i32
        %dma_wait3A_84 = tpu.memref_slice %arg8[%run_scoped3A_75, %scan3A_52, %dma_wait3A_83] : memref<3x10x512xi32, #tpu.memory_space<vmem>> -> memref<1x1x512xi32, #tpu.memory_space<vmem>>
        %dma_wait3A_85 = tpu.memref_squeeze %dma_wait3A_84 : memref<1x1x512xi32, #tpu.memory_space<vmem>> -> memref<512xi32, #tpu.memory_space<vmem>>
        %dma_wait3A_86 = arith.constant 0 : i32
        %dma_wait3A_87 = arith.constant 0 : i32
        %dma_wait3A_88 = tpu.memref_slice %arg11[%dma_wait3A_86, %dma_wait3A_87] : memref<10240x64xf32, #tpu.memory_space<vmem_shared>> -> memref<10240x64xf32, #tpu.memory_space<vmem_shared>>
        tpu.wait_indirect_dma semaphore(%run_scoped3A_76 : memref<!tpu.dma_semaphore, #tpu.memory_space<semaphore_mem>>) src(%arg9 : memref<512x64xf32, #tpu.memory_space<vmem>>) dst(%dma_wait3A_88 : memref<10240x64xf32, #tpu.memory_space<vmem_shared>>)
        tpu.yield
      }) : () -> ()
    }
    %scan3A_9 = arith.constant 10 : i32
    %barrier3A_10 = arith.constant 0 : index
    tpu.barrier barrier_id(%barrier3A_10)
    %mul3A_11 = arith.constant 640 : i32
    %mul3A_12 = arith.muli %arg1, %mul3A_11 : i32
    %mul3A_13 = arith.constant 640 : i32
    %mul3A_14 = arith.muli %arg1, %mul3A_13 : i32
    %run_scoped3A = arith.constant 0 : i32
    "tpu.region"() ({
      %run_scoped3A_52 = tpu.sem_alloc : memref<!tpu.dma_semaphore, #tpu.memory_space<semaphore_mem>>
      %dma_start3A = arith.constant 0 : i32
      %dma_start3A_53 = tpu.memref_slice %arg6[%run_scoped3A, %arg0, %mul3A_14, %dma_start3A] : memref<3x2x10240x64xf32, #tpu.memory_space<hbm>> -> memref<1x1x640x64xf32, #tpu.memory_space<hbm>>
      %dma_start3A_54 = tpu.memref_squeeze %dma_start3A_53 : memref<1x1x640x64xf32, #tpu.memory_space<hbm>> -> memref<640x64xf32, #tpu.memory_space<hbm>>
      %dma_start3A_55 = arith.constant 0 : i32
      %dma_start3A_56 = tpu.memref_slice %arg11[%mul3A_12, %dma_start3A_55] : memref<10240x64xf32, #tpu.memory_space<vmem_shared>> -> memref<640x64xf32, #tpu.memory_space<vmem_shared>>
      tpu.enqueue_dma source(%dma_start3A_56 : memref<640x64xf32, #tpu.memory_space<vmem_shared>>) target(%dma_start3A_54 : memref<640x64xf32, #tpu.memory_space<hbm>>) target_semaphore(%run_scoped3A_52 : memref<!tpu.dma_semaphore, #tpu.memory_space<semaphore_mem>>)
      %dma_wait3A = arith.constant 0 : i32
      %dma_wait3A_57 = tpu.memref_slice %arg6[%run_scoped3A, %arg0, %mul3A_14, %dma_wait3A] : memref<3x2x10240x64xf32, #tpu.memory_space<hbm>> -> memref<1x1x640x64xf32, #tpu.memory_space<hbm>>
      %dma_wait3A_58 = tpu.memref_squeeze %dma_wait3A_57 : memref<1x1x640x64xf32, #tpu.memory_space<hbm>> -> memref<640x64xf32, #tpu.memory_space<hbm>>
      %dma_wait3A_59 = arith.constant 0 : i32
      %dma_wait3A_60 = tpu.memref_slice %arg11[%mul3A_12, %dma_wait3A_59] : memref<10240x64xf32, #tpu.memory_space<vmem_shared>> -> memref<640x64xf32, #tpu.memory_space<vmem_shared>>
      tpu.wait_dma2 semaphore(%run_scoped3A_52 : memref<!tpu.dma_semaphore, #tpu.memory_space<semaphore_mem>>) src(%dma_wait3A_60 : memref<640x64xf32, #tpu.memory_space<vmem_shared>>) dst(%dma_wait3A_58 : memref<640x64xf32, #tpu.memory_space<hbm>>)
      tpu.yield
    }) : () -> ()
    %barrier3A_15 = arith.constant 0 : index
    tpu.barrier barrier_id(%barrier3A_15)
    %mul3A_16 = arith.constant 640 : i32
    %mul3A_17 = arith.muli %arg1, %mul3A_16 : i32
    %mul3A_18 = arith.constant 640 : i32
    %mul3A_19 = arith.muli %arg1, %mul3A_18 : i32
    "tpu.region"() ({
      %run_scoped3A_52 = tpu.sem_alloc : memref<!tpu.dma_semaphore, #tpu.memory_space<semaphore_mem>>
      %dma_start3A = arith.constant 0 : i32
      %dma_start3A_53 = tpu.memref_slice %arg11[%mul3A_19, %dma_start3A] : memref<10240x64xf32, #tpu.memory_space<vmem_shared>> -> memref<640x64xf32, #tpu.memory_space<vmem_shared>>
      %dma_start3A_54 = arith.constant 0 : i32
      %dma_start3A_55 = tpu.memref_slice %arg5[%mul3A_17, %dma_start3A_54] : memref<10240x64xf32, #tpu.memory_space<hbm>> -> memref<640x64xf32, #tpu.memory_space<hbm>>
      tpu.enqueue_dma source(%dma_start3A_55 : memref<640x64xf32, #tpu.memory_space<hbm>>) target(%dma_start3A_53 : memref<640x64xf32, #tpu.memory_space<vmem_shared>>) target_semaphore(%run_scoped3A_52 : memref<!tpu.dma_semaphore, #tpu.memory_space<semaphore_mem>>)
      %dma_wait3A = arith.constant 0 : i32
      %dma_wait3A_56 = tpu.memref_slice %arg11[%mul3A_19, %dma_wait3A] : memref<10240x64xf32, #tpu.memory_space<vmem_shared>> -> memref<640x64xf32, #tpu.memory_space<vmem_shared>>
      %dma_wait3A_57 = arith.constant 0 : i32
      %dma_wait3A_58 = tpu.memref_slice %arg5[%mul3A_17, %dma_wait3A_57] : memref<10240x64xf32, #tpu.memory_space<hbm>> -> memref<640x64xf32, #tpu.memory_space<hbm>>
      tpu.wait_dma2 semaphore(%run_scoped3A_52 : memref<!tpu.dma_semaphore, #tpu.memory_space<semaphore_mem>>) src(%dma_wait3A_58 : memref<640x64xf32, #tpu.memory_space<hbm>>) dst(%dma_wait3A_56 : memref<640x64xf32, #tpu.memory_space<vmem_shared>>)
      tpu.yield
    }) : () -> ()
    %barrier3A_20 = arith.constant 0 : index
    tpu.barrier barrier_id(%barrier3A_20)
    %scan3A_21 = arith.constant 0 : i32
    %scan3A_22 = arith.constant 0 : i32
    %scan3A_23 = arith.constant 10 : i32
    %scan3A_24 = arith.addi %scan3A_22, %scan3A_23 : i32
    %scan3A_25 = arith.constant 1 : i32
    scf.for %scan3A_52 = %scan3A_22 to %scan3A_24 step %scan3A_25  : i32 {
      %dma_start3A = arith.constant 1 : i32
      %dma_start3A_53 = arith.constant 1 : i32
      %dma_start3A_54 = arith.constant 0 : i32
      %dma_start3A_55 = tpu.memref_slice %arg7[%dma_start3A_53, %scan3A_52, %dma_start3A_54] : memref<3x10x512xi32, #tpu.memory_space<vmem>> -> memref<1x1x512xi32, #tpu.memory_space<vmem>>
      %dma_start3A_56 = tpu.memref_squeeze %dma_start3A_55 : memref<1x1x512xi32, #tpu.memory_space<vmem>> -> memref<512xi32, #tpu.memory_space<vmem>>
      %dma_start3A_57 = arith.constant 0 : i32
      %dma_start3A_58 = arith.constant 0 : i32
      %dma_start3A_59 = tpu.memref_slice %arg2[%dma_start3A, %dma_start3A_57, %dma_start3A_58] : memref<3x10000x64xf32, #tpu.memory_space<hbm>> -> memref<1x10000x64xf32, #tpu.memory_space<hbm>>
      %dma_start3A_60 = tpu.memref_squeeze %dma_start3A_59 : memref<1x10000x64xf32, #tpu.memory_space<hbm>> -> memref<10000x64xf32, #tpu.memory_space<hbm>>
      %dma_start3A_61 = arith.constant 0 : i32
      %dma_start3A_62 = arith.constant 0 : i32
      %dma_start3A_63 = tpu.memref_slice %dma_start3A_60[%dma_start3A_61, %dma_start3A_62] : memref<10000x64xf32, #tpu.memory_space<hbm>> -> memref<10000x64xf32, #tpu.memory_space<hbm>>
      tpu.enqueue_indirect_dma source(%dma_start3A_63 : memref<10000x64xf32, #tpu.memory_space<hbm>>) target(%arg9 : memref<512x64xf32, #tpu.memory_space<vmem>>) offsets(%dma_start3A_56 : memref<512xi32, #tpu.memory_space<vmem>>) semaphore(%arg10 : memref<!tpu.dma_semaphore, #tpu.memory_space<semaphore_mem>>)
      %dma_wait3A = arith.constant 1 : i32
      %dma_wait3A_64 = arith.constant 1 : i32
      %dma_wait3A_65 = arith.constant 0 : i32
      %dma_wait3A_66 = tpu.memref_slice %arg7[%dma_wait3A_64, %scan3A_52, %dma_wait3A_65] : memref<3x10x512xi32, #tpu.memory_space<vmem>> -> memref<1x1x512xi32, #tpu.memory_space<vmem>>
      %dma_wait3A_67 = tpu.memref_squeeze %dma_wait3A_66 : memref<1x1x512xi32, #tpu.memory_space<vmem>> -> memref<512xi32, #tpu.memory_space<vmem>>
      %dma_wait3A_68 = arith.constant 0 : i32
      %dma_wait3A_69 = arith.constant 0 : i32
      %dma_wait3A_70 = tpu.memref_slice %arg2[%dma_wait3A, %dma_wait3A_68, %dma_wait3A_69] : memref<3x10000x64xf32, #tpu.memory_space<hbm>> -> memref<1x10000x64xf32, #tpu.memory_space<hbm>>
      %dma_wait3A_71 = tpu.memref_squeeze %dma_wait3A_70 : memref<1x10000x64xf32, #tpu.memory_space<hbm>> -> memref<10000x64xf32, #tpu.memory_space<hbm>>
      %dma_wait3A_72 = arith.constant 0 : i32
      %dma_wait3A_73 = arith.constant 0 : i32
      %dma_wait3A_74 = tpu.memref_slice %dma_wait3A_71[%dma_wait3A_72, %dma_wait3A_73] : memref<10000x64xf32, #tpu.memory_space<hbm>> -> memref<10000x64xf32, #tpu.memory_space<hbm>>
      tpu.wait_indirect_dma semaphore(%arg10 : memref<!tpu.dma_semaphore, #tpu.memory_space<semaphore_mem>>) src(%dma_wait3A_74 : memref<10000x64xf32, #tpu.memory_space<hbm>>) dst(%arg9 : memref<512x64xf32, #tpu.memory_space<vmem>>)
      %run_scoped3A_75 = arith.constant 1 : i32
      "tpu.region"() ({
        %run_scoped3A_76 = tpu.sem_alloc : memref<!tpu.dma_semaphore, #tpu.memory_space<semaphore_mem>>
        %dma_start3A_77 = arith.constant 0 : i32
        %dma_start3A_78 = tpu.memref_slice %arg8[%run_scoped3A_75, %scan3A_52, %dma_start3A_77] : memref<3x10x512xi32, #tpu.memory_space<vmem>> -> memref<1x1x512xi32, #tpu.memory_space<vmem>>
        %dma_start3A_79 = tpu.memref_squeeze %dma_start3A_78 : memref<1x1x512xi32, #tpu.memory_space<vmem>> -> memref<512xi32, #tpu.memory_space<vmem>>
        %dma_start3A_80 = arith.constant 0 : i32
        %dma_start3A_81 = arith.constant 0 : i32
        %dma_start3A_82 = tpu.memref_slice %arg11[%dma_start3A_80, %dma_start3A_81] : memref<10240x64xf32, #tpu.memory_space<vmem_shared>> -> memref<10240x64xf32, #tpu.memory_space<vmem_shared>>
        tpu.enqueue_indirect_dma source(%arg9 : memref<512x64xf32, #tpu.memory_space<vmem>>) target(%dma_start3A_82 : memref<10240x64xf32, #tpu.memory_space<vmem_shared>>) offsets(%dma_start3A_79 : memref<512xi32, #tpu.memory_space<vmem>>) semaphore(%run_scoped3A_76 : memref<!tpu.dma_semaphore, #tpu.memory_space<semaphore_mem>>) {add = true}
        %dma_wait3A_83 = arith.constant 0 : i32
        %dma_wait3A_84 = tpu.memref_slice %arg8[%run_scoped3A_75, %scan3A_52, %dma_wait3A_83] : memref<3x10x512xi32, #tpu.memory_space<vmem>> -> memref<1x1x512xi32, #tpu.memory_space<vmem>>
        %dma_wait3A_85 = tpu.memref_squeeze %dma_wait3A_84 : memref<1x1x512xi32, #tpu.memory_space<vmem>> -> memref<512xi32, #tpu.memory_space<vmem>>
        %dma_wait3A_86 = arith.constant 0 : i32
        %dma_wait3A_87 = arith.constant 0 : i32
        %dma_wait3A_88 = tpu.memref_slice %arg11[%dma_wait3A_86, %dma_wait3A_87] : memref<10240x64xf32, #tpu.memory_space<vmem_shared>> -> memref<10240x64xf32, #tpu.memory_space<vmem_shared>>
        tpu.wait_indirect_dma semaphore(%run_scoped3A_76 : memref<!tpu.dma_semaphore, #tpu.memory_space<semaphore_mem>>) src(%arg9 : memref<512x64xf32, #tpu.memory_space<vmem>>) dst(%dma_wait3A_88 : memref<10240x64xf32, #tpu.memory_space<vmem_shared>>)
        tpu.yield
      }) : () -> ()
    }
    %scan3A_26 = arith.constant 10 : i32
    %barrier3A_27 = arith.constant 0 : index
    tpu.barrier barrier_id(%barrier3A_27)
    %mul3A_28 = arith.constant 640 : i32
    %mul3A_29 = arith.muli %arg1, %mul3A_28 : i32
    %mul3A_30 = arith.constant 640 : i32
    %mul3A_31 = arith.muli %arg1, %mul3A_30 : i32
    %run_scoped3A_32 = arith.constant 1 : i32
    "tpu.region"() ({
      %run_scoped3A_52 = tpu.sem_alloc : memref<!tpu.dma_semaphore, #tpu.memory_space<semaphore_mem>>
      %dma_start3A = arith.constant 0 : i32
      %dma_start3A_53 = tpu.memref_slice %arg6[%run_scoped3A_32, %arg0, %mul3A_31, %dma_start3A] : memref<3x2x10240x64xf32, #tpu.memory_space<hbm>> -> memref<1x1x640x64xf32, #tpu.memory_space<hbm>>
      %dma_start3A_54 = tpu.memref_squeeze %dma_start3A_53 : memref<1x1x640x64xf32, #tpu.memory_space<hbm>> -> memref<640x64xf32, #tpu.memory_space<hbm>>
      %dma_start3A_55 = arith.constant 0 : i32
      %dma_start3A_56 = tpu.memref_slice %arg11[%mul3A_29, %dma_start3A_55] : memref<10240x64xf32, #tpu.memory_space<vmem_shared>> -> memref<640x64xf32, #tpu.memory_space<vmem_shared>>
      tpu.enqueue_dma source(%dma_start3A_56 : memref<640x64xf32, #tpu.memory_space<vmem_shared>>) target(%dma_start3A_54 : memref<640x64xf32, #tpu.memory_space<hbm>>) target_semaphore(%run_scoped3A_52 : memref<!tpu.dma_semaphore, #tpu.memory_space<semaphore_mem>>)
      %dma_wait3A = arith.constant 0 : i32
      %dma_wait3A_57 = tpu.memref_slice %arg6[%run_scoped3A_32, %arg0, %mul3A_31, %dma_wait3A] : memref<3x2x10240x64xf32, #tpu.memory_space<hbm>> -> memref<1x1x640x64xf32, #tpu.memory_space<hbm>>
      %dma_wait3A_58 = tpu.memref_squeeze %dma_wait3A_57 : memref<1x1x640x64xf32, #tpu.memory_space<hbm>> -> memref<640x64xf32, #tpu.memory_space<hbm>>
      %dma_wait3A_59 = arith.constant 0 : i32
      %dma_wait3A_60 = tpu.memref_slice %arg11[%mul3A_29, %dma_wait3A_59] : memref<10240x64xf32, #tpu.memory_space<vmem_shared>> -> memref<640x64xf32, #tpu.memory_space<vmem_shared>>
      tpu.wait_dma2 semaphore(%run_scoped3A_52 : memref<!tpu.dma_semaphore, #tpu.memory_space<semaphore_mem>>) src(%dma_wait3A_60 : memref<640x64xf32, #tpu.memory_space<vmem_shared>>) dst(%dma_wait3A_58 : memref<640x64xf32, #tpu.memory_space<hbm>>)
      tpu.yield
    }) : () -> ()
    %barrier3A_33 = arith.constant 0 : index
    tpu.barrier barrier_id(%barrier3A_33)
    %mul3A_34 = arith.constant 640 : i32
    %mul3A_35 = arith.muli %arg1, %mul3A_34 : i32
    %mul3A_36 = arith.constant 640 : i32
    %mul3A_37 = arith.muli %arg1, %mul3A_36 : i32
    "tpu.region"() ({
      %run_scoped3A_52 = tpu.sem_alloc : memref<!tpu.dma_semaphore, #tpu.memory_space<semaphore_mem>>
      %dma_start3A = arith.constant 0 : i32
      %dma_start3A_53 = tpu.memref_slice %arg11[%mul3A_37, %dma_start3A] : memref<10240x64xf32, #tpu.memory_space<vmem_shared>> -> memref<640x64xf32, #tpu.memory_space<vmem_shared>>
      %dma_start3A_54 = arith.constant 0 : i32
      %dma_start3A_55 = tpu.memref_slice %arg5[%mul3A_35, %dma_start3A_54] : memref<10240x64xf32, #tpu.memory_space<hbm>> -> memref<640x64xf32, #tpu.memory_space<hbm>>
      tpu.enqueue_dma source(%dma_start3A_55 : memref<640x64xf32, #tpu.memory_space<hbm>>) target(%dma_start3A_53 : memref<640x64xf32, #tpu.memory_space<vmem_shared>>) target_semaphore(%run_scoped3A_52 : memref<!tpu.dma_semaphore, #tpu.memory_space<semaphore_mem>>)
      %dma_wait3A = arith.constant 0 : i32
      %dma_wait3A_56 = tpu.memref_slice %arg11[%mul3A_37, %dma_wait3A] : memref<10240x64xf32, #tpu.memory_space<vmem_shared>> -> memref<640x64xf32, #tpu.memory_space<vmem_shared>>
      %dma_wait3A_57 = arith.constant 0 : i32
      %dma_wait3A_58 = tpu.memref_slice %arg5[%mul3A_35, %dma_wait3A_57] : memref<10240x64xf32, #tpu.memory_space<hbm>> -> memref<640x64xf32, #tpu.memory_space<hbm>>
      tpu.wait_dma2 semaphore(%run_scoped3A_52 : memref<!tpu.dma_semaphore, #tpu.memory_space<semaphore_mem>>) src(%dma_wait3A_58 : memref<640x64xf32, #tpu.memory_space<hbm>>) dst(%dma_wait3A_56 : memref<640x64xf32, #tpu.memory_space<vmem_shared>>)
      tpu.yield
    }) : () -> ()
    %barrier3A_38 = arith.constant 0 : index
    tpu.barrier barrier_id(%barrier3A_38)
    %scan3A_39 = arith.constant 0 : i32
    %scan3A_40 = arith.constant 0 : i32
    %scan3A_41 = arith.constant 10 : i32
    %scan3A_42 = arith.addi %scan3A_40, %scan3A_41 : i32
    %scan3A_43 = arith.constant 1 : i32
    scf.for %scan3A_52 = %scan3A_40 to %scan3A_42 step %scan3A_43  : i32 {
      %dma_start3A = arith.constant 2 : i32
      %dma_start3A_53 = arith.constant 2 : i32
      %dma_start3A_54 = arith.constant 0 : i32
      %dma_start3A_55 = tpu.memref_slice %arg7[%dma_start3A_53, %scan3A_52, %dma_start3A_54] : memref<3x10x512xi32, #tpu.memory_space<vmem>> -> memref<1x1x512xi32, #tpu.memory_space<vmem>>
      %dma_start3A_56 = tpu.memref_squeeze %dma_start3A_55 : memref<1x1x512xi32, #tpu.memory_space<vmem>> -> memref<512xi32, #tpu.memory_space<vmem>>
      %dma_start3A_57 = arith.constant 0 : i32
      %dma_start3A_58 = arith.constant 0 : i32
      %dma_start3A_59 = tpu.memref_slice %arg2[%dma_start3A, %dma_start3A_57, %dma_start3A_58] : memref<3x10000x64xf32, #tpu.memory_space<hbm>> -> memref<1x10000x64xf32, #tpu.memory_space<hbm>>
      %dma_start3A_60 = tpu.memref_squeeze %dma_start3A_59 : memref<1x10000x64xf32, #tpu.memory_space<hbm>> -> memref<10000x64xf32, #tpu.memory_space<hbm>>
      %dma_start3A_61 = arith.constant 0 : i32
      %dma_start3A_62 = arith.constant 0 : i32
      %dma_start3A_63 = tpu.memref_slice %dma_start3A_60[%dma_start3A_61, %dma_start3A_62] : memref<10000x64xf32, #tpu.memory_space<hbm>> -> memref<10000x64xf32, #tpu.memory_space<hbm>>
      tpu.enqueue_indirect_dma source(%dma_start3A_63 : memref<10000x64xf32, #tpu.memory_space<hbm>>) target(%arg9 : memref<512x64xf32, #tpu.memory_space<vmem>>) offsets(%dma_start3A_56 : memref<512xi32, #tpu.memory_space<vmem>>) semaphore(%arg10 : memref<!tpu.dma_semaphore, #tpu.memory_space<semaphore_mem>>)
      %dma_wait3A = arith.constant 2 : i32
      %dma_wait3A_64 = arith.constant 2 : i32
      %dma_wait3A_65 = arith.constant 0 : i32
      %dma_wait3A_66 = tpu.memref_slice %arg7[%dma_wait3A_64, %scan3A_52, %dma_wait3A_65] : memref<3x10x512xi32, #tpu.memory_space<vmem>> -> memref<1x1x512xi32, #tpu.memory_space<vmem>>
      %dma_wait3A_67 = tpu.memref_squeeze %dma_wait3A_66 : memref<1x1x512xi32, #tpu.memory_space<vmem>> -> memref<512xi32, #tpu.memory_space<vmem>>
      %dma_wait3A_68 = arith.constant 0 : i32
      %dma_wait3A_69 = arith.constant 0 : i32
      %dma_wait3A_70 = tpu.memref_slice %arg2[%dma_wait3A, %dma_wait3A_68, %dma_wait3A_69] : memref<3x10000x64xf32, #tpu.memory_space<hbm>> -> memref<1x10000x64xf32, #tpu.memory_space<hbm>>
      %dma_wait3A_71 = tpu.memref_squeeze %dma_wait3A_70 : memref<1x10000x64xf32, #tpu.memory_space<hbm>> -> memref<10000x64xf32, #tpu.memory_space<hbm>>
      %dma_wait3A_72 = arith.constant 0 : i32
      %dma_wait3A_73 = arith.constant 0 : i32
      %dma_wait3A_74 = tpu.memref_slice %dma_wait3A_71[%dma_wait3A_72, %dma_wait3A_73] : memref<10000x64xf32, #tpu.memory_space<hbm>> -> memref<10000x64xf32, #tpu.memory_space<hbm>>
      tpu.wait_indirect_dma semaphore(%arg10 : memref<!tpu.dma_semaphore, #tpu.memory_space<semaphore_mem>>) src(%dma_wait3A_74 : memref<10000x64xf32, #tpu.memory_space<hbm>>) dst(%arg9 : memref<512x64xf32, #tpu.memory_space<vmem>>)
      %run_scoped3A_75 = arith.constant 2 : i32
      "tpu.region"() ({
        %run_scoped3A_76 = tpu.sem_alloc : memref<!tpu.dma_semaphore, #tpu.memory_space<semaphore_mem>>
        %dma_start3A_77 = arith.constant 0 : i32
        %dma_start3A_78 = tpu.memref_slice %arg8[%run_scoped3A_75, %scan3A_52, %dma_start3A_77] : memref<3x10x512xi32, #tpu.memory_space<vmem>> -> memref<1x1x512xi32, #tpu.memory_space<vmem>>
        %dma_start3A_79 = tpu.memref_squeeze %dma_start3A_78 : memref<1x1x512xi32, #tpu.memory_space<vmem>> -> memref<512xi32, #tpu.memory_space<vmem>>
        %dma_start3A_80 = arith.constant 0 : i32
        %dma_start3A_81 = arith.constant 0 : i32
        %dma_start3A_82 = tpu.memref_slice %arg11[%dma_start3A_80, %dma_start3A_81] : memref<10240x64xf32, #tpu.memory_space<vmem_shared>> -> memref<10240x64xf32, #tpu.memory_space<vmem_shared>>
        tpu.enqueue_indirect_dma source(%arg9 : memref<512x64xf32, #tpu.memory_space<vmem>>) target(%dma_start3A_82 : memref<10240x64xf32, #tpu.memory_space<vmem_shared>>) offsets(%dma_start3A_79 : memref<512xi32, #tpu.memory_space<vmem>>) semaphore(%run_scoped3A_76 : memref<!tpu.dma_semaphore, #tpu.memory_space<semaphore_mem>>) {add = true}
        %dma_wait3A_83 = arith.constant 0 : i32
        %dma_wait3A_84 = tpu.memref_slice %arg8[%run_scoped3A_75, %scan3A_52, %dma_wait3A_83] : memref<3x10x512xi32, #tpu.memory_space<vmem>> -> memref<1x1x512xi32, #tpu.memory_space<vmem>>
        %dma_wait3A_85 = tpu.memref_squeeze %dma_wait3A_84 : memref<1x1x512xi32, #tpu.memory_space<vmem>> -> memref<512xi32, #tpu.memory_space<vmem>>
        %dma_wait3A_86 = arith.constant 0 : i32
        %dma_wait3A_87 = arith.constant 0 : i32
        %dma_wait3A_88 = tpu.memref_slice %arg11[%dma_wait3A_86, %dma_wait3A_87] : memref<10240x64xf32, #tpu.memory_space<vmem_shared>> -> memref<10240x64xf32, #tpu.memory_space<vmem_shared>>
        tpu.wait_indirect_dma semaphore(%run_scoped3A_76 : memref<!tpu.dma_semaphore, #tpu.memory_space<semaphore_mem>>) src(%arg9 : memref<512x64xf32, #tpu.memory_space<vmem>>) dst(%dma_wait3A_88 : memref<10240x64xf32, #tpu.memory_space<vmem_shared>>)
        tpu.yield
      }) : () -> ()
    }
    %scan3A_44 = arith.constant 10 : i32
    %barrier3A_45 = arith.constant 0 : index
    tpu.barrier barrier_id(%barrier3A_45)
    %mul3A_46 = arith.constant 640 : i32
    %mul3A_47 = arith.muli %arg1, %mul3A_46 : i32
    %mul3A_48 = arith.constant 640 : i32
    %mul3A_49 = arith.muli %arg1, %mul3A_48 : i32
    %run_scoped3A_50 = arith.constant 2 : i32
    "tpu.region"() ({
      %run_scoped3A_52 = tpu.sem_alloc : memref<!tpu.dma_semaphore, #tpu.memory_space<semaphore_mem>>
      %dma_start3A = arith.constant 0 : i32
      %dma_start3A_53 = tpu.memref_slice %arg6[%run_scoped3A_50, %arg0, %mul3A_49, %dma_start3A] : memref<3x2x10240x64xf32, #tpu.memory_space<hbm>> -> memref<1x1x640x64xf32, #tpu.memory_space<hbm>>
      %dma_start3A_54 = tpu.memref_squeeze %dma_start3A_53 : memref<1x1x640x64xf32, #tpu.memory_space<hbm>> -> memref<640x64xf32, #tpu.memory_space<hbm>>
      %dma_start3A_55 = arith.constant 0 : i32
      %dma_start3A_56 = tpu.memref_slice %arg11[%mul3A_47, %dma_start3A_55] : memref<10240x64xf32, #tpu.memory_space<vmem_shared>> -> memref<640x64xf32, #tpu.memory_space<vmem_shared>>
      tpu.enqueue_dma source(%dma_start3A_56 : memref<640x64xf32, #tpu.memory_space<vmem_shared>>) target(%dma_start3A_54 : memref<640x64xf32, #tpu.memory_space<hbm>>) target_semaphore(%run_scoped3A_52 : memref<!tpu.dma_semaphore, #tpu.memory_space<semaphore_mem>>)
      %dma_wait3A = arith.constant 0 : i32
      %dma_wait3A_57 = tpu.memref_slice %arg6[%run_scoped3A_50, %arg0, %mul3A_49, %dma_wait3A] : memref<3x2x10240x64xf32, #tpu.memory_space<hbm>> -> memref<1x1x640x64xf32, #tpu.memory_space<hbm>>
      %dma_wait3A_58 = tpu.memref_squeeze %dma_wait3A_57 : memref<1x1x640x64xf32, #tpu.memory_space<hbm>> -> memref<640x64xf32, #tpu.memory_space<hbm>>
      %dma_wait3A_59 = arith.constant 0 : i32
      %dma_wait3A_60 = tpu.memref_slice %arg11[%mul3A_47, %dma_wait3A_59] : memref<10240x64xf32, #tpu.memory_space<vmem_shared>> -> memref<640x64xf32, #tpu.memory_space<vmem_shared>>
      tpu.wait_dma2 semaphore(%run_scoped3A_52 : memref<!tpu.dma_semaphore, #tpu.memory_space<semaphore_mem>>) src(%dma_wait3A_60 : memref<640x64xf32, #tpu.memory_space<vmem_shared>>) dst(%dma_wait3A_58 : memref<640x64xf32, #tpu.memory_space<hbm>>)
      tpu.yield
    }) : () -> ()
    %barrier3A_51 = arith.constant 0 : index
    tpu.barrier barrier_id(%barrier3A_51)
    return
  }
}

#map = affine_map<(d0, d1) -> (0, 0, 0)>
#map1 = affine_map<(d0, d1) -> (0, 0, 0, 0)>
#map2 = affine_map<(d0, d1) -> (0, 0)>
module attributes {stable_mosaic.version = 14 : i64} {
  func.func @segsum(%arg0: i32, %arg1: i32, %arg2: memref<3x10000x64xf32, #tpu.memory_space<hbm>>, %arg3: memref<32x3x10x512xi32, #tpu.memory_space<hbm>>, %arg4: memref<32x3x10x512xi32, #tpu.memory_space<hbm>>, %arg5: memref<10240x64xf32, #tpu.memory_space<hbm>>, %arg6: memref<3x2x10240x64xf32, #tpu.memory_space<hbm>>, %arg7: memref<3x10x512xi32, #tpu.memory_space<vmem>>, %arg8: memref<3x10x512xi32, #tpu.memory_space<vmem>>, %arg9: memref<512x64xf32, #tpu.memory_space<vmem>>, %arg10: memref<!tpu.dma_semaphore, #tpu.memory_space<semaphore_mem>>, %arg11: memref<10240x64xf32, #tpu.memory_space<vmem_shared>>) attributes {dimension_semantics = [#tpu.dimension_semantics<core_parallel>, #tpu.dimension_semantics<subcore_parallel>], iteration_bounds = array<i64: 2, 16>, scalar_prefetch = 0 : i64, scratch_operands = 5 : i64, tpu.core_type = #tpu.core_type<sc_vector_subcore>, window_params = [{transform_indices = #map}, {transform_indices = #map1}, {transform_indices = #map1}, {transform_indices = #map2}, {transform_indices = #map1}]} {
    %mul3A = arith.constant 16 : i32
    %mul3A_0 = arith.muli %arg0, %mul3A : i32
    %add3A = arith.addi %mul3A_0, %arg1 : i32
    "tpu.region"() ({
      %run_scoped3A_52 = tpu.sem_alloc : memref<!tpu.dma_semaphore, #tpu.memory_space<semaphore_mem>>
      %dma_start3A = arith.constant 0 : i32
      %dma_start3A_53 = arith.constant 0 : i32
      %dma_start3A_54 = arith.constant 0 : i32
      %dma_start3A_55 = tpu.memref_slice %arg3[%add3A, %dma_start3A, %dma_start3A_53, %dma_start3A_54] : memref<32x3x10x512xi32, #tpu.memory_space<hbm>> -> memref<1x3x10x512xi32, #tpu.memory_space<hbm>>
      %dma_start3A_56 = tpu.memref_squeeze %dma_start3A_55 : memref<1x3x10x512xi32, #tpu.memory_space<hbm>> -> memref<3x10x512xi32, #tpu.memory_space<hbm>>
      %dma_start3A_57 = arith.constant 0 : i32
      %dma_start3A_58 = arith.constant 0 : i32
      %dma_start3A_59 = arith.constant 0 : i32
      %dma_start3A_60 = tpu.memref_slice %arg3[%add3A, %dma_start3A_57, %dma_start3A_58, %dma_start3A_59] : memref<32x3x10x512xi32, #tpu.memory_space<hbm>> -> memref<1x3x10x512xi32, #tpu.memory_space<hbm>>
      %dma_start3A_61 = tpu.memref_squeeze %dma_start3A_60 : memref<1x3x10x512xi32, #tpu.memory_space<hbm>> -> memref<3x10x512xi32, #tpu.memory_space<hbm>>
      tpu.enqueue_dma source(%dma_start3A_61 : memref<3x10x512xi32, #tpu.memory_space<hbm>>) target(%arg7 : memref<3x10x512xi32, #tpu.memory_space<vmem>>) target_semaphore(%run_scoped3A_52 : memref<!tpu.dma_semaphore, #tpu.memory_space<semaphore_mem>>)
      %dma_wait3A = arith.constant 0 : i32
      %dma_wait3A_62 = arith.constant 0 : i32
      %dma_wait3A_63 = arith.constant 0 : i32
      %dma_wait3A_64 = tpu.memref_slice %arg3[%add3A, %dma_wait3A, %dma_wait3A_62, %dma_wait3A_63] : memref<32x3x10x512xi32, #tpu.memory_space<hbm>> -> memref<1x3x10x512xi32, #tpu.memory_space<hbm>>
      %dma_wait3A_65 = tpu.memref_squeeze %dma_wait3A_64 : memref<1x3x10x512xi32, #tpu.memory_space<hbm>> -> memref<3x10x512xi32, #tpu.memory_space<hbm>>
      %dma_wait3A_66 = arith.constant 0 : i32
      %dma_wait3A_67 = arith.constant 0 : i32
      %dma_wait3A_68 = arith.constant 0 : i32
      %dma_wait3A_69 = tpu.memref_slice %arg3[%add3A, %dma_wait3A_66, %dma_wait3A_67, %dma_wait3A_68] : memref<32x3x10x512xi32, #tpu.memory_space<hbm>> -> memref<1x3x10x512xi32, #tpu.memory_space<hbm>>
      %dma_wait3A_70 = tpu.memref_squeeze %dma_wait3A_69 : memref<1x3x10x512xi32, #tpu.memory_space<hbm>> -> memref<3x10x512xi32, #tpu.memory_space<hbm>>
      tpu.wait_dma2 semaphore(%run_scoped3A_52 : memref<!tpu.dma_semaphore, #tpu.memory_space<semaphore_mem>>) src(%dma_wait3A_70 : memref<3x10x512xi32, #tpu.memory_space<hbm>>) dst(%arg7 : memref<3x10x512xi32, #tpu.memory_space<vmem>>)
      tpu.yield
    }) : () -> ()
    "tpu.region"() ({
      %run_scoped3A_52 = tpu.sem_alloc : memref<!tpu.dma_semaphore, #tpu.memory_space<semaphore_mem>>
      %dma_start3A = arith.constant 0 : i32
      %dma_start3A_53 = arith.constant 0 : i32
      %dma_start3A_54 = arith.constant 0 : i32
      %dma_start3A_55 = tpu.memref_slice %arg4[%add3A, %dma_start3A, %dma_start3A_53, %dma_start3A_54] : memref<32x3x10x512xi32, #tpu.memory_space<hbm>> -> memref<1x3x10x512xi32, #tpu.memory_space<hbm>>
      %dma_start3A_56 = tpu.memref_squeeze %dma_start3A_55 : memref<1x3x10x512xi32, #tpu.memory_space<hbm>> -> memref<3x10x512xi32, #tpu.memory_space<hbm>>
      %dma_start3A_57 = arith.constant 0 : i32
      %dma_start3A_58 = arith.constant 0 : i32
      %dma_start3A_59 = arith.constant 0 : i32
      %dma_start3A_60 = tpu.memref_slice %arg4[%add3A, %dma_start3A_57, %dma_start3A_58, %dma_start3A_59] : memref<32x3x10x512xi32, #tpu.memory_space<hbm>> -> memref<1x3x10x512xi32, #tpu.memory_space<hbm>>
      %dma_start3A_61 = tpu.memref_squeeze %dma_start3A_60 : memref<1x3x10x512xi32, #tpu.memory_space<hbm>> -> memref<3x10x512xi32, #tpu.memory_space<hbm>>
      tpu.enqueue_dma source(%dma_start3A_61 : memref<3x10x512xi32, #tpu.memory_space<hbm>>) target(%arg8 : memref<3x10x512xi32, #tpu.memory_space<vmem>>) target_semaphore(%run_scoped3A_52 : memref<!tpu.dma_semaphore, #tpu.memory_space<semaphore_mem>>)
      %dma_wait3A = arith.constant 0 : i32
      %dma_wait3A_62 = arith.constant 0 : i32
      %dma_wait3A_63 = arith.constant 0 : i32
      %dma_wait3A_64 = tpu.memref_slice %arg4[%add3A, %dma_wait3A, %dma_wait3A_62, %dma_wait3A_63] : memref<32x3x10x512xi32, #tpu.memory_space<hbm>> -> memref<1x3x10x512xi32, #tpu.memory_space<hbm>>
      %dma_wait3A_65 = tpu.memref_squeeze %dma_wait3A_64 : memref<1x3x10x512xi32, #tpu.memory_space<hbm>> -> memref<3x10x512xi32, #tpu.memory_space<hbm>>
      %dma_wait3A_66 = arith.constant 0 : i32
      %dma_wait3A_67 = arith.constant 0 : i32
      %dma_wait3A_68 = arith.constant 0 : i32
      %dma_wait3A_69 = tpu.memref_slice %arg4[%add3A, %dma_wait3A_66, %dma_wait3A_67, %dma_wait3A_68] : memref<32x3x10x512xi32, #tpu.memory_space<hbm>> -> memref<1x3x10x512xi32, #tpu.memory_space<hbm>>
      %dma_wait3A_70 = tpu.memref_squeeze %dma_wait3A_69 : memref<1x3x10x512xi32, #tpu.memory_space<hbm>> -> memref<3x10x512xi32, #tpu.memory_space<hbm>>
      tpu.wait_dma2 semaphore(%run_scoped3A_52 : memref<!tpu.dma_semaphore, #tpu.memory_space<semaphore_mem>>) src(%dma_wait3A_70 : memref<3x10x512xi32, #tpu.memory_space<hbm>>) dst(%arg8 : memref<3x10x512xi32, #tpu.memory_space<vmem>>)
      tpu.yield
    }) : () -> ()
    %mul3A_1 = arith.constant 640 : i32
    %mul3A_2 = arith.muli %arg1, %mul3A_1 : i32
    %mul3A_3 = arith.constant 640 : i32
    %mul3A_4 = arith.muli %arg1, %mul3A_3 : i32
    "tpu.region"() ({
      %run_scoped3A_52 = tpu.sem_alloc : memref<!tpu.dma_semaphore, #tpu.memory_space<semaphore_mem>>
      %dma_start3A = arith.constant 0 : i32
      %dma_start3A_53 = tpu.memref_slice %arg11[%mul3A_4, %dma_start3A] : memref<10240x64xf32, #tpu.memory_space<vmem_shared>> -> memref<640x64xf32, #tpu.memory_space<vmem_shared>>
      %dma_start3A_54 = arith.constant 0 : i32
      %dma_start3A_55 = tpu.memref_slice %arg5[%mul3A_2, %dma_start3A_54] : memref<10240x64xf32, #tpu.memory_space<hbm>> -> memref<640x64xf32, #tpu.memory_space<hbm>>
      tpu.enqueue_dma source(%dma_start3A_55 : memref<640x64xf32, #tpu.memory_space<hbm>>) target(%dma_start3A_53 : memref<640x64xf32, #tpu.memory_space<vmem_shared>>) target_semaphore(%run_scoped3A_52 : memref<!tpu.dma_semaphore, #tpu.memory_space<semaphore_mem>>)
      %dma_wait3A = arith.constant 0 : i32
      %dma_wait3A_56 = tpu.memref_slice %arg11[%mul3A_4, %dma_wait3A] : memref<10240x64xf32, #tpu.memory_space<vmem_shared>> -> memref<640x64xf32, #tpu.memory_space<vmem_shared>>
      %dma_wait3A_57 = arith.constant 0 : i32
      %dma_wait3A_58 = tpu.memref_slice %arg5[%mul3A_2, %dma_wait3A_57] : memref<10240x64xf32, #tpu.memory_space<hbm>> -> memref<640x64xf32, #tpu.memory_space<hbm>>
      tpu.wait_dma2 semaphore(%run_scoped3A_52 : memref<!tpu.dma_semaphore, #tpu.memory_space<semaphore_mem>>) src(%dma_wait3A_58 : memref<640x64xf32, #tpu.memory_space<hbm>>) dst(%dma_wait3A_56 : memref<640x64xf32, #tpu.memory_space<vmem_shared>>)
      tpu.yield
    }) : () -> ()
    %barrier3A = arith.constant 0 : index
    tpu.barrier barrier_id(%barrier3A)
    %scan3A = arith.constant 0 : i32
    %scan3A_5 = arith.constant 0 : i32
    %scan3A_6 = arith.constant 10 : i32
    %scan3A_7 = arith.addi %scan3A_5, %scan3A_6 : i32
    %scan3A_8 = arith.constant 1 : i32
    scf.for %scan3A_52 = %scan3A_5 to %scan3A_7 step %scan3A_8  : i32 {
      %dma_start3A = arith.constant 0 : i32
      %dma_start3A_53 = arith.constant 0 : i32
      %dma_start3A_54 = arith.constant 0 : i32
      %dma_start3A_55 = tpu.memref_slice %arg7[%dma_start3A_53, %scan3A_52, %dma_start3A_54] : memref<3x10x512xi32, #tpu.memory_space<vmem>> -> memref<1x1x512xi32, #tpu.memory_space<vmem>>
      %dma_start3A_56 = tpu.memref_squeeze %dma_start3A_55 : memref<1x1x512xi32, #tpu.memory_space<vmem>> -> memref<512xi32, #tpu.memory_space<vmem>>
      %dma_start3A_57 = arith.constant 0 : i32
      %dma_start3A_58 = arith.constant 0 : i32
      %dma_start3A_59 = tpu.memref_slice %arg2[%dma_start3A, %dma_start3A_57, %dma_start3A_58] : memref<3x10000x64xf32, #tpu.memory_space<hbm>> -> memref<1x10000x64xf32, #tpu.memory_space<hbm>>
      %dma_start3A_60 = tpu.memref_squeeze %dma_start3A_59 : memref<1x10000x64xf32, #tpu.memory_space<hbm>> -> memref<10000x64xf32, #tpu.memory_space<hbm>>
      %dma_start3A_61 = arith.constant 0 : i32
      %dma_start3A_62 = arith.constant 0 : i32
      %dma_start3A_63 = tpu.memref_slice %dma_start3A_60[%dma_start3A_61, %dma_start3A_62] : memref<10000x64xf32, #tpu.memory_space<hbm>> -> memref<10000x64xf32, #tpu.memory_space<hbm>>
      tpu.enqueue_indirect_dma source(%dma_start3A_63 : memref<10000x64xf32, #tpu.memory_space<hbm>>) target(%arg9 : memref<512x64xf32, #tpu.memory_space<vmem>>) offsets(%dma_start3A_56 : memref<512xi32, #tpu.memory_space<vmem>>) semaphore(%arg10 : memref<!tpu.dma_semaphore, #tpu.memory_space<semaphore_mem>>)
      %dma_wait3A = arith.constant 0 : i32
      %dma_wait3A_64 = arith.constant 0 : i32
      %dma_wait3A_65 = arith.constant 0 : i32
      %dma_wait3A_66 = tpu.memref_slice %arg7[%dma_wait3A_64, %scan3A_52, %dma_wait3A_65] : memref<3x10x512xi32, #tpu.memory_space<vmem>> -> memref<1x1x512xi32, #tpu.memory_space<vmem>>
      %dma_wait3A_67 = tpu.memref_squeeze %dma_wait3A_66 : memref<1x1x512xi32, #tpu.memory_space<vmem>> -> memref<512xi32, #tpu.memory_space<vmem>>
      %dma_wait3A_68 = arith.constant 0 : i32
      %dma_wait3A_69 = arith.constant 0 : i32
      %dma_wait3A_70 = tpu.memref_slice %arg2[%dma_wait3A, %dma_wait3A_68, %dma_wait3A_69] : memref<3x10000x64xf32, #tpu.memory_space<hbm>> -> memref<1x10000x64xf32, #tpu.memory_space<hbm>>
      %dma_wait3A_71 = tpu.memref_squeeze %dma_wait3A_70 : memref<1x10000x64xf32, #tpu.memory_space<hbm>> -> memref<10000x64xf32, #tpu.memory_space<hbm>>
      %dma_wait3A_72 = arith.constant 0 : i32
      %dma_wait3A_73 = arith.constant 0 : i32
      %dma_wait3A_74 = tpu.memref_slice %dma_wait3A_71[%dma_wait3A_72, %dma_wait3A_73] : memref<10000x64xf32, #tpu.memory_space<hbm>> -> memref<10000x64xf32, #tpu.memory_space<hbm>>
      tpu.wait_indirect_dma semaphore(%arg10 : memref<!tpu.dma_semaphore, #tpu.memory_space<semaphore_mem>>) src(%dma_wait3A_74 : memref<10000x64xf32, #tpu.memory_space<hbm>>) dst(%arg9 : memref<512x64xf32, #tpu.memory_space<vmem>>)
      %run_scoped3A_75 = arith.constant 0 : i32
      "tpu.region"() ({
        %run_scoped3A_76 = tpu.sem_alloc : memref<!tpu.dma_semaphore, #tpu.memory_space<semaphore_mem>>
        %dma_start3A_77 = arith.constant 0 : i32
        %dma_start3A_78 = tpu.memref_slice %arg8[%run_scoped3A_75, %scan3A_52, %dma_start3A_77] : memref<3x10x512xi32, #tpu.memory_space<vmem>> -> memref<1x1x512xi32, #tpu.memory_space<vmem>>
        %dma_start3A_79 = tpu.memref_squeeze %dma_start3A_78 : memref<1x1x512xi32, #tpu.memory_space<vmem>> -> memref<512xi32, #tpu.memory_space<vmem>>
        %dma_start3A_80 = arith.constant 0 : i32
        %dma_start3A_81 = arith.constant 0 : i32
        %dma_start3A_82 = tpu.memref_slice %arg11[%dma_start3A_80, %dma_start3A_81] : memref<10240x64xf32, #tpu.memory_space<vmem_shared>> -> memref<10240x64xf32, #tpu.memory_space<vmem_shared>>
        tpu.enqueue_indirect_dma source(%arg9 : memref<512x64xf32, #tpu.memory_space<vmem>>) target(%dma_start3A_82 : memref<10240x64xf32, #tpu.memory_space<vmem_shared>>) offsets(%dma_start3A_79 : memref<512xi32, #tpu.memory_space<vmem>>) semaphore(%run_scoped3A_76 : memref<!tpu.dma_semaphore, #tpu.memory_space<semaphore_mem>>) {add = true}
        %dma_wait3A_83 = arith.constant 0 : i32
        %dma_wait3A_84 = tpu.memref_slice %arg8[%run_scoped3A_75, %scan3A_52, %dma_wait3A_83] : memref<3x10x512xi32, #tpu.memory_space<vmem>> -> memref<1x1x512xi32, #tpu.memory_space<vmem>>
        %dma_wait3A_85 = tpu.memref_squeeze %dma_wait3A_84 : memref<1x1x512xi32, #tpu.memory_space<vmem>> -> memref<512xi32, #tpu.memory_space<vmem>>
        %dma_wait3A_86 = arith.constant 0 : i32
        %dma_wait3A_87 = arith.constant 0 : i32
        %dma_wait3A_88 = tpu.memref_slice %arg11[%dma_wait3A_86, %dma_wait3A_87] : memref<10240x64xf32, #tpu.memory_space<vmem_shared>> -> memref<10240x64xf32, #tpu.memory_space<vmem_shared>>
        tpu.wait_indirect_dma semaphore(%run_scoped3A_76 : memref<!tpu.dma_semaphore, #tpu.memory_space<semaphore_mem>>) src(%arg9 : memref<512x64xf32, #tpu.memory_space<vmem>>) dst(%dma_wait3A_88 : memref<10240x64xf32, #tpu.memory_space<vmem_shared>>)
        tpu.yield
      }) : () -> ()
    }
    %scan3A_9 = arith.constant 10 : i32
    %barrier3A_10 = arith.constant 0 : index
    tpu.barrier barrier_id(%barrier3A_10)
    %mul3A_11 = arith.constant 640 : i32
    %mul3A_12 = arith.muli %arg1, %mul3A_11 : i32
    %mul3A_13 = arith.constant 640 : i32
    %mul3A_14 = arith.muli %arg1, %mul3A_13 : i32
    %run_scoped3A = arith.constant 0 : i32
    "tpu.region"() ({
      %run_scoped3A_52 = tpu.sem_alloc : memref<!tpu.dma_semaphore, #tpu.memory_space<semaphore_mem>>
      %dma_start3A = arith.constant 0 : i32
      %dma_start3A_53 = tpu.memref_slice %arg6[%run_scoped3A, %arg0, %mul3A_14, %dma_start3A] : memref<3x2x10240x64xf32, #tpu.memory_space<hbm>> -> memref<1x1x640x64xf32, #tpu.memory_space<hbm>>
      %dma_start3A_54 = tpu.memref_squeeze %dma_start3A_53 : memref<1x1x640x64xf32, #tpu.memory_space<hbm>> -> memref<640x64xf32, #tpu.memory_space<hbm>>
      %dma_start3A_55 = arith.constant 0 : i32
      %dma_start3A_56 = tpu.memref_slice %arg11[%mul3A_12, %dma_start3A_55] : memref<10240x64xf32, #tpu.memory_space<vmem_shared>> -> memref<640x64xf32, #tpu.memory_space<vmem_shared>>
      tpu.enqueue_dma source(%dma_start3A_56 : memref<640x64xf32, #tpu.memory_space<vmem_shared>>) target(%dma_start3A_54 : memref<640x64xf32, #tpu.memory_space<hbm>>) target_semaphore(%run_scoped3A_52 : memref<!tpu.dma_semaphore, #tpu.memory_space<semaphore_mem>>)
      %dma_wait3A = arith.constant 0 : i32
      %dma_wait3A_57 = tpu.memref_slice %arg6[%run_scoped3A, %arg0, %mul3A_14, %dma_wait3A] : memref<3x2x10240x64xf32, #tpu.memory_space<hbm>> -> memref<1x1x640x64xf32, #tpu.memory_space<hbm>>
      %dma_wait3A_58 = tpu.memref_squeeze %dma_wait3A_57 : memref<1x1x640x64xf32, #tpu.memory_space<hbm>> -> memref<640x64xf32, #tpu.memory_space<hbm>>
      %dma_wait3A_59 = arith.constant 0 : i32
      %dma_wait3A_60 = tpu.memref_slice %arg11[%mul3A_12, %dma_wait3A_59] : memref<10240x64xf32, #tpu.memory_space<vmem_shared>> -> memref<640x64xf32, #tpu.memory_space<vmem_shared>>
      tpu.wait_dma2 semaphore(%run_scoped3A_52 : memref<!tpu.dma_semaphore, #tpu.memory_space<semaphore_mem>>) src(%dma_wait3A_60 : memref<640x64xf32, #tpu.memory_space<vmem_shared>>) dst(%dma_wait3A_58 : memref<640x64xf32, #tpu.memory_space<hbm>>)
      tpu.yield
    }) : () -> ()
    %barrier3A_15 = arith.constant 0 : index
    tpu.barrier barrier_id(%barrier3A_15)
    %mul3A_16 = arith.constant 640 : i32
    %mul3A_17 = arith.muli %arg1, %mul3A_16 : i32
    %mul3A_18 = arith.constant 640 : i32
    %mul3A_19 = arith.muli %arg1, %mul3A_18 : i32
    "tpu.region"() ({
      %run_scoped3A_52 = tpu.sem_alloc : memref<!tpu.dma_semaphore, #tpu.memory_space<semaphore_mem>>
      %dma_start3A = arith.constant 0 : i32
      %dma_start3A_53 = tpu.memref_slice %arg11[%mul3A_19, %dma_start3A] : memref<10240x64xf32, #tpu.memory_space<vmem_shared>> -> memref<640x64xf32, #tpu.memory_space<vmem_shared>>
      %dma_start3A_54 = arith.constant 0 : i32
      %dma_start3A_55 = tpu.memref_slice %arg5[%mul3A_17, %dma_start3A_54] : memref<10240x64xf32, #tpu.memory_space<hbm>> -> memref<640x64xf32, #tpu.memory_space<hbm>>
      tpu.enqueue_dma source(%dma_start3A_55 : memref<640x64xf32, #tpu.memory_space<hbm>>) target(%dma_start3A_53 : memref<640x64xf32, #tpu.memory_space<vmem_shared>>) target_semaphore(%run_scoped3A_52 : memref<!tpu.dma_semaphore, #tpu.memory_space<semaphore_mem>>)
      %dma_wait3A = arith.constant 0 : i32
      %dma_wait3A_56 = tpu.memref_slice %arg11[%mul3A_19, %dma_wait3A] : memref<10240x64xf32, #tpu.memory_space<vmem_shared>> -> memref<640x64xf32, #tpu.memory_space<vmem_shared>>
      %dma_wait3A_57 = arith.constant 0 : i32
      %dma_wait3A_58 = tpu.memref_slice %arg5[%mul3A_17, %dma_wait3A_57] : memref<10240x64xf32, #tpu.memory_space<hbm>> -> memref<640x64xf32, #tpu.memory_space<hbm>>
      tpu.wait_dma2 semaphore(%run_scoped3A_52 : memref<!tpu.dma_semaphore, #tpu.memory_space<semaphore_mem>>) src(%dma_wait3A_58 : memref<640x64xf32, #tpu.memory_space<hbm>>) dst(%dma_wait3A_56 : memref<640x64xf32, #tpu.memory_space<vmem_shared>>)
      tpu.yield
    }) : () -> ()
    %barrier3A_20 = arith.constant 0 : index
    tpu.barrier barrier_id(%barrier3A_20)
    %scan3A_21 = arith.constant 0 : i32
    %scan3A_22 = arith.constant 0 : i32
    %scan3A_23 = arith.constant 10 : i32
    %scan3A_24 = arith.addi %scan3A_22, %scan3A_23 : i32
    %scan3A_25 = arith.constant 1 : i32
    scf.for %scan3A_52 = %scan3A_22 to %scan3A_24 step %scan3A_25  : i32 {
      %dma_start3A = arith.constant 1 : i32
      %dma_start3A_53 = arith.constant 1 : i32
      %dma_start3A_54 = arith.constant 0 : i32
      %dma_start3A_55 = tpu.memref_slice %arg7[%dma_start3A_53, %scan3A_52, %dma_start3A_54] : memref<3x10x512xi32, #tpu.memory_space<vmem>> -> memref<1x1x512xi32, #tpu.memory_space<vmem>>
      %dma_start3A_56 = tpu.memref_squeeze %dma_start3A_55 : memref<1x1x512xi32, #tpu.memory_space<vmem>> -> memref<512xi32, #tpu.memory_space<vmem>>
      %dma_start3A_57 = arith.constant 0 : i32
      %dma_start3A_58 = arith.constant 0 : i32
      %dma_start3A_59 = tpu.memref_slice %arg2[%dma_start3A, %dma_start3A_57, %dma_start3A_58] : memref<3x10000x64xf32, #tpu.memory_space<hbm>> -> memref<1x10000x64xf32, #tpu.memory_space<hbm>>
      %dma_start3A_60 = tpu.memref_squeeze %dma_start3A_59 : memref<1x10000x64xf32, #tpu.memory_space<hbm>> -> memref<10000x64xf32, #tpu.memory_space<hbm>>
      %dma_start3A_61 = arith.constant 0 : i32
      %dma_start3A_62 = arith.constant 0 : i32
      %dma_start3A_63 = tpu.memref_slice %dma_start3A_60[%dma_start3A_61, %dma_start3A_62] : memref<10000x64xf32, #tpu.memory_space<hbm>> -> memref<10000x64xf32, #tpu.memory_space<hbm>>
      tpu.enqueue_indirect_dma source(%dma_start3A_63 : memref<10000x64xf32, #tpu.memory_space<hbm>>) target(%arg9 : memref<512x64xf32, #tpu.memory_space<vmem>>) offsets(%dma_start3A_56 : memref<512xi32, #tpu.memory_space<vmem>>) semaphore(%arg10 : memref<!tpu.dma_semaphore, #tpu.memory_space<semaphore_mem>>)
      %dma_wait3A = arith.constant 1 : i32
      %dma_wait3A_64 = arith.constant 1 : i32
      %dma_wait3A_65 = arith.constant 0 : i32
      %dma_wait3A_66 = tpu.memref_slice %arg7[%dma_wait3A_64, %scan3A_52, %dma_wait3A_65] : memref<3x10x512xi32, #tpu.memory_space<vmem>> -> memref<1x1x512xi32, #tpu.memory_space<vmem>>
      %dma_wait3A_67 = tpu.memref_squeeze %dma_wait3A_66 : memref<1x1x512xi32, #tpu.memory_space<vmem>> -> memref<512xi32, #tpu.memory_space<vmem>>
      %dma_wait3A_68 = arith.constant 0 : i32
      %dma_wait3A_69 = arith.constant 0 : i32
      %dma_wait3A_70 = tpu.memref_slice %arg2[%dma_wait3A, %dma_wait3A_68, %dma_wait3A_69] : memref<3x10000x64xf32, #tpu.memory_space<hbm>> -> memref<1x10000x64xf32, #tpu.memory_space<hbm>>
      %dma_wait3A_71 = tpu.memref_squeeze %dma_wait3A_70 : memref<1x10000x64xf32, #tpu.memory_space<hbm>> -> memref<10000x64xf32, #tpu.memory_space<hbm>>
      %dma_wait3A_72 = arith.constant 0 : i32
      %dma_wait3A_73 = arith.constant 0 : i32
      %dma_wait3A_74 = tpu.memref_slice %dma_wait3A_71[%dma_wait3A_72, %dma_wait3A_73] : memref<10000x64xf32, #tpu.memory_space<hbm>> -> memref<10000x64xf32, #tpu.memory_space<hbm>>
      tpu.wait_indirect_dma semaphore(%arg10 : memref<!tpu.dma_semaphore, #tpu.memory_space<semaphore_mem>>) src(%dma_wait3A_74 : memref<10000x64xf32, #tpu.memory_space<hbm>>) dst(%arg9 : memref<512x64xf32, #tpu.memory_space<vmem>>)
      %run_scoped3A_75 = arith.constant 1 : i32
      "tpu.region"() ({
        %run_scoped3A_76 = tpu.sem_alloc : memref<!tpu.dma_semaphore, #tpu.memory_space<semaphore_mem>>
        %dma_start3A_77 = arith.constant 0 : i32
        %dma_start3A_78 = tpu.memref_slice %arg8[%run_scoped3A_75, %scan3A_52, %dma_start3A_77] : memref<3x10x512xi32, #tpu.memory_space<vmem>> -> memref<1x1x512xi32, #tpu.memory_space<vmem>>
        %dma_start3A_79 = tpu.memref_squeeze %dma_start3A_78 : memref<1x1x512xi32, #tpu.memory_space<vmem>> -> memref<512xi32, #tpu.memory_space<vmem>>
        %dma_start3A_80 = arith.constant 0 : i32
        %dma_start3A_81 = arith.constant 0 : i32
        %dma_start3A_82 = tpu.memref_slice %arg11[%dma_start3A_80, %dma_start3A_81] : memref<10240x64xf32, #tpu.memory_space<vmem_shared>> -> memref<10240x64xf32, #tpu.memory_space<vmem_shared>>
        tpu.enqueue_indirect_dma source(%arg9 : memref<512x64xf32, #tpu.memory_space<vmem>>) target(%dma_start3A_82 : memref<10240x64xf32, #tpu.memory_space<vmem_shared>>) offsets(%dma_start3A_79 : memref<512xi32, #tpu.memory_space<vmem>>) semaphore(%run_scoped3A_76 : memref<!tpu.dma_semaphore, #tpu.memory_space<semaphore_mem>>) {add = true}
        %dma_wait3A_83 = arith.constant 0 : i32
        %dma_wait3A_84 = tpu.memref_slice %arg8[%run_scoped3A_75, %scan3A_52, %dma_wait3A_83] : memref<3x10x512xi32, #tpu.memory_space<vmem>> -> memref<1x1x512xi32, #tpu.memory_space<vmem>>
        %dma_wait3A_85 = tpu.memref_squeeze %dma_wait3A_84 : memref<1x1x512xi32, #tpu.memory_space<vmem>> -> memref<512xi32, #tpu.memory_space<vmem>>
        %dma_wait3A_86 = arith.constant 0 : i32
        %dma_wait3A_87 = arith.constant 0 : i32
        %dma_wait3A_88 = tpu.memref_slice %arg11[%dma_wait3A_86, %dma_wait3A_87] : memref<10240x64xf32, #tpu.memory_space<vmem_shared>> -> memref<10240x64xf32, #tpu.memory_space<vmem_shared>>
        tpu.wait_indirect_dma semaphore(%run_scoped3A_76 : memref<!tpu.dma_semaphore, #tpu.memory_space<semaphore_mem>>) src(%arg9 : memref<512x64xf32, #tpu.memory_space<vmem>>) dst(%dma_wait3A_88 : memref<10240x64xf32, #tpu.memory_space<vmem_shared>>)
        tpu.yield
      }) : () -> ()
    }
    %scan3A_26 = arith.constant 10 : i32
    %barrier3A_27 = arith.constant 0 : index
    tpu.barrier barrier_id(%barrier3A_27)
    %mul3A_28 = arith.constant 640 : i32
    %mul3A_29 = arith.muli %arg1, %mul3A_28 : i32
    %mul3A_30 = arith.constant 640 : i32
    %mul3A_31 = arith.muli %arg1, %mul3A_30 : i32
    %run_scoped3A_32 = arith.constant 1 : i32
    "tpu.region"() ({
      %run_scoped3A_52 = tpu.sem_alloc : memref<!tpu.dma_semaphore, #tpu.memory_space<semaphore_mem>>
      %dma_start3A = arith.constant 0 : i32
      %dma_start3A_53 = tpu.memref_slice %arg6[%run_scoped3A_32, %arg0, %mul3A_31, %dma_start3A] : memref<3x2x10240x64xf32, #tpu.memory_space<hbm>> -> memref<1x1x640x64xf32, #tpu.memory_space<hbm>>
      %dma_start3A_54 = tpu.memref_squeeze %dma_start3A_53 : memref<1x1x640x64xf32, #tpu.memory_space<hbm>> -> memref<640x64xf32, #tpu.memory_space<hbm>>
      %dma_start3A_55 = arith.constant 0 : i32
      %dma_start3A_56 = tpu.memref_slice %arg11[%mul3A_29, %dma_start3A_55] : memref<10240x64xf32, #tpu.memory_space<vmem_shared>> -> memref<640x64xf32, #tpu.memory_space<vmem_shared>>
      tpu.enqueue_dma source(%dma_start3A_56 : memref<640x64xf32, #tpu.memory_space<vmem_shared>>) target(%dma_start3A_54 : memref<640x64xf32, #tpu.memory_space<hbm>>) target_semaphore(%run_scoped3A_52 : memref<!tpu.dma_semaphore, #tpu.memory_space<semaphore_mem>>)
      %dma_wait3A = arith.constant 0 : i32
      %dma_wait3A_57 = tpu.memref_slice %arg6[%run_scoped3A_32, %arg0, %mul3A_31, %dma_wait3A] : memref<3x2x10240x64xf32, #tpu.memory_space<hbm>> -> memref<1x1x640x64xf32, #tpu.memory_space<hbm>>
      %dma_wait3A_58 = tpu.memref_squeeze %dma_wait3A_57 : memref<1x1x640x64xf32, #tpu.memory_space<hbm>> -> memref<640x64xf32, #tpu.memory_space<hbm>>
      %dma_wait3A_59 = arith.constant 0 : i32
      %dma_wait3A_60 = tpu.memref_slice %arg11[%mul3A_29, %dma_wait3A_59] : memref<10240x64xf32, #tpu.memory_space<vmem_shared>> -> memref<640x64xf32, #tpu.memory_space<vmem_shared>>
      tpu.wait_dma2 semaphore(%run_scoped3A_52 : memref<!tpu.dma_semaphore, #tpu.memory_space<semaphore_mem>>) src(%dma_wait3A_60 : memref<640x64xf32, #tpu.memory_space<vmem_shared>>) dst(%dma_wait3A_58 : memref<640x64xf32, #tpu.memory_space<hbm>>)
      tpu.yield
    }) : () -> ()
    %barrier3A_33 = arith.constant 0 : index
    tpu.barrier barrier_id(%barrier3A_33)
    %mul3A_34 = arith.constant 640 : i32
    %mul3A_35 = arith.muli %arg1, %mul3A_34 : i32
    %mul3A_36 = arith.constant 640 : i32
    %mul3A_37 = arith.muli %arg1, %mul3A_36 : i32
    "tpu.region"() ({
      %run_scoped3A_52 = tpu.sem_alloc : memref<!tpu.dma_semaphore, #tpu.memory_space<semaphore_mem>>
      %dma_start3A = arith.constant 0 : i32
      %dma_start3A_53 = tpu.memref_slice %arg11[%mul3A_37, %dma_start3A] : memref<10240x64xf32, #tpu.memory_space<vmem_shared>> -> memref<640x64xf32, #tpu.memory_space<vmem_shared>>
      %dma_start3A_54 = arith.constant 0 : i32
      %dma_start3A_55 = tpu.memref_slice %arg5[%mul3A_35, %dma_start3A_54] : memref<10240x64xf32, #tpu.memory_space<hbm>> -> memref<640x64xf32, #tpu.memory_space<hbm>>
      tpu.enqueue_dma source(%dma_start3A_55 : memref<640x64xf32, #tpu.memory_space<hbm>>) target(%dma_start3A_53 : memref<640x64xf32, #tpu.memory_space<vmem_shared>>) target_semaphore(%run_scoped3A_52 : memref<!tpu.dma_semaphore, #tpu.memory_space<semaphore_mem>>)
      %dma_wait3A = arith.constant 0 : i32
      %dma_wait3A_56 = tpu.memref_slice %arg11[%mul3A_37, %dma_wait3A] : memref<10240x64xf32, #tpu.memory_space<vmem_shared>> -> memref<640x64xf32, #tpu.memory_space<vmem_shared>>
      %dma_wait3A_57 = arith.constant 0 : i32
      %dma_wait3A_58 = tpu.memref_slice %arg5[%mul3A_35, %dma_wait3A_57] : memref<10240x64xf32, #tpu.memory_space<hbm>> -> memref<640x64xf32, #tpu.memory_space<hbm>>
      tpu.wait_dma2 semaphore(%run_scoped3A_52 : memref<!tpu.dma_semaphore, #tpu.memory_space<semaphore_mem>>) src(%dma_wait3A_58 : memref<640x64xf32, #tpu.memory_space<hbm>>) dst(%dma_wait3A_56 : memref<640x64xf32, #tpu.memory_space<vmem_shared>>)
      tpu.yield
    }) : () -> ()
    %barrier3A_38 = arith.constant 0 : index
    tpu.barrier barrier_id(%barrier3A_38)
    %scan3A_39 = arith.constant 0 : i32
    %scan3A_40 = arith.constant 0 : i32
    %scan3A_41 = arith.constant 10 : i32
    %scan3A_42 = arith.addi %scan3A_40, %scan3A_41 : i32
    %scan3A_43 = arith.constant 1 : i32
    scf.for %scan3A_52 = %scan3A_40 to %scan3A_42 step %scan3A_43  : i32 {
      %dma_start3A = arith.constant 2 : i32
      %dma_start3A_53 = arith.constant 2 : i32
      %dma_start3A_54 = arith.constant 0 : i32
      %dma_start3A_55 = tpu.memref_slice %arg7[%dma_start3A_53, %scan3A_52, %dma_start3A_54] : memref<3x10x512xi32, #tpu.memory_space<vmem>> -> memref<1x1x512xi32, #tpu.memory_space<vmem>>
      %dma_start3A_56 = tpu.memref_squeeze %dma_start3A_55 : memref<1x1x512xi32, #tpu.memory_space<vmem>> -> memref<512xi32, #tpu.memory_space<vmem>>
      %dma_start3A_57 = arith.constant 0 : i32
      %dma_start3A_58 = arith.constant 0 : i32
      %dma_start3A_59 = tpu.memref_slice %arg2[%dma_start3A, %dma_start3A_57, %dma_start3A_58] : memref<3x10000x64xf32, #tpu.memory_space<hbm>> -> memref<1x10000x64xf32, #tpu.memory_space<hbm>>
      %dma_start3A_60 = tpu.memref_squeeze %dma_start3A_59 : memref<1x10000x64xf32, #tpu.memory_space<hbm>> -> memref<10000x64xf32, #tpu.memory_space<hbm>>
      %dma_start3A_61 = arith.constant 0 : i32
      %dma_start3A_62 = arith.constant 0 : i32
      %dma_start3A_63 = tpu.memref_slice %dma_start3A_60[%dma_start3A_61, %dma_start3A_62] : memref<10000x64xf32, #tpu.memory_space<hbm>> -> memref<10000x64xf32, #tpu.memory_space<hbm>>
      tpu.enqueue_indirect_dma source(%dma_start3A_63 : memref<10000x64xf32, #tpu.memory_space<hbm>>) target(%arg9 : memref<512x64xf32, #tpu.memory_space<vmem>>) offsets(%dma_start3A_56 : memref<512xi32, #tpu.memory_space<vmem>>) semaphore(%arg10 : memref<!tpu.dma_semaphore, #tpu.memory_space<semaphore_mem>>)
      %dma_wait3A = arith.constant 2 : i32
      %dma_wait3A_64 = arith.constant 2 : i32
      %dma_wait3A_65 = arith.constant 0 : i32
      %dma_wait3A_66 = tpu.memref_slice %arg7[%dma_wait3A_64, %scan3A_52, %dma_wait3A_65] : memref<3x10x512xi32, #tpu.memory_space<vmem>> -> memref<1x1x512xi32, #tpu.memory_space<vmem>>
      %dma_wait3A_67 = tpu.memref_squeeze %dma_wait3A_66 : memref<1x1x512xi32, #tpu.memory_space<vmem>> -> memref<512xi32, #tpu.memory_space<vmem>>
      %dma_wait3A_68 = arith.constant 0 : i32
      %dma_wait3A_69 = arith.constant 0 : i32
      %dma_wait3A_70 = tpu.memref_slice %arg2[%dma_wait3A, %dma_wait3A_68, %dma_wait3A_69] : memref<3x10000x64xf32, #tpu.memory_space<hbm>> -> memref<1x10000x64xf32, #tpu.memory_space<hbm>>
      %dma_wait3A_71 = tpu.memref_squeeze %dma_wait3A_70 : memref<1x10000x64xf32, #tpu.memory_space<hbm>> -> memref<10000x64xf32, #tpu.memory_space<hbm>>
      %dma_wait3A_72 = arith.constant 0 : i32
      %dma_wait3A_73 = arith.constant 0 : i32
      %dma_wait3A_74 = tpu.memref_slice %dma_wait3A_71[%dma_wait3A_72, %dma_wait3A_73] : memref<10000x64xf32, #tpu.memory_space<hbm>> -> memref<10000x64xf32, #tpu.memory_space<hbm>>
      tpu.wait_indirect_dma semaphore(%arg10 : memref<!tpu.dma_semaphore, #tpu.memory_space<semaphore_mem>>) src(%dma_wait3A_74 : memref<10000x64xf32, #tpu.memory_space<hbm>>) dst(%arg9 : memref<512x64xf32, #tpu.memory_space<vmem>>)
      %run_scoped3A_75 = arith.constant 2 : i32
      "tpu.region"() ({
        %run_scoped3A_76 = tpu.sem_alloc : memref<!tpu.dma_semaphore, #tpu.memory_space<semaphore_mem>>
        %dma_start3A_77 = arith.constant 0 : i32
        %dma_start3A_78 = tpu.memref_slice %arg8[%run_scoped3A_75, %scan3A_52, %dma_start3A_77] : memref<3x10x512xi32, #tpu.memory_space<vmem>> -> memref<1x1x512xi32, #tpu.memory_space<vmem>>
        %dma_start3A_79 = tpu.memref_squeeze %dma_start3A_78 : memref<1x1x512xi32, #tpu.memory_space<vmem>> -> memref<512xi32, #tpu.memory_space<vmem>>
        %dma_start3A_80 = arith.constant 0 : i32
        %dma_start3A_81 = arith.constant 0 : i32
        %dma_start3A_82 = tpu.memref_slice %arg11[%dma_start3A_80, %dma_start3A_81] : memref<10240x64xf32, #tpu.memory_space<vmem_shared>> -> memref<10240x64xf32, #tpu.memory_space<vmem_shared>>
        tpu.enqueue_indirect_dma source(%arg9 : memref<512x64xf32, #tpu.memory_space<vmem>>) target(%dma_start3A_82 : memref<10240x64xf32, #tpu.memory_space<vmem_shared>>) offsets(%dma_start3A_79 : memref<512xi32, #tpu.memory_space<vmem>>) semaphore(%run_scoped3A_76 : memref<!tpu.dma_semaphore, #tpu.memory_space<semaphore_mem>>) {add = true}
        %dma_wait3A_83 = arith.constant 0 : i32
        %dma_wait3A_84 = tpu.memref_slice %arg8[%run_scoped3A_75, %scan3A_52, %dma_wait3A_83] : memref<3x10x512xi32, #tpu.memory_space<vmem>> -> memref<1x1x512xi32, #tpu.memory_space<vmem>>
        %dma_wait3A_85 = tpu.memref_squeeze %dma_wait3A_84 : memref<1x1x512xi32, #tpu.memory_space<vmem>> -> memref<512xi32, #tpu.memory_space<vmem>>
        %dma_wait3A_86 = arith.constant 0 : i32
        %dma_wait3A_87 = arith.constant 0 : i32
        %dma_wait3A_88 = tpu.memref_slice %arg11[%dma_wait3A_86, %dma_wait3A_87] : memref<10240x64xf32, #tpu.memory_space<vmem_shared>> -> memref<10240x64xf32, #tpu.memory_space<vmem_shared>>
        tpu.wait_indirect_dma semaphore(%run_scoped3A_76 : memref<!tpu.dma_semaphore, #tpu.memory_space<semaphore_mem>>) src(%arg9 : memref<512x64xf32, #tpu.memory_space<vmem>>) dst(%dma_wait3A_88 : memref<10240x64xf32, #tpu.memory_space<vmem_shared>>)
        tpu.yield
      }) : () -> ()
    }
    %scan3A_44 = arith.constant 10 : i32
    %barrier3A_45 = arith.constant 0 : index
    tpu.barrier barrier_id(%barrier3A_45)
    %mul3A_46 = arith.constant 640 : i32
    %mul3A_47 = arith.muli %arg1, %mul3A_46 : i32
    %mul3A_48 = arith.constant 640 : i32
    %mul3A_49 = arith.muli %arg1, %mul3A_48 : i32
    %run_scoped3A_50 = arith.constant 2 : i32
    "tpu.region"() ({
      %run_scoped3A_52 = tpu.sem_alloc : memref<!tpu.dma_semaphore, #tpu.memory_space<semaphore_mem>>
      %dma_start3A = arith.constant 0 : i32
      %dma_start3A_53 = tpu.memref_slice %arg6[%run_scoped3A_50, %arg0, %mul3A_49, %dma_start3A] : memref<3x2x10240x64xf32, #tpu.memory_space<hbm>> -> memref<1x1x640x64xf32, #tpu.memory_space<hbm>>
      %dma_start3A_54 = tpu.memref_squeeze %dma_start3A_53 : memref<1x1x640x64xf32, #tpu.memory_space<hbm>> -> memref<640x64xf32, #tpu.memory_space<hbm>>
      %dma_start3A_55 = arith.constant 0 : i32
      %dma_start3A_56 = tpu.memref_slice %arg11[%mul3A_47, %dma_start3A_55] : memref<10240x64xf32, #tpu.memory_space<vmem_shared>> -> memref<640x64xf32, #tpu.memory_space<vmem_shared>>
      tpu.enqueue_dma source(%dma_start3A_56 : memref<640x64xf32, #tpu.memory_space<vmem_shared>>) target(%dma_start3A_54 : memref<640x64xf32, #tpu.memory_space<hbm>>) target_semaphore(%run_scoped3A_52 : memref<!tpu.dma_semaphore, #tpu.memory_space<semaphore_mem>>)
      %dma_wait3A = arith.constant 0 : i32
      %dma_wait3A_57 = tpu.memref_slice %arg6[%run_scoped3A_50, %arg0, %mul3A_49, %dma_wait3A] : memref<3x2x10240x64xf32, #tpu.memory_space<hbm>> -> memref<1x1x640x64xf32, #tpu.memory_space<hbm>>
      %dma_wait3A_58 = tpu.memref_squeeze %dma_wait3A_57 : memref<1x1x640x64xf32, #tpu.memory_space<hbm>> -> memref<640x64xf32, #tpu.memory_space<hbm>>
      %dma_wait3A_59 = arith.constant 0 : i32
      %dma_wait3A_60 = tpu.memref_slice %arg11[%mul3A_47, %dma_wait3A_59] : memref<10240x64xf32, #tpu.memory_space<vmem_shared>> -> memref<640x64xf32, #tpu.memory_space<vmem_shared>>
      tpu.wait_dma2 semaphore(%run_scoped3A_52 : memref<!tpu.dma_semaphore, #tpu.memory_space<semaphore_mem>>) src(%dma_wait3A_60 : memref<640x64xf32, #tpu.memory_space<vmem_shared>>) dst(%dma_wait3A_58 : memref<640x64xf32, #tpu.memory_space<hbm>>)
      tpu.yield
    }) : () -> ()
    %barrier3A_51 = arith.constant 0 : index
    tpu.barrier barrier_id(%barrier3A_51)
    return
  }
}

module attributes {stable_mosaic.version = 14 : i64} {
  func.func @_scale_matmul_body(%arg0: i32, %arg1: i32, %arg2: memref<1000x128xf32, #tpu.memory_space<vmem>>, %arg3: memref<1x2x1000x16xf32, #tpu.memory_space<vmem>>, %arg4: memref<1x128x64xf32, #tpu.memory_space<vmem>>, %arg5: memref<1x1000x64xf32, #tpu.memory_space<vmem>>) attributes {dimension_semantics = [#tpu.dimension_semantics<arbitrary>, #tpu.dimension_semantics<arbitrary>], iteration_bounds = array<i64: 6, 10>, scalar_prefetch = 0 : i64, scratch_operands = 0 : i64, tpu.core_type = #tpu.core_type<tc>, window_params = [{transform_indices = @transform_0, window_bounds = array<i64: 1000, 128>}, {transform_indices = @transform_1, window_bounds = array<i64: 1, 2, 1000, 16>}, {transform_indices = @transform_2, window_bounds = array<i64: 1, 128, 64>}, {transform_indices = @transform_3, window_bounds = array<i64: 1, 1000, 64>}]} {
    %get3A = arith.constant 0 : index
    %get3A_0 = arith.constant 0 : index
    %get3A_1 = arith.constant 0 : index
    %get3A_2 = arith.constant 0 : index
    %get3A_3 = vector.load %arg3[%get3A, %get3A_0, %get3A_1, %get3A_2] : memref<1x2x1000x16xf32, #tpu.memory_space<vmem>>, vector<1x1x1000x1xf32>
    %get3A_4 = vector.shape_cast %get3A_3 : vector<1x1x1000x1xf32> to vector<1000xf32>
    %get3A_5 = arith.constant 0 : index
    %get3A_6 = arith.constant 1 : index
    %get3A_7 = arith.constant 0 : index
    %get3A_8 = arith.constant 0 : index
    %get3A_9 = vector.load %arg3[%get3A_5, %get3A_6, %get3A_7, %get3A_8] : memref<1x2x1000x16xf32, #tpu.memory_space<vmem>>, vector<1x1x1000x1xf32>
    %get3A_10 = vector.shape_cast %get3A_9 : vector<1x1x1000x1xf32> to vector<1000xf32>
    %add3A = arith.addf %get3A_4, %get3A_10 : vector<1000xf32>
    %max3A = arith.constant 1.000000e+00 : f32
    %max3A_11 = vector.broadcast %max3A : f32 to vector<1000xf32>
    %max3A_12 = arith.maximumf %add3A, %max3A_11 : vector<1000xf32>
    %rsqrt3A = math.rsqrt %max3A_12 : vector<1000xf32>
    %get3A_13 = arith.constant 0 : index
    %get3A_14 = arith.constant 0 : index
    %get3A_15 = vector.load %arg2[%get3A_13, %get3A_14] : memref<1000x128xf32, #tpu.memory_space<vmem>>, vector<1000x128xf32>
    %broadcast_in_dim3A = vector.shape_cast %rsqrt3A : vector<1000xf32> to vector<1000x1xf32>
    %mul3A = vector.broadcast %broadcast_in_dim3A : vector<1000x1xf32> to vector<1000x128xf32>
    %mul3A_16 = arith.mulf %get3A_15, %mul3A : vector<1000x128xf32>
    %get3A_17 = arith.constant 0 : index
    %get3A_18 = arith.constant 0 : index
    %get3A_19 = arith.constant 0 : index
    %get3A_20 = vector.load %arg4[%get3A_17, %get3A_18, %get3A_19] : memref<1x128x64xf32, #tpu.memory_space<vmem>>, vector<1x128x64xf32>
    %get3A_21 = vector.shape_cast %get3A_20 : vector<1x128x64xf32> to vector<128x64xf32>
    %dot_general3A = arith.constant dense<0.000000e+00> : vector<1000x64xf32>
    %dot_general3A_22 = tpu.matmul %mul3A_16, %get3A_21, %dot_general3A {dimension_numbers = #tpu.dot_dimension_numbers<[1], [0], [0], [1], [0, 0, 1, 1], [], []>, transpose_lhs_hint = false} : vector<1000x128xf32>, vector<128x64xf32>, vector<1000x64xf32> -> vector<1000x64xf32>
    %swap3A = arith.constant 0 : index
    %swap3A_23 = arith.constant 0 : index
    %swap3A_24 = arith.constant 0 : index
    %swap3A_25 = vector.load %arg5[%swap3A, %swap3A_23, %swap3A_24] : memref<1x1000x64xf32, #tpu.memory_space<vmem>>, vector<1x1000x64xf32>
    %swap3A_26 = vector.shape_cast %swap3A_25 : vector<1x1000x64xf32> to vector<1000x64xf32>
    %swap3A_27 = vector.shape_cast %dot_general3A_22 : vector<1000x64xf32> to vector<1x1000x64xf32>
    tpu.vector_store %arg5[%swap3A, %swap3A_23, %swap3A_24], %swap3A_27 {strides = array<i32>} : memref<1x1000x64xf32, #tpu.memory_space<vmem>>, vector<1x1000x64xf32>,
    return
  }
  func.func @transform_0(%arg0: i32, %arg1: i32) -> (i32, i32) {
    %c0_i32 = arith.constant 0 : i32
    %c0_i32_0 = arith.constant 0 : i32
    return %arg1, %c0_i32 : i32, i32
  }
  func.func @transform_1(%arg0: i32, %arg1: i32) -> (i32, i32, i32, i32) {
    %jit3A = arith.constant 3 : i32
    %eq3A = arith.constant 0 : i32
    %eq3A_0 = arith.cmpi eq, %jit3A, %eq3A : i32
    %jit3A_1 = arith.constant 1 : i32
    %select_n3A = arith.select %eq3A_0, %jit3A_1, %jit3A : i32
    %rem3A = arith.remsi %arg0, %select_n3A : i32
    %ne3A = arith.constant 0 : i32
    %ne3A_2 = arith.cmpi ne, %rem3A, %ne3A : i32
    %lt3A = arith.constant 0 : i32
    %lt3A_3 = arith.cmpi slt, %rem3A, %lt3A : i32
    %lt3A_4 = arith.constant 0 : i32
    %lt3A_5 = arith.cmpi slt, %select_n3A, %lt3A_4 : i32
    %ne3A_6 = arith.xori %lt3A_3, %lt3A_5 : i1
    %and3A = arith.andi %ne3A_6, %ne3A_2 : i1
    %add3A = arith.addi %rem3A, %select_n3A : i32
    %select_n3A_7 = arith.select %and3A, %add3A, %rem3A : i32
    %mul3A = arith.constant 2 : i32
    %mul3A_8 = arith.muli %mul3A, %select_n3A_7 : i32
    %c0_i32 = arith.constant 0 : i32
    %c0_i32_9 = arith.constant 0 : i32
    %c0_i32_10 = arith.constant 0 : i32
    return %mul3A_8, %c0_i32, %arg1, %c0_i32_9 : i32, i32, i32, i32
  }
  func.func @transform_2(%arg0: i32, %arg1: i32) -> (i32, i32, i32) {
    %c0_i32 = arith.constant 0 : i32
    %c0_i32_0 = arith.constant 0 : i32
    %c0_i32_1 = arith.constant 0 : i32
    return %arg0, %c0_i32, %c0_i32_0 : i32, i32, i32
  }
  func.func @transform_3(%arg0: i32, %arg1: i32) -> (i32, i32, i32) {
    %c0_i32 = arith.constant 0 : i32
    %c0_i32_0 = arith.constant 0 : i32
    return %arg0, %arg1, %c0_i32 : i32, i32, i32
  }
}

module attributes {stable_mosaic.version = 14 : i64} {
  func.func @_combine2_body(%arg0: i32, %arg1: memref<6x2x1000x64xf32, #tpu.memory_space<vmem>>, %arg2: memref<6x2x1000x16xf32, #tpu.memory_space<vmem>>, %arg3: memref<3x128xf32, #tpu.memory_space<vmem>>, %arg4: memref<1000x128xf32, #tpu.memory_space<vmem>>) attributes {dimension_semantics = [#tpu.dimension_semantics<arbitrary>], iteration_bounds = array<i64: 10>, scalar_prefetch = 0 : i64, scratch_operands = 0 : i64, tpu.core_type = #tpu.core_type<tc>, window_params = [{transform_indices = @transform_0, window_bounds = array<i64: 6, 2, 1000, 64>}, {transform_indices = @transform_1, window_bounds = array<i64: 6, 2, 1000, 16>}, {pipeline_mode = #tpu.pipeline_mode<synchronous>, transform_indices = @transform_2, window_bounds = array<i64: 3, 128>}, {transform_indices = @transform_3, window_bounds = array<i64: 1000, 128>}]} {
    %get3A = arith.constant 1 : index
    %get3A_0 = arith.constant 0 : index
    %get3A_1 = arith.constant 0 : index
    %get3A_2 = arith.constant 0 : index
    %get3A_3 = vector.load %arg2[%get3A, %get3A_0, %get3A_1, %get3A_2] : memref<6x2x1000x16xf32, #tpu.memory_space<vmem>>, vector<1x1x1000x1xf32>
    %get3A_4 = vector.shape_cast %get3A_3 : vector<1x1x1000x1xf32> to vector<1000xf32>
    %get3A_5 = arith.constant 1 : index
    %get3A_6 = arith.constant 1 : index
    %get3A_7 = arith.constant 0 : index
    %get3A_8 = arith.constant 0 : index
    %get3A_9 = vector.load %arg2[%get3A_5, %get3A_6, %get3A_7, %get3A_8] : memref<6x2x1000x16xf32, #tpu.memory_space<vmem>>, vector<1x1x1000x1xf32>
    %get3A_10 = vector.shape_cast %get3A_9 : vector<1x1x1000x1xf32> to vector<1000xf32>
    %add3A = arith.addf %get3A_4, %get3A_10 : vector<1000xf32>
    %max3A = arith.constant 1.000000e+00 : f32
    %max3A_11 = vector.broadcast %max3A : f32 to vector<1000xf32>
    %max3A_12 = arith.maximumf %add3A, %max3A_11 : vector<1000xf32>
    %rsqrt3A = math.rsqrt %max3A_12 : vector<1000xf32>
    %get3A_13 = arith.constant 0 : index
    %get3A_14 = arith.constant 0 : index
    %get3A_15 = arith.constant 0 : index
    %get3A_16 = arith.constant 0 : index
    %get3A_17 = vector.load %arg1[%get3A_13, %get3A_14, %get3A_15, %get3A_16] : memref<6x2x1000x64xf32, #tpu.memory_space<vmem>>, vector<1x1x1000x64xf32>
    %get3A_18 = vector.shape_cast %get3A_17 : vector<1x1x1000x64xf32> to vector<1000x64xf32>
    %get3A_19 = arith.constant 0 : index
    %get3A_20 = arith.constant 1 : index
    %get3A_21 = arith.constant 0 : index
    %get3A_22 = arith.constant 0 : index
    %get3A_23 = vector.load %arg1[%get3A_19, %get3A_20, %get3A_21, %get3A_22] : memref<6x2x1000x64xf32, #tpu.memory_space<vmem>>, vector<1x1x1000x64xf32>
    %get3A_24 = vector.shape_cast %get3A_23 : vector<1x1x1000x64xf32> to vector<1000x64xf32>
    %add3A_25 = arith.addf %get3A_18, %get3A_24 : vector<1000x64xf32>
    %get3A_26 = arith.constant 3 : index
    %get3A_27 = arith.constant 0 : index
    %get3A_28 = arith.constant 0 : index
    %get3A_29 = arith.constant 0 : index
    %get3A_30 = vector.load %arg1[%get3A_26, %get3A_27, %get3A_28, %get3A_29] : memref<6x2x1000x64xf32, #tpu.memory_space<vmem>>, vector<1x1x1000x64xf32>
    %get3A_31 = vector.shape_cast %get3A_30 : vector<1x1x1000x64xf32> to vector<1000x64xf32>
    %get3A_32 = arith.constant 3 : index
    %get3A_33 = arith.constant 1 : index
    %get3A_34 = arith.constant 0 : index
    %get3A_35 = arith.constant 0 : index
    %get3A_36 = vector.load %arg1[%get3A_32, %get3A_33, %get3A_34, %get3A_35] : memref<6x2x1000x64xf32, #tpu.memory_space<vmem>>, vector<1x1x1000x64xf32>
    %get3A_37 = vector.shape_cast %get3A_36 : vector<1x1x1000x64xf32> to vector<1000x64xf32>
    %add3A_38 = arith.addf %get3A_31, %get3A_37 : vector<1000x64xf32>
    %concatenate3A = tpu.concatenate %add3A_25, %add3A_38 in 1 : vector<1000x64xf32>, vector<1000x64xf32> -> vector<1000x128xf32>
    %broadcast_in_dim3A = vector.shape_cast %rsqrt3A : vector<1000xf32> to vector<1000x1xf32>
    %mul3A = vector.broadcast %broadcast_in_dim3A : vector<1000x1xf32> to vector<1000x128xf32>
    %mul3A_39 = arith.mulf %concatenate3A, %mul3A : vector<1000x128xf32>
    %get3A_40 = arith.constant 0 : index
    %get3A_41 = arith.constant 0 : index
    %get3A_42 = vector.load %arg3[%get3A_40, %get3A_41] : memref<3x128xf32, #tpu.memory_space<vmem>>, vector<1x128xf32>
    %get3A_43 = vector.shape_cast %get3A_42 : vector<1x128xf32> to vector<128xf32>
    %broadcast_in_dim3A_44 = vector.shape_cast %get3A_43 : vector<128xf32> to vector<1x128xf32>
    %add3A_45 = vector.broadcast %broadcast_in_dim3A_44 : vector<1x128xf32> to vector<1000x128xf32>
    %add3A_46 = arith.addf %mul3A_39, %add3A_45 : vector<1000x128xf32>
    %get3A_47 = arith.constant 3 : index
    %get3A_48 = arith.constant 0 : index
    %get3A_49 = arith.constant 0 : index
    %get3A_50 = arith.constant 0 : index
    %get3A_51 = vector.load %arg2[%get3A_47, %get3A_48, %get3A_49, %get3A_50] : memref<6x2x1000x16xf32, #tpu.memory_space<vmem>>, vector<1x1x1000x1xf32>
    %get3A_52 = vector.shape_cast %get3A_51 : vector<1x1x1000x1xf32> to vector<1000xf32>
    %get3A_53 = arith.constant 3 : index
    %get3A_54 = arith.constant 1 : index
    %get3A_55 = arith.constant 0 : index
    %get3A_56 = arith.constant 0 : index
    %get3A_57 = vector.load %arg2[%get3A_53, %get3A_54, %get3A_55, %get3A_56] : memref<6x2x1000x16xf32, #tpu.memory_space<vmem>>, vector<1x1x1000x1xf32>
    %get3A_58 = vector.shape_cast %get3A_57 : vector<1x1x1000x1xf32> to vector<1000xf32>
    %add3A_59 = arith.addf %get3A_52, %get3A_58 : vector<1000xf32>
    %max3A_60 = arith.constant 1.000000e+00 : f32
    %max3A_61 = vector.broadcast %max3A_60 : f32 to vector<1000xf32>
    %max3A_62 = arith.maximumf %add3A_59, %max3A_61 : vector<1000xf32>
    %rsqrt3A_63 = math.rsqrt %max3A_62 : vector<1000xf32>
    %get3A_64 = arith.constant 1 : index
    %get3A_65 = arith.constant 0 : index
    %get3A_66 = arith.constant 0 : index
    %get3A_67 = arith.constant 0 : index
    %get3A_68 = vector.load %arg1[%get3A_64, %get3A_65, %get3A_66, %get3A_67] : memref<6x2x1000x64xf32, #tpu.memory_space<vmem>>, vector<1x1x1000x64xf32>
    %get3A_69 = vector.shape_cast %get3A_68 : vector<1x1x1000x64xf32> to vector<1000x64xf32>
    %get3A_70 = arith.constant 1 : index
    %get3A_71 = arith.constant 1 : index
    %get3A_72 = arith.constant 0 : index
    %get3A_73 = arith.constant 0 : index
    %get3A_74 = vector.load %arg1[%get3A_70, %get3A_71, %get3A_72, %get3A_73] : memref<6x2x1000x64xf32, #tpu.memory_space<vmem>>, vector<1x1x1000x64xf32>
    %get3A_75 = vector.shape_cast %get3A_74 : vector<1x1x1000x64xf32> to vector<1000x64xf32>
    %add3A_76 = arith.addf %get3A_69, %get3A_75 : vector<1000x64xf32>
    %get3A_77 = arith.constant 4 : index
    %get3A_78 = arith.constant 0 : index
    %get3A_79 = arith.constant 0 : index
    %get3A_80 = arith.constant 0 : index
    %get3A_81 = vector.load %arg1[%get3A_77, %get3A_78, %get3A_79, %get3A_80] : memref<6x2x1000x64xf32, #tpu.memory_space<vmem>>, vector<1x1x1000x64xf32>
    %get3A_82 = vector.shape_cast %get3A_81 : vector<1x1x1000x64xf32> to vector<1000x64xf32>
    %get3A_83 = arith.constant 4 : index
    %get3A_84 = arith.constant 1 : index
    %get3A_85 = arith.constant 0 : index
    %get3A_86 = arith.constant 0 : index
    %get3A_87 = vector.load %arg1[%get3A_83, %get3A_84, %get3A_85, %get3A_86] : memref<6x2x1000x64xf32, #tpu.memory_space<vmem>>, vector<1x1x1000x64xf32>
    %get3A_88 = vector.shape_cast %get3A_87 : vector<1x1x1000x64xf32> to vector<1000x64xf32>
    %add3A_89 = arith.addf %get3A_82, %get3A_88 : vector<1000x64xf32>
    %concatenate3A_90 = tpu.concatenate %add3A_76, %add3A_89 in 1 : vector<1000x64xf32>, vector<1000x64xf32> -> vector<1000x128xf32>
    %broadcast_in_dim3A_91 = vector.shape_cast %rsqrt3A_63 : vector<1000xf32> to vector<1000x1xf32>
    %mul3A_92 = vector.broadcast %broadcast_in_dim3A_91 : vector<1000x1xf32> to vector<1000x128xf32>
    %mul3A_93 = arith.mulf %concatenate3A_90, %mul3A_92 : vector<1000x128xf32>
    %get3A_94 = arith.constant 1 : index
    %get3A_95 = arith.constant 0 : index
    %get3A_96 = vector.load %arg3[%get3A_94, %get3A_95] : memref<3x128xf32, #tpu.memory_space<vmem>>, vector<1x128xf32>
    %get3A_97 = vector.shape_cast %get3A_96 : vector<1x128xf32> to vector<128xf32>
    %broadcast_in_dim3A_98 = vector.shape_cast %get3A_97 : vector<128xf32> to vector<1x128xf32>
    %add3A_99 = vector.broadcast %broadcast_in_dim3A_98 : vector<1x128xf32> to vector<1000x128xf32>
    %add3A_100 = arith.addf %mul3A_93, %add3A_99 : vector<1000x128xf32>
    %add3A_101 = arith.addf %add3A_46, %add3A_100 : vector<1000x128xf32>
    %get3A_102 = arith.constant 5 : index
    %get3A_103 = arith.constant 0 : index
    %get3A_104 = arith.constant 0 : index
    %get3A_105 = arith.constant 0 : index
    %get3A_106 = vector.load %arg2[%get3A_102, %get3A_103, %get3A_104, %get3A_105] : memref<6x2x1000x16xf32, #tpu.memory_space<vmem>>, vector<1x1x1000x1xf32>
    %get3A_107 = vector.shape_cast %get3A_106 : vector<1x1x1000x1xf32> to vector<1000xf32>
    %get3A_108 = arith.constant 5 : index
    %get3A_109 = arith.constant 1 : index
    %get3A_110 = arith.constant 0 : index
    %get3A_111 = arith.constant 0 : index
    %get3A_112 = vector.load %arg2[%get3A_108, %get3A_109, %get3A_110, %get3A_111] : memref<6x2x1000x16xf32, #tpu.memory_space<vmem>>, vector<1x1x1000x1xf32>
    %get3A_113 = vector.shape_cast %get3A_112 : vector<1x1x1000x1xf32> to vector<1000xf32>
    %add3A_114 = arith.addf %get3A_107, %get3A_113 : vector<1000xf32>
    %max3A_115 = arith.constant 1.000000e+00 : f32
    %max3A_116 = vector.broadcast %max3A_115 : f32 to vector<1000xf32>
    %max3A_117 = arith.maximumf %add3A_114, %max3A_116 : vector<1000xf32>
    %rsqrt3A_118 = math.rsqrt %max3A_117 : vector<1000xf32>
    %get3A_119 = arith.constant 2 : index
    %get3A_120 = arith.constant 0 : index
    %get3A_121 = arith.constant 0 : index
    %get3A_122 = arith.constant 0 : index
    %get3A_123 = vector.load %arg1[%get3A_119, %get3A_120, %get3A_121, %get3A_122] : memref<6x2x1000x64xf32, #tpu.memory_space<vmem>>, vector<1x1x1000x64xf32>
    %get3A_124 = vector.shape_cast %get3A_123 : vector<1x1x1000x64xf32> to vector<1000x64xf32>
    %get3A_125 = arith.constant 2 : index
    %get3A_126 = arith.constant 1 : index
    %get3A_127 = arith.constant 0 : index
    %get3A_128 = arith.constant 0 : index
    %get3A_129 = vector.load %arg1[%get3A_125, %get3A_126, %get3A_127, %get3A_128] : memref<6x2x1000x64xf32, #tpu.memory_space<vmem>>, vector<1x1x1000x64xf32>
    %get3A_130 = vector.shape_cast %get3A_129 : vector<1x1x1000x64xf32> to vector<1000x64xf32>
    %add3A_131 = arith.addf %get3A_124, %get3A_130 : vector<1000x64xf32>
    %get3A_132 = arith.constant 5 : index
    %get3A_133 = arith.constant 0 : index
    %get3A_134 = arith.constant 0 : index
    %get3A_135 = arith.constant 0 : index
    %get3A_136 = vector.load %arg1[%get3A_132, %get3A_133, %get3A_134, %get3A_135] : memref<6x2x1000x64xf32, #tpu.memory_space<vmem>>, vector<1x1x1000x64xf32>
    %get3A_137 = vector.shape_cast %get3A_136 : vector<1x1x1000x64xf32> to vector<1000x64xf32>
    %get3A_138 = arith.constant 5 : index
    %get3A_139 = arith.constant 1 : index
    %get3A_140 = arith.constant 0 : index
    %get3A_141 = arith.constant 0 : index
    %get3A_142 = vector.load %arg1[%get3A_138, %get3A_139, %get3A_140, %get3A_141] : memref<6x2x1000x64xf32, #tpu.memory_space<vmem>>, vector<1x1x1000x64xf32>
    %get3A_143 = vector.shape_cast %get3A_142 : vector<1x1x1000x64xf32> to vector<1000x64xf32>
    %add3A_144 = arith.addf %get3A_137, %get3A_143 : vector<1000x64xf32>
    %concatenate3A_145 = tpu.concatenate %add3A_131, %add3A_144 in 1 : vector<1000x64xf32>, vector<1000x64xf32> -> vector<1000x128xf32>
    %broadcast_in_dim3A_146 = vector.shape_cast %rsqrt3A_118 : vector<1000xf32> to vector<1000x1xf32>
    %mul3A_147 = vector.broadcast %broadcast_in_dim3A_146 : vector<1000x1xf32> to vector<1000x128xf32>
    %mul3A_148 = arith.mulf %concatenate3A_145, %mul3A_147 : vector<1000x128xf32>
    %get3A_149 = arith.constant 2 : index
    %get3A_150 = arith.constant 0 : index
    %get3A_151 = vector.load %arg3[%get3A_149, %get3A_150] : memref<3x128xf32, #tpu.memory_space<vmem>>, vector<1x128xf32>
    %get3A_152 = vector.shape_cast %get3A_151 : vector<1x128xf32> to vector<128xf32>
    %broadcast_in_dim3A_153 = vector.shape_cast %get3A_152 : vector<128xf32> to vector<1x128xf32>
    %add3A_154 = vector.broadcast %broadcast_in_dim3A_153 : vector<1x128xf32> to vector<1000x128xf32>
    %add3A_155 = arith.addf %mul3A_148, %add3A_154 : vector<1000x128xf32>
    %add3A_156 = arith.addf %add3A_101, %add3A_155 : vector<1000x128xf32>
    %max3A_157 = arith.constant 0.000000e+00 : f32
    %max3A_158 = vector.broadcast %max3A_157 : f32 to vector<1000x128xf32>
    %max3A_159 = arith.maximumf %add3A_156, %max3A_158 : vector<1000x128xf32>
    %swap3A = arith.constant 0 : index
    %swap3A_160 = arith.constant 0 : index
    %swap3A_161 = vector.load %arg4[%swap3A, %swap3A_160] : memref<1000x128xf32, #tpu.memory_space<vmem>>, vector<1000x128xf32>
    tpu.vector_store %arg4[%swap3A, %swap3A_160], %max3A_159 {strides = array<i32>} : memref<1000x128xf32, #tpu.memory_space<vmem>>, vector<1000x128xf32>,
    return
  }
  func.func @transform_0(%arg0: i32) -> (i32, i32, i32, i32) {
    %c0_i32 = arith.constant 0 : i32
    %c0_i32_0 = arith.constant 0 : i32
    %c0_i32_1 = arith.constant 0 : i32
    %c0_i32_2 = arith.constant 0 : i32
    return %c0_i32, %c0_i32_0, %arg0, %c0_i32_1 : i32, i32, i32, i32
  }
  func.func @transform_1(%arg0: i32) -> (i32, i32, i32, i32) {
    %c0_i32 = arith.constant 0 : i32
    %c0_i32_0 = arith.constant 0 : i32
    %c0_i32_1 = arith.constant 0 : i32
    %c0_i32_2 = arith.constant 0 : i32
    return %c0_i32, %c0_i32_0, %arg0, %c0_i32_1 : i32, i32, i32, i32
  }
  func.func @transform_2(%arg0: i32) -> (i32, i32) {
    %c0_i32 = arith.constant 0 : i32
    %c0_i32_0 = arith.constant 0 : i32
    %c0_i32_1 = arith.constant 0 : i32
    return %c0_i32, %c0_i32_0 : i32, i32
  }
  func.func @transform_3(%arg0: i32) -> (i32, i32) {
    %c0_i32 = arith.constant 0 : i32
    %c0_i32_0 = arith.constant 0 : i32
    return %arg0, %c0_i32 : i32, i32
  }
}

module attributes {stable_mosaic.version = 14 : i64} {
  func.func @_scale_matmul_body(%arg0: i32, %arg1: i32, %arg2: memref<1000x128xf32, #tpu.memory_space<vmem>>, %arg3: memref<1x2x1000x16xf32, #tpu.memory_space<vmem>>, %arg4: memref<1x128x64xf32, #tpu.memory_space<vmem>>, %arg5: memref<1x1000x64xf32, #tpu.memory_space<vmem>>) attributes {dimension_semantics = [#tpu.dimension_semantics<arbitrary>, #tpu.dimension_semantics<arbitrary>], iteration_bounds = array<i64: 3, 10>, scalar_prefetch = 0 : i64, scratch_operands = 0 : i64, tpu.core_type = #tpu.core_type<tc>, window_params = [{transform_indices = @transform_0, window_bounds = array<i64: 1000, 128>}, {transform_indices = @transform_1, window_bounds = array<i64: 1, 2, 1000, 16>}, {transform_indices = @transform_2, window_bounds = array<i64: 1, 128, 64>}, {transform_indices = @transform_3, window_bounds = array<i64: 1, 1000, 64>}]} {
    %get3A = arith.constant 0 : index
    %get3A_0 = arith.constant 0 : index
    %get3A_1 = arith.constant 0 : index
    %get3A_2 = arith.constant 0 : index
    %get3A_3 = vector.load %arg3[%get3A, %get3A_0, %get3A_1, %get3A_2] : memref<1x2x1000x16xf32, #tpu.memory_space<vmem>>, vector<1x1x1000x1xf32>
    %get3A_4 = vector.shape_cast %get3A_3 : vector<1x1x1000x1xf32> to vector<1000xf32>
    %get3A_5 = arith.constant 0 : index
    %get3A_6 = arith.constant 1 : index
    %get3A_7 = arith.constant 0 : index
    %get3A_8 = arith.constant 0 : index
    %get3A_9 = vector.load %arg3[%get3A_5, %get3A_6, %get3A_7, %get3A_8] : memref<1x2x1000x16xf32, #tpu.memory_space<vmem>>, vector<1x1x1000x1xf32>
    %get3A_10 = vector.shape_cast %get3A_9 : vector<1x1x1000x1xf32> to vector<1000xf32>
    %add3A = arith.addf %get3A_4, %get3A_10 : vector<1000xf32>
    %max3A = arith.constant 1.000000e+00 : f32
    %max3A_11 = vector.broadcast %max3A : f32 to vector<1000xf32>
    %max3A_12 = arith.maximumf %add3A, %max3A_11 : vector<1000xf32>
    %rsqrt3A = math.rsqrt %max3A_12 : vector<1000xf32>
    %get3A_13 = arith.constant 0 : index
    %get3A_14 = arith.constant 0 : index
    %get3A_15 = vector.load %arg2[%get3A_13, %get3A_14] : memref<1000x128xf32, #tpu.memory_space<vmem>>, vector<1000x128xf32>
    %broadcast_in_dim3A = vector.shape_cast %rsqrt3A : vector<1000xf32> to vector<1000x1xf32>
    %mul3A = vector.broadcast %broadcast_in_dim3A : vector<1000x1xf32> to vector<1000x128xf32>
    %mul3A_16 = arith.mulf %get3A_15, %mul3A : vector<1000x128xf32>
    %get3A_17 = arith.constant 0 : index
    %get3A_18 = arith.constant 0 : index
    %get3A_19 = arith.constant 0 : index
    %get3A_20 = vector.load %arg4[%get3A_17, %get3A_18, %get3A_19] : memref<1x128x64xf32, #tpu.memory_space<vmem>>, vector<1x128x64xf32>
    %get3A_21 = vector.shape_cast %get3A_20 : vector<1x128x64xf32> to vector<128x64xf32>
    %dot_general3A = arith.constant dense<0.000000e+00> : vector<1000x64xf32>
    %dot_general3A_22 = tpu.matmul %mul3A_16, %get3A_21, %dot_general3A {dimension_numbers = #tpu.dot_dimension_numbers<[1], [0], [0], [1], [0, 0, 1, 1], [], []>, transpose_lhs_hint = false} : vector<1000x128xf32>, vector<128x64xf32>, vector<1000x64xf32> -> vector<1000x64xf32>
    %swap3A = arith.constant 0 : index
    %swap3A_23 = arith.constant 0 : index
    %swap3A_24 = arith.constant 0 : index
    %swap3A_25 = vector.load %arg5[%swap3A, %swap3A_23, %swap3A_24] : memref<1x1000x64xf32, #tpu.memory_space<vmem>>, vector<1x1000x64xf32>
    %swap3A_26 = vector.shape_cast %swap3A_25 : vector<1x1000x64xf32> to vector<1000x64xf32>
    %swap3A_27 = vector.shape_cast %dot_general3A_22 : vector<1000x64xf32> to vector<1x1000x64xf32>
    tpu.vector_store %arg5[%swap3A, %swap3A_23, %swap3A_24], %swap3A_27 {strides = array<i32>} : memref<1x1000x64xf32, #tpu.memory_space<vmem>>, vector<1x1000x64xf32>,
    return
  }
  func.func @transform_0(%arg0: i32, %arg1: i32) -> (i32, i32) {
    %c0_i32 = arith.constant 0 : i32
    %c0_i32_0 = arith.constant 0 : i32
    return %arg1, %c0_i32 : i32, i32
  }
  func.func @transform_1(%arg0: i32, %arg1: i32) -> (i32, i32, i32, i32) {
    %jit3A = arith.constant 3 : i32
    %eq3A = arith.constant 0 : i32
    %eq3A_0 = arith.cmpi eq, %jit3A, %eq3A : i32
    %jit3A_1 = arith.constant 1 : i32
    %select_n3A = arith.select %eq3A_0, %jit3A_1, %jit3A : i32
    %rem3A = arith.remsi %arg0, %select_n3A : i32
    %ne3A = arith.constant 0 : i32
    %ne3A_2 = arith.cmpi ne, %rem3A, %ne3A : i32
    %lt3A = arith.constant 0 : i32
    %lt3A_3 = arith.cmpi slt, %rem3A, %lt3A : i32
    %lt3A_4 = arith.constant 0 : i32
    %lt3A_5 = arith.cmpi slt, %select_n3A, %lt3A_4 : i32
    %ne3A_6 = arith.xori %lt3A_3, %lt3A_5 : i1
    %and3A = arith.andi %ne3A_6, %ne3A_2 : i1
    %add3A = arith.addi %rem3A, %select_n3A : i32
    %select_n3A_7 = arith.select %and3A, %add3A, %rem3A : i32
    %mul3A = arith.constant 2 : i32
    %mul3A_8 = arith.muli %mul3A, %select_n3A_7 : i32
    %c0_i32 = arith.constant 0 : i32
    %c0_i32_9 = arith.constant 0 : i32
    %c0_i32_10 = arith.constant 0 : i32
    return %mul3A_8, %c0_i32, %arg1, %c0_i32_9 : i32, i32, i32, i32
  }
  func.func @transform_2(%arg0: i32, %arg1: i32) -> (i32, i32, i32) {
    %c0_i32 = arith.constant 0 : i32
    %c0_i32_0 = arith.constant 0 : i32
    %c0_i32_1 = arith.constant 0 : i32
    return %arg0, %c0_i32, %c0_i32_0 : i32, i32, i32
  }
  func.func @transform_3(%arg0: i32, %arg1: i32) -> (i32, i32, i32) {
    %c0_i32 = arith.constant 0 : i32
    %c0_i32_0 = arith.constant 0 : i32
    return %arg0, %arg1, %c0_i32 : i32, i32, i32
  }
}

module attributes {stable_mosaic.version = 14 : i64} {
  func.func @_combine_body(%arg0: i32, %arg1: memref<3x2x1000x64xf32, #tpu.memory_space<vmem>>, %arg2: memref<6x2x1000x16xf32, #tpu.memory_space<vmem>>, %arg3: memref<3x64xf32, #tpu.memory_space<vmem>>, %arg4: memref<1000x64xf32, #tpu.memory_space<vmem>>) attributes {dimension_semantics = [#tpu.dimension_semantics<arbitrary>], iteration_bounds = array<i64: 10>, scalar_prefetch = 0 : i64, scratch_operands = 0 : i64, tpu.core_type = #tpu.core_type<tc>, window_params = [{transform_indices = @transform_0, window_bounds = array<i64: 3, 2, 1000, 64>}, {transform_indices = @transform_1, window_bounds = array<i64: 6, 2, 1000, 16>}, {pipeline_mode = #tpu.pipeline_mode<synchronous>, transform_indices = @transform_2, window_bounds = array<i64: 3, 64>}, {transform_indices = @transform_3, window_bounds = array<i64: 1000, 64>}]} {
    %get3A = arith.constant 1 : index
    %get3A_0 = arith.constant 0 : index
    %get3A_1 = arith.constant 0 : index
    %get3A_2 = arith.constant 0 : index
    %get3A_3 = vector.load %arg2[%get3A, %get3A_0, %get3A_1, %get3A_2] : memref<6x2x1000x16xf32, #tpu.memory_space<vmem>>, vector<1x1x1000x1xf32>
    %get3A_4 = vector.shape_cast %get3A_3 : vector<1x1x1000x1xf32> to vector<1000xf32>
    %get3A_5 = arith.constant 1 : index
    %get3A_6 = arith.constant 1 : index
    %get3A_7 = arith.constant 0 : index
    %get3A_8 = arith.constant 0 : index
    %get3A_9 = vector.load %arg2[%get3A_5, %get3A_6, %get3A_7, %get3A_8] : memref<6x2x1000x16xf32, #tpu.memory_space<vmem>>, vector<1x1x1000x1xf32>
    %get3A_10 = vector.shape_cast %get3A_9 : vector<1x1x1000x1xf32> to vector<1000xf32>
    %add3A = arith.addf %get3A_4, %get3A_10 : vector<1000xf32>
    %max3A = arith.constant 1.000000e+00 : f32
    %max3A_11 = vector.broadcast %max3A : f32 to vector<1000xf32>
    %max3A_12 = arith.maximumf %add3A, %max3A_11 : vector<1000xf32>
    %rsqrt3A = math.rsqrt %max3A_12 : vector<1000xf32>
    %get3A_13 = arith.constant 0 : index
    %get3A_14 = arith.constant 0 : index
    %get3A_15 = arith.constant 0 : index
    %get3A_16 = arith.constant 0 : index
    %get3A_17 = vector.load %arg1[%get3A_13, %get3A_14, %get3A_15, %get3A_16] : memref<3x2x1000x64xf32, #tpu.memory_space<vmem>>, vector<1x1x1000x64xf32>
    %get3A_18 = vector.shape_cast %get3A_17 : vector<1x1x1000x64xf32> to vector<1000x64xf32>
    %get3A_19 = arith.constant 0 : index
    %get3A_20 = arith.constant 1 : index
    %get3A_21 = arith.constant 0 : index
    %get3A_22 = arith.constant 0 : index
    %get3A_23 = vector.load %arg1[%get3A_19, %get3A_20, %get3A_21, %get3A_22] : memref<3x2x1000x64xf32, #tpu.memory_space<vmem>>, vector<1x1x1000x64xf32>
    %get3A_24 = vector.shape_cast %get3A_23 : vector<1x1x1000x64xf32> to vector<1000x64xf32>
    %add3A_25 = arith.addf %get3A_18, %get3A_24 : vector<1000x64xf32>
    %broadcast_in_dim3A = vector.shape_cast %rsqrt3A : vector<1000xf32> to vector<1000x1xf32>
    %mul3A = vector.broadcast %broadcast_in_dim3A : vector<1000x1xf32> to vector<1000x64xf32>
    %mul3A_26 = arith.mulf %add3A_25, %mul3A : vector<1000x64xf32>
    %get3A_27 = arith.constant 0 : index
    %get3A_28 = arith.constant 0 : index
    %get3A_29 = vector.load %arg3[%get3A_27, %get3A_28] : memref<3x64xf32, #tpu.memory_space<vmem>>, vector<1x64xf32>
    %get3A_30 = vector.shape_cast %get3A_29 : vector<1x64xf32> to vector<64xf32>
    %broadcast_in_dim3A_31 = vector.shape_cast %get3A_30 : vector<64xf32> to vector<1x64xf32>
    %add3A_32 = vector.broadcast %broadcast_in_dim3A_31 : vector<1x64xf32> to vector<1000x64xf32>
    %add3A_33 = arith.addf %mul3A_26, %add3A_32 : vector<1000x64xf32>
    %get3A_34 = arith.constant 3 : index
    %get3A_35 = arith.constant 0 : index
    %get3A_36 = arith.constant 0 : index
    %get3A_37 = arith.constant 0 : index
    %get3A_38 = vector.load %arg2[%get3A_34, %get3A_35, %get3A_36, %get3A_37] : memref<6x2x1000x16xf32, #tpu.memory_space<vmem>>, vector<1x1x1000x1xf32>
    %get3A_39 = vector.shape_cast %get3A_38 : vector<1x1x1000x1xf32> to vector<1000xf32>
    %get3A_40 = arith.constant 3 : index
    %get3A_41 = arith.constant 1 : index
    %get3A_42 = arith.constant 0 : index
    %get3A_43 = arith.constant 0 : index
    %get3A_44 = vector.load %arg2[%get3A_40, %get3A_41, %get3A_42, %get3A_43] : memref<6x2x1000x16xf32, #tpu.memory_space<vmem>>, vector<1x1x1000x1xf32>
    %get3A_45 = vector.shape_cast %get3A_44 : vector<1x1x1000x1xf32> to vector<1000xf32>
    %add3A_46 = arith.addf %get3A_39, %get3A_45 : vector<1000xf32>
    %max3A_47 = arith.constant 1.000000e+00 : f32
    %max3A_48 = vector.broadcast %max3A_47 : f32 to vector<1000xf32>
    %max3A_49 = arith.maximumf %add3A_46, %max3A_48 : vector<1000xf32>
    %rsqrt3A_50 = math.rsqrt %max3A_49 : vector<1000xf32>
    %get3A_51 = arith.constant 1 : index
    %get3A_52 = arith.constant 0 : index
    %get3A_53 = arith.constant 0 : index
    %get3A_54 = arith.constant 0 : index
    %get3A_55 = vector.load %arg1[%get3A_51, %get3A_52, %get3A_53, %get3A_54] : memref<3x2x1000x64xf32, #tpu.memory_space<vmem>>, vector<1x1x1000x64xf32>
    %get3A_56 = vector.shape_cast %get3A_55 : vector<1x1x1000x64xf32> to vector<1000x64xf32>
    %get3A_57 = arith.constant 1 : index
    %get3A_58 = arith.constant 1 : index
    %get3A_59 = arith.constant 0 : index
    %get3A_60 = arith.constant 0 : index
    %get3A_61 = vector.load %arg1[%get3A_57, %get3A_58, %get3A_59, %get3A_60] : memref<3x2x1000x64xf32, #tpu.memory_space<vmem>>, vector<1x1x1000x64xf32>
    %get3A_62 = vector.shape_cast %get3A_61 : vector<1x1x1000x64xf32> to vector<1000x64xf32>
    %add3A_63 = arith.addf %get3A_56, %get3A_62 : vector<1000x64xf32>
    %broadcast_in_dim3A_64 = vector.shape_cast %rsqrt3A_50 : vector<1000xf32> to vector<1000x1xf32>
    %mul3A_65 = vector.broadcast %broadcast_in_dim3A_64 : vector<1000x1xf32> to vector<1000x64xf32>
    %mul3A_66 = arith.mulf %add3A_63, %mul3A_65 : vector<1000x64xf32>
    %get3A_67 = arith.constant 1 : index
    %get3A_68 = arith.constant 0 : index
    %get3A_69 = vector.load %arg3[%get3A_67, %get3A_68] : memref<3x64xf32, #tpu.memory_space<vmem>>, vector<1x64xf32>
    %get3A_70 = vector.shape_cast %get3A_69 : vector<1x64xf32> to vector<64xf32>
    %broadcast_in_dim3A_71 = vector.shape_cast %get3A_70 : vector<64xf32> to vector<1x64xf32>
    %add3A_72 = vector.broadcast %broadcast_in_dim3A_71 : vector<1x64xf32> to vector<1000x64xf32>
    %add3A_73 = arith.addf %mul3A_66, %add3A_72 : vector<1000x64xf32>
    %add3A_74 = arith.addf %add3A_33, %add3A_73 : vector<1000x64xf32>
    %get3A_75 = arith.constant 5 : index
    %get3A_76 = arith.constant 0 : index
    %get3A_77 = arith.constant 0 : index
    %get3A_78 = arith.constant 0 : index
    %get3A_79 = vector.load %arg2[%get3A_75, %get3A_76, %get3A_77, %get3A_78] : memref<6x2x1000x16xf32, #tpu.memory_space<vmem>>, vector<1x1x1000x1xf32>
    %get3A_80 = vector.shape_cast %get3A_79 : vector<1x1x1000x1xf32> to vector<1000xf32>
    %get3A_81 = arith.constant 5 : index
    %get3A_82 = arith.constant 1 : index
    %get3A_83 = arith.constant 0 : index
    %get3A_84 = arith.constant 0 : index
    %get3A_85 = vector.load %arg2[%get3A_81, %get3A_82, %get3A_83, %get3A_84] : memref<6x2x1000x16xf32, #tpu.memory_space<vmem>>, vector<1x1x1000x1xf32>
    %get3A_86 = vector.shape_cast %get3A_85 : vector<1x1x1000x1xf32> to vector<1000xf32>
    %add3A_87 = arith.addf %get3A_80, %get3A_86 : vector<1000xf32>
    %max3A_88 = arith.constant 1.000000e+00 : f32
    %max3A_89 = vector.broadcast %max3A_88 : f32 to vector<1000xf32>
    %max3A_90 = arith.maximumf %add3A_87, %max3A_89 : vector<1000xf32>
    %rsqrt3A_91 = math.rsqrt %max3A_90 : vector<1000xf32>
    %get3A_92 = arith.constant 2 : index
    %get3A_93 = arith.constant 0 : index
    %get3A_94 = arith.constant 0 : index
    %get3A_95 = arith.constant 0 : index
    %get3A_96 = vector.load %arg1[%get3A_92, %get3A_93, %get3A_94, %get3A_95] : memref<3x2x1000x64xf32, #tpu.memory_space<vmem>>, vector<1x1x1000x64xf32>
    %get3A_97 = vector.shape_cast %get3A_96 : vector<1x1x1000x64xf32> to vector<1000x64xf32>
    %get3A_98 = arith.constant 2 : index
    %get3A_99 = arith.constant 1 : index
    %get3A_100 = arith.constant 0 : index
    %get3A_101 = arith.constant 0 : index
    %get3A_102 = vector.load %arg1[%get3A_98, %get3A_99, %get3A_100, %get3A_101] : memref<3x2x1000x64xf32, #tpu.memory_space<vmem>>, vector<1x1x1000x64xf32>
    %get3A_103 = vector.shape_cast %get3A_102 : vector<1x1x1000x64xf32> to vector<1000x64xf32>
    %add3A_104 = arith.addf %get3A_97, %get3A_103 : vector<1000x64xf32>
    %broadcast_in_dim3A_105 = vector.shape_cast %rsqrt3A_91 : vector<1000xf32> to vector<1000x1xf32>
    %mul3A_106 = vector.broadcast %broadcast_in_dim3A_105 : vector<1000x1xf32> to vector<1000x64xf32>
    %mul3A_107 = arith.mulf %add3A_104, %mul3A_106 : vector<1000x64xf32>
    %get3A_108 = arith.constant 2 : index
    %get3A_109 = arith.constant 0 : index
    %get3A_110 = vector.load %arg3[%get3A_108, %get3A_109] : memref<3x64xf32, #tpu.memory_space<vmem>>, vector<1x64xf32>
    %get3A_111 = vector.shape_cast %get3A_110 : vector<1x64xf32> to vector<64xf32>
    %broadcast_in_dim3A_112 = vector.shape_cast %get3A_111 : vector<64xf32> to vector<1x64xf32>
    %add3A_113 = vector.broadcast %broadcast_in_dim3A_112 : vector<1x64xf32> to vector<1000x64xf32>
    %add3A_114 = arith.addf %mul3A_107, %add3A_113 : vector<1000x64xf32>
    %add3A_115 = arith.addf %add3A_74, %add3A_114 : vector<1000x64xf32>
    %max3A_116 = arith.constant 0.000000e+00 : f32
    %max3A_117 = vector.broadcast %max3A_116 : f32 to vector<1000x64xf32>
    %max3A_118 = arith.maximumf %add3A_115, %max3A_117 : vector<1000x64xf32>
    %swap3A = arith.constant 0 : index
    %swap3A_119 = arith.constant 0 : index
    %swap3A_120 = vector.load %arg4[%swap3A, %swap3A_119] : memref<1000x64xf32, #tpu.memory_space<vmem>>, vector<1000x64xf32>
    tpu.vector_store %arg4[%swap3A, %swap3A_119], %max3A_118 {strides = array<i32>} : memref<1000x64xf32, #tpu.memory_space<vmem>>, vector<1000x64xf32>,
    return
  }
  func.func @transform_0(%arg0: i32) -> (i32, i32, i32, i32) {
    %c0_i32 = arith.constant 0 : i32
    %c0_i32_0 = arith.constant 0 : i32
    %c0_i32_1 = arith.constant 0 : i32
    %c0_i32_2 = arith.constant 0 : i32
    return %c0_i32, %c0_i32_0, %arg0, %c0_i32_1 : i32, i32, i32, i32
  }
  func.func @transform_1(%arg0: i32) -> (i32, i32, i32, i32) {
    %c0_i32 = arith.constant 0 : i32
    %c0_i32_0 = arith.constant 0 : i32
    %c0_i32_1 = arith.constant 0 : i32
    %c0_i32_2 = arith.constant 0 : i32
    return %c0_i32, %c0_i32_0, %arg0, %c0_i32_1 : i32, i32, i32, i32
  }
  func.func @transform_2(%arg0: i32) -> (i32, i32) {
    %c0_i32 = arith.constant 0 : i32
    %c0_i32_0 = arith.constant 0 : i32
    %c0_i32_1 = arith.constant 0 : i32
    return %c0_i32, %c0_i32_0 : i32, i32
  }
  func.func @transform_3(%arg0: i32) -> (i32, i32) {
    %c0_i32 = arith.constant 0 : i32
    %c0_i32_0 = arith.constant 0 : i32
    return %arg0, %c0_i32 : i32, i32
  }
}

module attributes {stable_mosaic.version = 14 : i64} {
  func.func @_scale_only_body(%arg0: i32, %arg1: i32, %arg2: memref<1000x64xf32, #tpu.memory_space<vmem>>, %arg3: memref<1x2x1000x16xf32, #tpu.memory_space<vmem>>, %arg4: memref<1x1000x64xf32, #tpu.memory_space<vmem>>) attributes {dimension_semantics = [#tpu.dimension_semantics<arbitrary>, #tpu.dimension_semantics<arbitrary>], iteration_bounds = array<i64: 3, 10>, scalar_prefetch = 0 : i64, scratch_operands = 0 : i64, tpu.core_type = #tpu.core_type<tc>, window_params = [{transform_indices = @transform_0, window_bounds = array<i64: 1000, 64>}, {transform_indices = @transform_1, window_bounds = array<i64: 1, 2, 1000, 16>}, {transform_indices = @transform_2, window_bounds = array<i64: 1, 1000, 64>}]} {
    %get3A = arith.constant 0 : index
    %get3A_0 = arith.constant 0 : index
    %get3A_1 = arith.constant 0 : index
    %get3A_2 = arith.constant 0 : index
    %get3A_3 = vector.load %arg3[%get3A, %get3A_0, %get3A_1, %get3A_2] : memref<1x2x1000x16xf32, #tpu.memory_space<vmem>>, vector<1x1x1000x1xf32>
    %get3A_4 = vector.shape_cast %get3A_3 : vector<1x1x1000x1xf32> to vector<1000xf32>
    %get3A_5 = arith.constant 0 : index
    %get3A_6 = arith.constant 1 : index
    %get3A_7 = arith.constant 0 : index
    %get3A_8 = arith.constant 0 : index
    %get3A_9 = vector.load %arg3[%get3A_5, %get3A_6, %get3A_7, %get3A_8] : memref<1x2x1000x16xf32, #tpu.memory_space<vmem>>, vector<1x1x1000x1xf32>
    %get3A_10 = vector.shape_cast %get3A_9 : vector<1x1x1000x1xf32> to vector<1000xf32>
    %add3A = arith.addf %get3A_4, %get3A_10 : vector<1000xf32>
    %max3A = arith.constant 1.000000e+00 : f32
    %max3A_11 = vector.broadcast %max3A : f32 to vector<1000xf32>
    %max3A_12 = arith.maximumf %add3A, %max3A_11 : vector<1000xf32>
    %rsqrt3A = math.rsqrt %max3A_12 : vector<1000xf32>
    %get3A_13 = arith.constant 0 : index
    %get3A_14 = arith.constant 0 : index
    %get3A_15 = vector.load %arg2[%get3A_13, %get3A_14] : memref<1000x64xf32, #tpu.memory_space<vmem>>, vector<1000x64xf32>
    %broadcast_in_dim3A = vector.shape_cast %rsqrt3A : vector<1000xf32> to vector<1000x1xf32>
    %mul3A = vector.broadcast %broadcast_in_dim3A : vector<1000x1xf32> to vector<1000x64xf32>
    %mul3A_16 = arith.mulf %get3A_15, %mul3A : vector<1000x64xf32>
    %swap3A = arith.constant 0 : index
    %swap3A_17 = arith.constant 0 : index
    %swap3A_18 = arith.constant 0 : index
    %swap3A_19 = vector.load %arg4[%swap3A, %swap3A_17, %swap3A_18] : memref<1x1000x64xf32, #tpu.memory_space<vmem>>, vector<1x1000x64xf32>
    %swap3A_20 = vector.shape_cast %swap3A_19 : vector<1x1000x64xf32> to vector<1000x64xf32>
    %swap3A_21 = vector.shape_cast %mul3A_16 : vector<1000x64xf32> to vector<1x1000x64xf32>
    tpu.vector_store %arg4[%swap3A, %swap3A_17, %swap3A_18], %swap3A_21 {strides = array<i32>} : memref<1x1000x64xf32, #tpu.memory_space<vmem>>, vector<1x1000x64xf32>,
    return
  }
  func.func @transform_0(%arg0: i32, %arg1: i32) -> (i32, i32) {
    %c0_i32 = arith.constant 0 : i32
    %c0_i32_0 = arith.constant 0 : i32
    return %arg1, %c0_i32 : i32, i32
  }
  func.func @transform_1(%arg0: i32, %arg1: i32) -> (i32, i32, i32, i32) {
    %mul3A = arith.constant 2 : i32
    %mul3A_0 = arith.muli %mul3A, %arg0 : i32
    %c0_i32 = arith.constant 0 : i32
    %c0_i32_1 = arith.constant 0 : i32
    %c0_i32_2 = arith.constant 0 : i32
    return %mul3A_0, %c0_i32, %arg1, %c0_i32_1 : i32, i32, i32, i32
  }
  func.func @transform_2(%arg0: i32, %arg1: i32) -> (i32, i32, i32) {
    %c0_i32 = arith.constant 0 : i32
    %c0_i32_0 = arith.constant 0 : i32
    return %arg0, %arg1, %c0_i32 : i32, i32, i32
  }
}

module attributes {stable_mosaic.version = 14 : i64} {
  func.func @_final_body(%arg0: i32, %arg1: memref<3x2x1000x64xf32, #tpu.memory_space<vmem>>, %arg2: memref<6x2x1000x16xf32, #tpu.memory_space<vmem>>, %arg3: memref<3x64x128xf32, #tpu.memory_space<vmem>>, %arg4: memref<3x128xf32, #tpu.memory_space<vmem>>, %arg5: memref<1000x128xf32, #tpu.memory_space<vmem>>) attributes {dimension_semantics = [#tpu.dimension_semantics<arbitrary>], iteration_bounds = array<i64: 10>, scalar_prefetch = 0 : i64, scratch_operands = 0 : i64, tpu.core_type = #tpu.core_type<tc>, window_params = [{transform_indices = @transform_0, window_bounds = array<i64: 3, 2, 1000, 64>}, {transform_indices = @transform_1, window_bounds = array<i64: 6, 2, 1000, 16>}, {pipeline_mode = #tpu.pipeline_mode<synchronous>, transform_indices = @transform_2, window_bounds = array<i64: 3, 64, 128>}, {pipeline_mode = #tpu.pipeline_mode<synchronous>, transform_indices = @transform_3, window_bounds = array<i64: 3, 128>}, {transform_indices = @transform_4, window_bounds = array<i64: 1000, 128>}]} {
    %get3A = arith.constant 1 : index
    %get3A_0 = arith.constant 0 : index
    %get3A_1 = arith.constant 0 : index
    %get3A_2 = arith.constant 0 : index
    %get3A_3 = vector.load %arg2[%get3A, %get3A_0, %get3A_1, %get3A_2] : memref<6x2x1000x16xf32, #tpu.memory_space<vmem>>, vector<1x1x1000x1xf32>
    %get3A_4 = vector.shape_cast %get3A_3 : vector<1x1x1000x1xf32> to vector<1000xf32>
    %get3A_5 = arith.constant 1 : index
    %get3A_6 = arith.constant 1 : index
    %get3A_7 = arith.constant 0 : index
    %get3A_8 = arith.constant 0 : index
    %get3A_9 = vector.load %arg2[%get3A_5, %get3A_6, %get3A_7, %get3A_8] : memref<6x2x1000x16xf32, #tpu.memory_space<vmem>>, vector<1x1x1000x1xf32>
    %get3A_10 = vector.shape_cast %get3A_9 : vector<1x1x1000x1xf32> to vector<1000xf32>
    %add3A = arith.addf %get3A_4, %get3A_10 : vector<1000xf32>
    %max3A = arith.constant 1.000000e+00 : f32
    %max3A_11 = vector.broadcast %max3A : f32 to vector<1000xf32>
    %max3A_12 = arith.maximumf %add3A, %max3A_11 : vector<1000xf32>
    %rsqrt3A = math.rsqrt %max3A_12 : vector<1000xf32>
    %get3A_13 = arith.constant 0 : index
    %get3A_14 = arith.constant 0 : index
    %get3A_15 = arith.constant 0 : index
    %get3A_16 = arith.constant 0 : index
    %get3A_17 = vector.load %arg1[%get3A_13, %get3A_14, %get3A_15, %get3A_16] : memref<3x2x1000x64xf32, #tpu.memory_space<vmem>>, vector<1x1x1000x64xf32>
    %get3A_18 = vector.shape_cast %get3A_17 : vector<1x1x1000x64xf32> to vector<1000x64xf32>
    %get3A_19 = arith.constant 0 : index
    %get3A_20 = arith.constant 1 : index
    %get3A_21 = arith.constant 0 : index
    %get3A_22 = arith.constant 0 : index
    %get3A_23 = vector.load %arg1[%get3A_19, %get3A_20, %get3A_21, %get3A_22] : memref<3x2x1000x64xf32, #tpu.memory_space<vmem>>, vector<1x1x1000x64xf32>
    %get3A_24 = vector.shape_cast %get3A_23 : vector<1x1x1000x64xf32> to vector<1000x64xf32>
    %add3A_25 = arith.addf %get3A_18, %get3A_24 : vector<1000x64xf32>
    %broadcast_in_dim3A = vector.shape_cast %rsqrt3A : vector<1000xf32> to vector<1000x1xf32>
    %mul3A = vector.broadcast %broadcast_in_dim3A : vector<1000x1xf32> to vector<1000x64xf32>
    %mul3A_26 = arith.mulf %add3A_25, %mul3A : vector<1000x64xf32>
    %get3A_27 = arith.constant 0 : index
    %get3A_28 = arith.constant 0 : index
    %get3A_29 = arith.constant 0 : index
    %get3A_30 = vector.load %arg3[%get3A_27, %get3A_28, %get3A_29] : memref<3x64x128xf32, #tpu.memory_space<vmem>>, vector<1x64x128xf32>
    %get3A_31 = vector.shape_cast %get3A_30 : vector<1x64x128xf32> to vector<64x128xf32>
    %dot_general3A = arith.constant dense<0.000000e+00> : vector<1000x128xf32>
    %dot_general3A_32 = tpu.matmul %mul3A_26, %get3A_31, %dot_general3A {dimension_numbers = #tpu.dot_dimension_numbers<[1], [0], [0], [1], [0, 0, 1, 1], [], []>, transpose_lhs_hint = false} : vector<1000x64xf32>, vector<64x128xf32>, vector<1000x128xf32> -> vector<1000x128xf32>
    %get3A_33 = arith.constant 0 : index
    %get3A_34 = arith.constant 0 : index
    %get3A_35 = vector.load %arg4[%get3A_33, %get3A_34] : memref<3x128xf32, #tpu.memory_space<vmem>>, vector<1x128xf32>
    %get3A_36 = vector.shape_cast %get3A_35 : vector<1x128xf32> to vector<128xf32>
    %broadcast_in_dim3A_37 = vector.shape_cast %get3A_36 : vector<128xf32> to vector<1x128xf32>
    %add3A_38 = vector.broadcast %broadcast_in_dim3A_37 : vector<1x128xf32> to vector<1000x128xf32>
    %add3A_39 = arith.addf %dot_general3A_32, %add3A_38 : vector<1000x128xf32>
    %get3A_40 = arith.constant 3 : index
    %get3A_41 = arith.constant 0 : index
    %get3A_42 = arith.constant 0 : index
    %get3A_43 = arith.constant 0 : index
    %get3A_44 = vector.load %arg2[%get3A_40, %get3A_41, %get3A_42, %get3A_43] : memref<6x2x1000x16xf32, #tpu.memory_space<vmem>>, vector<1x1x1000x1xf32>
    %get3A_45 = vector.shape_cast %get3A_44 : vector<1x1x1000x1xf32> to vector<1000xf32>
    %get3A_46 = arith.constant 3 : index
    %get3A_47 = arith.constant 1 : index
    %get3A_48 = arith.constant 0 : index
    %get3A_49 = arith.constant 0 : index
    %get3A_50 = vector.load %arg2[%get3A_46, %get3A_47, %get3A_48, %get3A_49] : memref<6x2x1000x16xf32, #tpu.memory_space<vmem>>, vector<1x1x1000x1xf32>
    %get3A_51 = vector.shape_cast %get3A_50 : vector<1x1x1000x1xf32> to vector<1000xf32>
    %add3A_52 = arith.addf %get3A_45, %get3A_51 : vector<1000xf32>
    %max3A_53 = arith.constant 1.000000e+00 : f32
    %max3A_54 = vector.broadcast %max3A_53 : f32 to vector<1000xf32>
    %max3A_55 = arith.maximumf %add3A_52, %max3A_54 : vector<1000xf32>
    %rsqrt3A_56 = math.rsqrt %max3A_55 : vector<1000xf32>
    %get3A_57 = arith.constant 1 : index
    %get3A_58 = arith.constant 0 : index
    %get3A_59 = arith.constant 0 : index
    %get3A_60 = arith.constant 0 : index
    %get3A_61 = vector.load %arg1[%get3A_57, %get3A_58, %get3A_59, %get3A_60] : memref<3x2x1000x64xf32, #tpu.memory_space<vmem>>, vector<1x1x1000x64xf32>
    %get3A_62 = vector.shape_cast %get3A_61 : vector<1x1x1000x64xf32> to vector<1000x64xf32>
    %get3A_63 = arith.constant 1 : index
    %get3A_64 = arith.constant 1 : index
    %get3A_65 = arith.constant 0 : index
    %get3A_66 = arith.constant 0 : index
    %get3A_67 = vector.load %arg1[%get3A_63, %get3A_64, %get3A_65, %get3A_66] : memref<3x2x1000x64xf32, #tpu.memory_space<vmem>>, vector<1x1x1000x64xf32>
    %get3A_68 = vector.shape_cast %get3A_67 : vector<1x1x1000x64xf32> to vector<1000x64xf32>
    %add3A_69 = arith.addf %get3A_62, %get3A_68 : vector<1000x64xf32>
    %broadcast_in_dim3A_70 = vector.shape_cast %rsqrt3A_56 : vector<1000xf32> to vector<1000x1xf32>
    %mul3A_71 = vector.broadcast %broadcast_in_dim3A_70 : vector<1000x1xf32> to vector<1000x64xf32>
    %mul3A_72 = arith.mulf %add3A_69, %mul3A_71 : vector<1000x64xf32>
    %get3A_73 = arith.constant 1 : index
    %get3A_74 = arith.constant 0 : index
    %get3A_75 = arith.constant 0 : index
    %get3A_76 = vector.load %arg3[%get3A_73, %get3A_74, %get3A_75] : memref<3x64x128xf32, #tpu.memory_space<vmem>>, vector<1x64x128xf32>
    %get3A_77 = vector.shape_cast %get3A_76 : vector<1x64x128xf32> to vector<64x128xf32>
    %dot_general3A_78 = arith.constant dense<0.000000e+00> : vector<1000x128xf32>
    %dot_general3A_79 = tpu.matmul %mul3A_72, %get3A_77, %dot_general3A_78 {dimension_numbers = #tpu.dot_dimension_numbers<[1], [0], [0], [1], [0, 0, 1, 1], [], []>, transpose_lhs_hint = false} : vector<1000x64xf32>, vector<64x128xf32>, vector<1000x128xf32> -> vector<1000x128xf32>
    %get3A_80 = arith.constant 1 : index
    %get3A_81 = arith.constant 0 : index
    %get3A_82 = vector.load %arg4[%get3A_80, %get3A_81] : memref<3x128xf32, #tpu.memory_space<vmem>>, vector<1x128xf32>
    %get3A_83 = vector.shape_cast %get3A_82 : vector<1x128xf32> to vector<128xf32>
    %broadcast_in_dim3A_84 = vector.shape_cast %get3A_83 : vector<128xf32> to vector<1x128xf32>
    %add3A_85 = vector.broadcast %broadcast_in_dim3A_84 : vector<1x128xf32> to vector<1000x128xf32>
    %add3A_86 = arith.addf %dot_general3A_79, %add3A_85 : vector<1000x128xf32>
    %add3A_87 = arith.addf %add3A_39, %add3A_86 : vector<1000x128xf32>
    %get3A_88 = arith.constant 5 : index
    %get3A_89 = arith.constant 0 : index
    %get3A_90 = arith.constant 0 : index
    %get3A_91 = arith.constant 0 : index
    %get3A_92 = vector.load %arg2[%get3A_88, %get3A_89, %get3A_90, %get3A_91] : memref<6x2x1000x16xf32, #tpu.memory_space<vmem>>, vector<1x1x1000x1xf32>
    %get3A_93 = vector.shape_cast %get3A_92 : vector<1x1x1000x1xf32> to vector<1000xf32>
    %get3A_94 = arith.constant 5 : index
    %get3A_95 = arith.constant 1 : index
    %get3A_96 = arith.constant 0 : index
    %get3A_97 = arith.constant 0 : index
    %get3A_98 = vector.load %arg2[%get3A_94, %get3A_95, %get3A_96, %get3A_97] : memref<6x2x1000x16xf32, #tpu.memory_space<vmem>>, vector<1x1x1000x1xf32>
    %get3A_99 = vector.shape_cast %get3A_98 : vector<1x1x1000x1xf32> to vector<1000xf32>
    %add3A_100 = arith.addf %get3A_93, %get3A_99 : vector<1000xf32>
    %max3A_101 = arith.constant 1.000000e+00 : f32
    %max3A_102 = vector.broadcast %max3A_101 : f32 to vector<1000xf32>
    %max3A_103 = arith.maximumf %add3A_100, %max3A_102 : vector<1000xf32>
    %rsqrt3A_104 = math.rsqrt %max3A_103 : vector<1000xf32>
    %get3A_105 = arith.constant 2 : index
    %get3A_106 = arith.constant 0 : index
    %get3A_107 = arith.constant 0 : index
    %get3A_108 = arith.constant 0 : index
    %get3A_109 = vector.load %arg1[%get3A_105, %get3A_106, %get3A_107, %get3A_108] : memref<3x2x1000x64xf32, #tpu.memory_space<vmem>>, vector<1x1x1000x64xf32>
    %get3A_110 = vector.shape_cast %get3A_109 : vector<1x1x1000x64xf32> to vector<1000x64xf32>
    %get3A_111 = arith.constant 2 : index
    %get3A_112 = arith.constant 1 : index
    %get3A_113 = arith.constant 0 : index
    %get3A_114 = arith.constant 0 : index
    %get3A_115 = vector.load %arg1[%get3A_111, %get3A_112, %get3A_113, %get3A_114] : memref<3x2x1000x64xf32, #tpu.memory_space<vmem>>, vector<1x1x1000x64xf32>
    %get3A_116 = vector.shape_cast %get3A_115 : vector<1x1x1000x64xf32> to vector<1000x64xf32>
    %add3A_117 = arith.addf %get3A_110, %get3A_116 : vector<1000x64xf32>
    %broadcast_in_dim3A_118 = vector.shape_cast %rsqrt3A_104 : vector<1000xf32> to vector<1000x1xf32>
    %mul3A_119 = vector.broadcast %broadcast_in_dim3A_118 : vector<1000x1xf32> to vector<1000x64xf32>
    %mul3A_120 = arith.mulf %add3A_117, %mul3A_119 : vector<1000x64xf32>
    %get3A_121 = arith.constant 2 : index
    %get3A_122 = arith.constant 0 : index
    %get3A_123 = arith.constant 0 : index
    %get3A_124 = vector.load %arg3[%get3A_121, %get3A_122, %get3A_123] : memref<3x64x128xf32, #tpu.memory_space<vmem>>, vector<1x64x128xf32>
    %get3A_125 = vector.shape_cast %get3A_124 : vector<1x64x128xf32> to vector<64x128xf32>
    %dot_general3A_126 = arith.constant dense<0.000000e+00> : vector<1000x128xf32>
    %dot_general3A_127 = tpu.matmul %mul3A_120, %get3A_125, %dot_general3A_126 {dimension_numbers = #tpu.dot_dimension_numbers<[1], [0], [0], [1], [0, 0, 1, 1], [], []>, transpose_lhs_hint = false} : vector<1000x64xf32>, vector<64x128xf32>, vector<1000x128xf32> -> vector<1000x128xf32>
    %get3A_128 = arith.constant 2 : index
    %get3A_129 = arith.constant 0 : index
    %get3A_130 = vector.load %arg4[%get3A_128, %get3A_129] : memref<3x128xf32, #tpu.memory_space<vmem>>, vector<1x128xf32>
    %get3A_131 = vector.shape_cast %get3A_130 : vector<1x128xf32> to vector<128xf32>
    %broadcast_in_dim3A_132 = vector.shape_cast %get3A_131 : vector<128xf32> to vector<1x128xf32>
    %add3A_133 = vector.broadcast %broadcast_in_dim3A_132 : vector<1x128xf32> to vector<1000x128xf32>
    %add3A_134 = arith.addf %dot_general3A_127, %add3A_133 : vector<1000x128xf32>
    %add3A_135 = arith.addf %add3A_87, %add3A_134 : vector<1000x128xf32>
    %swap3A = arith.constant 0 : index
    %swap3A_136 = arith.constant 0 : index
    %swap3A_137 = vector.load %arg5[%swap3A, %swap3A_136] : memref<1000x128xf32, #tpu.memory_space<vmem>>, vector<1000x128xf32>
    tpu.vector_store %arg5[%swap3A, %swap3A_136], %add3A_135 {strides = array<i32>} : memref<1000x128xf32, #tpu.memory_space<vmem>>, vector<1000x128xf32>,
    return
  }
  func.func @transform_0(%arg0: i32) -> (i32, i32, i32, i32) {
    %c0_i32 = arith.constant 0 : i32
    %c0_i32_0 = arith.constant 0 : i32
    %c0_i32_1 = arith.constant 0 : i32
    %c0_i32_2 = arith.constant 0 : i32
    return %c0_i32, %c0_i32_0, %arg0, %c0_i32_1 : i32, i32, i32, i32
  }
  func.func @transform_1(%arg0: i32) -> (i32, i32, i32, i32) {
    %c0_i32 = arith.constant 0 : i32
    %c0_i32_0 = arith.constant 0 : i32
    %c0_i32_1 = arith.constant 0 : i32
    %c0_i32_2 = arith.constant 0 : i32
    return %c0_i32, %c0_i32_0, %arg0, %c0_i32_1 : i32, i32, i32, i32
  }
  func.func @transform_2(%arg0: i32) -> (i32, i32, i32) {
    %c0_i32 = arith.constant 0 : i32
    %c0_i32_0 = arith.constant 0 : i32
    %c0_i32_1 = arith.constant 0 : i32
    %c0_i32_2 = arith.constant 0 : i32
    return %c0_i32, %c0_i32_0, %c0_i32_1 : i32, i32, i32
  }
  func.func @transform_3(%arg0: i32) -> (i32, i32) {
    %c0_i32 = arith.constant 0 : i32
    %c0_i32_0 = arith.constant 0 : i32
    %c0_i32_1 = arith.constant 0 : i32
    return %c0_i32, %c0_i32_0 : i32, i32
  }
  func.func @transform_4(%arg0: i32) -> (i32, i32) {
    %c0_i32 = arith.constant 0 : i32
    %c0_i32_0 = arith.constant 0 : i32
    return %arg0, %c0_i32 : i32, i32
  }
}

</mosaic_0001>

<sc_bundles>
// kernel: kernel.12.cloned.1.call-start
scs
__scs_entry_jumppad:
0x0: {  	(pc) =	sbr.rel $0x88, $3  }
0x1: {  	(tag) =	ssettag $0x0;
	lr =	simm.s32 $0x1  }
0x2: {  	[smem:$0x3F8B] =	sst lr;
	_ =	strace $0xD0000000  }
0x3: {  	_ = 	snop  }
0x4: {  	_ = 	snop  }
0x5: {  	_ = 	snop  }
0x6: {  	_ = 	snop  }
0x7: {  	_ = 	snop  }
__scs_overlays_trampoline_lowered:
0x8: {  	[smem:$0x3F9A] =	sst s0  }
0x9: {  	[smem:$0x3F9B] =	sst s1  }
0xa: {  	[smem:$0x3F9C] =	sst s2  }
0xb: {  	[smem:$0x3F9D] =	sst s3  }
0xc: {  	[smem:$0x3F9E] =	sst s4  }
0xd: {  	[smem:$0x3F9F] =	sst s5  }
0xe: {  	[smem:$0x3FA0] =	sst s6  }
0xf: {  	[smem:$0x3FA1] =	sst s7  }
0x10: {  	[smem:$0x3FA2] =	sst s8  }
0x11: {  	[smem:$0x3FA3] =	sst s9;
	s0 =	simm.s32 @!p0 $0x0  }
0x12: {  	s1 =	sld [smem:$0x3F89];
	s0 =	simm.s32 @p0 $0x1  }
0x13: {  	[smem:$0x3FA4] =	sst s0;
	s0 =	simm.s32 @!p1 $0x0  }
0x14: {  	s2 =	sld [smem:$0x3F88];
	s0 =	simm.s32 @p1 $0x1  }
0x15: {  	[smem:$0x3FA5] =	sst s0;
	s0 =	simm.s32 @!p2 $0x0  }
0x16: {  	s3 =	sld [smem:$0x3FDB];
	s0 =	simm.s32 @p2 $0x1  }
0x17: {  	s4 =	simm.s32 $0x1BF5;
	[smem:$0x3FA7] =	sst s0  }
0x18: {  	s0 =	sld [smem:$0x3F8A];
	_ =	swait.ge [sflag:s4], $0x0  }
0x19: {  	s7 =	sld [smem:$0x3F8B]  }
0x1a: {  	s8 =	sadd.s32 $0xFFFFE003, lr  }
0x1b: {  	s9 =	sadd.s32 $0xFFFFFEF7, lr;
	s5 =	simm.s32 $0xFFFFFFFF;
	p2 =	slt.u32 s8, $0xFFFFF086  }
0x1c: {  	p1 =	slt.u32 s9, $0xF7A;
	s5 =	simm.s32 @!p2 $0x0  }
0x1d: {  	s5 =	simm.s32 @p1 $0x1;
	p0 =	seq.s32 s7, s2  }
0x1e: {  	s7 =	smul.u32 @!p0 $0xF7A, s2;
	p2 =	seq.s32 @!p0 s5, $0x0  }
0x1f: {  	s9 =	smul.u32 $0xF7A, s1;
	s8 =	simm.s32 @!p0 $0x1BF5;
	p2 =	por !p2, p0  }
0x20: {  	[sflag:s8] =	ssyncset.s32 @!p0 $0xFFFFF086;
	s6 =	sadd.s32 @!p0 s3, s7;
	s7 =	simm.s32 @!p0 $0x108  }
0x21: {  	s3 =	sadd.s32 s3, s9;
	s6 =	sadd.s32 @!p0 $0x88, s6;
	s7 =	simm.s32 @p2 $0x1082  }
0x22: {  	[simem:s7], [sflag:s8] =	dma.local @!p0 [hbm:s6], $0xF7A  }
0x23: {  	s9 =	sor.u32 $0xD0000000, s2;
	s6 =	simm.s32 $0x108;
	_ =	swait.ge @!p0 [sflag:s8], $0x0  }
0x24: {  	s3 =	sadd.s32 $0x88, s3;
	s6 =	simm.s32 @!p1 $0x1082;
	[sflag:s4] =	ssyncset.s32 $0xFFFFF086  }
0x25: {  	[simem:s6], [sflag:s4] =	dma.local [hbm:s3], $0xF7A  }
0x26: {  	[smem:$0x3F8B] =	sst s1;
	(tag) =	ssettag s2;
	_ =	strace s9  }
0x27: {  	s1 =	sld [smem:$0x3F9B]  }
0x28: {  	s2 =	sld [smem:$0x3F9C]  }
0x29: {  	s4 =	sld [smem:$0x3F9E]  }
0x2a: {  	p0 =	seq.s32 s5, $0x0;
	s5 =	sld [smem:$0x3F9F]  }
0x2b: {  	s6 =	sld [smem:$0x3FA0]  }
0x2c: {  	s7 =	sld [smem:$0x3FA1]  }
0x2d: {  	s3 =	simm.s32 $0x108;
	s8 =	sld [smem:$0x3FA2]  }
0x2e: {  	s3 =	simm.s32 @!p0 $0x1082;
	s9 =	sld [smem:$0x3FA3]  }
0x2f: {  	lr =	sadd.s32 s0, s3;
	s0 =	sld [smem:$0x3F9A]  }
0x30: {  	s3 =	sld [smem:$0x3F9D]  }
0x31: {  	[smem:$0x3FA6] =	sst s10  }
0x32: {  	s10 =	sld [smem:$0x3FA4];
	_ =	sdelay $0x3  }
0x33: {  	p0 =	seq.s32 s10, $0x1;
	s10 =	sld [smem:$0x3FA6];
	_ =	sdelay $0x3  }
0x34: {  	[smem:$0x3FA6] =	sst s10  }
0x35: {  	s10 =	sld [smem:$0x3FA5];
	_ =	sdelay $0x3  }
0x36: {  	p1 =	seq.s32 s10, $0x1;
	s10 =	sld [smem:$0x3FA6];
	_ =	sdelay $0x3  }
0x37: {  	[smem:$0x3FA6] =	sst s10  }
0x38: {  	s10 =	sld [smem:$0x3FA7]  }
0x39: {  	_ = 	snop;
	(pc) =	sbr.ind lr, $3  }
0x3a: {  	_ = 	snop  }
0x3b: {  	_ = 	snop  }
0x3c: {  	p2 =	seq.s32 s10, $0x1;
	s10 =	sld [smem:$0x3FA6]  }
0x3d: {  	_ =	shalt  }
0x3e: {  	_ =	shalt  }
0x3f: {  	_ =	shalt  }
0x40: {  	_ =	shalt  }
0x41: {  	_ =	shalt  }
0x42: {  	_ =	shalt  }
0x43: {  	_ =	shalt  }
0x44: {  	_ =	shalt  }
0x45: {  	_ =	shalt  }
0x46: {  	_ =	shalt  }
0x47: {  	_ =	shalt  }
0x48: {  	_ =	shalt  }
0x49: {  	_ =	shalt  }
0x4a: {  	_ =	shalt  }
0x4b: {  	_ =	shalt  }
0x4c: {  	_ =	shalt  }
0x4d: {  	_ =	shalt  }
0x4e: {  	_ =	shalt  }
0x4f: {  	_ =	shalt  }
0x50: {  	_ =	shalt  }
0x51: {  	_ =	shalt  }
0x52: {  	_ =	shalt  }
0x53: {  	_ =	shalt  }
0x54: {  	_ =	shalt  }
0x55: {  	_ =	shalt  }
0x56: {  	_ =	shalt  }
0x57: {  	_ =	shalt  }
0x58: {  	_ =	shalt  }
0x59: {  	_ =	shalt  }
0x5a: {  	_ =	shalt  }
0x5b: {  	_ =	shalt  }
0x5c: {  	_ =	shalt  }
0x5d: {  	_ =	shalt  }
0x5e: {  	_ =	shalt  }
0x5f: {  	_ =	shalt  }
0x60: {  	_ =	shalt  }
0x61: {  	_ =	shalt  }
0x62: {  	_ =	shalt  }
0x63: {  	_ =	shalt  }
0x64: {  	_ =	shalt  }
0x65: {  	_ =	shalt  }
0x66: {  	_ =	shalt  }
0x67: {  	_ =	shalt  }
0x68: {  	_ =	shalt  }
0x69: {  	_ =	shalt  }
0x6a: {  	_ =	shalt  }
0x6b: {  	_ =	shalt  }
0x6c: {  	_ =	shalt  }
0x6d: {  	_ =	shalt  }
0x6e: {  	_ =	shalt  }
0x6f: {  	_ =	shalt  }
0x70: {  	_ =	shalt  }
0x71: {  	_ =	shalt  }
0x72: {  	_ =	shalt  }
0x73: {  	_ =	shalt  }
0x74: {  	_ =	shalt  }
0x75: {  	_ =	shalt  }
0x76: {  	_ =	shalt  }
0x77: {  	_ =	shalt  }
0x78: {  	_ =	shalt  }
0x79: {  	_ =	shalt  }
0x7a: {  	_ =	shalt  }
0x7b: {  	_ =	shalt  }
0x7c: {  	_ =	shalt  }
0x7d: {  	_ =	shalt  }
0x7e: {  	_ =	shalt  }
0x7f: {  	_ =	shalt  }
0x80: {  	_ =	shalt  }
0x81: {  	_ =	shalt  }
0x82: {  	_ =	shalt  }
0x83: {  	_ =	shalt  }
0x84: {  	_ =	shalt  }
0x85: {  	_ =	shalt  }
0x86: {  	_ =	shalt  }
0x87: {  	_ =	shalt  }
.Lfunc_end0:
.L_simem_size_0:
called_computation_lowered:
.L_overlay_start_0:
0x88: {  	s2 =	sld [smem:$0x3FD9]  }
0x89: {  	s3 =	sld [smem:$0x3FFE];
	_ =	sdelay $0x1  }
0x8a: {  	s1 =	srdreg.scid  }
0x8b: {  	s0 =	sand.u32 $0x1, s1  }
0x8c: {  	s17 =	sshll.u32 s0, $0xA;
	s2 =	sadd.s32 s3, s2  }
0x8d: {  	s2 =	sadd.s32 s2, s17  }
0x8e: {  	[smem:$0x3FB2] =	sst s2  }
0x8f: {  	_ = 	snop  }
0x90: {  	s2 =	sld [smem:$0x3FD0];
	(tm) =	ssettm $0x1  }
0x91: {  	s18 =	sld [smem:$0x3FFB];
	_ =	sdelay $0x3  }
0x92: {  	_ =	strace s18  }
0x93: {  	s3 =	sld [smem:$0x3FFC];
	_ =	sdelay $0x3  }
0x94: {  	_ =	strace s3  }
0x95: {  	s3 =	sld [smem:$0x3FFD];
	_ =	sdelay $0x3  }
0x96: {  	_ =	strace s3  }
0x97: {  	_ =	strace $0x8FFFFFFF  }
0x98: {  	s19 =	sld [smem:$0x3FDB];
	_ =	sdelay $0x1  }
0x99: {  	s4 =	simm.s32 $_scs_section_size  }
0x9a: {  	s5 =	simm.s32 $_size__tile_overlayer_lowered;
	s6 =	simm.s32 $_tile_overlayer_lowered  }
0x9b: {  	s22 =	simm.s32 $0x1BFF;
	s21 =	sshll.u32 s6, $0x1;
	s3 =	sadd.s32 s4, s19  }
0x9c: {  	s7 =	simm.s32 $0x0;
	s20 =	sshll.u32 s5, $0x1;
	s5 =	sadd.s32 s21, s3  }
0x9d: {  	[timem:s7], [sflag:s22] =	dma.local [hbm:s5], s20  }
0x9e: {  	_ =	swait.ge [sflag:s22], s20  }
0x9f: {  	s4 =	ssub.s32 $0x0, s20;
	[sflag:s22] =	ssyncset.done $0x0  }
0xa0: {  	[sflag:s22] =	ssyncadd.s32 s4;
	_ =	sdelay $0x1  }
0xa1: {  	s23 =	simm.s32 $0x1B8B  }
0xa2: {  	_ =	swait.ge [sflag:s23], $0x1  }
0xa3: {  	[sflag:s23] =	ssyncset.done $0x0  }
0xa4: {  	s25 =	simm.s32 $0x1B8E;
	s24 =	sld [smem:$0x3FFE];
	[sflag:s23] =	ssyncadd.s32 $0xFFFFFFFF  }
0xa5: {  	s26 =	simm.s32 $execute0_lowered;
	[smem:$0x3FD2] =	sst s25  }
0xa6: {  	s5 =	sshll.u32 s26, $0x1;
	_ =	strace $0x80000046;
	[dreg:$0x1] =	wrdreg $0xFFFFFFFF  }
0xa7: {  	s28 =	simm.s32 $_size_execute0_lowered;
	s3 =	sadd.s32 s3, s5;
	[dreg:$0x0] =	wrdreg $0x0  }
0xa8: {  	s5 =	sshll.u32 s28, $0x1;
	[dreg:$0x2] =	wrdreg s3  }
0xa9: {  	[dreg:$0x3] =	wrdreg s5  }
0xaa: {  	[dreg:$0x4] =	wrdreg $0xC0  }
0xab: {  	_ =	task [dreg:s7], $0x5FFFF  }
0xac: {  	[dreg:$0x1] =	wrdreg $0xFFFFFFFF  }
0xad: {  	[dreg:$0x0] =	wrdreg $0x60  }
0xae: {  	[dreg:$0x2] =	wrdreg s24  }
0xaf: {  	[dreg:$0x3] =	wrdreg s2  }
0xb0: {  	[dreg:$0x4] =	wrdreg $0x80000  }
0xb1: {  	[dreg:$0x5] =	wrdreg $0x9  }
0xb2: {  	_ =	task.clear_ibuf [dreg:s7], $0x6FFFF;
	_ =	strace $0x90000046  }
0xb3: {  	s29 =	simm.s32 $0x9;
	_ =	strace $0x80000048  }
0xb4: {  	_ =	swait.ge [sflag:s29], $0x1  }
0xb5: {  	[sflag:s29] =	ssyncadd.s32 $0xFFFFFFFF  }
0xb6: {  	_ =	strace $0x90000048  }
0xb7: {  	_ =	sfence  }
0xb8: {  	s30 =	sld [smem:$0x0];
	_ =	sdelay $0x2  }
0xb9: {  	s31 =	sshll.u32 s1, $0xD;
	s1 =	sshrl.u32 s1, $0x2  }
0xba: {  	s3 =	sand.u32 $0x4000, s31;
	s1 =	sadd.s32 s1, s30  }
0xbb: {  	s0 =	sor.u32 s3, s0;
	s1 =	sshll.u32 s1, $0x11  }
0xbc: {  	s0 =	sor.u32 s1, s0  }
0xbd: {  	s0 =	sadd.s32 $0x8F2B, s0  }
0xbe: {  	[sflag:s0] =	ssyncadd.remote.s32 $0x1  }
0xbf: {  	_ =	sfence.sel $0xFFFF  }
0xc0: {  	[dreg:$0x0] =	wrdreg $0xFFFFFFFF;
	(pc) =	sbr.abs _section_cstart, $3  }
0xc1: {  	[dreg:$0x1] =	wrdreg $0xFFFFFFFF  }
0xc2: {  	_ =	task.clear_ibuf [dreg:s7], $0x2FFFF;
	_ =	strace $0x9FFFFFFF  }
0xc3: {  	(tm) =	ssettm $0x7FFFFFFF  }
tec
execute0_lowered:
.L_overlay_start_1:
0x0: {  	(tag) =	ssettag $0x1  }
0x1: {  	s6 =	rddreg [dreg:$0x0]  }
0x2: {  	s2 =	rddreg [dreg:$0x1]  }
0x3: {  	s0 =	srdreg.scid;
	s3 =	rddreg [dreg:$0x2];
	s4 =	simm.s32 $0x0  }
0x4: {  	s14 =	simm.s32 $0x1;
	s15 =	simm.s32 $0x7800;
	s18 =	simm.s32 $0x80  }
0x5: {  	s19 =	simm.s32 $0x0;
	s5 =	sand.u32 $0x1, s0;
	s0 =	stileid.u32  }
0x6: {  	[smem:$0x7FF] =	sst s4;
	s1 =	sshll.u32 s5, $0x4;
	s8 =	smul.u32 $0x2800, s0  }
0x7: {  	s9 =	smul.u32 $0x28000, s5;
	s5 =	ssub.s32 $0x2, s5;
	s16 =	sshll.u32 s0, $0x6  }
0x8: {  	s1 =	sor.u32 s0, s1;
	s31 =	sshrl.u32 s5, $0x1;
	s16 =	sor.u32 $0x1C01, s16  }
0x9: {  	s7 =	smul.u32 $0xF00, s1;
	s1 =	rddreg [dreg:$0x3];
	_ =	strace $0x80000047  }
0xa: {  	s9 =	sadd.s32 s8, s9;
	s10 =	sshrl.u32 s8, $0x3;
	s13 =	ssub.s32 s5, s31  }
0xb: {  	s17 =	sadd.s32 s8, s3;
	s9 =	sshrl.u32 s9, $0x3;
	s10 =	sadd.s32 s10, s6  }
0xc: {  	s13 =	smax.u32 s13, $0x1;
	s17 =	sshrl.u32 s17, $0x3;
	s7 =	sadd.s32 s7, s6  }
0xd: {  	s12 =	sadd.s32 s9, s6;
	s6 =	sadd.s32 $0x20A00, s10;
	s5 =	sadd.s32 $0x2A00, s7  }
0xe: {  	s7 =	sadd.s32 $0x25A00, s12;
	s8 =	sadd.s32 $0x2FA00, s12;
	s9 =	sadd.s32 $0x39A00, s12  }
0xf: {  	s10 =	sadd.s32 $0x43A00, s12;
	s11 =	sadd.s32 $0x4DA00, s12;
	s12 =	sadd.s32 $0x57A00, s12  }
.LBB2_1:
0x10: {  	[tilespmem:s4], [sflag:$0x1] =	stream.linear.gather [hbm4b:s5+s4], $0x7800, $0x38;
	[tilespmem:$0xA800] =	vst v63  }
0x11: {  	_ =	swait.ge [sflag:s14], $0x7800  }
0x12: {  	[sflag:s14] =	ssyncset.done $0x0  }
0x13: {  	[sflag:s14] =	ssyncadd.s32 $0xFFFF8800  }
0x14: {  	[tilespmem:s15], [sflag:$0x1] =	stream.linear.gather [hbm4b:s2+s4], $0x800, $0x38;
	[tilespmem:$0xA800] =	vst v63  }
0x15: {  	_ =	swait.ge [sflag:s14], $0x800  }
0x16: {  	[sflag:s14] =	ssyncset.done $0x0  }
0x17: {  	[sflag:s14] =	ssyncadd.s32 $0xFFFFF800  }
0x18: {  	[spmem:s17], [sflag:s16] =	dma.local [hbm:s6], $0x500  }
0x19: {  	_ =	swait.ge [sflag:s14], $0x500  }
0x1a: {  	[sflag:s14] =	ssyncset.done $0x0  }
0x1b: {  	[sflag:s14] =	ssyncadd.s32 $0xFFFFFB00  }
0x1c: {  	s20 =	simm.s32 $0x0;
	[bflag:$0x0] =	sbarrier.arrive $0xFFFF  }
0x1d: {  	[spmem:s3] =	stream.indirect.scatter.add.f32 [tilespmem:s15], [sflag:$0x1], $0x10, s20, s18, $0xb8;
	[tilespmem:$0xA800] =	vst v63  }
0x1e: {  	_ =	swait.ge [sflag:s14], $0x800  }
0x1f: {  	s20 =	simm.s32 $0x200;
	[sflag:s14] =	ssyncset.done $0x0  }
.LBB2_2:
0x20: {  	s21 =	sshra.s32 s20, $0x2;
	[sflag:s14] =	ssyncadd.s32 $0xFFFFF800;
	p0 =	sne.s32 s20, $0x4E00  }
0x21: {  	[spmem:s3] =	stream.indirect.scatter.add.f32 [tilespmem:s15], [sflag:$0x1], $0x10, s21, s18, $0xb8;
	[tilespmem:$0xA800] =	vst v63  }
.Ltmp0:
0x22: {  	_ = 	snop;
	(pc) =	sbr.rel @p0 .LBB2_2-.Ltmp0, $4  }
0x23: {  	_ = 	snop  }
0x24: {  	s20 =	sadd.s32 $0x200, s20  }
0x25: {  	_ =	swait.ge [sflag:s14], $0x800  }
0x26: {  	[sflag:s14] =	ssyncset.done $0x0  }
0x27: {  	[sflag:s14] =	ssyncadd.s32 $0xFFFFF800  }
0x28: {  	[bflag:$0x0] =	sbarrier.arrive $0xFFFF  }
0x29: {  	[hbm:s7], [sflag:s16] =	dma.local [spmem:s17], $0x500  }
0x2a: {  	_ =	swait.ge [sflag:s14], $0x500  }
0x2b: {  	[sflag:s14] =	ssyncset.done $0x0  }
0x2c: {  	[sflag:s14] =	ssyncadd.s32 $0xFFFFFB00  }
0x2d: {  	[bflag:$0x0] =	sbarrier.arrive $0xFFFF  }
0x2e: {  	[spmem:s17], [sflag:s16] =	dma.local [hbm:s6], $0x500  }
0x2f: {  	_ =	swait.ge [sflag:s14], $0x500  }
0x30: {  	[sflag:s14] =	ssyncset.done $0x0  }
0x31: {  	[sflag:s14] =	ssyncadd.s32 $0xFFFFFB00  }
0x32: {  	s20 =	simm.s32 $0x1400;
	[bflag:$0x0] =	sbarrier.arrive $0xFFFF  }
0x33: {  	[spmem:s3] =	stream.indirect.scatter.add.f32 [tilespmem:s15], [sflag:$0x1], $0x10, s20, s18, $0xb8;
	[tilespmem:$0xA800] =	vst v63  }
0x34: {  	s20 =	simm.s32 $0x200;
	_ =	swait.ge [sflag:s14], $0x800  }
.LBB2_4:
0x35: {  	s21 =	sshra.s32 s20, $0x2;
	[sflag:s14] =	ssyncset.done $0x0;
	p0 =	sne.s32 s20, $0x4E00  }
.Ltmp1:
0x36: {  	s21 =	sadd.s32 $0x1400, s21;
	[sflag:s14] =	ssyncadd.s32 $0xFFFFF800;
	(pc) =	sbr.rel @p0 .LBB2_4-.Ltmp1, $3  }
0x37: {  	[spmem:s3] =	stream.indirect.scatter.add.f32 [tilespmem:s15], [sflag:$0x1], $0x10, s21, s18, $0xb8;
	[tilespmem:$0xA800] =	vst v63  }
0x38: {  	s20 =	sadd.s32 $0x200, s20;
	_ =	sdelay $0x1  }
0x39: {  	_ =	swait.ge [sflag:s14], $0x800  }
0x3a: {  	[sflag:s14] =	ssyncset.done $0x0  }
0x3b: {  	[sflag:s14] =	ssyncadd.s32 $0xFFFFF800  }
0x3c: {  	[bflag:$0x0] =	sbarrier.arrive $0xFFFF  }
0x3d: {  	[hbm:s8], [sflag:s16] =	dma.local [spmem:s17], $0x500  }
0x3e: {  	_ =	swait.ge [sflag:s14], $0x500  }
0x3f: {  	[sflag:s14] =	ssyncset.done $0x0  }
0x40: {  	[sflag:s14] =	ssyncadd.s32 $0xFFFFFB00  }
0x41: {  	[bflag:$0x0] =	sbarrier.arrive $0xFFFF  }
0x42: {  	[spmem:s17], [sflag:s16] =	dma.local [hbm:s6], $0x500  }
0x43: {  	_ =	swait.ge [sflag:s14], $0x500  }
0x44: {  	[sflag:s14] =	ssyncset.done $0x0  }
0x45: {  	[sflag:s14] =	ssyncadd.s32 $0xFFFFFB00  }
0x46: {  	s20 =	simm.s32 $0x2800;
	[bflag:$0x0] =	sbarrier.arrive $0xFFFF  }
0x47: {  	[spmem:s3] =	stream.indirect.scatter.add.f32 [tilespmem:s15], [sflag:$0x1], $0x10, s20, s18, $0xb8;
	[tilespmem:$0xA800] =	vst v63  }
0x48: {  	s20 =	simm.s32 $0x200;
	_ =	swait.ge [sflag:s14], $0x800  }
.LBB2_6:
0x49: {  	s21 =	sshra.s32 s20, $0x2;
	[sflag:s14] =	ssyncset.done $0x0;
	p0 =	sne.s32 s20, $0x4E00  }
.Ltmp2:
0x4a: {  	s21 =	sadd.s32 $0x2800, s21;
	[sflag:s14] =	ssyncadd.s32 $0xFFFFF800;
	(pc) =	sbr.rel @p0 .LBB2_6-.Ltmp2, $3  }
0x4b: {  	[spmem:s3] =	stream.indirect.scatter.add.f32 [tilespmem:s15], [sflag:$0x1], $0x10, s21, s18, $0xb8;
	[tilespmem:$0xA800] =	vst v63  }
0x4c: {  	s20 =	sadd.s32 $0x200, s20;
	_ =	sdelay $0x1  }
0x4d: {  	_ =	swait.ge [sflag:s14], $0x800  }
0x4e: {  	[sflag:s14] =	ssyncset.done $0x0  }
0x4f: {  	[sflag:s14] =	ssyncadd.s32 $0xFFFFF800  }
0x50: {  	[bflag:$0x0] =	sbarrier.arrive $0xFFFF  }
0x51: {  	[hbm:s9], [sflag:s16] =	dma.local [spmem:s17], $0x500  }
0x52: {  	_ =	swait.ge [sflag:s14], $0x500  }
0x53: {  	[sflag:s14] =	ssyncset.done $0x0  }
0x54: {  	[sflag:s14] =	ssyncadd.s32 $0xFFFFFB00  }
0x55: {  	[bflag:$0x0] =	sbarrier.arrive $0xFFFF  }
0x56: {  	[spmem:s17], [sflag:s16] =	dma.local [hbm:s6], $0x500  }
0x57: {  	_ =	swait.ge [sflag:s14], $0x500  }
0x58: {  	[sflag:s14] =	ssyncset.done $0x0  }
0x59: {  	[sflag:s14] =	ssyncadd.s32 $0xFFFFFB00  }
0x5a: {  	s20 =	simm.s32 $0x3C00;
	[bflag:$0x0] =	sbarrier.arrive $0xFFFF  }
0x5b: {  	[spmem:s3] =	stream.indirect.scatter.add.f32 [tilespmem:s15], [sflag:$0x1], $0x10, s20, s18, $0xb8;
	[tilespmem:$0xA800] =	vst v63  }
0x5c: {  	s20 =	simm.s32 $0x200;
	_ =	swait.ge [sflag:s14], $0x800  }
.LBB2_8:
0x5d: {  	s21 =	sshra.s32 s20, $0x2;
	[sflag:s14] =	ssyncset.done $0x0;
	p0 =	sne.s32 s20, $0x4E00  }
.Ltmp3:
0x5e: {  	s21 =	sadd.s32 $0x3C00, s21;
	[sflag:s14] =	ssyncadd.s32 $0xFFFFF800;
	(pc) =	sbr.rel @p0 .LBB2_8-.Ltmp3, $3  }
0x5f: {  	[spmem:s3] =	stream.indirect.scatter.add.f32 [tilespmem:s15], [sflag:$0x1], $0x10, s21, s18, $0xb8;
	[tilespmem:$0xA800] =	vst v63  }
0x60: {  	s20 =	sadd.s32 $0x200, s20;
	_ =	sdelay $0x1  }
0x61: {  	_ =	swait.ge [sflag:s14], $0x800  }
0x62: {  	[sflag:s14] =	ssyncset.done $0x0  }
0x63: {  	[sflag:s14] =	ssyncadd.s32 $0xFFFFF800  }
0x64: {  	[bflag:$0x0] =	sbarrier.arrive $0xFFFF  }
0x65: {  	[hbm:s10], [sflag:s16] =	dma.local [spmem:s17], $0x500  }
0x66: {  	_ =	swait.ge [sflag:s14], $0x500  }
0x67: {  	[sflag:s14] =	ssyncset.done $0x0  }
0x68: {  	[sflag:s14] =	ssyncadd.s32 $0xFFFFFB00  }
0x69: {  	[bflag:$0x0] =	sbarrier.arrive $0xFFFF  }
0x6a: {  	[spmem:s17], [sflag:s16] =	dma.local [hbm:s6], $0x500  }
0x6b: {  	_ =	swait.ge [sflag:s14], $0x500  }
0x6c: {  	[sflag:s14] =	ssyncset.done $0x0  }
0x6d: {  	[sflag:s14] =	ssyncadd.s32 $0xFFFFFB00  }
0x6e: {  	s20 =	simm.s32 $0x5000;
	[bflag:$0x0] =	sbarrier.arrive $0xFFFF  }
0x6f: {  	[spmem:s3] =	stream.indirect.scatter.add.f32 [tilespmem:s15], [sflag:$0x1], $0x10, s20, s18, $0xb8;
	[tilespmem:$0xA800] =	vst v63  }
0x70: {  	s20 =	simm.s32 $0x200;
	_ =	swait.ge [sflag:s14], $0x800  }
.LBB2_10:
0x71: {  	s21 =	sshra.s32 s20, $0x2;
	[sflag:s14] =	ssyncset.done $0x0;
	p0 =	sne.s32 s20, $0x4E00  }
.Ltmp4:
0x72: {  	s21 =	sadd.s32 $0x5000, s21;
	[sflag:s14] =	ssyncadd.s32 $0xFFFFF800;
	(pc) =	sbr.rel @p0 .LBB2_10-.Ltmp4, $3  }
0x73: {  	[spmem:s3] =	stream.indirect.scatter.add.f32 [tilespmem:s15], [sflag:$0x1], $0x10, s21, s18, $0xb8;
	[tilespmem:$0xA800] =	vst v63  }
0x74: {  	s20 =	sadd.s32 $0x200, s20;
	_ =	sdelay $0x1  }
0x75: {  	_ =	swait.ge [sflag:s14], $0x800  }
0x76: {  	[sflag:s14] =	ssyncset.done $0x0  }
0x77: {  	[sflag:s14] =	ssyncadd.s32 $0xFFFFF800  }
0x78: {  	[bflag:$0x0] =	sbarrier.arrive $0xFFFF  }
0x79: {  	[hbm:s11], [sflag:s16] =	dma.local [spmem:s17], $0x500  }
0x7a: {  	_ =	swait.ge [sflag:s14], $0x500  }
0x7b: {  	[sflag:s14] =	ssyncset.done $0x0  }
0x7c: {  	[sflag:s14] =	ssyncadd.s32 $0xFFFFFB00  }
0x7d: {  	[bflag:$0x0] =	sbarrier.arrive $0xFFFF  }
0x7e: {  	[spmem:s17], [sflag:s16] =	dma.local [hbm:s6], $0x500  }
0x7f: {  	_ =	swait.ge [sflag:s14], $0x500  }
0x80: {  	[sflag:s14] =	ssyncset.done $0x0  }
0x81: {  	[sflag:s14] =	ssyncadd.s32 $0xFFFFFB00  }
0x82: {  	s20 =	simm.s32 $0x6400;
	[bflag:$0x0] =	sbarrier.arrive $0xFFFF  }
0x83: {  	[spmem:s3] =	stream.indirect.scatter.add.f32 [tilespmem:s15], [sflag:$0x1], $0x10, s20, s18, $0xb8;
	[tilespmem:$0xA800] =	vst v63  }
0x84: {  	s20 =	simm.s32 $0x200;
	_ =	swait.ge [sflag:s14], $0x800  }
.LBB2_12:
0x85: {  	s21 =	sshra.s32 s20, $0x2;
	[sflag:s14] =	ssyncset.done $0x0;
	p0 =	sne.s32 s20, $0x4E00  }
.Ltmp5:
0x86: {  	s21 =	sadd.s32 $0x6400, s21;
	[sflag:s14] =	ssyncadd.s32 $0xFFFFF800;
	(pc) =	sbr.rel @p0 .LBB2_12-.Ltmp5, $3  }
0x87: {  	[spmem:s3] =	stream.indirect.scatter.add.f32 [tilespmem:s15], [sflag:$0x1], $0x10, s21, s18, $0xb8;
	[tilespmem:$0xA800] =	vst v63  }
0x88: {  	s20 =	sadd.s32 $0x200, s20;
	_ =	sdelay $0x1  }
0x89: {  	_ =	swait.ge [sflag:s14], $0x800  }
0x8a: {  	[sflag:s14] =	ssyncset.done $0x0  }
0x8b: {  	s19 =	sadd.s32 $0x1, s19;
	[sflag:s14] =	ssyncadd.s32 $0xFFFFF800  }
0x8c: {  	p0 =	sne.s32 s19, s13;
	[bflag:$0x0] =	sbarrier.arrive $0xFFFF  }
0x8d: {  	[hbm:s12], [sflag:s16] =	dma.local [spmem:s17], $0x500  }
.Ltmp6:
0x8e: {  	_ =	swait.ge [sflag:s14], $0x500;
	(pc) =	sbr.rel @p0 .LBB2_1-.Ltmp6, $3  }
0x8f: {  	[sflag:s14] =	ssyncset.done $0x0  }
0x90: {  	[sflag:s14] =	ssyncadd.s32 $0xFFFFFB00  }
0x91: {  	[bflag:$0x0] =	sbarrier.arrive $0xFFFF;
	_ =	sdelay $0x1  }
0x92: {  	_ =	sfence.sel $0x180000  }
0x93: {  	[bflag:$0x0] =	sbarrier.arrive $0xFFFF  }
0x94: {  	p0 =	sne.s32 s0, $0x0;
	_ =	strace $0x90000047  }
0x95: {  	s0 =	sadd.s32 @!p0 $0x100000, s1;
	[bflag:$0x2] =	sbarrier.arrive $0xFFFF  }
0x96: {  	[sflag:s0] =	ssyncadd.tile.s32 @!p0 $0x1;
	_ =	shalt  }
.Lfunc_end2:
_tile_overlayer_lowered:
.L_overlay_start_2:
0x97: {  	(tag) =	ssettag $0x2  }
0x98: {  	s0 =	rddreg [dreg:$0x0];
	s2 =	stileid.u32  }
0x99: {  	s1 =	rddreg [dreg:$0x1];
	p0 =	sne.s32 s2, $0x0  }
0x9a: {  	s3 =	rddreg [dreg:$0x2];
	[bflag:$0x3] =	sbarrier.arrive $0xFFFF;
	s2 =	simm.s32 @!p0 $0x1C01  }
0x9b: {  	[timem:s3], [sflag:s2] =	dma.local @!p0 [hbm:s0], s1  }
0x9c: {  	s0 =	simm.s32 @!p0 $0x1  }
0x9d: {  	_ =	swait.ge @!p0 [sflag:s0], s1  }
0x9e: {  	s1 =	ssub.s32 @!p0 $0x0, s1;
	[sflag:s0] =	ssyncset.done @!p0 $0x0  }
0x9f: {  	[sflag:s0] =	ssyncadd.s32 @!p0 s1  }
0xa0: {  	[bflag:$0x3] =	sbarrier.arrive $0xFFFF  }
0xa1: {  	_ =	shalt  }

// kernel: kernel.15.cloned.1.call-start
scs
__scs_entry_jumppad:
0x0: {  	(pc) =	sbr.rel $0x88, $3  }
0x1: {  	(tag) =	ssettag $0x0;
	lr =	simm.s32 $0x1  }
0x2: {  	[smem:$0x3F8B] =	sst lr;
	_ =	strace $0xD0000000  }
0x3: {  	_ = 	snop  }
0x4: {  	_ = 	snop  }
0x5: {  	_ = 	snop  }
0x6: {  	_ = 	snop  }
0x7: {  	_ = 	snop  }
__scs_overlays_trampoline_lowered:
0x8: {  	[smem:$0x3F9A] =	sst s0  }
0x9: {  	[smem:$0x3F9B] =	sst s1  }
0xa: {  	[smem:$0x3F9C] =	sst s2  }
0xb: {  	[smem:$0x3F9D] =	sst s3  }
0xc: {  	[smem:$0x3F9E] =	sst s4  }
0xd: {  	[smem:$0x3F9F] =	sst s5  }
0xe: {  	[smem:$0x3FA0] =	sst s6  }
0xf: {  	[smem:$0x3FA1] =	sst s7  }
0x10: {  	[smem:$0x3FA2] =	sst s8  }
0x11: {  	[smem:$0x3FA3] =	sst s9;
	s0 =	simm.s32 @!p0 $0x0  }
0x12: {  	s1 =	sld [smem:$0x3F89];
	s0 =	simm.s32 @p0 $0x1  }
0x13: {  	[smem:$0x3FA4] =	sst s0;
	s0 =	simm.s32 @!p1 $0x0  }
0x14: {  	s2 =	sld [smem:$0x3F88];
	s0 =	simm.s32 @p1 $0x1  }
0x15: {  	[smem:$0x3FA5] =	sst s0;
	s0 =	simm.s32 @!p2 $0x0  }
0x16: {  	s3 =	sld [smem:$0x3FDB];
	s0 =	simm.s32 @p2 $0x1  }
0x17: {  	s4 =	simm.s32 $0x1BF5;
	[smem:$0x3FA7] =	sst s0  }
0x18: {  	s0 =	sld [smem:$0x3F8A];
	_ =	swait.ge [sflag:s4], $0x0  }
0x19: {  	s7 =	sld [smem:$0x3F8B]  }
0x1a: {  	s8 =	sadd.s32 $0xFFFFE003, lr  }
0x1b: {  	s9 =	sadd.s32 $0xFFFFFEF7, lr;
	s5 =	simm.s32 $0xFFFFFFFF;
	p2 =	slt.u32 s8, $0xFFFFF086  }
0x1c: {  	p1 =	slt.u32 s9, $0xF7A;
	s5 =	simm.s32 @!p2 $0x0  }
0x1d: {  	s5 =	simm.s32 @p1 $0x1;
	p0 =	seq.s32 s7, s2  }
0x1e: {  	s7 =	smul.u32 @!p0 $0xF7A, s2;
	p2 =	seq.s32 @!p0 s5, $0x0  }
0x1f: {  	s9 =	smul.u32 $0xF7A, s1;
	s8 =	simm.s32 @!p0 $0x1BF5;
	p2 =	por !p2, p0  }
0x20: {  	[sflag:s8] =	ssyncset.s32 @!p0 $0xFFFFF086;
	s6 =	sadd.s32 @!p0 s3, s7;
	s7 =	simm.s32 @!p0 $0x108  }
0x21: {  	s3 =	sadd.s32 s3, s9;
	s6 =	sadd.s32 @!p0 $0x88, s6;
	s7 =	simm.s32 @p2 $0x1082  }
0x22: {  	[simem:s7], [sflag:s8] =	dma.local @!p0 [hbm:s6], $0xF7A  }
0x23: {  	s9 =	sor.u32 $0xD0000000, s2;
	s6 =	simm.s32 $0x108;
	_ =	swait.ge @!p0 [sflag:s8], $0x0  }
0x24: {  	s3 =	sadd.s32 $0x88, s3;
	s6 =	simm.s32 @!p1 $0x1082;
	[sflag:s4] =	ssyncset.s32 $0xFFFFF086  }
0x25: {  	[simem:s6], [sflag:s4] =	dma.local [hbm:s3], $0xF7A  }
0x26: {  	[smem:$0x3F8B] =	sst s1;
	(tag) =	ssettag s2;
	_ =	strace s9  }
0x27: {  	s1 =	sld [smem:$0x3F9B]  }
0x28: {  	s2 =	sld [smem:$0x3F9C]  }
0x29: {  	s4 =	sld [smem:$0x3F9E]  }
0x2a: {  	p0 =	seq.s32 s5, $0x0;
	s5 =	sld [smem:$0x3F9F]  }
0x2b: {  	s6 =	sld [smem:$0x3FA0]  }
0x2c: {  	s7 =	sld [smem:$0x3FA1]  }
0x2d: {  	s3 =	simm.s32 $0x108;
	s8 =	sld [smem:$0x3FA2]  }
0x2e: {  	s3 =	simm.s32 @!p0 $0x1082;
	s9 =	sld [smem:$0x3FA3]  }
0x2f: {  	lr =	sadd.s32 s0, s3;
	s0 =	sld [smem:$0x3F9A]  }
0x30: {  	s3 =	sld [smem:$0x3F9D]  }
0x31: {  	[smem:$0x3FA6] =	sst s10  }
0x32: {  	s10 =	sld [smem:$0x3FA4];
	_ =	sdelay $0x3  }
0x33: {  	p0 =	seq.s32 s10, $0x1;
	s10 =	sld [smem:$0x3FA6];
	_ =	sdelay $0x3  }
0x34: {  	[smem:$0x3FA6] =	sst s10  }
0x35: {  	s10 =	sld [smem:$0x3FA5];
	_ =	sdelay $0x3  }
0x36: {  	p1 =	seq.s32 s10, $0x1;
	s10 =	sld [smem:$0x3FA6];
	_ =	sdelay $0x3  }
0x37: {  	[smem:$0x3FA6] =	sst s10  }
0x38: {  	s10 =	sld [smem:$0x3FA7]  }
0x39: {  	_ = 	snop;
	(pc) =	sbr.ind lr, $3  }
0x3a: {  	_ = 	snop  }
0x3b: {  	_ = 	snop  }
0x3c: {  	p2 =	seq.s32 s10, $0x1;
	s10 =	sld [smem:$0x3FA6]  }
0x3d: {  	_ =	shalt  }
0x3e: {  	_ =	shalt  }
0x3f: {  	_ =	shalt  }
0x40: {  	_ =	shalt  }
0x41: {  	_ =	shalt  }
0x42: {  	_ =	shalt  }
0x43: {  	_ =	shalt  }
0x44: {  	_ =	shalt  }
0x45: {  	_ =	shalt  }
0x46: {  	_ =	shalt  }
0x47: {  	_ =	shalt  }
0x48: {  	_ =	shalt  }
0x49: {  	_ =	shalt  }
0x4a: {  	_ =	shalt  }
0x4b: {  	_ =	shalt  }
0x4c: {  	_ =	shalt  }
0x4d: {  	_ =	shalt  }
0x4e: {  	_ =	shalt  }
0x4f: {  	_ =	shalt  }
0x50: {  	_ =	shalt  }
0x51: {  	_ =	shalt  }
0x52: {  	_ =	shalt  }
0x53: {  	_ =	shalt  }
0x54: {  	_ =	shalt  }
0x55: {  	_ =	shalt  }
0x56: {  	_ =	shalt  }
0x57: {  	_ =	shalt  }
0x58: {  	_ =	shalt  }
0x59: {  	_ =	shalt  }
0x5a: {  	_ =	shalt  }
0x5b: {  	_ =	shalt  }
0x5c: {  	_ =	shalt  }
0x5d: {  	_ =	shalt  }
0x5e: {  	_ =	shalt  }
0x5f: {  	_ =	shalt  }
0x60: {  	_ =	shalt  }
0x61: {  	_ =	shalt  }
0x62: {  	_ =	shalt  }
0x63: {  	_ =	shalt  }
0x64: {  	_ =	shalt  }
0x65: {  	_ =	shalt  }
0x66: {  	_ =	shalt  }
0x67: {  	_ =	shalt  }
0x68: {  	_ =	shalt  }
0x69: {  	_ =	shalt  }
0x6a: {  	_ =	shalt  }
0x6b: {  	_ =	shalt  }
0x6c: {  	_ =	shalt  }
0x6d: {  	_ =	shalt  }
0x6e: {  	_ =	shalt  }
0x6f: {  	_ =	shalt  }
0x70: {  	_ =	shalt  }
0x71: {  	_ =	shalt  }
0x72: {  	_ =	shalt  }
0x73: {  	_ =	shalt  }
0x74: {  	_ =	shalt  }
0x75: {  	_ =	shalt  }
0x76: {  	_ =	shalt  }
0x77: {  	_ =	shalt  }
0x78: {  	_ =	shalt  }
0x79: {  	_ =	shalt  }
0x7a: {  	_ =	shalt  }
0x7b: {  	_ =	shalt  }
0x7c: {  	_ =	shalt  }
0x7d: {  	_ =	shalt  }
0x7e: {  	_ =	shalt  }
0x7f: {  	_ =	shalt  }
0x80: {  	_ =	shalt  }
0x81: {  	_ =	shalt  }
0x82: {  	_ =	shalt  }
0x83: {  	_ =	shalt  }
0x84: {  	_ =	shalt  }
0x85: {  	_ =	shalt  }
0x86: {  	_ =	shalt  }
0x87: {  	_ =	shalt  }
.Lfunc_end0:
.L_simem_size_0:
called_computation.1_lowered:
.L_overlay_start_0:
0x88: {  	s2 =	sld [smem:$0x3FD9]  }
0x89: {  	s3 =	sld [smem:$0x3FFE];
	_ =	sdelay $0x1  }
0x8a: {  	s1 =	srdreg.scid  }
0x8b: {  	s0 =	sand.u32 $0x1, s1  }
0x8c: {  	s16 =	sshll.u32 s0, $0xA;
	s2 =	sadd.s32 s3, s2  }
0x8d: {  	s2 =	sadd.s32 s2, s16  }
0x8e: {  	[smem:$0x3FB2] =	sst s2  }
0x8f: {  	_ = 	snop  }
0x90: {  	(tm) =	ssettm $0x1  }
0x91: {  	s17 =	sld [smem:$0x3FFB];
	_ =	sdelay $0x3  }
0x92: {  	_ =	strace s17  }
0x93: {  	s2 =	sld [smem:$0x3FFC];
	_ =	sdelay $0x3  }
0x94: {  	_ =	strace s2  }
0x95: {  	s2 =	sld [smem:$0x3FFD];
	_ =	sdelay $0x3  }
0x96: {  	_ =	strace s2  }
0x97: {  	_ =	strace $0x8FFFFFFF  }
0x98: {  	s18 =	sld [smem:$0x3FDB];
	_ =	sdelay $0x1  }
0x99: {  	s19 =	simm.s32 $_scs_section_size  }
0x9a: {  	s4 =	simm.s32 $_size__tile_overlayer_lowered;
	s5 =	simm.s32 $_tile_overlayer_lowered  }
0x9b: {  	s22 =	simm.s32 $0x1BFF;
	s21 =	sshll.u32 s5, $0x1;
	s2 =	sadd.s32 s19, s18  }
0x9c: {  	s6 =	simm.s32 $0x0;
	s20 =	sshll.u32 s4, $0x1;
	s4 =	sadd.s32 s21, s2  }
0x9d: {  	[timem:s6], [sflag:s22] =	dma.local [hbm:s4], s20  }
0x9e: {  	_ =	swait.ge [sflag:s22], s20  }
0x9f: {  	s3 =	ssub.s32 $0x0, s20;
	[sflag:s22] =	ssyncset.done $0x0  }
0xa0: {  	[sflag:s22] =	ssyncadd.s32 s3;
	_ =	sdelay $0x1  }
0xa1: {  	s23 =	simm.s32 $0x1B8B  }
0xa2: {  	_ =	swait.ge [sflag:s23], $0x1  }
0xa3: {  	[sflag:s23] =	ssyncset.done $0x0  }
0xa4: {  	s25 =	simm.s32 $0x1B8E;
	s24 =	sld [smem:$0x3FFE];
	[sflag:s23] =	ssyncadd.s32 $0xFFFFFFFF  }
0xa5: {  	s26 =	simm.s32 $execute0_lowered;
	[smem:$0x3FD2] =	sst s25  }
0xa6: {  	s4 =	sshll.u32 s26, $0x1;
	_ =	strace $0x80000049;
	[dreg:$0x1] =	wrdreg $0xFFFFFFFF  }
0xa7: {  	s28 =	simm.s32 $_size_execute0_lowered;
	s2 =	sadd.s32 s2, s4;
	[dreg:$0x0] =	wrdreg $0x0  }
0xa8: {  	s4 =	sshll.u32 s28, $0x1;
	[dreg:$0x2] =	wrdreg s2  }
0xa9: {  	[dreg:$0x3] =	wrdreg s4  }
0xaa: {  	[dreg:$0x4] =	wrdreg $0xC0  }
0xab: {  	_ =	task [dreg:s6], $0x5FFFF  }
0xac: {  	[dreg:$0x1] =	wrdreg $0xFFFFFFFF  }
0xad: {  	[dreg:$0x0] =	wrdreg $0x60  }
0xae: {  	[dreg:$0x2] =	wrdreg s24  }
0xaf: {  	[dreg:$0x3] =	wrdreg $0xF8000  }
0xb0: {  	[dreg:$0x4] =	wrdreg $0x9  }
0xb1: {  	_ =	task.clear_ibuf [dreg:s6], $0x5FFFF;
	_ =	strace $0x90000049  }
0xb2: {  	s29 =	simm.s32 $0x9;
	_ =	strace $0x8000004B  }
0xb3: {  	_ =	swait.ge [sflag:s29], $0x1  }
0xb4: {  	[sflag:s29] =	ssyncadd.s32 $0xFFFFFFFF  }
0xb5: {  	_ =	strace $0x9000004B  }
0xb6: {  	_ =	sfence  }
0xb7: {  	s30 =	sld [smem:$0x0];
	_ =	sdelay $0x2  }
0xb8: {  	s31 =	sshll.u32 s1, $0xD;
	s1 =	sshrl.u32 s1, $0x2  }
0xb9: {  	s3 =	sand.u32 $0x4000, s31;
	s1 =	sadd.s32 s1, s30  }
0xba: {  	s0 =	sor.u32 s3, s0;
	s1 =	sshll.u32 s1, $0x11  }
0xbb: {  	s0 =	sor.u32 s1, s0  }
0xbc: {  	s0 =	sadd.s32 $0x8F2B, s0  }
0xbd: {  	[sflag:s0] =	ssyncadd.remote.s32 $0x1  }
0xbe: {  	_ =	sfence.sel $0xFFFF  }
0xbf: {  	[dreg:$0x0] =	wrdreg $0xFFFFFFFF;
	(pc) =	sbr.abs _section_cstart, $3  }
0xc0: {  	[dreg:$0x1] =	wrdreg $0xFFFFFFFF  }
0xc1: {  	_ =	task.clear_ibuf [dreg:s6], $0x2FFFF;
	_ =	strace $0x9FFFFFFF  }
0xc2: {  	(tm) =	ssettm $0x7FFFFFFF  }
0xc3: {  	_ =	shalt  }
tec
execute0_lowered:
.L_overlay_start_1:
0x0: {  	(tag) =	ssettag $0x1  }
0x1: {  	s0 =	rddreg [dreg:$0x0]  }
0x2: {  	s2 =	rddreg [dreg:$0x1]  }
0x3: {  	s1 =	srdreg.scid;
	s13 =	stileid.u32  }
0x4: {  	s3 =	simm.s32 $0x0;
	s12 =	simm.s32 $0x2;
	s16 =	simm.s32 $0x200  }
0x5: {  	s17 =	simm.s32 $0x7800;
	s18 =	simm.s32 $0x1;
	s28 =	simm.s32 $0x4400  }
0x6: {  	s29 =	simm.s32 $0xA00;
	s30 =	simm.s32 $0x4600;
	s31 =	simm.s32 $0xC00  }
0x7: {  	s1 =	sand.u32 $0x1, s1;
	s5 =	smul.u32 $0xA000, s13;
	[smem:$0x7FF] =	sst s3  }
0x8: {  	s26 =	sshll.u32 s13, $0x6;
	s3 =	simm.s32 $0x3C00;
	s4 =	sshll.u32 s1, $0x4  }
0x9: {  	s6 =	smul.u32 $0xA0000, s1;
	_ =	strace $0x8000004A;
	s1 =	ssub.s32 $0x2, s1  }
0xa: {  	s14 =	sor.u32 $0x1C02, s26;
	s26 =	simm.s32 $0x800;
	s4 =	sor.u32 s13, s4  }
0xb: {  	s8 =	sshrl.u32 s5, $0x3;
	s10 =	sshrl.u32 s1, $0x1;
	s7 =	smul.u32 $0x780, s4  }
0xc: {  	s15 =	sadd.s32 s5, s2;
	s13 =	simm.s32 $0x1000;
	s4 =	sadd.s32 $0x34A000, s0  }
0xd: {  	s6 =	sadd.s32 s5, s6;
	s8 =	sadd.s32 s8, s0;
	s7 =	sadd.s32 s7, s0  }
0xe: {  	s1 =	ssub.s32 s1, s10;
	s6 =	sshrl.u32 s6, $0x3;
	s19 =	sadd.s32 $0x61A00, s7  }
0xf: {  	s9 =	sadd.s32 s6, s0;
	s20 =	sadd.s32 $0x70A00, s7;
	[dreg:$0x3] =	wrdreg s19  }
0x10: {  	s10 =	sadd.s32 $0x3ABA80, s0;
	s21 =	sadd.s32 $0x3BF400, s9;
	[dreg:$0x4] =	wrdreg s20  }
0x11: {  	s15 =	sshrl.u32 s15, $0x3;
	s22 =	sadd.s32 $0x3E7400, s9;
	[dreg:$0x5] =	wrdreg s21  }
0x12: {  	s5 =	sadd.s32 $0x2A00, s8;
	s23 =	sadd.s32 $0x40F400, s9;
	[dreg:$0x6] =	wrdreg s22  }
0x13: {  	s8 =	sadd.s32 $0x384980, s0;
	s24 =	sadd.s32 $0x437400, s9;
	[dreg:$0x7] =	wrdreg s23  }
0x14: {  	s6 =	sadd.s32 $0x35D880, s0;
	s25 =	sadd.s32 $0x45F400, s9;
	[dreg:$0x8] =	wrdreg s24  }
0x15: {  	s7 =	sadd.s32 $0x371100, s0;
	s11 =	sadd.s32 $0x487400, s9;
	[dreg:$0x9] =	wrdreg s25  }
0x16: {  	s9 =	sadd.s32 $0x398200, s0;
	[dreg:$0xa] =	wrdreg s11;
	s11 =	smax.u32 s1, $0x1  }
0x17: {  	s21 =	simm.s32 $0x3E00;
	s22 =	simm.s32 $0x400;
	s23 =	simm.s32 $0x4000  }
0x18: {  	s24 =	simm.s32 $0x600;
	s25 =	simm.s32 $0x4200;
	s19 =	simm.s32 $0x4A00  }
.LBB2_1:
0x19: {  	s20 =	rddreg [dreg:$0x3];
	s0 =	simm.s32 $0x0  }
0x1a: {  	[tilespmem:s0], [sflag:$0x2] =	stream.linear.gather [hbm4b:s20+s0], $0x3C00, $0x38;
	[tilespmem:$0x19800] =	vst v63  }
0x1b: {  	_ =	swait.ge [sflag:s12], $0x3C00  }
0x1c: {  	[sflag:s12] =	ssyncset.done $0x0  }
0x1d: {  	s1 =	rddreg [dreg:$0x4];
	[sflag:s12] =	ssyncadd.s32 $0xFFFFC400  }
0x1e: {  	[tilespmem:s3], [sflag:$0x2] =	stream.linear.gather [hbm4b:s1+s0], $0x3C00, $0x38;
	[tilespmem:$0x19800] =	vst v63  }
0x1f: {  	_ =	swait.ge [sflag:s12], $0x3C00  }
0x20: {  	[sflag:s12] =	ssyncset.done $0x0  }
0x21: {  	[sflag:s12] =	ssyncadd.s32 $0xFFFFC400  }
0x22: {  	[spmem:s15], [sflag:s14] =	dma.local [hbm:s5], $0x1400  }
0x23: {  	_ =	swait.ge [sflag:s12], $0x1400  }
0x24: {  	[sflag:s12] =	ssyncset.done $0x0  }
0x25: {  	[sflag:s12] =	ssyncadd.s32 $0xFFFFEC00  }
0x26: {  	[bflag:$0x0] =	sbarrier.arrive $0xFFFF  }
0x27: {  	[tilespmem:s17], [sflag:$0x1] =	stream.indirect.gather [hbm4b:s4+s16], $0x40, s0, s16, $0xb8;
	[tilespmem:$0x19800] =	vst v63  }
0x28: {  	_ =	swait.ge [sflag:s18], $0x8000  }
0x29: {  	[sflag:s18] =	ssyncset.done $0x0  }
0x2a: {  	[sflag:s18] =	ssyncadd.s32 $0xFFFF8000  }
0x2b: {  	[spmem:s2] =	stream.indirect.scatter.add.f32 [tilespmem:s17], [sflag:$0x2], $0x40, s3, s16, $0xb8;
	[tilespmem:$0x19800] =	vst v63  }
0x2c: {  	_ =	swait.ge [sflag:s12], $0x8000  }
0x2d: {  	[sflag:s12] =	ssyncset.done $0x0  }
0x2e: {  	[sflag:s12] =	ssyncadd.s32 $0xFFFF8000  }
0x2f: {  	[tilespmem:s17], [sflag:$0x1] =	stream.indirect.gather [hbm4b:s4+s16], $0x40, s16, s16, $0xb8;
	[tilespmem:$0x19800] =	vst v63  }
0x30: {  	_ =	swait.ge [sflag:s18], $0x8000  }
0x31: {  	[sflag:s18] =	ssyncset.done $0x0  }
0x32: {  	[sflag:s18] =	ssyncadd.s32 $0xFFFF8000  }
0x33: {  	[spmem:s2] =	stream.indirect.scatter.add.f32 [tilespmem:s17], [sflag:$0x2], $0x40, s21, s16, $0xb8;
	[tilespmem:$0x19800] =	vst v63  }
0x34: {  	_ =	swait.ge [sflag:s12], $0x8000  }
0x35: {  	[sflag:s12] =	ssyncset.done $0x0  }
0x36: {  	[sflag:s12] =	ssyncadd.s32 $0xFFFF8000  }
0x37: {  	[tilespmem:s17], [sflag:$0x1] =	stream.indirect.gather [hbm4b:s4+s16], $0x40, s22, s16, $0xb8;
	[tilespmem:$0x19800] =	vst v63  }
0x38: {  	_ =	swait.ge [sflag:s18], $0x8000  }
0x39: {  	[sflag:s18] =	ssyncset.done $0x0  }
0x3a: {  	[sflag:s18] =	ssyncadd.s32 $0xFFFF8000  }
0x3b: {  	[spmem:s2] =	stream.indirect.scatter.add.f32 [tilespmem:s17], [sflag:$0x2], $0x40, s23, s16, $0xb8;
	[tilespmem:$0x19800] =	vst v63  }
0x3c: {  	_ =	swait.ge [sflag:s12], $0x8000  }
0x3d: {  	[sflag:s12] =	ssyncset.done $0x0  }
0x3e: {  	[sflag:s12] =	ssyncadd.s32 $0xFFFF8000  }
0x3f: {  	[tilespmem:s17], [sflag:$0x1] =	stream.indirect.gather [hbm4b:s4+s16], $0x40, s24, s16, $0xb8;
	[tilespmem:$0x19800] =	vst v63  }
0x40: {  	_ =	swait.ge [sflag:s18], $0x8000  }
0x41: {  	[sflag:s18] =	ssyncset.done $0x0  }
0x42: {  	[sflag:s18] =	ssyncadd.s32 $0xFFFF8000  }
0x43: {  	[spmem:s2] =	stream.indirect.scatter.add.f32 [tilespmem:s17], [sflag:$0x2], $0x40, s25, s16, $0xb8;
	[tilespmem:$0x19800] =	vst v63  }
0x44: {  	_ =	swait.ge [sflag:s12], $0x8000  }
0x45: {  	[sflag:s12] =	ssyncset.done $0x0  }
0x46: {  	[sflag:s12] =	ssyncadd.s32 $0xFFFF8000  }
0x47: {  	[tilespmem:s17], [sflag:$0x1] =	stream.indirect.gather [hbm4b:s4+s16], $0x40, s26, s16, $0xb8;
	[tilespmem:$0x19800] =	vst v63  }
0x48: {  	_ =	swait.ge [sflag:s18], $0x8000  }
0x49: {  	[sflag:s18] =	ssyncset.done $0x0  }
0x4a: {  	[sflag:s18] =	ssyncadd.s32 $0xFFFF8000  }
0x4b: {  	[spmem:s2] =	stream.indirect.scatter.add.f32 [tilespmem:s17], [sflag:$0x2], $0x40, s28, s16, $0xb8;
	[tilespmem:$0x19800] =	vst v63  }
0x4c: {  	_ =	swait.ge [sflag:s12], $0x8000  }
0x4d: {  	[sflag:s12] =	ssyncset.done $0x0  }
0x4e: {  	[sflag:s12] =	ssyncadd.s32 $0xFFFF8000  }
0x4f: {  	[tilespmem:s17], [sflag:$0x1] =	stream.indirect.gather [hbm4b:s4+s16], $0x40, s29, s16, $0xb8;
	[tilespmem:$0x19800] =	vst v63  }
0x50: {  	_ =	swait.ge [sflag:s18], $0x8000  }
0x51: {  	[sflag:s18] =	ssyncset.done $0x0  }
0x52: {  	[sflag:s18] =	ssyncadd.s32 $0xFFFF8000  }
0x53: {  	[spmem:s2] =	stream.indirect.scatter.add.f32 [tilespmem:s17], [sflag:$0x2], $0x40, s30, s16, $0xb8;
	[tilespmem:$0x19800] =	vst v63  }
0x54: {  	_ =	swait.ge [sflag:s12], $0x8000  }
0x55: {  	[sflag:s12] =	ssyncset.done $0x0  }
0x56: {  	[sflag:s12] =	ssyncadd.s32 $0xFFFF8000  }
0x57: {  	[tilespmem:s17], [sflag:$0x1] =	stream.indirect.gather [hbm4b:s4+s16], $0x40, s31, s16, $0xb8;
	[tilespmem:$0x19800] =	vst v63  }
0x58: {  	_ =	swait.ge [sflag:s18], $0x8000  }
0x59: {  	[sflag:s18] =	ssyncset.done $0x0  }
0x5a: {  	s1 =	simm.s32 $0x4800;
	[sflag:s18] =	ssyncadd.s32 $0xFFFF8000  }
0x5b: {  	[spmem:s2] =	stream.indirect.scatter.add.f32 [tilespmem:s17], [sflag:$0x2], $0x40, s1, s16, $0xb8;
	[tilespmem:$0x19800] =	vst v63  }
0x5c: {  	_ =	swait.ge [sflag:s12], $0x8000  }
0x5d: {  	[sflag:s12] =	ssyncset.done $0x0  }
0x5e: {  	s1 =	simm.s32 $0xE00;
	[sflag:s12] =	ssyncadd.s32 $0xFFFF8000  }
0x5f: {  	[tilespmem:s17], [sflag:$0x1] =	stream.indirect.gather [hbm4b:s4+s16], $0x40, s1, s16, $0xb8;
	[tilespmem:$0x19800] =	vst v63  }
0x60: {  	_ =	swait.ge [sflag:s18], $0x8000  }
0x61: {  	[sflag:s18] =	ssyncset.done $0x0  }
0x62: {  	[sflag:s18] =	ssyncadd.s32 $0xFFFF8000  }
0x63: {  	[spmem:s2] =	stream.indirect.scatter.add.f32 [tilespmem:s17], [sflag:$0x2], $0x40, s19, s16, $0xb8;
	[tilespmem:$0x19800] =	vst v63  }
0x64: {  	_ =	swait.ge [sflag:s12], $0x8000  }
0x65: {  	[sflag:s12] =	ssyncset.done $0x0  }
0x66: {  	[sflag:s12] =	ssyncadd.s32 $0xFFFF8000  }
0x67: {  	[tilespmem:s17], [sflag:$0x1] =	stream.indirect.gather [hbm4b:s4+s16], $0x40, s13, s16, $0xb8;
	[tilespmem:$0x19800] =	vst v63  }
0x68: {  	_ =	swait.ge [sflag:s18], $0x8000  }
0x69: {  	[sflag:s18] =	ssyncset.done $0x0  }
0x6a: {  	s20 =	simm.s32 $0x4C00;
	[sflag:s18] =	ssyncadd.s32 $0xFFFF8000  }
0x6b: {  	[spmem:s2] =	stream.indirect.scatter.add.f32 [tilespmem:s17], [sflag:$0x2], $0x40, s20, s16, $0xb8;
	[tilespmem:$0x19800] =	vst v63  }
0x6c: {  	_ =	swait.ge [sflag:s12], $0x8000  }
0x6d: {  	[sflag:s12] =	ssyncset.done $0x0  }
0x6e: {  	s20 =	simm.s32 $0x1200;
	[sflag:s12] =	ssyncadd.s32 $0xFFFF8000  }
0x6f: {  	[tilespmem:s17], [sflag:$0x1] =	stream.indirect.gather [hbm4b:s4+s16], $0x40, s20, s16, $0xb8;
	[tilespmem:$0x19800] =	vst v63  }
0x70: {  	_ =	swait.ge [sflag:s18], $0x8000  }
0x71: {  	[sflag:s18] =	ssyncset.done $0x0  }
0x72: {  	s20 =	simm.s32 $0x4E00;
	[sflag:s18] =	ssyncadd.s32 $0xFFFF8000  }
0x73: {  	[spmem:s2] =	stream.indirect.scatter.add.f32 [tilespmem:s17], [sflag:$0x2], $0x40, s20, s16, $0xb8;
	[tilespmem:$0x19800] =	vst v63  }
0x74: {  	_ =	swait.ge [sflag:s12], $0x8000  }
0x75: {  	[sflag:s12] =	ssyncset.done $0x0  }
0x76: {  	[sflag:s12] =	ssyncadd.s32 $0xFFFF8000  }
0x77: {  	[bflag:$0x0] =	sbarrier.arrive $0xFFFF  }
0x78: {  	s20 =	rddreg [dreg:$0x5]  }
0x79: {  	[hbm:s20], [sflag:s14] =	dma.local [spmem:s15], $0x1400  }
0x7a: {  	_ =	swait.ge [sflag:s12], $0x1400  }
0x7b: {  	[sflag:s12] =	ssyncset.done $0x0  }
0x7c: {  	[sflag:s12] =	ssyncadd.s32 $0xFFFFEC00  }
0x7d: {  	[bflag:$0x0] =	sbarrier.arrive $0xFFFF  }
0x7e: {  	[spmem:s15], [sflag:s14] =	dma.local [hbm:s5], $0x1400  }
0x7f: {  	_ =	swait.ge [sflag:s12], $0x1400  }
0x80: {  	[sflag:s12] =	ssyncset.done $0x0  }
0x81: {  	[sflag:s12] =	ssyncadd.s32 $0xFFFFEC00  }
0x82: {  	s20 =	simm.s32 $0x1400;
	[bflag:$0x0] =	sbarrier.arrive $0xFFFF  }
0x83: {  	[tilespmem:s17], [sflag:$0x1] =	stream.indirect.gather [hbm4b:s6+s16], $0x40, s20, s16, $0xb8;
	[tilespmem:$0x19800] =	vst v63  }
0x84: {  	_ =	swait.ge [sflag:s18], $0x8000  }
0x85: {  	[sflag:s18] =	ssyncset.done $0x0  }
0x86: {  	s20 =	simm.s32 $0x5000;
	[sflag:s18] =	ssyncadd.s32 $0xFFFF8000  }
0x87: {  	[spmem:s2] =	stream.indirect.scatter.add.f32 [tilespmem:s17], [sflag:$0x2], $0x40, s20, s16, $0xb8;
	[tilespmem:$0x19800] =	vst v63  }
0x88: {  	_ =	swait.ge [sflag:s12], $0x8000  }
0x89: {  	[sflag:s12] =	ssyncset.done $0x0  }
0x8a: {  	s20 =	simm.s32 $0x1600;
	[sflag:s12] =	ssyncadd.s32 $0xFFFF8000  }
0x8b: {  	[tilespmem:s17], [sflag:$0x1] =	stream.indirect.gather [hbm4b:s6+s16], $0x40, s20, s16, $0xb8;
	[tilespmem:$0x19800] =	vst v63  }
0x8c: {  	_ =	swait.ge [sflag:s18], $0x8000  }
0x8d: {  	[sflag:s18] =	ssyncset.done $0x0  }
0x8e: {  	s20 =	simm.s32 $0x5200;
	[sflag:s18] =	ssyncadd.s32 $0xFFFF8000  }
0x8f: {  	[spmem:s2] =	stream.indirect.scatter.add.f32 [tilespmem:s17], [sflag:$0x2], $0x40, s20, s16, $0xb8;
	[tilespmem:$0x19800] =	vst v63  }
0x90: {  	_ =	swait.ge [sflag:s12], $0x8000  }
0x91: {  	[sflag:s12] =	ssyncset.done $0x0  }
0x92: {  	s20 =	simm.s32 $0x1800;
	[sflag:s12] =	ssyncadd.s32 $0xFFFF8000  }
0x93: {  	[tilespmem:s17], [sflag:$0x1] =	stream.indirect.gather [hbm4b:s6+s16], $0x40, s20, s16, $0xb8;
	[tilespmem:$0x19800] =	vst v63  }
0x94: {  	_ =	swait.ge [sflag:s18], $0x8000  }
0x95: {  	[sflag:s18] =	ssyncset.done $0x0  }
0x96: {  	s20 =	simm.s32 $0x5400;
	[sflag:s18] =	ssyncadd.s32 $0xFFFF8000  }
0x97: {  	[spmem:s2] =	stream.indirect.scatter.add.f32 [tilespmem:s17], [sflag:$0x2], $0x40, s20, s16, $0xb8;
	[tilespmem:$0x19800] =	vst v63  }
0x98: {  	_ =	swait.ge [sflag:s12], $0x8000  }
0x99: {  	[sflag:s12] =	ssyncset.done $0x0  }
0x9a: {  	s20 =	simm.s32 $0x1A00;
	[sflag:s12] =	ssyncadd.s32 $0xFFFF8000  }
0x9b: {  	[tilespmem:s17], [sflag:$0x1] =	stream.indirect.gather [hbm4b:s6+s16], $0x40, s20, s16, $0xb8;
	[tilespmem:$0x19800] =	vst v63  }
0x9c: {  	_ =	swait.ge [sflag:s18], $0x8000  }
0x9d: {  	[sflag:s18] =	ssyncset.done $0x0  }
0x9e: {  	s20 =	simm.s32 $0x5600;
	[sflag:s18] =	ssyncadd.s32 $0xFFFF8000  }
0x9f: {  	[spmem:s2] =	stream.indirect.scatter.add.f32 [tilespmem:s17], [sflag:$0x2], $0x40, s20, s16, $0xb8;
	[tilespmem:$0x19800] =	vst v63  }
0xa0: {  	_ =	swait.ge [sflag:s12], $0x8000  }
0xa1: {  	[sflag:s12] =	ssyncset.done $0x0  }
0xa2: {  	s20 =	simm.s32 $0x1C00;
	[sflag:s12] =	ssyncadd.s32 $0xFFFF8000  }
0xa3: {  	[tilespmem:s17], [sflag:$0x1] =	stream.indirect.gather [hbm4b:s6+s16], $0x40, s20, s16, $0xb8;
	[tilespmem:$0x19800] =	vst v63  }
0xa4: {  	_ =	swait.ge [sflag:s18], $0x8000  }
0xa5: {  	[sflag:s18] =	ssyncset.done $0x0  }
0xa6: {  	s20 =	simm.s32 $0x5800;
	[sflag:s18] =	ssyncadd.s32 $0xFFFF8000  }
0xa7: {  	[spmem:s2] =	stream.indirect.scatter.add.f32 [tilespmem:s17], [sflag:$0x2], $0x40, s20, s16, $0xb8;
	[tilespmem:$0x19800] =	vst v63  }
0xa8: {  	_ =	swait.ge [sflag:s12], $0x8000  }
0xa9: {  	[sflag:s12] =	ssyncset.done $0x0  }
0xaa: {  	s20 =	simm.s32 $0x1E00;
	[sflag:s12] =	ssyncadd.s32 $0xFFFF8000  }
0xab: {  	[tilespmem:s17], [sflag:$0x1] =	stream.indirect.gather [hbm4b:s6+s16], $0x40, s20, s16, $0xb8;
	[tilespmem:$0x19800] =	vst v63  }
0xac: {  	_ =	swait.ge [sflag:s18], $0x8000  }
0xad: {  	[sflag:s18] =	ssyncset.done $0x0  }
0xae: {  	s20 =	simm.s32 $0x5A00;
	[sflag:s18] =	ssyncadd.s32 $0xFFFF8000  }
0xaf: {  	[spmem:s2] =	stream.indirect.scatter.add.f32 [tilespmem:s17], [sflag:$0x2], $0x40, s20, s16, $0xb8;
	[tilespmem:$0x19800] =	vst v63  }
0xb0: {  	_ =	swait.ge [sflag:s12], $0x8000  }
0xb1: {  	[sflag:s12] =	ssyncset.done $0x0  }
0xb2: {  	s20 =	simm.s32 $0x2000;
	[sflag:s12] =	ssyncadd.s32 $0xFFFF8000  }
0xb3: {  	[tilespmem:s17], [sflag:$0x1] =	stream.indirect.gather [hbm4b:s6+s16], $0x40, s20, s16, $0xb8;
	[tilespmem:$0x19800] =	vst v63  }
0xb4: {  	_ =	swait.ge [sflag:s18], $0x8000  }
0xb5: {  	[sflag:s18] =	ssyncset.done $0x0  }
0xb6: {  	s20 =	simm.s32 $0x5C00;
	[sflag:s18] =	ssyncadd.s32 $0xFFFF8000  }
0xb7: {  	[spmem:s2] =	stream.indirect.scatter.add.f32 [tilespmem:s17], [sflag:$0x2], $0x40, s20, s16, $0xb8;
	[tilespmem:$0x19800] =	vst v63  }
0xb8: {  	_ =	swait.ge [sflag:s12], $0x8000  }
0xb9: {  	[sflag:s12] =	ssyncset.done $0x0  }
0xba: {  	s20 =	simm.s32 $0x2200;
	[sflag:s12] =	ssyncadd.s32 $0xFFFF8000  }
0xbb: {  	[tilespmem:s17], [sflag:$0x1] =	stream.indirect.gather [hbm4b:s6+s16], $0x40, s20, s16, $0xb8;
	[tilespmem:$0x19800] =	vst v63  }
0xbc: {  	_ =	swait.ge [sflag:s18], $0x8000  }
0xbd: {  	[sflag:s18] =	ssyncset.done $0x0  }
0xbe: {  	s20 =	simm.s32 $0x5E00;
	[sflag:s18] =	ssyncadd.s32 $0xFFFF8000  }
0xbf: {  	[spmem:s2] =	stream.indirect.scatter.add.f32 [tilespmem:s17], [sflag:$0x2], $0x40, s20, s16, $0xb8;
	[tilespmem:$0x19800] =	vst v63  }
0xc0: {  	_ =	swait.ge [sflag:s12], $0x8000  }
0xc1: {  	[sflag:s12] =	ssyncset.done $0x0  }
0xc2: {  	s20 =	simm.s32 $0x2400;
	[sflag:s12] =	ssyncadd.s32 $0xFFFF8000  }
0xc3: {  	[tilespmem:s17], [sflag:$0x1] =	stream.indirect.gather [hbm4b:s6+s16], $0x40, s20, s16, $0xb8;
	[tilespmem:$0x19800] =	vst v63  }
0xc4: {  	_ =	swait.ge [sflag:s18], $0x8000  }
0xc5: {  	[sflag:s18] =	ssyncset.done $0x0  }
0xc6: {  	s20 =	simm.s32 $0x6000;
	[sflag:s18] =	ssyncadd.s32 $0xFFFF8000  }
0xc7: {  	[spmem:s2] =	stream.indirect.scatter.add.f32 [tilespmem:s17], [sflag:$0x2], $0x40, s20, s16, $0xb8;
	[tilespmem:$0x19800] =	vst v63  }
0xc8: {  	_ =	swait.ge [sflag:s12], $0x8000  }
0xc9: {  	[sflag:s12] =	ssyncset.done $0x0  }
0xca: {  	s20 =	simm.s32 $0x2600;
	[sflag:s12] =	ssyncadd.s32 $0xFFFF8000  }
0xcb: {  	[tilespmem:s17], [sflag:$0x1] =	stream.indirect.gather [hbm4b:s6+s16], $0x40, s20, s16, $0xb8;
	[tilespmem:$0x19800] =	vst v63  }
0xcc: {  	_ =	swait.ge [sflag:s18], $0x8000  }
0xcd: {  	[sflag:s18] =	ssyncset.done $0x0  }
0xce: {  	s20 =	simm.s32 $0x6200;
	[sflag:s18] =	ssyncadd.s32 $0xFFFF8000  }
0xcf: {  	[spmem:s2] =	stream.indirect.scatter.add.f32 [tilespmem:s17], [sflag:$0x2], $0x40, s20, s16, $0xb8;
	[tilespmem:$0x19800] =	vst v63  }
0xd0: {  	_ =	swait.ge [sflag:s12], $0x8000  }
0xd1: {  	[sflag:s12] =	ssyncset.done $0x0  }
0xd2: {  	[sflag:s12] =	ssyncadd.s32 $0xFFFF8000  }
0xd3: {  	[bflag:$0x0] =	sbarrier.arrive $0xFFFF  }
0xd4: {  	s20 =	rddreg [dreg:$0x6]  }
0xd5: {  	[hbm:s20], [sflag:s14] =	dma.local [spmem:s15], $0x1400  }
0xd6: {  	_ =	swait.ge [sflag:s12], $0x1400  }
0xd7: {  	[sflag:s12] =	ssyncset.done $0x0  }
0xd8: {  	[sflag:s12] =	ssyncadd.s32 $0xFFFFEC00  }
0xd9: {  	[bflag:$0x0] =	sbarrier.arrive $0xFFFF  }
0xda: {  	[spmem:s15], [sflag:s14] =	dma.local [hbm:s5], $0x1400  }
0xdb: {  	_ =	swait.ge [sflag:s12], $0x1400  }
0xdc: {  	[sflag:s12] =	ssyncset.done $0x0  }
0xdd: {  	[sflag:s12] =	ssyncadd.s32 $0xFFFFEC00  }
0xde: {  	s20 =	simm.s32 $0x2800;
	[bflag:$0x0] =	sbarrier.arrive $0xFFFF  }
0xdf: {  	[tilespmem:s17], [sflag:$0x1] =	stream.indirect.gather [hbm4b:s7+s16], $0x40, s20, s16, $0xb8;
	[tilespmem:$0x19800] =	vst v63  }
0xe0: {  	_ =	swait.ge [sflag:s18], $0x8000  }
0xe1: {  	[sflag:s18] =	ssyncset.done $0x0  }
0xe2: {  	s20 =	simm.s32 $0x6400;
	[sflag:s18] =	ssyncadd.s32 $0xFFFF8000  }
0xe3: {  	[spmem:s2] =	stream.indirect.scatter.add.f32 [tilespmem:s17], [sflag:$0x2], $0x40, s20, s16, $0xb8;
	[tilespmem:$0x19800] =	vst v63  }
0xe4: {  	_ =	swait.ge [sflag:s12], $0x8000  }
0xe5: {  	[sflag:s12] =	ssyncset.done $0x0  }
0xe6: {  	s20 =	simm.s32 $0x2A00;
	[sflag:s12] =	ssyncadd.s32 $0xFFFF8000  }
0xe7: {  	[tilespmem:s17], [sflag:$0x1] =	stream.indirect.gather [hbm4b:s7+s16], $0x40, s20, s16, $0xb8;
	[tilespmem:$0x19800] =	vst v63  }
0xe8: {  	_ =	swait.ge [sflag:s18], $0x8000  }
0xe9: {  	[sflag:s18] =	ssyncset.done $0x0  }
0xea: {  	s20 =	simm.s32 $0x6600;
	[sflag:s18] =	ssyncadd.s32 $0xFFFF8000  }
0xeb: {  	[spmem:s2] =	stream.indirect.scatter.add.f32 [tilespmem:s17], [sflag:$0x2], $0x40, s20, s16, $0xb8;
	[tilespmem:$0x19800] =	vst v63  }
0xec: {  	_ =	swait.ge [sflag:s12], $0x8000  }
0xed: {  	[sflag:s12] =	ssyncset.done $0x0  }
0xee: {  	s20 =	simm.s32 $0x2C00;
	[sflag:s12] =	ssyncadd.s32 $0xFFFF8000  }
0xef: {  	[tilespmem:s17], [sflag:$0x1] =	stream.indirect.gather [hbm4b:s7+s16], $0x40, s20, s16, $0xb8;
	[tilespmem:$0x19800] =	vst v63  }
0xf0: {  	_ =	swait.ge [sflag:s18], $0x8000  }
0xf1: {  	[sflag:s18] =	ssyncset.done $0x0  }
0xf2: {  	s20 =	simm.s32 $0x6800;
	[sflag:s18] =	ssyncadd.s32 $0xFFFF8000  }
0xf3: {  	[spmem:s2] =	stream.indirect.scatter.add.f32 [tilespmem:s17], [sflag:$0x2], $0x40, s20, s16, $0xb8;
	[tilespmem:$0x19800] =	vst v63  }
0xf4: {  	_ =	swait.ge [sflag:s12], $0x8000  }
0xf5: {  	[sflag:s12] =	ssyncset.done $0x0  }
0xf6: {  	s20 =	simm.s32 $0x2E00;
	[sflag:s12] =	ssyncadd.s32 $0xFFFF8000  }
0xf7: {  	[tilespmem:s17], [sflag:$0x1] =	stream.indirect.gather [hbm4b:s7+s16], $0x40, s20, s16, $0xb8;
	[tilespmem:$0x19800] =	vst v63  }
0xf8: {  	_ =	swait.ge [sflag:s18], $0x8000  }
0xf9: {  	[sflag:s18] =	ssyncset.done $0x0  }
0xfa: {  	s20 =	simm.s32 $0x6A00;
	[sflag:s18] =	ssyncadd.s32 $0xFFFF8000  }
0xfb: {  	[spmem:s2] =	stream.indirect.scatter.add.f32 [tilespmem:s17], [sflag:$0x2], $0x40, s20, s16, $0xb8;
	[tilespmem:$0x19800] =	vst v63  }
0xfc: {  	_ =	swait.ge [sflag:s12], $0x8000  }
0xfd: {  	[sflag:s12] =	ssyncset.done $0x0  }
0xfe: {  	s20 =	simm.s32 $0x3000;
	[sflag:s12] =	ssyncadd.s32 $0xFFFF8000  }
0xff: {  	[tilespmem:s17], [sflag:$0x1] =	stream.indirect.gather [hbm4b:s7+s16], $0x40, s20, s16, $0xb8;
	[tilespmem:$0x19800] =	vst v63  }
0x100: {  	_ =	swait.ge [sflag:s18], $0x8000  }
0x101: {  	[sflag:s18] =	ssyncset.done $0x0  }
0x102: {  	s20 =	simm.s32 $0x6C00;
	[sflag:s18] =	ssyncadd.s32 $0xFFFF8000  }
0x103: {  	[spmem:s2] =	stream.indirect.scatter.add.f32 [tilespmem:s17], [sflag:$0x2], $0x40, s20, s16, $0xb8;
	[tilespmem:$0x19800] =	vst v63  }
0x104: {  	_ =	swait.ge [sflag:s12], $0x8000  }
0x105: {  	[sflag:s12] =	ssyncset.done $0x0  }
0x106: {  	s20 =	simm.s32 $0x3200;
	[sflag:s12] =	ssyncadd.s32 $0xFFFF8000  }
0x107: {  	[tilespmem:s17], [sflag:$0x1] =	stream.indirect.gather [hbm4b:s7+s16], $0x40, s20, s16, $0xb8;
	[tilespmem:$0x19800] =	vst v63  }
0x108: {  	_ =	swait.ge [sflag:s18], $0x8000  }
0x109: {  	[sflag:s18] =	ssyncset.done $0x0  }
0x10a: {  	s20 =	simm.s32 $0x6E00;
	[sflag:s18] =	ssyncadd.s32 $0xFFFF8000  }
0x10b: {  	[spmem:s2] =	stream.indirect.scatter.add.f32 [tilespmem:s17], [sflag:$0x2], $0x40, s20, s16, $0xb8;
	[tilespmem:$0x19800] =	vst v63  }
0x10c: {  	_ =	swait.ge [sflag:s12], $0x8000  }
0x10d: {  	[sflag:s12] =	ssyncset.done $0x0  }
0x10e: {  	s20 =	simm.s32 $0x3400;
	[sflag:s12] =	ssyncadd.s32 $0xFFFF8000  }
0x10f: {  	[tilespmem:s17], [sflag:$0x1] =	stream.indirect.gather [hbm4b:s7+s16], $0x40, s20, s16, $0xb8;
	[tilespmem:$0x19800] =	vst v63  }
0x110: {  	_ =	swait.ge [sflag:s18], $0x8000  }
0x111: {  	[sflag:s18] =	ssyncset.done $0x0  }
0x112: {  	s20 =	simm.s32 $0x7000;
	[sflag:s18] =	ssyncadd.s32 $0xFFFF8000  }
0x113: {  	[spmem:s2] =	stream.indirect.scatter.add.f32 [tilespmem:s17], [sflag:$0x2], $0x40, s20, s16, $0xb8;
	[tilespmem:$0x19800] =	vst v63  }
0x114: {  	_ =	swait.ge [sflag:s12], $0x8000  }
0x115: {  	[sflag:s12] =	ssyncset.done $0x0  }
0x116: {  	s20 =	simm.s32 $0x3600;
	[sflag:s12] =	ssyncadd.s32 $0xFFFF8000  }
0x117: {  	[tilespmem:s17], [sflag:$0x1] =	stream.indirect.gather [hbm4b:s7+s16], $0x40, s20, s16, $0xb8;
	[tilespmem:$0x19800] =	vst v63  }
0x118: {  	_ =	swait.ge [sflag:s18], $0x8000  }
0x119: {  	[sflag:s18] =	ssyncset.done $0x0  }
0x11a: {  	s20 =	simm.s32 $0x7200;
	[sflag:s18] =	ssyncadd.s32 $0xFFFF8000  }
0x11b: {  	[spmem:s2] =	stream.indirect.scatter.add.f32 [tilespmem:s17], [sflag:$0x2], $0x40, s20, s16, $0xb8;
	[tilespmem:$0x19800] =	vst v63  }
0x11c: {  	_ =	swait.ge [sflag:s12], $0x8000  }
0x11d: {  	[sflag:s12] =	ssyncset.done $0x0  }
0x11e: {  	s20 =	simm.s32 $0x3800;
	[sflag:s12] =	ssyncadd.s32 $0xFFFF8000  }
0x11f: {  	[tilespmem:s17], [sflag:$0x1] =	stream.indirect.gather [hbm4b:s7+s16], $0x40, s20, s16, $0xb8;
	[tilespmem:$0x19800] =	vst v63  }
0x120: {  	_ =	swait.ge [sflag:s18], $0x8000  }
0x121: {  	[sflag:s18] =	ssyncset.done $0x0  }
0x122: {  	s20 =	simm.s32 $0x7400;
	[sflag:s18] =	ssyncadd.s32 $0xFFFF8000  }
0x123: {  	[spmem:s2] =	stream.indirect.scatter.add.f32 [tilespmem:s17], [sflag:$0x2], $0x40, s20, s16, $0xb8;
	[tilespmem:$0x19800] =	vst v63  }
0x124: {  	_ =	swait.ge [sflag:s12], $0x8000  }
0x125: {  	[sflag:s12] =	ssyncset.done $0x0  }
0x126: {  	s20 =	simm.s32 $0x3A00;
	[sflag:s12] =	ssyncadd.s32 $0xFFFF8000  }
0x127: {  	[tilespmem:s17], [sflag:$0x1] =	stream.indirect.gather [hbm4b:s7+s16], $0x40, s20, s16, $0xb8;
	[tilespmem:$0x19800] =	vst v63  }
0x128: {  	_ =	swait.ge [sflag:s18], $0x8000  }
0x129: {  	[sflag:s18] =	ssyncset.done $0x0  }
0x12a: {  	s20 =	simm.s32 $0x7600;
	[sflag:s18] =	ssyncadd.s32 $0xFFFF8000  }
0x12b: {  	[spmem:s2] =	stream.indirect.scatter.add.f32 [tilespmem:s17], [sflag:$0x2], $0x40, s20, s16, $0xb8;
	[tilespmem:$0x19800] =	vst v63  }
0x12c: {  	_ =	swait.ge [sflag:s12], $0x8000  }
0x12d: {  	[sflag:s12] =	ssyncset.done $0x0  }
0x12e: {  	[sflag:s12] =	ssyncadd.s32 $0xFFFF8000  }
0x12f: {  	[bflag:$0x0] =	sbarrier.arrive $0xFFFF  }
0x130: {  	s20 =	rddreg [dreg:$0x7]  }
0x131: {  	[hbm:s20], [sflag:s14] =	dma.local [spmem:s15], $0x1400  }
0x132: {  	_ =	swait.ge [sflag:s12], $0x1400  }
0x133: {  	[sflag:s12] =	ssyncset.done $0x0  }
0x134: {  	[sflag:s12] =	ssyncadd.s32 $0xFFFFEC00  }
0x135: {  	[bflag:$0x0] =	sbarrier.arrive $0xFFFF  }
0x136: {  	[spmem:s15], [sflag:s14] =	dma.local [hbm:s5], $0x1400  }
0x137: {  	_ =	swait.ge [sflag:s12], $0x1400  }
0x138: {  	[sflag:s12] =	ssyncset.done $0x0  }
0x139: {  	[sflag:s12] =	ssyncadd.s32 $0xFFFFEC00  }
0x13a: {  	[bflag:$0x0] =	sbarrier.arrive $0xFFFF  }
0x13b: {  	[tilespmem:s17], [sflag:$0x1] =	stream.indirect.gather [hbm4b:s8+s16], $0x40, s0, s16, $0xb8;
	[tilespmem:$0x19800] =	vst v63  }
0x13c: {  	_ =	swait.ge [sflag:s18], $0x8000  }
0x13d: {  	[sflag:s18] =	ssyncset.done $0x0  }
0x13e: {  	[sflag:s18] =	ssyncadd.s32 $0xFFFF8000  }
0x13f: {  	[spmem:s2] =	stream.indirect.scatter.add.f32 [tilespmem:s17], [sflag:$0x2], $0x40, s3, s16, $0xb8;
	[tilespmem:$0x19800] =	vst v63  }
0x140: {  	_ =	swait.ge [sflag:s12], $0x8000  }
0x141: {  	[sflag:s12] =	ssyncset.done $0x0  }
0x142: {  	[sflag:s12] =	ssyncadd.s32 $0xFFFF8000  }
0x143: {  	[tilespmem:s17], [sflag:$0x1] =	stream.indirect.gather [hbm4b:s8+s16], $0x40, s16, s16, $0xb8;
	[tilespmem:$0x19800] =	vst v63  }
0x144: {  	_ =	swait.ge [sflag:s18], $0x8000  }
0x145: {  	[sflag:s18] =	ssyncset.done $0x0  }
0x146: {  	[sflag:s18] =	ssyncadd.s32 $0xFFFF8000  }
0x147: {  	[spmem:s2] =	stream.indirect.scatter.add.f32 [tilespmem:s17], [sflag:$0x2], $0x40, s21, s16, $0xb8;
	[tilespmem:$0x19800] =	vst v63  }
0x148: {  	_ =	swait.ge [sflag:s12], $0x8000  }
0x149: {  	[sflag:s12] =	ssyncset.done $0x0  }
0x14a: {  	[sflag:s12] =	ssyncadd.s32 $0xFFFF8000  }
0x14b: {  	[tilespmem:s17], [sflag:$0x1] =	stream.indirect.gather [hbm4b:s8+s16], $0x40, s22, s16, $0xb8;
	[tilespmem:$0x19800] =	vst v63  }
0x14c: {  	_ =	swait.ge [sflag:s18], $0x8000  }
0x14d: {  	[sflag:s18] =	ssyncset.done $0x0  }
0x14e: {  	[sflag:s18] =	ssyncadd.s32 $0xFFFF8000  }
0x14f: {  	[spmem:s2] =	stream.indirect.scatter.add.f32 [tilespmem:s17], [sflag:$0x2], $0x40, s23, s16, $0xb8;
	[tilespmem:$0x19800] =	vst v63  }
0x150: {  	_ =	swait.ge [sflag:s12], $0x8000  }
0x151: {  	[sflag:s12] =	ssyncset.done $0x0  }
0x152: {  	[sflag:s12] =	ssyncadd.s32 $0xFFFF8000  }
0x153: {  	[tilespmem:s17], [sflag:$0x1] =	stream.indirect.gather [hbm4b:s8+s16], $0x40, s24, s16, $0xb8;
	[tilespmem:$0x19800] =	vst v63  }
0x154: {  	_ =	swait.ge [sflag:s18], $0x8000  }
0x155: {  	[sflag:s18] =	ssyncset.done $0x0  }
0x156: {  	[sflag:s18] =	ssyncadd.s32 $0xFFFF8000  }
0x157: {  	[spmem:s2] =	stream.indirect.scatter.add.f32 [tilespmem:s17], [sflag:$0x2], $0x40, s25, s16, $0xb8;
	[tilespmem:$0x19800] =	vst v63  }
0x158: {  	_ =	swait.ge [sflag:s12], $0x8000  }
0x159: {  	[sflag:s12] =	ssyncset.done $0x0  }
0x15a: {  	[sflag:s12] =	ssyncadd.s32 $0xFFFF8000  }
0x15b: {  	[tilespmem:s17], [sflag:$0x1] =	stream.indirect.gather [hbm4b:s8+s16], $0x40, s26, s16, $0xb8;
	[tilespmem:$0x19800] =	vst v63  }
0x15c: {  	_ =	swait.ge [sflag:s18], $0x8000  }
0x15d: {  	[sflag:s18] =	ssyncset.done $0x0  }
0x15e: {  	[sflag:s18] =	ssyncadd.s32 $0xFFFF8000  }
0x15f: {  	[spmem:s2] =	stream.indirect.scatter.add.f32 [tilespmem:s17], [sflag:$0x2], $0x40, s28, s16, $0xb8;
	[tilespmem:$0x19800] =	vst v63  }
0x160: {  	_ =	swait.ge [sflag:s12], $0x8000  }
0x161: {  	[sflag:s12] =	ssyncset.done $0x0  }
0x162: {  	[sflag:s12] =	ssyncadd.s32 $0xFFFF8000  }
0x163: {  	[tilespmem:s17], [sflag:$0x1] =	stream.indirect.gather [hbm4b:s8+s16], $0x40, s29, s16, $0xb8;
	[tilespmem:$0x19800] =	vst v63  }
0x164: {  	_ =	swait.ge [sflag:s18], $0x8000  }
0x165: {  	[sflag:s18] =	ssyncset.done $0x0  }
0x166: {  	[sflag:s18] =	ssyncadd.s32 $0xFFFF8000  }
0x167: {  	[spmem:s2] =	stream.indirect.scatter.add.f32 [tilespmem:s17], [sflag:$0x2], $0x40, s30, s16, $0xb8;
	[tilespmem:$0x19800] =	vst v63  }
0x168: {  	_ =	swait.ge [sflag:s12], $0x8000  }
0x169: {  	[sflag:s12] =	ssyncset.done $0x0  }
0x16a: {  	[sflag:s12] =	ssyncadd.s32 $0xFFFF8000  }
0x16b: {  	[tilespmem:s17], [sflag:$0x1] =	stream.indirect.gather [hbm4b:s8+s16], $0x40, s31, s16, $0xb8;
	[tilespmem:$0x19800] =	vst v63  }
0x16c: {  	_ =	swait.ge [sflag:s18], $0x8000  }
0x16d: {  	[sflag:s18] =	ssyncset.done $0x0  }
0x16e: {  	s20 =	simm.s32 $0x4800;
	[sflag:s18] =	ssyncadd.s32 $0xFFFF8000  }
0x16f: {  	[spmem:s2] =	stream.indirect.scatter.add.f32 [tilespmem:s17], [sflag:$0x2], $0x40, s20, s16, $0xb8;
	[tilespmem:$0x19800] =	vst v63  }
0x170: {  	_ =	swait.ge [sflag:s12], $0x8000  }
0x171: {  	[sflag:s12] =	ssyncset.done $0x0  }
0x172: {  	[sflag:s12] =	ssyncadd.s32 $0xFFFF8000  }
0x173: {  	[tilespmem:s17], [sflag:$0x1] =	stream.indirect.gather [hbm4b:s8+s16], $0x40, s1, s16, $0xb8;
	[tilespmem:$0x19800] =	vst v63  }
0x174: {  	_ =	swait.ge [sflag:s18], $0x8000  }
0x175: {  	[sflag:s18] =	ssyncset.done $0x0  }
0x176: {  	[sflag:s18] =	ssyncadd.s32 $0xFFFF8000  }
0x177: {  	[spmem:s2] =	stream.indirect.scatter.add.f32 [tilespmem:s17], [sflag:$0x2], $0x40, s19, s16, $0xb8;
	[tilespmem:$0x19800] =	vst v63  }
0x178: {  	_ =	swait.ge [sflag:s12], $0x8000  }
0x179: {  	[sflag:s12] =	ssyncset.done $0x0  }
0x17a: {  	[sflag:s12] =	ssyncadd.s32 $0xFFFF8000  }
0x17b: {  	[tilespmem:s17], [sflag:$0x1] =	stream.indirect.gather [hbm4b:s8+s16], $0x40, s13, s16, $0xb8;
	[tilespmem:$0x19800] =	vst v63  }
0x17c: {  	_ =	swait.ge [sflag:s18], $0x8000  }
0x17d: {  	[sflag:s18] =	ssyncset.done $0x0  }
0x17e: {  	s20 =	simm.s32 $0x4C00;
	[sflag:s18] =	ssyncadd.s32 $0xFFFF8000  }
0x17f: {  	[spmem:s2] =	stream.indirect.scatter.add.f32 [tilespmem:s17], [sflag:$0x2], $0x40, s20, s16, $0xb8;
	[tilespmem:$0x19800] =	vst v63  }
0x180: {  	_ =	swait.ge [sflag:s12], $0x8000  }
0x181: {  	[sflag:s12] =	ssyncset.done $0x0  }
0x182: {  	s1 =	simm.s32 $0x1200;
	[sflag:s12] =	ssyncadd.s32 $0xFFFF8000  }
0x183: {  	[tilespmem:s17], [sflag:$0x1] =	stream.indirect.gather [hbm4b:s8+s16], $0x40, s1, s16, $0xb8;
	[tilespmem:$0x19800] =	vst v63  }
0x184: {  	_ =	swait.ge [sflag:s18], $0x8000  }
0x185: {  	[sflag:s18] =	ssyncset.done $0x0  }
0x186: {  	s20 =	simm.s32 $0x4E00;
	[sflag:s18] =	ssyncadd.s32 $0xFFFF8000  }
0x187: {  	[spmem:s2] =	stream.indirect.scatter.add.f32 [tilespmem:s17], [sflag:$0x2], $0x40, s20, s16, $0xb8;
	[tilespmem:$0x19800] =	vst v63  }
0x188: {  	_ =	swait.ge [sflag:s12], $0x8000  }
0x189: {  	[sflag:s12] =	ssyncset.done $0x0  }
0x18a: {  	[sflag:s12] =	ssyncadd.s32 $0xFFFF8000  }
0x18b: {  	[bflag:$0x0] =	sbarrier.arrive $0xFFFF  }
0x18c: {  	s0 =	rddreg [dreg:$0x8]  }
0x18d: {  	[hbm:s0], [sflag:s14] =	dma.local [spmem:s15], $0x1400  }
0x18e: {  	_ =	swait.ge [sflag:s12], $0x1400  }
0x18f: {  	[sflag:s12] =	ssyncset.done $0x0  }
0x190: {  	[sflag:s12] =	ssyncadd.s32 $0xFFFFEC00  }
0x191: {  	[bflag:$0x0] =	sbarrier.arrive $0xFFFF  }
0x192: {  	[spmem:s15], [sflag:s14] =	dma.local [hbm:s5], $0x1400  }
0x193: {  	_ =	swait.ge [sflag:s12], $0x1400  }
0x194: {  	[sflag:s12] =	ssyncset.done $0x0  }
0x195: {  	[sflag:s12] =	ssyncadd.s32 $0xFFFFEC00  }
0x196: {  	s1 =	simm.s32 $0x1400;
	[bflag:$0x0] =	sbarrier.arrive $0xFFFF  }
0x197: {  	[tilespmem:s17], [sflag:$0x1] =	stream.indirect.gather [hbm4b:s9+s16], $0x40, s1, s16, $0xb8;
	[tilespmem:$0x19800] =	vst v63  }
0x198: {  	_ =	swait.ge [sflag:s18], $0x8000  }
0x199: {  	[sflag:s18] =	ssyncset.done $0x0  }
0x19a: {  	s20 =	simm.s32 $0x5000;
	[sflag:s18] =	ssyncadd.s32 $0xFFFF8000  }
0x19b: {  	[spmem:s2] =	stream.indirect.scatter.add.f32 [tilespmem:s17], [sflag:$0x2], $0x40, s20, s16, $0xb8;
	[tilespmem:$0x19800] =	vst v63  }
0x19c: {  	_ =	swait.ge [sflag:s12], $0x8000  }
0x19d: {  	[sflag:s12] =	ssyncset.done $0x0  }
0x19e: {  	s1 =	simm.s32 $0x1600;
	[sflag:s12] =	ssyncadd.s32 $0xFFFF8000  }
0x19f: {  	[tilespmem:s17], [sflag:$0x1] =	stream.indirect.gather [hbm4b:s9+s16], $0x40, s1, s16, $0xb8;
	[tilespmem:$0x19800] =	vst v63  }
0x1a0: {  	_ =	swait.ge [sflag:s18], $0x8000  }
0x1a1: {  	[sflag:s18] =	ssyncset.done $0x0  }
0x1a2: {  	s20 =	simm.s32 $0x5200;
	[sflag:s18] =	ssyncadd.s32 $0xFFFF8000  }
0x1a3: {  	[spmem:s2] =	stream.indirect.scatter.add.f32 [tilespmem:s17], [sflag:$0x2], $0x40, s20, s16, $0xb8;
	[tilespmem:$0x19800] =	vst v63  }
0x1a4: {  	_ =	swait.ge [sflag:s12], $0x8000  }
0x1a5: {  	[sflag:s12] =	ssyncset.done $0x0  }
0x1a6: {  	s1 =	simm.s32 $0x1800;
	[sflag:s12] =	ssyncadd.s32 $0xFFFF8000  }
0x1a7: {  	[tilespmem:s17], [sflag:$0x1] =	stream.indirect.gather [hbm4b:s9+s16], $0x40, s1, s16, $0xb8;
	[tilespmem:$0x19800] =	vst v63  }
0x1a8: {  	_ =	swait.ge [sflag:s18], $0x8000  }
0x1a9: {  	[sflag:s18] =	ssyncset.done $0x0  }
0x1aa: {  	s20 =	simm.s32 $0x5400;
	[sflag:s18] =	ssyncadd.s32 $0xFFFF8000  }
0x1ab: {  	[spmem:s2] =	stream.indirect.scatter.add.f32 [tilespmem:s17], [sflag:$0x2], $0x40, s20, s16, $0xb8;
	[tilespmem:$0x19800] =	vst v63  }
0x1ac: {  	_ =	swait.ge [sflag:s12], $0x8000  }
0x1ad: {  	[sflag:s12] =	ssyncset.done $0x0  }
0x1ae: {  	s1 =	simm.s32 $0x1A00;
	[sflag:s12] =	ssyncadd.s32 $0xFFFF8000  }
0x1af: {  	[tilespmem:s17], [sflag:$0x1] =	stream.indirect.gather [hbm4b:s9+s16], $0x40, s1, s16, $0xb8;
	[tilespmem:$0x19800] =	vst v63  }
0x1b0: {  	_ =	swait.ge [sflag:s18], $0x8000  }
0x1b1: {  	[sflag:s18] =	ssyncset.done $0x0  }
0x1b2: {  	s20 =	simm.s32 $0x5600;
	[sflag:s18] =	ssyncadd.s32 $0xFFFF8000  }
0x1b3: {  	[spmem:s2] =	stream.indirect.scatter.add.f32 [tilespmem:s17], [sflag:$0x2], $0x40, s20, s16, $0xb8;
	[tilespmem:$0x19800] =	vst v63  }
0x1b4: {  	_ =	swait.ge [sflag:s12], $0x8000  }
0x1b5: {  	[sflag:s12] =	ssyncset.done $0x0  }
0x1b6: {  	s1 =	simm.s32 $0x1C00;
	[sflag:s12] =	ssyncadd.s32 $0xFFFF8000  }
0x1b7: {  	[tilespmem:s17], [sflag:$0x1] =	stream.indirect.gather [hbm4b:s9+s16], $0x40, s1, s16, $0xb8;
	[tilespmem:$0x19800] =	vst v63  }
0x1b8: {  	_ =	swait.ge [sflag:s18], $0x8000  }
0x1b9: {  	[sflag:s18] =	ssyncset.done $0x0  }
0x1ba: {  	s20 =	simm.s32 $0x5800;
	[sflag:s18] =	ssyncadd.s32 $0xFFFF8000  }
0x1bb: {  	[spmem:s2] =	stream.indirect.scatter.add.f32 [tilespmem:s17], [sflag:$0x2], $0x40, s20, s16, $0xb8;
	[tilespmem:$0x19800] =	vst v63  }
0x1bc: {  	_ =	swait.ge [sflag:s12], $0x8000  }
0x1bd: {  	[sflag:s12] =	ssyncset.done $0x0  }
0x1be: {  	s1 =	simm.s32 $0x1E00;
	[sflag:s12] =	ssyncadd.s32 $0xFFFF8000  }
0x1bf: {  	[tilespmem:s17], [sflag:$0x1] =	stream.indirect.gather [hbm4b:s9+s16], $0x40, s1, s16, $0xb8;
	[tilespmem:$0x19800] =	vst v63  }
0x1c0: {  	_ =	swait.ge [sflag:s18], $0x8000  }
0x1c1: {  	[sflag:s18] =	ssyncset.done $0x0  }
0x1c2: {  	s20 =	simm.s32 $0x5A00;
	[sflag:s18] =	ssyncadd.s32 $0xFFFF8000  }
0x1c3: {  	[spmem:s2] =	stream.indirect.scatter.add.f32 [tilespmem:s17], [sflag:$0x2], $0x40, s20, s16, $0xb8;
	[tilespmem:$0x19800] =	vst v63  }
0x1c4: {  	_ =	swait.ge [sflag:s12], $0x8000  }
0x1c5: {  	[sflag:s12] =	ssyncset.done $0x0  }
0x1c6: {  	s1 =	simm.s32 $0x2000;
	[sflag:s12] =	ssyncadd.s32 $0xFFFF8000  }
0x1c7: {  	[tilespmem:s17], [sflag:$0x1] =	stream.indirect.gather [hbm4b:s9+s16], $0x40, s1, s16, $0xb8;
	[tilespmem:$0x19800] =	vst v63  }
0x1c8: {  	_ =	swait.ge [sflag:s18], $0x8000  }
0x1c9: {  	[sflag:s18] =	ssyncset.done $0x0  }
0x1ca: {  	s20 =	simm.s32 $0x5C00;
	[sflag:s18] =	ssyncadd.s32 $0xFFFF8000  }
0x1cb: {  	[spmem:s2] =	stream.indirect.scatter.add.f32 [tilespmem:s17], [sflag:$0x2], $0x40, s20, s16, $0xb8;
	[tilespmem:$0x19800] =	vst v63  }
0x1cc: {  	_ =	swait.ge [sflag:s12], $0x8000  }
0x1cd: {  	[sflag:s12] =	ssyncset.done $0x0  }
0x1ce: {  	s1 =	simm.s32 $0x2200;
	[sflag:s12] =	ssyncadd.s32 $0xFFFF8000  }
0x1cf: {  	[tilespmem:s17], [sflag:$0x1] =	stream.indirect.gather [hbm4b:s9+s16], $0x40, s1, s16, $0xb8;
	[tilespmem:$0x19800] =	vst v63  }
0x1d0: {  	_ =	swait.ge [sflag:s18], $0x8000  }
0x1d1: {  	[sflag:s18] =	ssyncset.done $0x0  }
0x1d2: {  	s20 =	simm.s32 $0x5E00;
	[sflag:s18] =	ssyncadd.s32 $0xFFFF8000  }
0x1d3: {  	[spmem:s2] =	stream.indirect.scatter.add.f32 [tilespmem:s17], [sflag:$0x2], $0x40, s20, s16, $0xb8;
	[tilespmem:$0x19800] =	vst v63  }
0x1d4: {  	_ =	swait.ge [sflag:s12], $0x8000  }
0x1d5: {  	[sflag:s12] =	ssyncset.done $0x0  }
0x1d6: {  	s1 =	simm.s32 $0x2400;
	[sflag:s12] =	ssyncadd.s32 $0xFFFF8000  }
0x1d7: {  	[tilespmem:s17], [sflag:$0x1] =	stream.indirect.gather [hbm4b:s9+s16], $0x40, s1, s16, $0xb8;
	[tilespmem:$0x19800] =	vst v63  }
0x1d8: {  	_ =	swait.ge [sflag:s18], $0x8000  }
0x1d9: {  	[sflag:s18] =	ssyncset.done $0x0  }
0x1da: {  	s20 =	simm.s32 $0x6000;
	[sflag:s18] =	ssyncadd.s32 $0xFFFF8000  }
0x1db: {  	[spmem:s2] =	stream.indirect.scatter.add.f32 [tilespmem:s17], [sflag:$0x2], $0x40, s20, s16, $0xb8;
	[tilespmem:$0x19800] =	vst v63  }
0x1dc: {  	_ =	swait.ge [sflag:s12], $0x8000  }
0x1dd: {  	[sflag:s12] =	ssyncset.done $0x0  }
0x1de: {  	s1 =	simm.s32 $0x2600;
	[sflag:s12] =	ssyncadd.s32 $0xFFFF8000  }
0x1df: {  	[tilespmem:s17], [sflag:$0x1] =	stream.indirect.gather [hbm4b:s9+s16], $0x40, s1, s16, $0xb8;
	[tilespmem:$0x19800] =	vst v63  }
0x1e0: {  	_ =	swait.ge [sflag:s18], $0x8000  }
0x1e1: {  	[sflag:s18] =	ssyncset.done $0x0  }
0x1e2: {  	s20 =	simm.s32 $0x6200;
	[sflag:s18] =	ssyncadd.s32 $0xFFFF8000  }
0x1e3: {  	[spmem:s2] =	stream.indirect.scatter.add.f32 [tilespmem:s17], [sflag:$0x2], $0x40, s20, s16, $0xb8;
	[tilespmem:$0x19800] =	vst v63  }
0x1e4: {  	_ =	swait.ge [sflag:s12], $0x8000  }
0x1e5: {  	[sflag:s12] =	ssyncset.done $0x0  }
0x1e6: {  	[sflag:s12] =	ssyncadd.s32 $0xFFFF8000  }
0x1e7: {  	[bflag:$0x0] =	sbarrier.arrive $0xFFFF  }
0x1e8: {  	s0 =	rddreg [dreg:$0x9]  }
0x1e9: {  	[hbm:s0], [sflag:s14] =	dma.local [spmem:s15], $0x1400  }
0x1ea: {  	_ =	swait.ge [sflag:s12], $0x1400  }
0x1eb: {  	[sflag:s12] =	ssyncset.done $0x0  }
0x1ec: {  	[sflag:s12] =	ssyncadd.s32 $0xFFFFEC00  }
0x1ed: {  	[bflag:$0x0] =	sbarrier.arrive $0xFFFF  }
0x1ee: {  	[spmem:s15], [sflag:s14] =	dma.local [hbm:s5], $0x1400  }
0x1ef: {  	_ =	swait.ge [sflag:s12], $0x1400  }
0x1f0: {  	[sflag:s12] =	ssyncset.done $0x0  }
0x1f1: {  	[sflag:s12] =	ssyncadd.s32 $0xFFFFEC00  }
0x1f2: {  	s1 =	simm.s32 $0x2800;
	[bflag:$0x0] =	sbarrier.arrive $0xFFFF  }
0x1f3: {  	[tilespmem:s17], [sflag:$0x1] =	stream.indirect.gather [hbm4b:s10+s16], $0x40, s1, s16, $0xb8;
	[tilespmem:$0x19800] =	vst v63  }
0x1f4: {  	_ =	swait.ge [sflag:s18], $0x8000  }
0x1f5: {  	[sflag:s18] =	ssyncset.done $0x0  }
0x1f6: {  	s20 =	simm.s32 $0x6400;
	[sflag:s18] =	ssyncadd.s32 $0xFFFF8000  }
0x1f7: {  	[spmem:s2] =	stream.indirect.scatter.add.f32 [tilespmem:s17], [sflag:$0x2], $0x40, s20, s16, $0xb8;
	[tilespmem:$0x19800] =	vst v63  }
0x1f8: {  	_ =	swait.ge [sflag:s12], $0x8000  }
0x1f9: {  	[sflag:s12] =	ssyncset.done $0x0  }
0x1fa: {  	s1 =	simm.s32 $0x2A00;
	[sflag:s12] =	ssyncadd.s32 $0xFFFF8000  }
0x1fb: {  	[tilespmem:s17], [sflag:$0x1] =	stream.indirect.gather [hbm4b:s10+s16], $0x40, s1, s16, $0xb8;
	[tilespmem:$0x19800] =	vst v63  }
0x1fc: {  	_ =	swait.ge [sflag:s18], $0x8000  }
0x1fd: {  	[sflag:s18] =	ssyncset.done $0x0  }
0x1fe: {  	s20 =	simm.s32 $0x6600;
	[sflag:s18] =	ssyncadd.s32 $0xFFFF8000  }
0x1ff: {  	[spmem:s2] =	stream.indirect.scatter.add.f32 [tilespmem:s17], [sflag:$0x2], $0x40, s20, s16, $0xb8;
	[tilespmem:$0x19800] =	vst v63  }
0x200: {  	_ =	swait.ge [sflag:s12], $0x8000  }
0x201: {  	[sflag:s12] =	ssyncset.done $0x0  }
0x202: {  	s1 =	simm.s32 $0x2C00;
	[sflag:s12] =	ssyncadd.s32 $0xFFFF8000  }
0x203: {  	[tilespmem:s17], [sflag:$0x1] =	stream.indirect.gather [hbm4b:s10+s16], $0x40, s1, s16, $0xb8;
	[tilespmem:$0x19800] =	vst v63  }
0x204: {  	_ =	swait.ge [sflag:s18], $0x8000  }
0x205: {  	[sflag:s18] =	ssyncset.done $0x0  }
0x206: {  	s20 =	simm.s32 $0x6800;
	[sflag:s18] =	ssyncadd.s32 $0xFFFF8000  }
0x207: {  	[spmem:s2] =	stream.indirect.scatter.add.f32 [tilespmem:s17], [sflag:$0x2], $0x40, s20, s16, $0xb8;
	[tilespmem:$0x19800] =	vst v63  }
0x208: {  	_ =	swait.ge [sflag:s12], $0x8000  }
0x209: {  	[sflag:s12] =	ssyncset.done $0x0  }
0x20a: {  	s1 =	simm.s32 $0x2E00;
	[sflag:s12] =	ssyncadd.s32 $0xFFFF8000  }
0x20b: {  	[tilespmem:s17], [sflag:$0x1] =	stream.indirect.gather [hbm4b:s10+s16], $0x40, s1, s16, $0xb8;
	[tilespmem:$0x19800] =	vst v63  }
0x20c: {  	_ =	swait.ge [sflag:s18], $0x8000  }
0x20d: {  	[sflag:s18] =	ssyncset.done $0x0  }
0x20e: {  	s20 =	simm.s32 $0x6A00;
	[sflag:s18] =	ssyncadd.s32 $0xFFFF8000  }
0x20f: {  	[spmem:s2] =	stream.indirect.scatter.add.f32 [tilespmem:s17], [sflag:$0x2], $0x40, s20, s16, $0xb8;
	[tilespmem:$0x19800] =	vst v63  }
0x210: {  	_ =	swait.ge [sflag:s12], $0x8000  }
0x211: {  	[sflag:s12] =	ssyncset.done $0x0  }
0x212: {  	s1 =	simm.s32 $0x3000;
	[sflag:s12] =	ssyncadd.s32 $0xFFFF8000  }
0x213: {  	[tilespmem:s17], [sflag:$0x1] =	stream.indirect.gather [hbm4b:s10+s16], $0x40, s1, s16, $0xb8;
	[tilespmem:$0x19800] =	vst v63  }
0x214: {  	_ =	swait.ge [sflag:s18], $0x8000  }
0x215: {  	[sflag:s18] =	ssyncset.done $0x0  }
0x216: {  	s20 =	simm.s32 $0x6C00;
	[sflag:s18] =	ssyncadd.s32 $0xFFFF8000  }
0x217: {  	[spmem:s2] =	stream.indirect.scatter.add.f32 [tilespmem:s17], [sflag:$0x2], $0x40, s20, s16, $0xb8;
	[tilespmem:$0x19800] =	vst v63  }
0x218: {  	_ =	swait.ge [sflag:s12], $0x8000  }
0x219: {  	[sflag:s12] =	ssyncset.done $0x0  }
0x21a: {  	s1 =	simm.s32 $0x3200;
	[sflag:s12] =	ssyncadd.s32 $0xFFFF8000  }
0x21b: {  	[tilespmem:s17], [sflag:$0x1] =	stream.indirect.gather [hbm4b:s10+s16], $0x40, s1, s16, $0xb8;
	[tilespmem:$0x19800] =	vst v63  }
0x21c: {  	_ =	swait.ge [sflag:s18], $0x8000  }
0x21d: {  	[sflag:s18] =	ssyncset.done $0x0  }
0x21e: {  	s20 =	simm.s32 $0x6E00;
	[sflag:s18] =	ssyncadd.s32 $0xFFFF8000  }
0x21f: {  	[spmem:s2] =	stream.indirect.scatter.add.f32 [tilespmem:s17], [sflag:$0x2], $0x40, s20, s16, $0xb8;
	[tilespmem:$0x19800] =	vst v63  }
0x220: {  	_ =	swait.ge [sflag:s12], $0x8000  }
0x221: {  	[sflag:s12] =	ssyncset.done $0x0  }
0x222: {  	s1 =	simm.s32 $0x3400;
	[sflag:s12] =	ssyncadd.s32 $0xFFFF8000  }
0x223: {  	[tilespmem:s17], [sflag:$0x1] =	stream.indirect.gather [hbm4b:s10+s16], $0x40, s1, s16, $0xb8;
	[tilespmem:$0x19800] =	vst v63  }
0x224: {  	_ =	swait.ge [sflag:s18], $0x8000  }
0x225: {  	[sflag:s18] =	ssyncset.done $0x0  }
0x226: {  	s20 =	simm.s32 $0x7000;
	[sflag:s18] =	ssyncadd.s32 $0xFFFF8000  }
0x227: {  	[spmem:s2] =	stream.indirect.scatter.add.f32 [tilespmem:s17], [sflag:$0x2], $0x40, s20, s16, $0xb8;
	[tilespmem:$0x19800] =	vst v63  }
0x228: {  	_ =	swait.ge [sflag:s12], $0x8000  }
0x229: {  	[sflag:s12] =	ssyncset.done $0x0  }
0x22a: {  	s1 =	simm.s32 $0x3600;
	[sflag:s12] =	ssyncadd.s32 $0xFFFF8000  }
0x22b: {  	[tilespmem:s17], [sflag:$0x1] =	stream.indirect.gather [hbm4b:s10+s16], $0x40, s1, s16, $0xb8;
	[tilespmem:$0x19800] =	vst v63  }
0x22c: {  	_ =	swait.ge [sflag:s18], $0x8000  }
0x22d: {  	[sflag:s18] =	ssyncset.done $0x0  }
0x22e: {  	s20 =	simm.s32 $0x7200;
	[sflag:s18] =	ssyncadd.s32 $0xFFFF8000  }
0x22f: {  	[spmem:s2] =	stream.indirect.scatter.add.f32 [tilespmem:s17], [sflag:$0x2], $0x40, s20, s16, $0xb8;
	[tilespmem:$0x19800] =	vst v63  }
0x230: {  	_ =	swait.ge [sflag:s12], $0x8000  }
0x231: {  	[sflag:s12] =	ssyncset.done $0x0  }
0x232: {  	s1 =	simm.s32 $0x3800;
	[sflag:s12] =	ssyncadd.s32 $0xFFFF8000  }
0x233: {  	[tilespmem:s17], [sflag:$0x1] =	stream.indirect.gather [hbm4b:s10+s16], $0x40, s1, s16, $0xb8;
	[tilespmem:$0x19800] =	vst v63  }
0x234: {  	_ =	swait.ge [sflag:s18], $0x8000  }
0x235: {  	[sflag:s18] =	ssyncset.done $0x0  }
0x236: {  	s20 =	simm.s32 $0x7400;
	[sflag:s18] =	ssyncadd.s32 $0xFFFF8000  }
0x237: {  	[spmem:s2] =	stream.indirect.scatter.add.f32 [tilespmem:s17], [sflag:$0x2], $0x40, s20, s16, $0xb8;
	[tilespmem:$0x19800] =	vst v63  }
0x238: {  	_ =	swait.ge [sflag:s12], $0x8000  }
0x239: {  	[sflag:s12] =	ssyncset.done $0x0  }
0x23a: {  	s1 =	simm.s32 $0x3A00;
	[sflag:s12] =	ssyncadd.s32 $0xFFFF8000  }
0x23b: {  	[tilespmem:s17], [sflag:$0x1] =	stream.indirect.gather [hbm4b:s10+s16], $0x40, s1, s16, $0xb8;
	[tilespmem:$0x19800] =	vst v63  }
0x23c: {  	_ =	swait.ge [sflag:s18], $0x8000  }
0x23d: {  	[sflag:s18] =	ssyncset.done $0x0  }
0x23e: {  	s20 =	simm.s32 $0x7600;
	[sflag:s18] =	ssyncadd.s32 $0xFFFF8000  }
0x23f: {  	[spmem:s2] =	stream.indirect.scatter.add.f32 [tilespmem:s17], [sflag:$0x2], $0x40, s20, s16, $0xb8;
	[tilespmem:$0x19800] =	vst v63  }
0x240: {  	_ =	swait.ge [sflag:s12], $0x8000  }
0x241: {  	[sflag:s12] =	ssyncset.done $0x0  }
0x242: {  	[sflag:s12] =	ssyncadd.s32 $0xFFFF8000  }
0x243: {  	[bflag:$0x0] =	sbarrier.arrive $0xFFFF  }
0x244: {  	p0 =	sne.s32 s11, $0x1;
	s1 =	rddreg [dreg:$0xa]  }
0x245: {  	[hbm:s1], [sflag:s14] =	dma.local [spmem:s15], $0x1400  }
.Ltmp0:
0x246: {  	_ =	swait.ge [sflag:s12], $0x1400;
	(pc) =	sbr.rel @p0 .LBB2_1-.Ltmp0, $4  }
0x247: {  	[sflag:s12] =	ssyncset.done $0x0  }
0x248: {  	[sflag:s12] =	ssyncadd.s32 $0xFFFFEC00  }
0x249: {  	[bflag:$0x0] =	sbarrier.arrive $0xFFFF  }
0x24a: {  	s11 =	sadd.s32 $0xFFFFFFFF, s11  }
0x24b: {  	_ =	sfence.sel $0x180000  }
0x24c: {  	[bflag:$0x0] =	sbarrier.arrive $0xFFFF  }
0x24d: {  	_ =	strace $0x9000004A  }
0x24e: {  	s0 =	stileid.u32;
	[bflag:$0x2] =	sbarrier.arrive $0xFFFF  }
0x24f: {  	p0 =	sne.s32 s0, $0x0;
	s0 =	rddreg [dreg:$0x2]  }
0x250: {  	s0 =	sadd.s32 @!p0 $0x100000, s0  }
0x251: {  	[sflag:s0] =	ssyncadd.tile.s32 @!p0 $0x1;
	_ =	shalt  }
.Lfunc_end2:
_tile_overlayer_lowered:
.L_overlay_start_2:
0x252: {  	(tag) =	ssettag $0x2  }
0x253: {  	s0 =	rddreg [dreg:$0x0];
	s2 =	stileid.u32  }
0x254: {  	s1 =	rddreg [dreg:$0x1];
	p0 =	sne.s32 s2, $0x0  }
0x255: {  	s3 =	rddreg [dreg:$0x2];
	[bflag:$0x3] =	sbarrier.arrive $0xFFFF;
	s2 =	simm.s32 @!p0 $0x1C02  }
0x256: {  	[timem:s3], [sflag:s2] =	dma.local @!p0 [hbm:s0], s1  }
0x257: {  	s0 =	simm.s32 @!p0 $0x2  }
0x258: {  	_ =	swait.ge @!p0 [sflag:s0], s1  }
0x259: {  	s1 =	ssub.s32 @!p0 $0x0, s1;
	[sflag:s0] =	ssyncset.done @!p0 $0x0  }
0x25a: {  	[sflag:s0] =	ssyncadd.s32 @!p0 s1  }
0x25b: {  	[bflag:$0x3] =	sbarrier.arrive $0xFFFF  }
0x25c: {  	_ =	shalt  }

// kernel: kernel.18.cloned.1.call-start
scs
__scs_entry_jumppad:
0x0: {  	(pc) =	sbr.rel $0x88, $3  }
0x1: {  	(tag) =	ssettag $0x0;
	lr =	simm.s32 $0x1  }
0x2: {  	[smem:$0x3F8B] =	sst lr;
	_ =	strace $0xD0000000  }
0x3: {  	_ = 	snop  }
0x4: {  	_ = 	snop  }
0x5: {  	_ = 	snop  }
0x6: {  	_ = 	snop  }
0x7: {  	_ = 	snop  }
__scs_overlays_trampoline_lowered:
0x8: {  	[smem:$0x3F9A] =	sst s0  }
0x9: {  	[smem:$0x3F9B] =	sst s1  }
0xa: {  	[smem:$0x3F9C] =	sst s2  }
0xb: {  	[smem:$0x3F9D] =	sst s3  }
0xc: {  	[smem:$0x3F9E] =	sst s4  }
0xd: {  	[smem:$0x3F9F] =	sst s5  }
0xe: {  	[smem:$0x3FA0] =	sst s6  }
0xf: {  	[smem:$0x3FA1] =	sst s7  }
0x10: {  	[smem:$0x3FA2] =	sst s8  }
0x11: {  	[smem:$0x3FA3] =	sst s9;
	s0 =	simm.s32 @!p0 $0x0  }
0x12: {  	s1 =	sld [smem:$0x3F89];
	s0 =	simm.s32 @p0 $0x1  }
0x13: {  	[smem:$0x3FA4] =	sst s0;
	s0 =	simm.s32 @!p1 $0x0  }
0x14: {  	s2 =	sld [smem:$0x3F88];
	s0 =	simm.s32 @p1 $0x1  }
0x15: {  	[smem:$0x3FA5] =	sst s0;
	s0 =	simm.s32 @!p2 $0x0  }
0x16: {  	s3 =	sld [smem:$0x3FDB];
	s0 =	simm.s32 @p2 $0x1  }
0x17: {  	s4 =	simm.s32 $0x1BF5;
	[smem:$0x3FA7] =	sst s0  }
0x18: {  	s0 =	sld [smem:$0x3F8A];
	_ =	swait.ge [sflag:s4], $0x0  }
0x19: {  	s7 =	sld [smem:$0x3F8B]  }
0x1a: {  	s8 =	sadd.s32 $0xFFFFE003, lr  }
0x1b: {  	s9 =	sadd.s32 $0xFFFFFEF7, lr;
	s5 =	simm.s32 $0xFFFFFFFF;
	p2 =	slt.u32 s8, $0xFFFFF086  }
0x1c: {  	p1 =	slt.u32 s9, $0xF7A;
	s5 =	simm.s32 @!p2 $0x0  }
0x1d: {  	s5 =	simm.s32 @p1 $0x1;
	p0 =	seq.s32 s7, s2  }
0x1e: {  	s7 =	smul.u32 @!p0 $0xF7A, s2;
	p2 =	seq.s32 @!p0 s5, $0x0  }
0x1f: {  	s9 =	smul.u32 $0xF7A, s1;
	s8 =	simm.s32 @!p0 $0x1BF5;
	p2 =	por !p2, p0  }
0x20: {  	[sflag:s8] =	ssyncset.s32 @!p0 $0xFFFFF086;
	s6 =	sadd.s32 @!p0 s3, s7;
	s7 =	simm.s32 @!p0 $0x108  }
0x21: {  	s3 =	sadd.s32 s3, s9;
	s6 =	sadd.s32 @!p0 $0x88, s6;
	s7 =	simm.s32 @p2 $0x1082  }
0x22: {  	[simem:s7], [sflag:s8] =	dma.local @!p0 [hbm:s6], $0xF7A  }
0x23: {  	s9 =	sor.u32 $0xD0000000, s2;
	s6 =	simm.s32 $0x108;
	_ =	swait.ge @!p0 [sflag:s8], $0x0  }
0x24: {  	s3 =	sadd.s32 $0x88, s3;
	s6 =	simm.s32 @!p1 $0x1082;
	[sflag:s4] =	ssyncset.s32 $0xFFFFF086  }
0x25: {  	[simem:s6], [sflag:s4] =	dma.local [hbm:s3], $0xF7A  }
0x26: {  	[smem:$0x3F8B] =	sst s1;
	(tag) =	ssettag s2;
	_ =	strace s9  }
0x27: {  	s1 =	sld [smem:$0x3F9B]  }
0x28: {  	s2 =	sld [smem:$0x3F9C]  }
0x29: {  	s4 =	sld [smem:$0x3F9E]  }
0x2a: {  	p0 =	seq.s32 s5, $0x0;
	s5 =	sld [smem:$0x3F9F]  }
0x2b: {  	s6 =	sld [smem:$0x3FA0]  }
0x2c: {  	s7 =	sld [smem:$0x3FA1]  }
0x2d: {  	s3 =	simm.s32 $0x108;
	s8 =	sld [smem:$0x3FA2]  }
0x2e: {  	s3 =	simm.s32 @!p0 $0x1082;
	s9 =	sld [smem:$0x3FA3]  }
0x2f: {  	lr =	sadd.s32 s0, s3;
	s0 =	sld [smem:$0x3F9A]  }
0x30: {  	s3 =	sld [smem:$0x3F9D]  }
0x31: {  	[smem:$0x3FA6] =	sst s10  }
0x32: {  	s10 =	sld [smem:$0x3FA4];
	_ =	sdelay $0x3  }
0x33: {  	p0 =	seq.s32 s10, $0x1;
	s10 =	sld [smem:$0x3FA6];
	_ =	sdelay $0x3  }
0x34: {  	[smem:$0x3FA6] =	sst s10  }
0x35: {  	s10 =	sld [smem:$0x3FA5];
	_ =	sdelay $0x3  }
0x36: {  	p1 =	seq.s32 s10, $0x1;
	s10 =	sld [smem:$0x3FA6];
	_ =	sdelay $0x3  }
0x37: {  	[smem:$0x3FA6] =	sst s10  }
0x38: {  	s10 =	sld [smem:$0x3FA7]  }
0x39: {  	_ = 	snop;
	(pc) =	sbr.ind lr, $3  }
0x3a: {  	_ = 	snop  }
0x3b: {  	_ = 	snop  }
0x3c: {  	p2 =	seq.s32 s10, $0x1;
	s10 =	sld [smem:$0x3FA6]  }
0x3d: {  	_ =	shalt  }
0x3e: {  	_ =	shalt  }
0x3f: {  	_ =	shalt  }
0x40: {  	_ =	shalt  }
0x41: {  	_ =	shalt  }
0x42: {  	_ =	shalt  }
0x43: {  	_ =	shalt  }
0x44: {  	_ =	shalt  }
0x45: {  	_ =	shalt  }
0x46: {  	_ =	shalt  }
0x47: {  	_ =	shalt  }
0x48: {  	_ =	shalt  }
0x49: {  	_ =	shalt  }
0x4a: {  	_ =	shalt  }
0x4b: {  	_ =	shalt  }
0x4c: {  	_ =	shalt  }
0x4d: {  	_ =	shalt  }
0x4e: {  	_ =	shalt  }
0x4f: {  	_ =	shalt  }
0x50: {  	_ =	shalt  }
0x51: {  	_ =	shalt  }
0x52: {  	_ =	shalt  }
0x53: {  	_ =	shalt  }
0x54: {  	_ =	shalt  }
0x55: {  	_ =	shalt  }
0x56: {  	_ =	shalt  }
0x57: {  	_ =	shalt  }
0x58: {  	_ =	shalt  }
0x59: {  	_ =	shalt  }
0x5a: {  	_ =	shalt  }
0x5b: {  	_ =	shalt  }
0x5c: {  	_ =	shalt  }
0x5d: {  	_ =	shalt  }
0x5e: {  	_ =	shalt  }
0x5f: {  	_ =	shalt  }
0x60: {  	_ =	shalt  }
0x61: {  	_ =	shalt  }
0x62: {  	_ =	shalt  }
0x63: {  	_ =	shalt  }
0x64: {  	_ =	shalt  }
0x65: {  	_ =	shalt  }
0x66: {  	_ =	shalt  }
0x67: {  	_ =	shalt  }
0x68: {  	_ =	shalt  }
0x69: {  	_ =	shalt  }
0x6a: {  	_ =	shalt  }
0x6b: {  	_ =	shalt  }
0x6c: {  	_ =	shalt  }
0x6d: {  	_ =	shalt  }
0x6e: {  	_ =	shalt  }
0x6f: {  	_ =	shalt  }
0x70: {  	_ =	shalt  }
0x71: {  	_ =	shalt  }
0x72: {  	_ =	shalt  }
0x73: {  	_ =	shalt  }
0x74: {  	_ =	shalt  }
0x75: {  	_ =	shalt  }
0x76: {  	_ =	shalt  }
0x77: {  	_ =	shalt  }
0x78: {  	_ =	shalt  }
0x79: {  	_ =	shalt  }
0x7a: {  	_ =	shalt  }
0x7b: {  	_ =	shalt  }
0x7c: {  	_ =	shalt  }
0x7d: {  	_ =	shalt  }
0x7e: {  	_ =	shalt  }
0x7f: {  	_ =	shalt  }
0x80: {  	_ =	shalt  }
0x81: {  	_ =	shalt  }
0x82: {  	_ =	shalt  }
0x83: {  	_ =	shalt  }
0x84: {  	_ =	shalt  }
0x85: {  	_ =	shalt  }
0x86: {  	_ =	shalt  }
0x87: {  	_ =	shalt  }
.Lfunc_end0:
.L_simem_size_0:
called_computation.2_lowered:
.L_overlay_start_0:
0x88: {  	s2 =	sld [smem:$0x3FD9]  }
0x89: {  	s3 =	sld [smem:$0x3FFE];
	_ =	sdelay $0x1  }
0x8a: {  	s1 =	srdreg.scid  }
0x8b: {  	s0 =	sand.u32 $0x1, s1  }
0x8c: {  	s16 =	sshll.u32 s0, $0xA;
	s2 =	sadd.s32 s3, s2  }
0x8d: {  	s2 =	sadd.s32 s2, s16  }
0x8e: {  	[smem:$0x3FB2] =	sst s2  }
0x8f: {  	_ = 	snop  }
0x90: {  	(tm) =	ssettm $0x1  }
0x91: {  	s17 =	sld [smem:$0x3FFB];
	_ =	sdelay $0x3  }
0x92: {  	_ =	strace s17  }
0x93: {  	s2 =	sld [smem:$0x3FFC];
	_ =	sdelay $0x3  }
0x94: {  	_ =	strace s2  }
0x95: {  	s2 =	sld [smem:$0x3FFD];
	_ =	sdelay $0x3  }
0x96: {  	_ =	strace s2  }
0x97: {  	_ =	strace $0x8FFFFFFF  }
0x98: {  	s18 =	sld [smem:$0x3FDB];
	_ =	sdelay $0x1  }
0x99: {  	s19 =	simm.s32 $_scs_section_size  }
0x9a: {  	s4 =	simm.s32 $_size__tile_overlayer_lowered;
	s5 =	simm.s32 $_tile_overlayer_lowered  }
0x9b: {  	s22 =	simm.s32 $0x1BFF;
	s21 =	sshll.u32 s5, $0x1;
	s2 =	sadd.s32 s19, s18  }
0x9c: {  	s6 =	simm.s32 $0x0;
	s20 =	sshll.u32 s4, $0x1;
	s4 =	sadd.s32 s21, s2  }
0x9d: {  	[timem:s6], [sflag:s22] =	dma.local [hbm:s4], s20  }
0x9e: {  	_ =	swait.ge [sflag:s22], s20  }
0x9f: {  	s3 =	ssub.s32 $0x0, s20;
	[sflag:s22] =	ssyncset.done $0x0  }
0xa0: {  	[sflag:s22] =	ssyncadd.s32 s3;
	_ =	sdelay $0x1  }
0xa1: {  	s23 =	simm.s32 $0x1B8B  }
0xa2: {  	_ =	swait.ge [sflag:s23], $0x1  }
0xa3: {  	[sflag:s23] =	ssyncset.done $0x0  }
0xa4: {  	s25 =	simm.s32 $0x1B8E;
	s24 =	sld [smem:$0x3FFE];
	[sflag:s23] =	ssyncadd.s32 $0xFFFFFFFF  }
0xa5: {  	s26 =	simm.s32 $execute0_lowered;
	[smem:$0x3FD2] =	sst s25  }
0xa6: {  	s4 =	sshll.u32 s26, $0x1;
	_ =	strace $0x8000004C;
	[dreg:$0x1] =	wrdreg $0xFFFFFFFF  }
0xa7: {  	s28 =	simm.s32 $_size_execute0_lowered;
	s2 =	sadd.s32 s2, s4;
	[dreg:$0x0] =	wrdreg $0x0  }
0xa8: {  	s4 =	sshll.u32 s28, $0x1;
	[dreg:$0x2] =	wrdreg s2  }
0xa9: {  	[dreg:$0x3] =	wrdreg s4  }
0xaa: {  	[dreg:$0x4] =	wrdreg $0xC0  }
0xab: {  	_ =	task [dreg:s6], $0x5FFFF  }
0xac: {  	[dreg:$0x1] =	wrdreg $0xFFFFFFFF  }
0xad: {  	[dreg:$0x0] =	wrdreg $0x60  }
0xae: {  	[dreg:$0x2] =	wrdreg s24  }
0xaf: {  	[dreg:$0x3] =	wrdreg $0xF8000  }
0xb0: {  	[dreg:$0x4] =	wrdreg $0x9  }
0xb1: {  	_ =	task.clear_ibuf [dreg:s6], $0x5FFFF;
	_ =	strace $0x9000004C  }
0xb2: {  	s29 =	simm.s32 $0x9;
	_ =	strace $0x8000004E  }
0xb3: {  	_ =	swait.ge [sflag:s29], $0x1  }
0xb4: {  	[sflag:s29] =	ssyncadd.s32 $0xFFFFFFFF  }
0xb5: {  	_ =	strace $0x9000004E  }
0xb6: {  	_ =	sfence  }
0xb7: {  	s30 =	sld [smem:$0x0];
	_ =	sdelay $0x2  }
0xb8: {  	s31 =	sshll.u32 s1, $0xD;
	s1 =	sshrl.u32 s1, $0x2  }
0xb9: {  	s3 =	sand.u32 $0x4000, s31;
	s1 =	sadd.s32 s1, s30  }
0xba: {  	s0 =	sor.u32 s3, s0;
	s1 =	sshll.u32 s1, $0x11  }
0xbb: {  	s0 =	sor.u32 s1, s0  }
0xbc: {  	s0 =	sadd.s32 $0x8F2B, s0  }
0xbd: {  	[sflag:s0] =	ssyncadd.remote.s32 $0x1  }
0xbe: {  	_ =	sfence.sel $0xFFFF  }
0xbf: {  	[dreg:$0x0] =	wrdreg $0xFFFFFFFF;
	(pc) =	sbr.abs _section_cstart, $3  }
0xc0: {  	[dreg:$0x1] =	wrdreg $0xFFFFFFFF  }
0xc1: {  	_ =	task.clear_ibuf [dreg:s6], $0x2FFFF;
	_ =	strace $0x9FFFFFFF  }
0xc2: {  	(tm) =	ssettm $0x7FFFFFFF  }
0xc3: {  	_ =	shalt  }
tec
execute0_lowered:
.L_overlay_start_1:
0x0: {  	(tag) =	ssettag $0x1  }
0x1: {  	s0 =	srdreg.scid  }
0x2: {  	s14 =	rddreg [dreg:$0x0];
	s1 =	sand.u32 $0x1, s0  }
0x3: {  	s3 =	simm.s32 $0x0;
	s0 =	stileid.u32;
	s2 =	sshll.u32 s1, $0x4  }
0x4: {  	[smem:$0x7FF] =	sst s3;
	s2 =	sor.u32 s0, s2  }
0x5: {  	s17 =	simm.s32 $0x3E00;
	s4 =	smul.u32 $0x780, s2;
	s2 =	rddreg [dreg:$0x1]  }
0x6: {  	s18 =	simm.s32 $0x400;
	_ =	strace $0x8000004D;
	[dreg:$0x8] =	wrdreg s17  }
0x7: {  	s19 =	simm.s32 $0x4000;
	[dreg:$0x9] =	wrdreg s18  }
0x8: {  	s20 =	simm.s32 $0x600;
	[dreg:$0xa] =	wrdreg s19  }
0x9: {  	s21 =	simm.s32 $0x4200;
	[dreg:$0xb] =	wrdreg s20  }
0xa: {  	s22 =	simm.s32 $0x800;
	[dreg:$0xc] =	wrdreg s21  }
0xb: {  	s23 =	simm.s32 $0x4400;
	[dreg:$0xd] =	wrdreg s22  }
0xc: {  	s24 =	simm.s32 $0xA00;
	[dreg:$0xe] =	wrdreg s23  }
0xd: {  	s25 =	simm.s32 $0x4600;
	[dreg:$0xf] =	wrdreg s24  }
0xe: {  	s26 =	simm.s32 $0xC00;
	[dreg:$0x10] =	wrdreg s25  }
0xf: {  	s8 =	simm.s32 $0x4A00;
	[dreg:$0x11] =	wrdreg s26  }
0x10: {  	s9 =	simm.s32 $0x1000;
	[dreg:$0x14] =	wrdreg s8  }
0x11: {  	s10 =	simm.s32 $0x4C00;
	[dreg:$0x15] =	wrdreg s9  }
0x12: {  	s11 =	simm.s32 $0x1200;
	[dreg:$0x16] =	wrdreg s10  }
0x13: {  	s12 =	simm.s32 $0x4E00;
	[dreg:$0x17] =	wrdreg s11  }
0x14: {  	[dreg:$0x18] =	wrdreg s12;
	s17 =	simm.s32 $0x5200  }
0x15: {  	s18 =	simm.s32 $0x1800;
	[dreg:$0x1c] =	wrdreg s17  }
0x16: {  	s19 =	simm.s32 $0x5400;
	[dreg:$0x1d] =	wrdreg s18  }
0x17: {  	s20 =	simm.s32 $0x1A00;
	[dreg:$0x1e] =	wrdreg s19  }
0x18: {  	s21 =	simm.s32 $0x5600;
	[dreg:$0x1f] =	wrdreg s20  }
0x19: {  	s22 =	simm.s32 $0x1C00;
	[smem:$0x7EC] =	sst s21  }
0x1a: {  	s23 =	simm.s32 $0x5800;
	[smem:$0x7ED] =	sst s22  }
0x1b: {  	s24 =	simm.s32 $0x1E00;
	[smem:$0x7EE] =	sst s23  }
0x1c: {  	s25 =	simm.s32 $0x5A00;
	[smem:$0x7EF] =	sst s24  }
0x1d: {  	s26 =	simm.s32 $0x2000;
	[smem:$0x7F0] =	sst s25  }
0x1e: {  	s8 =	simm.s32 $0x5E00;
	[smem:$0x7F1] =	sst s26  }
0x1f: {  	s6 =	smul.u32 $0xA000, s0;
	s9 =	simm.s32 $0x2400;
	[smem:$0x7F4] =	sst s8  }
0x20: {  	s5 =	smul.u32 $0xA0000, s1;
	s10 =	simm.s32 $0x6000;
	[smem:$0x7F5] =	sst s9  }
0x21: {  	s11 =	simm.s32 $0x2600;
	[smem:$0x7F6] =	sst s10  }
0x22: {  	s5 =	sadd.s32 s6, s5;
	s12 =	simm.s32 $0x6200;
	[smem:$0x7F7] =	sst s11  }
0x23: {  	[smem:$0x7F8] =	sst s12;
	s18 =	simm.s32 $0x6600;
	s4 =	sadd.s32 s4, s14  }
0x24: {  	s5 =	sshrl.u32 s5, $0x3;
	[smem:$0x7FC] =	sst s18;
	s7 =	sadd.s32 $0x61A00, s4  }
0x25: {  	s5 =	sadd.s32 s5, s14;
	s4 =	sadd.s32 $0x70A00, s4;
	[dreg:$0x3] =	wrdreg s7  }
0x26: {  	s13 =	sadd.s32 $0x25FA00, s5;
	[dreg:$0x4] =	wrdreg s4  }
0x27: {  	s15 =	sadd.s32 $0x287A00, s5;
	[dreg:$0x5] =	wrdreg s13  }
0x28: {  	s16 =	sadd.s32 $0x2AFA00, s5;
	[dreg:$0x6] =	wrdreg s15  }
0x29: {  	s5 =	simm.s32 $0x4800;
	[dreg:$0x7] =	wrdreg s16  }
0x2a: {  	[dreg:$0x12] =	wrdreg s5;
	s7 =	simm.s32 $0xE00  }
0x2b: {  	s13 =	simm.s32 $0x1400;
	[dreg:$0x13] =	wrdreg s7  }
0x2c: {  	s15 =	simm.s32 $0x5000;
	[dreg:$0x19] =	wrdreg s13  }
0x2d: {  	s16 =	simm.s32 $0x1600;
	[dreg:$0x1a] =	wrdreg s15  }
0x2e: {  	s5 =	simm.s32 $0x5C00;
	[dreg:$0x1b] =	wrdreg s16  }
0x2f: {  	[smem:$0x7F2] =	sst s5  }
0x30: {  	s7 =	simm.s32 $0x2200;
	s17 =	rddreg [dreg:$0x3]  }
0x31: {  	s13 =	simm.s32 $0x2800;
	[smem:$0x7F3] =	sst s7  }
0x32: {  	s15 =	simm.s32 $0x6400;
	[smem:$0x7F9] =	sst s13  }
0x33: {  	s16 =	simm.s32 $0x2A00;
	[smem:$0x7FA] =	sst s15  }
0x34: {  	s4 =	simm.s32 $0x2;
	[smem:$0x7FB] =	sst s16  }
0x35: {  	[tilespmem:s3], [sflag:$0x2] =	stream.linear.gather [hbm4b:s17+s3], $0x3C00, $0x38;
	[tilespmem:$0x19800] =	vst v63  }
0x36: {  	_ =	swait.ge [sflag:s4], $0x3C00  }
0x37: {  	s8 =	sshrl.u32 s6, $0x3;
	[sflag:s4] =	ssyncset.done $0x0  }
0x38: {  	s5 =	simm.s32 $0x3C00;
	s19 =	rddreg [dreg:$0x4];
	[sflag:s4] =	ssyncadd.s32 $0xFFFFC400  }
0x39: {  	[tilespmem:s5], [sflag:$0x2] =	stream.linear.gather [hbm4b:s19+s3], $0x3C00, $0x38;
	[tilespmem:$0x19800] =	vst v63  }
0x3a: {  	s21 =	sadd.s32 s6, s2;
	s22 =	sshll.u32 s0, $0x6;
	_ =	swait.ge [sflag:s4], $0x3C00  }
0x3b: {  	s20 =	sadd.s32 s8, s14;
	s8 =	sshrl.u32 s21, $0x3;
	[sflag:s4] =	ssyncset.done $0x0  }
0x3c: {  	s6 =	sadd.s32 $0x2A00, s20;
	s7 =	sor.u32 $0x1C02, s22;
	[sflag:s4] =	ssyncadd.s32 $0xFFFFC400  }
0x3d: {  	[spmem:s8], [sflag:s7] =	dma.local [hbm:s6], $0x1400  }
0x3e: {  	_ =	swait.ge [sflag:s4], $0x1400  }
0x3f: {  	[sflag:s4] =	ssyncset.done $0x0  }
0x40: {  	s9 =	sadd.s32 $0x16A00, s14;
	s10 =	simm.s32 $0x200;
	[sflag:s4] =	ssyncadd.s32 $0xFFFFEC00  }
0x41: {  	s11 =	simm.s32 $0x7800;
	s12 =	simm.s32 $0x1;
	[bflag:$0x0] =	sbarrier.arrive $0xFFFF  }
0x42: {  	[tilespmem:s11], [sflag:$0x1] =	stream.indirect.gather [hbm4b:s9+s10], $0x40, s3, s10, $0xb8;
	[tilespmem:$0x19800] =	vst v63  }
0x43: {  	_ =	swait.ge [sflag:s12], $0x8000  }
0x44: {  	[sflag:s12] =	ssyncset.done $0x0  }
0x45: {  	[sflag:s12] =	ssyncadd.s32 $0xFFFF8000  }
0x46: {  	[spmem:s2] =	stream.indirect.scatter.add.f32 [tilespmem:s11], [sflag:$0x2], $0x40, s5, s10, $0xb8;
	[tilespmem:$0x19800] =	vst v63  }
0x47: {  	_ =	swait.ge [sflag:s4], $0x8000  }
0x48: {  	[sflag:s4] =	ssyncset.done $0x0  }
0x49: {  	[sflag:s4] =	ssyncadd.s32 $0xFFFF8000  }
0x4a: {  	[tilespmem:s11], [sflag:$0x1] =	stream.indirect.gather [hbm4b:s9+s10], $0x40, s10, s10, $0xb8;
	[tilespmem:$0x19800] =	vst v63  }
0x4b: {  	_ =	swait.ge [sflag:s12], $0x8000  }
0x4c: {  	[sflag:s12] =	ssyncset.done $0x0  }
0x4d: {  	s13 =	rddreg [dreg:$0x8];
	[sflag:s12] =	ssyncadd.s32 $0xFFFF8000  }
0x4e: {  	[spmem:s2] =	stream.indirect.scatter.add.f32 [tilespmem:s11], [sflag:$0x2], $0x40, s13, s10, $0xb8;
	[tilespmem:$0x19800] =	vst v63  }
0x4f: {  	_ =	swait.ge [sflag:s4], $0x8000  }
0x50: {  	[sflag:s4] =	ssyncset.done $0x0  }
0x51: {  	s23 =	rddreg [dreg:$0x9];
	[sflag:s4] =	ssyncadd.s32 $0xFFFF8000  }
0x52: {  	[tilespmem:s11], [sflag:$0x1] =	stream.indirect.gather [hbm4b:s9+s10], $0x40, s23, s10, $0xb8;
	[tilespmem:$0x19800] =	vst v63  }
0x53: {  	_ =	swait.ge [sflag:s12], $0x8000  }
0x54: {  	[sflag:s12] =	ssyncset.done $0x0  }
0x55: {  	s24 =	rddreg [dreg:$0xa];
	[sflag:s12] =	ssyncadd.s32 $0xFFFF8000  }
0x56: {  	[spmem:s2] =	stream.indirect.scatter.add.f32 [tilespmem:s11], [sflag:$0x2], $0x40, s24, s10, $0xb8;
	[tilespmem:$0x19800] =	vst v63  }
0x57: {  	_ =	swait.ge [sflag:s4], $0x8000  }
0x58: {  	[sflag:s4] =	ssyncset.done $0x0  }
0x59: {  	s25 =	rddreg [dreg:$0xb];
	[sflag:s4] =	ssyncadd.s32 $0xFFFF8000  }
0x5a: {  	[tilespmem:s11], [sflag:$0x1] =	stream.indirect.gather [hbm4b:s9+s10], $0x40, s25, s10, $0xb8;
	[tilespmem:$0x19800] =	vst v63  }
0x5b: {  	_ =	swait.ge [sflag:s12], $0x8000  }
0x5c: {  	[sflag:s12] =	ssyncset.done $0x0  }
0x5d: {  	s26 =	rddreg [dreg:$0xc];
	[sflag:s12] =	ssyncadd.s32 $0xFFFF8000  }
0x5e: {  	[spmem:s2] =	stream.indirect.scatter.add.f32 [tilespmem:s11], [sflag:$0x2], $0x40, s26, s10, $0xb8;
	[tilespmem:$0x19800] =	vst v63  }
0x5f: {  	_ =	swait.ge [sflag:s4], $0x8000  }
0x60: {  	[sflag:s4] =	ssyncset.done $0x0  }
0x61: {  	s0 =	rddreg [dreg:$0xd];
	[sflag:s4] =	ssyncadd.s32 $0xFFFF8000  }
0x62: {  	[tilespmem:s11], [sflag:$0x1] =	stream.indirect.gather [hbm4b:s9+s10], $0x40, s0, s10, $0xb8;
	[tilespmem:$0x19800] =	vst v63  }
0x63: {  	_ =	swait.ge [sflag:s12], $0x8000  }
0x64: {  	[sflag:s12] =	ssyncset.done $0x0  }
0x65: {  	s15 =	rddreg [dreg:$0xe];
	[sflag:s12] =	ssyncadd.s32 $0xFFFF8000  }
0x66: {  	[spmem:s2] =	stream.indirect.scatter.add.f32 [tilespmem:s11], [sflag:$0x2], $0x40, s15, s10, $0xb8;
	[tilespmem:$0x19800] =	vst v63  }
0x67: {  	_ =	swait.ge [sflag:s4], $0x8000  }
0x68: {  	[sflag:s4] =	ssyncset.done $0x0  }
0x69: {  	s16 =	rddreg [dreg:$0xf];
	[sflag:s4] =	ssyncadd.s32 $0xFFFF8000  }
0x6a: {  	[tilespmem:s11], [sflag:$0x1] =	stream.indirect.gather [hbm4b:s9+s10], $0x40, s16, s10, $0xb8;
	[tilespmem:$0x19800] =	vst v63  }
0x6b: {  	_ =	swait.ge [sflag:s12], $0x8000  }
0x6c: {  	[sflag:s12] =	ssyncset.done $0x0  }
0x6d: {  	s17 =	rddreg [dreg:$0x10];
	[sflag:s12] =	ssyncadd.s32 $0xFFFF8000  }
0x6e: {  	[spmem:s2] =	stream.indirect.scatter.add.f32 [tilespmem:s11], [sflag:$0x2], $0x40, s17, s10, $0xb8;
	[tilespmem:$0x19800] =	vst v63  }
0x6f: {  	_ =	swait.ge [sflag:s4], $0x8000  }
0x70: {  	[sflag:s4] =	ssyncset.done $0x0  }
0x71: {  	s18 =	rddreg [dreg:$0x11];
	[sflag:s4] =	ssyncadd.s32 $0xFFFF8000  }
0x72: {  	[tilespmem:s11], [sflag:$0x1] =	stream.indirect.gather [hbm4b:s9+s10], $0x40, s18, s10, $0xb8;
	[tilespmem:$0x19800] =	vst v63  }
0x73: {  	_ =	swait.ge [sflag:s12], $0x8000  }
0x74: {  	[sflag:s12] =	ssyncset.done $0x0  }
0x75: {  	s19 =	rddreg [dreg:$0x12];
	[sflag:s12] =	ssyncadd.s32 $0xFFFF8000  }
0x76: {  	[spmem:s2] =	stream.indirect.scatter.add.f32 [tilespmem:s11], [sflag:$0x2], $0x40, s19, s10, $0xb8;
	[tilespmem:$0x19800] =	vst v63  }
0x77: {  	_ =	swait.ge [sflag:s4], $0x8000  }
0x78: {  	[sflag:s4] =	ssyncset.done $0x0  }
0x79: {  	s20 =	rddreg [dreg:$0x13];
	[sflag:s4] =	ssyncadd.s32 $0xFFFF8000  }
0x7a: {  	[tilespmem:s11], [sflag:$0x1] =	stream.indirect.gather [hbm4b:s9+s10], $0x40, s20, s10, $0xb8;
	[tilespmem:$0x19800] =	vst v63  }
0x7b: {  	_ =	swait.ge [sflag:s12], $0x8000  }
0x7c: {  	[sflag:s12] =	ssyncset.done $0x0  }
0x7d: {  	s21 =	rddreg [dreg:$0x14];
	[sflag:s12] =	ssyncadd.s32 $0xFFFF8000  }
0x7e: {  	[spmem:s2] =	stream.indirect.scatter.add.f32 [tilespmem:s11], [sflag:$0x2], $0x40, s21, s10, $0xb8;
	[tilespmem:$0x19800] =	vst v63  }
0x7f: {  	_ =	swait.ge [sflag:s4], $0x8000  }
0x80: {  	[sflag:s4] =	ssyncset.done $0x0  }
0x81: {  	s22 =	rddreg [dreg:$0x15];
	[sflag:s4] =	ssyncadd.s32 $0xFFFF8000  }
0x82: {  	[tilespmem:s11], [sflag:$0x1] =	stream.indirect.gather [hbm4b:s9+s10], $0x40, s22, s10, $0xb8;
	[tilespmem:$0x19800] =	vst v63  }
0x83: {  	_ =	swait.ge [sflag:s12], $0x8000  }
0x84: {  	[sflag:s12] =	ssyncset.done $0x0  }
0x85: {  	s23 =	rddreg [dreg:$0x16];
	[sflag:s12] =	ssyncadd.s32 $0xFFFF8000  }
0x86: {  	[spmem:s2] =	stream.indirect.scatter.add.f32 [tilespmem:s11], [sflag:$0x2], $0x40, s23, s10, $0xb8;
	[tilespmem:$0x19800] =	vst v63  }
0x87: {  	_ =	swait.ge [sflag:s4], $0x8000  }
0x88: {  	[sflag:s4] =	ssyncset.done $0x0  }
0x89: {  	s24 =	rddreg [dreg:$0x17];
	[sflag:s4] =	ssyncadd.s32 $0xFFFF8000  }
0x8a: {  	[tilespmem:s11], [sflag:$0x1] =	stream.indirect.gather [hbm4b:s9+s10], $0x40, s24, s10, $0xb8;
	[tilespmem:$0x19800] =	vst v63  }
0x8b: {  	_ =	swait.ge [sflag:s12], $0x8000  }
0x8c: {  	[sflag:s12] =	ssyncset.done $0x0  }
0x8d: {  	s25 =	rddreg [dreg:$0x18];
	[sflag:s12] =	ssyncadd.s32 $0xFFFF8000  }
0x8e: {  	[spmem:s2] =	stream.indirect.scatter.add.f32 [tilespmem:s11], [sflag:$0x2], $0x40, s25, s10, $0xb8;
	[tilespmem:$0x19800] =	vst v63  }
0x8f: {  	_ =	swait.ge [sflag:s4], $0x8000  }
0x90: {  	[sflag:s4] =	ssyncset.done $0x0  }
0x91: {  	[sflag:s4] =	ssyncadd.s32 $0xFFFF8000  }
0x92: {  	[bflag:$0x0] =	sbarrier.arrive $0xFFFF  }
0x93: {  	s26 =	rddreg [dreg:$0x5]  }
0x94: {  	[hbm:s26], [sflag:s7] =	dma.local [spmem:s8], $0x1400  }
0x95: {  	_ =	swait.ge [sflag:s4], $0x1400  }
0x96: {  	[sflag:s4] =	ssyncset.done $0x0  }
0x97: {  	[sflag:s4] =	ssyncadd.s32 $0xFFFFEC00  }
0x98: {  	[bflag:$0x0] =	sbarrier.arrive $0xFFFF  }
0x99: {  	[spmem:s8], [sflag:s7] =	dma.local [hbm:s6], $0x1400  }
0x9a: {  	_ =	swait.ge [sflag:s4], $0x1400  }
0x9b: {  	[sflag:s4] =	ssyncset.done $0x0  }
0x9c: {  	[sflag:s4] =	ssyncadd.s32 $0xFFFFEC00  }
0x9d: {  	[bflag:$0x0] =	sbarrier.arrive $0xFFFF  }
0x9e: {  	s13 =	sadd.s32 $0x2A280, s14;
	s15 =	rddreg [dreg:$0x19]  }
0x9f: {  	[tilespmem:s11], [sflag:$0x1] =	stream.indirect.gather [hbm4b:s13+s10], $0x40, s15, s10, $0xb8;
	[tilespmem:$0x19800] =	vst v63  }
0xa0: {  	_ =	swait.ge [sflag:s12], $0x8000  }
0xa1: {  	[sflag:s12] =	ssyncset.done $0x0  }
0xa2: {  	s0 =	rddreg [dreg:$0x1a];
	[sflag:s12] =	ssyncadd.s32 $0xFFFF8000  }
0xa3: {  	[spmem:s2] =	stream.indirect.scatter.add.f32 [tilespmem:s11], [sflag:$0x2], $0x40, s0, s10, $0xb8;
	[tilespmem:$0x19800] =	vst v63  }
0xa4: {  	_ =	swait.ge [sflag:s4], $0x8000  }
0xa5: {  	[sflag:s4] =	ssyncset.done $0x0  }
0xa6: {  	s16 =	rddreg [dreg:$0x1b];
	[sflag:s4] =	ssyncadd.s32 $0xFFFF8000  }
0xa7: {  	[tilespmem:s11], [sflag:$0x1] =	stream.indirect.gather [hbm4b:s13+s10], $0x40, s16, s10, $0xb8;
	[tilespmem:$0x19800] =	vst v63  }
0xa8: {  	_ =	swait.ge [sflag:s12], $0x8000  }
0xa9: {  	[sflag:s12] =	ssyncset.done $0x0  }
0xaa: {  	s17 =	rddreg [dreg:$0x1c];
	[sflag:s12] =	ssyncadd.s32 $0xFFFF8000  }
0xab: {  	[spmem:s2] =	stream.indirect.scatter.add.f32 [tilespmem:s11], [sflag:$0x2], $0x40, s17, s10, $0xb8;
	[tilespmem:$0x19800] =	vst v63  }
0xac: {  	_ =	swait.ge [sflag:s4], $0x8000  }
0xad: {  	[sflag:s4] =	ssyncset.done $0x0  }
0xae: {  	s18 =	rddreg [dreg:$0x1d];
	[sflag:s4] =	ssyncadd.s32 $0xFFFF8000  }
0xaf: {  	[tilespmem:s11], [sflag:$0x1] =	stream.indirect.gather [hbm4b:s13+s10], $0x40, s18, s10, $0xb8;
	[tilespmem:$0x19800] =	vst v63  }
0xb0: {  	_ =	swait.ge [sflag:s12], $0x8000  }
0xb1: {  	[sflag:s12] =	ssyncset.done $0x0  }
0xb2: {  	s19 =	rddreg [dreg:$0x1e];
	[sflag:s12] =	ssyncadd.s32 $0xFFFF8000  }
0xb3: {  	[spmem:s2] =	stream.indirect.scatter.add.f32 [tilespmem:s11], [sflag:$0x2], $0x40, s19, s10, $0xb8;
	[tilespmem:$0x19800] =	vst v63  }
0xb4: {  	_ =	swait.ge [sflag:s4], $0x8000  }
0xb5: {  	[sflag:s4] =	ssyncset.done $0x0  }
0xb6: {  	s20 =	rddreg [dreg:$0x1f];
	[sflag:s4] =	ssyncadd.s32 $0xFFFF8000  }
0xb7: {  	[tilespmem:s11], [sflag:$0x1] =	stream.indirect.gather [hbm4b:s13+s10], $0x40, s20, s10, $0xb8;
	[tilespmem:$0x19800] =	vst v63  }
0xb8: {  	_ =	swait.ge [sflag:s12], $0x8000  }
0xb9: {  	s21 =	sld [smem:$0x7EC]  }
0xba: {  	[sflag:s12] =	ssyncset.done $0x0  }
0xbb: {  	[sflag:s12] =	ssyncadd.s32 $0xFFFF8000  }
0xbc: {  	[spmem:s2] =	stream.indirect.scatter.add.f32 [tilespmem:s11], [sflag:$0x2], $0x40, s21, s10, $0xb8;
	[tilespmem:$0x19800] =	vst v63  }
0xbd: {  	_ =	swait.ge [sflag:s4], $0x8000  }
0xbe: {  	s22 =	sld [smem:$0x7ED]  }
0xbf: {  	[sflag:s4] =	ssyncset.done $0x0  }
0xc0: {  	[sflag:s4] =	ssyncadd.s32 $0xFFFF8000  }
0xc1: {  	[tilespmem:s11], [sflag:$0x1] =	stream.indirect.gather [hbm4b:s13+s10], $0x40, s22, s10, $0xb8;
	[tilespmem:$0x19800] =	vst v63  }
0xc2: {  	_ =	swait.ge [sflag:s12], $0x8000  }
0xc3: {  	s23 =	sld [smem:$0x7EE]  }
0xc4: {  	[sflag:s12] =	ssyncset.done $0x0  }
0xc5: {  	[sflag:s12] =	ssyncadd.s32 $0xFFFF8000  }
0xc6: {  	[spmem:s2] =	stream.indirect.scatter.add.f32 [tilespmem:s11], [sflag:$0x2], $0x40, s23, s10, $0xb8;
	[tilespmem:$0x19800] =	vst v63  }
0xc7: {  	_ =	swait.ge [sflag:s4], $0x8000  }
0xc8: {  	s24 =	sld [smem:$0x7EF]  }
0xc9: {  	[sflag:s4] =	ssyncset.done $0x0  }
0xca: {  	[sflag:s4] =	ssyncadd.s32 $0xFFFF8000  }
0xcb: {  	[tilespmem:s11], [sflag:$0x1] =	stream.indirect.gather [hbm4b:s13+s10], $0x40, s24, s10, $0xb8;
	[tilespmem:$0x19800] =	vst v63  }
0xcc: {  	_ =	swait.ge [sflag:s12], $0x8000  }
0xcd: {  	s25 =	sld [smem:$0x7F0]  }
0xce: {  	[sflag:s12] =	ssyncset.done $0x0  }
0xcf: {  	[sflag:s12] =	ssyncadd.s32 $0xFFFF8000  }
0xd0: {  	[spmem:s2] =	stream.indirect.scatter.add.f32 [tilespmem:s11], [sflag:$0x2], $0x40, s25, s10, $0xb8;
	[tilespmem:$0x19800] =	vst v63  }
0xd1: {  	_ =	swait.ge [sflag:s4], $0x8000  }
0xd2: {  	s26 =	sld [smem:$0x7F1]  }
0xd3: {  	[sflag:s4] =	ssyncset.done $0x0  }
0xd4: {  	[sflag:s4] =	ssyncadd.s32 $0xFFFF8000  }
0xd5: {  	[tilespmem:s11], [sflag:$0x1] =	stream.indirect.gather [hbm4b:s13+s10], $0x40, s26, s10, $0xb8;
	[tilespmem:$0x19800] =	vst v63  }
0xd6: {  	_ =	swait.ge [sflag:s12], $0x8000  }
0xd7: {  	s0 =	sld [smem:$0x7F2]  }
0xd8: {  	[sflag:s12] =	ssyncset.done $0x0  }
0xd9: {  	[sflag:s12] =	ssyncadd.s32 $0xFFFF8000  }
0xda: {  	[spmem:s2] =	stream.indirect.scatter.add.f32 [tilespmem:s11], [sflag:$0x2], $0x40, s0, s10, $0xb8;
	[tilespmem:$0x19800] =	vst v63  }
0xdb: {  	_ =	swait.ge [sflag:s4], $0x8000  }
0xdc: {  	s16 =	sld [smem:$0x7F3]  }
0xdd: {  	[sflag:s4] =	ssyncset.done $0x0  }
0xde: {  	[sflag:s4] =	ssyncadd.s32 $0xFFFF8000  }
0xdf: {  	[tilespmem:s11], [sflag:$0x1] =	stream.indirect.gather [hbm4b:s13+s10], $0x40, s16, s10, $0xb8;
	[tilespmem:$0x19800] =	vst v63  }
0xe0: {  	_ =	swait.ge [sflag:s12], $0x8000  }
0xe1: {  	s17 =	sld [smem:$0x7F4]  }
0xe2: {  	[sflag:s12] =	ssyncset.done $0x0  }
0xe3: {  	[sflag:s12] =	ssyncadd.s32 $0xFFFF8000  }
0xe4: {  	[spmem:s2] =	stream.indirect.scatter.add.f32 [tilespmem:s11], [sflag:$0x2], $0x40, s17, s10, $0xb8;
	[tilespmem:$0x19800] =	vst v63  }
0xe5: {  	_ =	swait.ge [sflag:s4], $0x8000  }
0xe6: {  	s18 =	sld [smem:$0x7F5]  }
0xe7: {  	[sflag:s4] =	ssyncset.done $0x0  }
0xe8: {  	[sflag:s4] =	ssyncadd.s32 $0xFFFF8000  }
0xe9: {  	[tilespmem:s11], [sflag:$0x1] =	stream.indirect.gather [hbm4b:s13+s10], $0x40, s18, s10, $0xb8;
	[tilespmem:$0x19800] =	vst v63  }
0xea: {  	_ =	swait.ge [sflag:s12], $0x8000  }
0xeb: {  	s19 =	sld [smem:$0x7F6]  }
0xec: {  	[sflag:s12] =	ssyncset.done $0x0  }
0xed: {  	[sflag:s12] =	ssyncadd.s32 $0xFFFF8000  }
0xee: {  	[spmem:s2] =	stream.indirect.scatter.add.f32 [tilespmem:s11], [sflag:$0x2], $0x40, s19, s10, $0xb8;
	[tilespmem:$0x19800] =	vst v63  }
0xef: {  	_ =	swait.ge [sflag:s4], $0x8000  }
0xf0: {  	s20 =	sld [smem:$0x7F7]  }
0xf1: {  	[sflag:s4] =	ssyncset.done $0x0  }
0xf2: {  	[sflag:s4] =	ssyncadd.s32 $0xFFFF8000  }
0xf3: {  	[tilespmem:s11], [sflag:$0x1] =	stream.indirect.gather [hbm4b:s13+s10], $0x40, s20, s10, $0xb8;
	[tilespmem:$0x19800] =	vst v63  }
0xf4: {  	_ =	swait.ge [sflag:s12], $0x8000  }
0xf5: {  	s21 =	sld [smem:$0x7F8]  }
0xf6: {  	[sflag:s12] =	ssyncset.done $0x0  }
0xf7: {  	[sflag:s12] =	ssyncadd.s32 $0xFFFF8000  }
0xf8: {  	[spmem:s2] =	stream.indirect.scatter.add.f32 [tilespmem:s11], [sflag:$0x2], $0x40, s21, s10, $0xb8;
	[tilespmem:$0x19800] =	vst v63  }
0xf9: {  	_ =	swait.ge [sflag:s4], $0x8000  }
0xfa: {  	[sflag:s4] =	ssyncset.done $0x0  }
0xfb: {  	[sflag:s4] =	ssyncadd.s32 $0xFFFF8000  }
0xfc: {  	[bflag:$0x0] =	sbarrier.arrive $0xFFFF  }
0xfd: {  	s22 =	rddreg [dreg:$0x6]  }
0xfe: {  	[hbm:s22], [sflag:s7] =	dma.local [spmem:s8], $0x1400  }
0xff: {  	_ =	swait.ge [sflag:s4], $0x1400  }
0x100: {  	[sflag:s4] =	ssyncset.done $0x0  }
0x101: {  	[sflag:s4] =	ssyncadd.s32 $0xFFFFEC00  }
0x102: {  	[bflag:$0x0] =	sbarrier.arrive $0xFFFF  }
0x103: {  	[spmem:s8], [sflag:s7] =	dma.local [hbm:s6], $0x1400  }
0x104: {  	_ =	swait.ge [sflag:s4], $0x1400  }
0x105: {  	[sflag:s4] =	ssyncset.done $0x0  }
0x106: {  	[sflag:s4] =	ssyncadd.s32 $0xFFFFEC00  }
0x107: {  	[bflag:$0x0] =	sbarrier.arrive $0xFFFF  }
0x108: {  	s23 =	sld [smem:$0x7F9];
	_ =	sdelay $0x1  }
0x109: {  	s14 =	sadd.s32 $0x3DB00, s14  }
0x10a: {  	[tilespmem:s11], [sflag:$0x1] =	stream.indirect.gather [hbm4b:s14+s10], $0x40, s23, s10, $0xb8;
	[tilespmem:$0x19800] =	vst v63  }
0x10b: {  	_ =	swait.ge [sflag:s12], $0x8000  }
0x10c: {  	s24 =	sld [smem:$0x7FA]  }
0x10d: {  	[sflag:s12] =	ssyncset.done $0x0  }
0x10e: {  	[sflag:s12] =	ssyncadd.s32 $0xFFFF8000  }
0x10f: {  	[spmem:s2] =	stream.indirect.scatter.add.f32 [tilespmem:s11], [sflag:$0x2], $0x40, s24, s10, $0xb8;
	[tilespmem:$0x19800] =	vst v63  }
0x110: {  	_ =	swait.ge [sflag:s4], $0x8000  }
0x111: {  	s25 =	sld [smem:$0x7FB]  }
0x112: {  	[sflag:s4] =	ssyncset.done $0x0  }
0x113: {  	[sflag:s4] =	ssyncadd.s32 $0xFFFF8000  }
0x114: {  	[tilespmem:s11], [sflag:$0x1] =	stream.indirect.gather [hbm4b:s14+s10], $0x40, s25, s10, $0xb8;
	[tilespmem:$0x19800] =	vst v63  }
0x115: {  	_ =	swait.ge [sflag:s12], $0x8000  }
0x116: {  	s26 =	sld [smem:$0x7FC]  }
0x117: {  	[sflag:s12] =	ssyncset.done $0x0  }
0x118: {  	[sflag:s12] =	ssyncadd.s32 $0xFFFF8000  }
0x119: {  	[spmem:s2] =	stream.indirect.scatter.add.f32 [tilespmem:s11], [sflag:$0x2], $0x40, s26, s10, $0xb8;
	[tilespmem:$0x19800] =	vst v63  }
0x11a: {  	_ =	swait.ge [sflag:s4], $0x8000  }
0x11b: {  	[sflag:s4] =	ssyncset.done $0x0  }
0x11c: {  	s15 =	simm.s32 $0x2C00;
	[sflag:s4] =	ssyncadd.s32 $0xFFFF8000  }
0x11d: {  	[tilespmem:s11], [sflag:$0x1] =	stream.indirect.gather [hbm4b:s14+s10], $0x40, s15, s10, $0xb8;
	[tilespmem:$0x19800] =	vst v63  }
0x11e: {  	_ =	swait.ge [sflag:s12], $0x8000  }
0x11f: {  	[sflag:s12] =	ssyncset.done $0x0  }
0x120: {  	s16 =	simm.s32 $0x6800;
	[sflag:s12] =	ssyncadd.s32 $0xFFFF8000  }
0x121: {  	[spmem:s2] =	stream.indirect.scatter.add.f32 [tilespmem:s11], [sflag:$0x2], $0x40, s16, s10, $0xb8;
	[tilespmem:$0x19800] =	vst v63  }
0x122: {  	_ =	swait.ge [sflag:s4], $0x8000  }
0x123: {  	[sflag:s4] =	ssyncset.done $0x0  }
0x124: {  	s17 =	simm.s32 $0x2E00;
	[sflag:s4] =	ssyncadd.s32 $0xFFFF8000  }
0x125: {  	[tilespmem:s11], [sflag:$0x1] =	stream.indirect.gather [hbm4b:s14+s10], $0x40, s17, s10, $0xb8;
	[tilespmem:$0x19800] =	vst v63  }
0x126: {  	_ =	swait.ge [sflag:s12], $0x8000  }
0x127: {  	[sflag:s12] =	ssyncset.done $0x0  }
0x128: {  	s18 =	simm.s32 $0x6A00;
	[sflag:s12] =	ssyncadd.s32 $0xFFFF8000  }
0x129: {  	[spmem:s2] =	stream.indirect.scatter.add.f32 [tilespmem:s11], [sflag:$0x2], $0x40, s18, s10, $0xb8;
	[tilespmem:$0x19800] =	vst v63  }
0x12a: {  	_ =	swait.ge [sflag:s4], $0x8000  }
0x12b: {  	[sflag:s4] =	ssyncset.done $0x0  }
0x12c: {  	s19 =	simm.s32 $0x3000;
	[sflag:s4] =	ssyncadd.s32 $0xFFFF8000  }
0x12d: {  	[tilespmem:s11], [sflag:$0x1] =	stream.indirect.gather [hbm4b:s14+s10], $0x40, s19, s10, $0xb8;
	[tilespmem:$0x19800] =	vst v63  }
0x12e: {  	_ =	swait.ge [sflag:s12], $0x8000  }
0x12f: {  	[sflag:s12] =	ssyncset.done $0x0  }
0x130: {  	s20 =	simm.s32 $0x6C00;
	[sflag:s12] =	ssyncadd.s32 $0xFFFF8000  }
0x131: {  	[spmem:s2] =	stream.indirect.scatter.add.f32 [tilespmem:s11], [sflag:$0x2], $0x40, s20, s10, $0xb8;
	[tilespmem:$0x19800] =	vst v63  }
0x132: {  	_ =	swait.ge [sflag:s4], $0x8000  }
0x133: {  	[sflag:s4] =	ssyncset.done $0x0  }
0x134: {  	s21 =	simm.s32 $0x3200;
	[sflag:s4] =	ssyncadd.s32 $0xFFFF8000  }
0x135: {  	[tilespmem:s11], [sflag:$0x1] =	stream.indirect.gather [hbm4b:s14+s10], $0x40, s21, s10, $0xb8;
	[tilespmem:$0x19800] =	vst v63  }
0x136: {  	_ =	swait.ge [sflag:s12], $0x8000  }
0x137: {  	[sflag:s12] =	ssyncset.done $0x0  }
0x138: {  	s22 =	simm.s32 $0x6E00;
	[sflag:s12] =	ssyncadd.s32 $0xFFFF8000  }
0x139: {  	[spmem:s2] =	stream.indirect.scatter.add.f32 [tilespmem:s11], [sflag:$0x2], $0x40, s22, s10, $0xb8;
	[tilespmem:$0x19800] =	vst v63  }
0x13a: {  	_ =	swait.ge [sflag:s4], $0x8000  }
0x13b: {  	[sflag:s4] =	ssyncset.done $0x0  }
0x13c: {  	s23 =	simm.s32 $0x3400;
	[sflag:s4] =	ssyncadd.s32 $0xFFFF8000  }
0x13d: {  	[tilespmem:s11], [sflag:$0x1] =	stream.indirect.gather [hbm4b:s14+s10], $0x40, s23, s10, $0xb8;
	[tilespmem:$0x19800] =	vst v63  }
0x13e: {  	_ =	swait.ge [sflag:s12], $0x8000  }
0x13f: {  	[sflag:s12] =	ssyncset.done $0x0  }
0x140: {  	s24 =	simm.s32 $0x7000;
	[sflag:s12] =	ssyncadd.s32 $0xFFFF8000  }
0x141: {  	[spmem:s2] =	stream.indirect.scatter.add.f32 [tilespmem:s11], [sflag:$0x2], $0x40, s24, s10, $0xb8;
	[tilespmem:$0x19800] =	vst v63  }
0x142: {  	_ =	swait.ge [sflag:s4], $0x8000  }
0x143: {  	[sflag:s4] =	ssyncset.done $0x0  }
0x144: {  	s25 =	simm.s32 $0x3600;
	[sflag:s4] =	ssyncadd.s32 $0xFFFF8000  }
0x145: {  	[tilespmem:s11], [sflag:$0x1] =	stream.indirect.gather [hbm4b:s14+s10], $0x40, s25, s10, $0xb8;
	[tilespmem:$0x19800] =	vst v63  }
0x146: {  	_ =	swait.ge [sflag:s12], $0x8000  }
0x147: {  	[sflag:s12] =	ssyncset.done $0x0  }
0x148: {  	s26 =	simm.s32 $0x7200;
	[sflag:s12] =	ssyncadd.s32 $0xFFFF8000  }
0x149: {  	[spmem:s2] =	stream.indirect.scatter.add.f32 [tilespmem:s11], [sflag:$0x2], $0x40, s26, s10, $0xb8;
	[tilespmem:$0x19800] =	vst v63  }
0x14a: {  	_ =	swait.ge [sflag:s4], $0x8000  }
0x14b: {  	[sflag:s4] =	ssyncset.done $0x0  }
0x14c: {  	s28 =	simm.s32 $0x3800;
	[sflag:s4] =	ssyncadd.s32 $0xFFFF8000  }
0x14d: {  	[tilespmem:s11], [sflag:$0x1] =	stream.indirect.gather [hbm4b:s14+s10], $0x40, s28, s10, $0xb8;
	[tilespmem:$0x19800] =	vst v63  }
0x14e: {  	_ =	swait.ge [sflag:s12], $0x8000  }
0x14f: {  	[sflag:s12] =	ssyncset.done $0x0  }
0x150: {  	s29 =	simm.s32 $0x7400;
	[sflag:s12] =	ssyncadd.s32 $0xFFFF8000  }
0x151: {  	[spmem:s2] =	stream.indirect.scatter.add.f32 [tilespmem:s11], [sflag:$0x2], $0x40, s29, s10, $0xb8;
	[tilespmem:$0x19800] =	vst v63  }
0x152: {  	_ =	swait.ge [sflag:s4], $0x8000  }
0x153: {  	[sflag:s4] =	ssyncset.done $0x0  }
0x154: {  	s30 =	simm.s32 $0x3A00;
	[sflag:s4] =	ssyncadd.s32 $0xFFFF8000  }
0x155: {  	[tilespmem:s11], [sflag:$0x1] =	stream.indirect.gather [hbm4b:s14+s10], $0x40, s30, s10, $0xb8;
	[tilespmem:$0x19800] =	vst v63  }
0x156: {  	_ =	swait.ge [sflag:s12], $0x8000  }
0x157: {  	[sflag:s12] =	ssyncset.done $0x0  }
0x158: {  	s31 =	simm.s32 $0x7600;
	[sflag:s12] =	ssyncadd.s32 $0xFFFF8000  }
0x159: {  	[spmem:s2] =	stream.indirect.scatter.add.f32 [tilespmem:s11], [sflag:$0x2], $0x40, s31, s10, $0xb8;
	[tilespmem:$0x19800] =	vst v63  }
0x15a: {  	_ =	swait.ge [sflag:s4], $0x8000  }
0x15b: {  	[sflag:s4] =	ssyncset.done $0x0  }
0x15c: {  	[sflag:s4] =	ssyncadd.s32 $0xFFFF8000  }
0x15d: {  	[bflag:$0x0] =	sbarrier.arrive $0xFFFF  }
0x15e: {  	s1 =	ssub.s32 $0x2, s1;
	s0 =	rddreg [dreg:$0x7]  }
0x15f: {  	[smem:$0x7FD] =	sst s0;
	s0 =	sshrl.u32 s1, $0x1  }
0x160: {  	s0 =	ssub.s32 s1, s0  }
0x161: {  	s1 =	sld [smem:$0x7FD];
	s0 =	smax.u32 s0, $0x1  }
0x162: {  	p0 =	sne.s32 s0, $0x1  }
.Ltmp0:
0x163: {  	_ = 	snop;
	(pc) =	sbr.rel @!p0 .LBB2_2-.Ltmp0, $4  }
0x164: {  	[hbm:s1], [sflag:s7] =	dma.local [spmem:s8], $0x1400  }
0x165: {  	_ =	swait.ge [sflag:s4], $0x1400  }
0x166: {  	[sflag:s4] =	ssyncset.done $0x0  }
0x167: {  	s1 =	sadd.s32 $0xFFFFFFFF, s0;
	[sflag:s4] =	ssyncadd.s32 $0xFFFFEC00  }
.LBB2_1:
0x168: {  	[bflag:$0x0] =	sbarrier.arrive $0xFFFF  }
0x169: {  	s0 =	rddreg [dreg:$0x3]  }
0x16a: {  	[tilespmem:s3], [sflag:$0x2] =	stream.linear.gather [hbm4b:s0+s3], $0x3C00, $0x38;
	[tilespmem:$0x19800] =	vst v63  }
0x16b: {  	_ =	swait.ge [sflag:s4], $0x3C00  }
0x16c: {  	[sflag:s4] =	ssyncset.done $0x0  }
0x16d: {  	s0 =	rddreg [dreg:$0x4];
	[sflag:s4] =	ssyncadd.s32 $0xFFFFC400  }
0x16e: {  	[tilespmem:s5], [sflag:$0x2] =	stream.linear.gather [hbm4b:s0+s3], $0x3C00, $0x38;
	[tilespmem:$0x19800] =	vst v63  }
0x16f: {  	_ =	swait.ge [sflag:s4], $0x3C00  }
0x170: {  	[sflag:s4] =	ssyncset.done $0x0  }
0x171: {  	[sflag:s4] =	ssyncadd.s32 $0xFFFFC400  }
0x172: {  	[spmem:s8], [sflag:s7] =	dma.local [hbm:s6], $0x1400  }
0x173: {  	_ =	swait.ge [sflag:s4], $0x1400  }
0x174: {  	[sflag:s4] =	ssyncset.done $0x0  }
0x175: {  	[sflag:s4] =	ssyncadd.s32 $0xFFFFEC00  }
0x176: {  	[bflag:$0x0] =	sbarrier.arrive $0xFFFF  }
0x177: {  	[tilespmem:s11], [sflag:$0x1] =	stream.indirect.gather [hbm4b:s9+s10], $0x40, s3, s10, $0xb8;
	[tilespmem:$0x19800] =	vst v63  }
0x178: {  	_ =	swait.ge [sflag:s12], $0x8000  }
0x179: {  	[sflag:s12] =	ssyncset.done $0x0  }
0x17a: {  	[sflag:s12] =	ssyncadd.s32 $0xFFFF8000  }
0x17b: {  	[spmem:s2] =	stream.indirect.scatter.add.f32 [tilespmem:s11], [sflag:$0x2], $0x40, s5, s10, $0xb8;
	[tilespmem:$0x19800] =	vst v63  }
0x17c: {  	_ =	swait.ge [sflag:s4], $0x8000  }
0x17d: {  	[sflag:s4] =	ssyncset.done $0x0  }
0x17e: {  	[sflag:s4] =	ssyncadd.s32 $0xFFFF8000  }
0x17f: {  	[tilespmem:s11], [sflag:$0x1] =	stream.indirect.gather [hbm4b:s9+s10], $0x40, s10, s10, $0xb8;
	[tilespmem:$0x19800] =	vst v63  }
0x180: {  	_ =	swait.ge [sflag:s12], $0x8000  }
0x181: {  	[sflag:s12] =	ssyncset.done $0x0  }
0x182: {  	s0 =	rddreg [dreg:$0x8];
	[sflag:s12] =	ssyncadd.s32 $0xFFFF8000  }
0x183: {  	[spmem:s2] =	stream.indirect.scatter.add.f32 [tilespmem:s11], [sflag:$0x2], $0x40, s0, s10, $0xb8;
	[tilespmem:$0x19800] =	vst v63  }
0x184: {  	_ =	swait.ge [sflag:s4], $0x8000  }
0x185: {  	[sflag:s4] =	ssyncset.done $0x0  }
0x186: {  	s0 =	rddreg [dreg:$0x9];
	[sflag:s4] =	ssyncadd.s32 $0xFFFF8000  }
0x187: {  	[tilespmem:s11], [sflag:$0x1] =	stream.indirect.gather [hbm4b:s9+s10], $0x40, s0, s10, $0xb8;
	[tilespmem:$0x19800] =	vst v63  }
0x188: {  	_ =	swait.ge [sflag:s12], $0x8000  }
0x189: {  	[sflag:s12] =	ssyncset.done $0x0  }
0x18a: {  	s0 =	rddreg [dreg:$0xa];
	[sflag:s12] =	ssyncadd.s32 $0xFFFF8000  }
0x18b: {  	[spmem:s2] =	stream.indirect.scatter.add.f32 [tilespmem:s11], [sflag:$0x2], $0x40, s0, s10, $0xb8;
	[tilespmem:$0x19800] =	vst v63  }
0x18c: {  	_ =	swait.ge [sflag:s4], $0x8000  }
0x18d: {  	[sflag:s4] =	ssyncset.done $0x0  }
0x18e: {  	s0 =	rddreg [dreg:$0xb];
	[sflag:s4] =	ssyncadd.s32 $0xFFFF8000  }
0x18f: {  	[tilespmem:s11], [sflag:$0x1] =	stream.indirect.gather [hbm4b:s9+s10], $0x40, s0, s10, $0xb8;
	[tilespmem:$0x19800] =	vst v63  }
0x190: {  	_ =	swait.ge [sflag:s12], $0x8000  }
0x191: {  	[sflag:s12] =	ssyncset.done $0x0  }
0x192: {  	s0 =	rddreg [dreg:$0xc];
	[sflag:s12] =	ssyncadd.s32 $0xFFFF8000  }
0x193: {  	[spmem:s2] =	stream.indirect.scatter.add.f32 [tilespmem:s11], [sflag:$0x2], $0x40, s0, s10, $0xb8;
	[tilespmem:$0x19800] =	vst v63  }
0x194: {  	_ =	swait.ge [sflag:s4], $0x8000  }
0x195: {  	[sflag:s4] =	ssyncset.done $0x0  }
0x196: {  	s0 =	rddreg [dreg:$0xd];
	[sflag:s4] =	ssyncadd.s32 $0xFFFF8000  }
0x197: {  	[tilespmem:s11], [sflag:$0x1] =	stream.indirect.gather [hbm4b:s9+s10], $0x40, s0, s10, $0xb8;
	[tilespmem:$0x19800] =	vst v63  }
0x198: {  	_ =	swait.ge [sflag:s12], $0x8000  }
0x199: {  	[sflag:s12] =	ssyncset.done $0x0  }
0x19a: {  	s0 =	rddreg [dreg:$0xe];
	[sflag:s12] =	ssyncadd.s32 $0xFFFF8000  }
0x19b: {  	[spmem:s2] =	stream.indirect.scatter.add.f32 [tilespmem:s11], [sflag:$0x2], $0x40, s0, s10, $0xb8;
	[tilespmem:$0x19800] =	vst v63  }
0x19c: {  	_ =	swait.ge [sflag:s4], $0x8000  }
0x19d: {  	[sflag:s4] =	ssyncset.done $0x0  }
0x19e: {  	s0 =	rddreg [dreg:$0xf];
	[sflag:s4] =	ssyncadd.s32 $0xFFFF8000  }
0x19f: {  	[tilespmem:s11], [sflag:$0x1] =	stream.indirect.gather [hbm4b:s9+s10], $0x40, s0, s10, $0xb8;
	[tilespmem:$0x19800] =	vst v63  }
0x1a0: {  	_ =	swait.ge [sflag:s12], $0x8000  }
0x1a1: {  	[sflag:s12] =	ssyncset.done $0x0  }
0x1a2: {  	s0 =	rddreg [dreg:$0x10];
	[sflag:s12] =	ssyncadd.s32 $0xFFFF8000  }
0x1a3: {  	[spmem:s2] =	stream.indirect.scatter.add.f32 [tilespmem:s11], [sflag:$0x2], $0x40, s0, s10, $0xb8;
	[tilespmem:$0x19800] =	vst v63  }
0x1a4: {  	_ =	swait.ge [sflag:s4], $0x8000  }
0x1a5: {  	[sflag:s4] =	ssyncset.done $0x0  }
0x1a6: {  	s0 =	rddreg [dreg:$0x11];
	[sflag:s4] =	ssyncadd.s32 $0xFFFF8000  }
0x1a7: {  	[tilespmem:s11], [sflag:$0x1] =	stream.indirect.gather [hbm4b:s9+s10], $0x40, s0, s10, $0xb8;
	[tilespmem:$0x19800] =	vst v63  }
0x1a8: {  	_ =	swait.ge [sflag:s12], $0x8000  }
0x1a9: {  	[sflag:s12] =	ssyncset.done $0x0  }
0x1aa: {  	s0 =	rddreg [dreg:$0x12];
	[sflag:s12] =	ssyncadd.s32 $0xFFFF8000  }
0x1ab: {  	[spmem:s2] =	stream.indirect.scatter.add.f32 [tilespmem:s11], [sflag:$0x2], $0x40, s0, s10, $0xb8;
	[tilespmem:$0x19800] =	vst v63  }
0x1ac: {  	_ =	swait.ge [sflag:s4], $0x8000  }
0x1ad: {  	[sflag:s4] =	ssyncset.done $0x0  }
0x1ae: {  	s0 =	rddreg [dreg:$0x13];
	[sflag:s4] =	ssyncadd.s32 $0xFFFF8000  }
0x1af: {  	[tilespmem:s11], [sflag:$0x1] =	stream.indirect.gather [hbm4b:s9+s10], $0x40, s0, s10, $0xb8;
	[tilespmem:$0x19800] =	vst v63  }
0x1b0: {  	_ =	swait.ge [sflag:s12], $0x8000  }
0x1b1: {  	[sflag:s12] =	ssyncset.done $0x0  }
0x1b2: {  	s0 =	rddreg [dreg:$0x14];
	[sflag:s12] =	ssyncadd.s32 $0xFFFF8000  }
0x1b3: {  	[spmem:s2] =	stream.indirect.scatter.add.f32 [tilespmem:s11], [sflag:$0x2], $0x40, s0, s10, $0xb8;
	[tilespmem:$0x19800] =	vst v63  }
0x1b4: {  	_ =	swait.ge [sflag:s4], $0x8000  }
0x1b5: {  	[sflag:s4] =	ssyncset.done $0x0  }
0x1b6: {  	s0 =	rddreg [dreg:$0x15];
	[sflag:s4] =	ssyncadd.s32 $0xFFFF8000  }
0x1b7: {  	[tilespmem:s11], [sflag:$0x1] =	stream.indirect.gather [hbm4b:s9+s10], $0x40, s0, s10, $0xb8;
	[tilespmem:$0x19800] =	vst v63  }
0x1b8: {  	_ =	swait.ge [sflag:s12], $0x8000  }
0x1b9: {  	[sflag:s12] =	ssyncset.done $0x0  }
0x1ba: {  	s0 =	rddreg [dreg:$0x16];
	[sflag:s12] =	ssyncadd.s32 $0xFFFF8000  }
0x1bb: {  	[spmem:s2] =	stream.indirect.scatter.add.f32 [tilespmem:s11], [sflag:$0x2], $0x40, s0, s10, $0xb8;
	[tilespmem:$0x19800] =	vst v63  }
0x1bc: {  	_ =	swait.ge [sflag:s4], $0x8000  }
0x1bd: {  	[sflag:s4] =	ssyncset.done $0x0  }
0x1be: {  	s0 =	rddreg [dreg:$0x17];
	[sflag:s4] =	ssyncadd.s32 $0xFFFF8000  }
0x1bf: {  	[tilespmem:s11], [sflag:$0x1] =	stream.indirect.gather [hbm4b:s9+s10], $0x40, s0, s10, $0xb8;
	[tilespmem:$0x19800] =	vst v63  }
0x1c0: {  	_ =	swait.ge [sflag:s12], $0x8000  }
0x1c1: {  	[sflag:s12] =	ssyncset.done $0x0  }
0x1c2: {  	s0 =	rddreg [dreg:$0x18];
	[sflag:s12] =	ssyncadd.s32 $0xFFFF8000  }
0x1c3: {  	[spmem:s2] =	stream.indirect.scatter.add.f32 [tilespmem:s11], [sflag:$0x2], $0x40, s0, s10, $0xb8;
	[tilespmem:$0x19800] =	vst v63  }
0x1c4: {  	_ =	swait.ge [sflag:s4], $0x8000  }
0x1c5: {  	[sflag:s4] =	ssyncset.done $0x0  }
0x1c6: {  	[sflag:s4] =	ssyncadd.s32 $0xFFFF8000  }
0x1c7: {  	[bflag:$0x0] =	sbarrier.arrive $0xFFFF  }
0x1c8: {  	s0 =	rddreg [dreg:$0x5]  }
0x1c9: {  	[hbm:s0], [sflag:s7] =	dma.local [spmem:s8], $0x1400  }
0x1ca: {  	_ =	swait.ge [sflag:s4], $0x1400  }
0x1cb: {  	[sflag:s4] =	ssyncset.done $0x0  }
0x1cc: {  	[sflag:s4] =	ssyncadd.s32 $0xFFFFEC00  }
0x1cd: {  	[bflag:$0x0] =	sbarrier.arrive $0xFFFF  }
0x1ce: {  	[spmem:s8], [sflag:s7] =	dma.local [hbm:s6], $0x1400  }
0x1cf: {  	_ =	swait.ge [sflag:s4], $0x1400  }
0x1d0: {  	[sflag:s4] =	ssyncset.done $0x0  }
0x1d1: {  	[sflag:s4] =	ssyncadd.s32 $0xFFFFEC00  }
0x1d2: {  	[bflag:$0x0] =	sbarrier.arrive $0xFFFF  }
0x1d3: {  	s0 =	rddreg [dreg:$0x19]  }
0x1d4: {  	[tilespmem:s11], [sflag:$0x1] =	stream.indirect.gather [hbm4b:s13+s10], $0x40, s0, s10, $0xb8;
	[tilespmem:$0x19800] =	vst v63  }
0x1d5: {  	_ =	swait.ge [sflag:s12], $0x8000  }
0x1d6: {  	[sflag:s12] =	ssyncset.done $0x0  }
0x1d7: {  	s0 =	rddreg [dreg:$0x1a];
	[sflag:s12] =	ssyncadd.s32 $0xFFFF8000  }
0x1d8: {  	[spmem:s2] =	stream.indirect.scatter.add.f32 [tilespmem:s11], [sflag:$0x2], $0x40, s0, s10, $0xb8;
	[tilespmem:$0x19800] =	vst v63  }
0x1d9: {  	_ =	swait.ge [sflag:s4], $0x8000  }
0x1da: {  	[sflag:s4] =	ssyncset.done $0x0  }
0x1db: {  	s0 =	rddreg [dreg:$0x1b];
	[sflag:s4] =	ssyncadd.s32 $0xFFFF8000  }
0x1dc: {  	[tilespmem:s11], [sflag:$0x1] =	stream.indirect.gather [hbm4b:s13+s10], $0x40, s0, s10, $0xb8;
	[tilespmem:$0x19800] =	vst v63  }
0x1dd: {  	_ =	swait.ge [sflag:s12], $0x8000  }
0x1de: {  	[sflag:s12] =	ssyncset.done $0x0  }
0x1df: {  	s0 =	rddreg [dreg:$0x1c];
	[sflag:s12] =	ssyncadd.s32 $0xFFFF8000  }
0x1e0: {  	[spmem:s2] =	stream.indirect.scatter.add.f32 [tilespmem:s11], [sflag:$0x2], $0x40, s0, s10, $0xb8;
	[tilespmem:$0x19800] =	vst v63  }
0x1e1: {  	_ =	swait.ge [sflag:s4], $0x8000  }
0x1e2: {  	[sflag:s4] =	ssyncset.done $0x0  }
0x1e3: {  	s0 =	rddreg [dreg:$0x1d];
	[sflag:s4] =	ssyncadd.s32 $0xFFFF8000  }
0x1e4: {  	[tilespmem:s11], [sflag:$0x1] =	stream.indirect.gather [hbm4b:s13+s10], $0x40, s0, s10, $0xb8;
	[tilespmem:$0x19800] =	vst v63  }
0x1e5: {  	_ =	swait.ge [sflag:s12], $0x8000  }
0x1e6: {  	[sflag:s12] =	ssyncset.done $0x0  }
0x1e7: {  	s0 =	rddreg [dreg:$0x1e];
	[sflag:s12] =	ssyncadd.s32 $0xFFFF8000  }
0x1e8: {  	[spmem:s2] =	stream.indirect.scatter.add.f32 [tilespmem:s11], [sflag:$0x2], $0x40, s0, s10, $0xb8;
	[tilespmem:$0x19800] =	vst v63  }
0x1e9: {  	_ =	swait.ge [sflag:s4], $0x8000  }
0x1ea: {  	[sflag:s4] =	ssyncset.done $0x0  }
0x1eb: {  	s0 =	rddreg [dreg:$0x1f];
	[sflag:s4] =	ssyncadd.s32 $0xFFFF8000  }
0x1ec: {  	[tilespmem:s11], [sflag:$0x1] =	stream.indirect.gather [hbm4b:s13+s10], $0x40, s0, s10, $0xb8;
	[tilespmem:$0x19800] =	vst v63  }
0x1ed: {  	_ =	swait.ge [sflag:s12], $0x8000  }
0x1ee: {  	s0 =	sld [smem:$0x7EC]  }
0x1ef: {  	[sflag:s12] =	ssyncset.done $0x0  }
0x1f0: {  	[sflag:s12] =	ssyncadd.s32 $0xFFFF8000  }
0x1f1: {  	[spmem:s2] =	stream.indirect.scatter.add.f32 [tilespmem:s11], [sflag:$0x2], $0x40, s0, s10, $0xb8;
	[tilespmem:$0x19800] =	vst v63  }
0x1f2: {  	_ =	swait.ge [sflag:s4], $0x8000  }
0x1f3: {  	s0 =	sld [smem:$0x7ED]  }
0x1f4: {  	[sflag:s4] =	ssyncset.done $0x0  }
0x1f5: {  	[sflag:s4] =	ssyncadd.s32 $0xFFFF8000  }
0x1f6: {  	[tilespmem:s11], [sflag:$0x1] =	stream.indirect.gather [hbm4b:s13+s10], $0x40, s0, s10, $0xb8;
	[tilespmem:$0x19800] =	vst v63  }
0x1f7: {  	_ =	swait.ge [sflag:s12], $0x8000  }
0x1f8: {  	s0 =	sld [smem:$0x7EE]  }
0x1f9: {  	[sflag:s12] =	ssyncset.done $0x0  }
0x1fa: {  	[sflag:s12] =	ssyncadd.s32 $0xFFFF8000  }
0x1fb: {  	[spmem:s2] =	stream.indirect.scatter.add.f32 [tilespmem:s11], [sflag:$0x2], $0x40, s0, s10, $0xb8;
	[tilespmem:$0x19800] =	vst v63  }
0x1fc: {  	_ =	swait.ge [sflag:s4], $0x8000  }
0x1fd: {  	s0 =	sld [smem:$0x7EF]  }
0x1fe: {  	[sflag:s4] =	ssyncset.done $0x0  }
0x1ff: {  	[sflag:s4] =	ssyncadd.s32 $0xFFFF8000  }
0x200: {  	[tilespmem:s11], [sflag:$0x1] =	stream.indirect.gather [hbm4b:s13+s10], $0x40, s0, s10, $0xb8;
	[tilespmem:$0x19800] =	vst v63  }
0x201: {  	_ =	swait.ge [sflag:s12], $0x8000  }
0x202: {  	s0 =	sld [smem:$0x7F0]  }
0x203: {  	[sflag:s12] =	ssyncset.done $0x0  }
0x204: {  	[sflag:s12] =	ssyncadd.s32 $0xFFFF8000  }
0x205: {  	[spmem:s2] =	stream.indirect.scatter.add.f32 [tilespmem:s11], [sflag:$0x2], $0x40, s0, s10, $0xb8;
	[tilespmem:$0x19800] =	vst v63  }
0x206: {  	_ =	swait.ge [sflag:s4], $0x8000  }
0x207: {  	s0 =	sld [smem:$0x7F1]  }
0x208: {  	[sflag:s4] =	ssyncset.done $0x0  }
0x209: {  	[sflag:s4] =	ssyncadd.s32 $0xFFFF8000  }
0x20a: {  	[tilespmem:s11], [sflag:$0x1] =	stream.indirect.gather [hbm4b:s13+s10], $0x40, s0, s10, $0xb8;
	[tilespmem:$0x19800] =	vst v63  }
0x20b: {  	_ =	swait.ge [sflag:s12], $0x8000  }
0x20c: {  	s0 =	sld [smem:$0x7F2]  }
0x20d: {  	[sflag:s12] =	ssyncset.done $0x0  }
0x20e: {  	[sflag:s12] =	ssyncadd.s32 $0xFFFF8000  }
0x20f: {  	[spmem:s2] =	stream.indirect.scatter.add.f32 [tilespmem:s11], [sflag:$0x2], $0x40, s0, s10, $0xb8;
	[tilespmem:$0x19800] =	vst v63  }
0x210: {  	_ =	swait.ge [sflag:s4], $0x8000  }
0x211: {  	s0 =	sld [smem:$0x7F3]  }
0x212: {  	[sflag:s4] =	ssyncset.done $0x0  }
0x213: {  	[sflag:s4] =	ssyncadd.s32 $0xFFFF8000  }
0x214: {  	[tilespmem:s11], [sflag:$0x1] =	stream.indirect.gather [hbm4b:s13+s10], $0x40, s0, s10, $0xb8;
	[tilespmem:$0x19800] =	vst v63  }
0x215: {  	_ =	swait.ge [sflag:s12], $0x8000  }
0x216: {  	s0 =	sld [smem:$0x7F4]  }
0x217: {  	[sflag:s12] =	ssyncset.done $0x0  }
0x218: {  	[sflag:s12] =	ssyncadd.s32 $0xFFFF8000  }
0x219: {  	[spmem:s2] =	stream.indirect.scatter.add.f32 [tilespmem:s11], [sflag:$0x2], $0x40, s0, s10, $0xb8;
	[tilespmem:$0x19800] =	vst v63  }
0x21a: {  	_ =	swait.ge [sflag:s4], $0x8000  }
0x21b: {  	s0 =	sld [smem:$0x7F5]  }
0x21c: {  	[sflag:s4] =	ssyncset.done $0x0  }
0x21d: {  	[sflag:s4] =	ssyncadd.s32 $0xFFFF8000  }
0x21e: {  	[tilespmem:s11], [sflag:$0x1] =	stream.indirect.gather [hbm4b:s13+s10], $0x40, s0, s10, $0xb8;
	[tilespmem:$0x19800] =	vst v63  }
0x21f: {  	_ =	swait.ge [sflag:s12], $0x8000  }
0x220: {  	s0 =	sld [smem:$0x7F6]  }
0x221: {  	[sflag:s12] =	ssyncset.done $0x0  }
0x222: {  	[sflag:s12] =	ssyncadd.s32 $0xFFFF8000  }
0x223: {  	[spmem:s2] =	stream.indirect.scatter.add.f32 [tilespmem:s11], [sflag:$0x2], $0x40, s0, s10, $0xb8;
	[tilespmem:$0x19800] =	vst v63  }
0x224: {  	_ =	swait.ge [sflag:s4], $0x8000  }
0x225: {  	s0 =	sld [smem:$0x7F7]  }
0x226: {  	[sflag:s4] =	ssyncset.done $0x0  }
0x227: {  	[sflag:s4] =	ssyncadd.s32 $0xFFFF8000  }
0x228: {  	[tilespmem:s11], [sflag:$0x1] =	stream.indirect.gather [hbm4b:s13+s10], $0x40, s0, s10, $0xb8;
	[tilespmem:$0x19800] =	vst v63  }
0x229: {  	_ =	swait.ge [sflag:s12], $0x8000  }
0x22a: {  	s0 =	sld [smem:$0x7F8]  }
0x22b: {  	[sflag:s12] =	ssyncset.done $0x0  }
0x22c: {  	[sflag:s12] =	ssyncadd.s32 $0xFFFF8000  }
0x22d: {  	[spmem:s2] =	stream.indirect.scatter.add.f32 [tilespmem:s11], [sflag:$0x2], $0x40, s0, s10, $0xb8;
	[tilespmem:$0x19800] =	vst v63  }
0x22e: {  	_ =	swait.ge [sflag:s4], $0x8000  }
0x22f: {  	[sflag:s4] =	ssyncset.done $0x0  }
0x230: {  	[sflag:s4] =	ssyncadd.s32 $0xFFFF8000  }
0x231: {  	[bflag:$0x0] =	sbarrier.arrive $0xFFFF  }
0x232: {  	s0 =	rddreg [dreg:$0x6]  }
0x233: {  	[hbm:s0], [sflag:s7] =	dma.local [spmem:s8], $0x1400  }
0x234: {  	_ =	swait.ge [sflag:s4], $0x1400  }
0x235: {  	[sflag:s4] =	ssyncset.done $0x0  }
0x236: {  	[sflag:s4] =	ssyncadd.s32 $0xFFFFEC00  }
0x237: {  	[bflag:$0x0] =	sbarrier.arrive $0xFFFF  }
0x238: {  	[spmem:s8], [sflag:s7] =	dma.local [hbm:s6], $0x1400  }
0x239: {  	_ =	swait.ge [sflag:s4], $0x1400  }
0x23a: {  	[sflag:s4] =	ssyncset.done $0x0  }
0x23b: {  	[sflag:s4] =	ssyncadd.s32 $0xFFFFEC00  }
0x23c: {  	[bflag:$0x0] =	sbarrier.arrive $0xFFFF  }
0x23d: {  	s0 =	sld [smem:$0x7F9];
	_ =	sdelay $0x2  }
0x23e: {  	[tilespmem:s11], [sflag:$0x1] =	stream.indirect.gather [hbm4b:s14+s10], $0x40, s0, s10, $0xb8;
	[tilespmem:$0x19800] =	vst v63  }
0x23f: {  	_ =	swait.ge [sflag:s12], $0x8000  }
0x240: {  	s0 =	sld [smem:$0x7FA]  }
0x241: {  	[sflag:s12] =	ssyncset.done $0x0  }
0x242: {  	[sflag:s12] =	ssyncadd.s32 $0xFFFF8000  }
0x243: {  	[spmem:s2] =	stream.indirect.scatter.add.f32 [tilespmem:s11], [sflag:$0x2], $0x40, s0, s10, $0xb8;
	[tilespmem:$0x19800] =	vst v63  }
0x244: {  	_ =	swait.ge [sflag:s4], $0x8000  }
0x245: {  	s0 =	sld [smem:$0x7FB]  }
0x246: {  	[sflag:s4] =	ssyncset.done $0x0  }
0x247: {  	[sflag:s4] =	ssyncadd.s32 $0xFFFF8000  }
0x248: {  	[tilespmem:s11], [sflag:$0x1] =	stream.indirect.gather [hbm4b:s14+s10], $0x40, s0, s10, $0xb8;
	[tilespmem:$0x19800] =	vst v63  }
0x249: {  	_ =	swait.ge [sflag:s12], $0x8000  }
0x24a: {  	s0 =	sld [smem:$0x7FC]  }
0x24b: {  	[sflag:s12] =	ssyncset.done $0x0  }
0x24c: {  	[sflag:s12] =	ssyncadd.s32 $0xFFFF8000  }
0x24d: {  	[spmem:s2] =	stream.indirect.scatter.add.f32 [tilespmem:s11], [sflag:$0x2], $0x40, s0, s10, $0xb8;
	[tilespmem:$0x19800] =	vst v63  }
0x24e: {  	_ =	swait.ge [sflag:s4], $0x8000  }
0x24f: {  	[sflag:s4] =	ssyncset.done $0x0  }
0x250: {  	[sflag:s4] =	ssyncadd.s32 $0xFFFF8000  }
0x251: {  	[tilespmem:s11], [sflag:$0x1] =	stream.indirect.gather [hbm4b:s14+s10], $0x40, s15, s10, $0xb8;
	[tilespmem:$0x19800] =	vst v63  }
0x252: {  	_ =	swait.ge [sflag:s12], $0x8000  }
0x253: {  	[sflag:s12] =	ssyncset.done $0x0  }
0x254: {  	[sflag:s12] =	ssyncadd.s32 $0xFFFF8000  }
0x255: {  	[spmem:s2] =	stream.indirect.scatter.add.f32 [tilespmem:s11], [sflag:$0x2], $0x40, s16, s10, $0xb8;
	[tilespmem:$0x19800] =	vst v63  }
0x256: {  	_ =	swait.ge [sflag:s4], $0x8000  }
0x257: {  	[sflag:s4] =	ssyncset.done $0x0  }
0x258: {  	[sflag:s4] =	ssyncadd.s32 $0xFFFF8000  }
0x259: {  	[tilespmem:s11], [sflag:$0x1] =	stream.indirect.gather [hbm4b:s14+s10], $0x40, s17, s10, $0xb8;
	[tilespmem:$0x19800] =	vst v63  }
0x25a: {  	_ =	swait.ge [sflag:s12], $0x8000  }
0x25b: {  	[sflag:s12] =	ssyncset.done $0x0  }
0x25c: {  	[sflag:s12] =	ssyncadd.s32 $0xFFFF8000  }
0x25d: {  	[spmem:s2] =	stream.indirect.scatter.add.f32 [tilespmem:s11], [sflag:$0x2], $0x40, s18, s10, $0xb8;
	[tilespmem:$0x19800] =	vst v63  }
0x25e: {  	_ =	swait.ge [sflag:s4], $0x8000  }
0x25f: {  	[sflag:s4] =	ssyncset.done $0x0  }
0x260: {  	[sflag:s4] =	ssyncadd.s32 $0xFFFF8000  }
0x261: {  	[tilespmem:s11], [sflag:$0x1] =	stream.indirect.gather [hbm4b:s14+s10], $0x40, s19, s10, $0xb8;
	[tilespmem:$0x19800] =	vst v63  }
0x262: {  	_ =	swait.ge [sflag:s12], $0x8000  }
0x263: {  	[sflag:s12] =	ssyncset.done $0x0  }
0x264: {  	[sflag:s12] =	ssyncadd.s32 $0xFFFF8000  }
0x265: {  	[spmem:s2] =	stream.indirect.scatter.add.f32 [tilespmem:s11], [sflag:$0x2], $0x40, s20, s10, $0xb8;
	[tilespmem:$0x19800] =	vst v63  }
0x266: {  	_ =	swait.ge [sflag:s4], $0x8000  }
0x267: {  	[sflag:s4] =	ssyncset.done $0x0  }
0x268: {  	[sflag:s4] =	ssyncadd.s32 $0xFFFF8000  }
0x269: {  	[tilespmem:s11], [sflag:$0x1] =	stream.indirect.gather [hbm4b:s14+s10], $0x40, s21, s10, $0xb8;
	[tilespmem:$0x19800] =	vst v63  }
0x26a: {  	_ =	swait.ge [sflag:s12], $0x8000  }
0x26b: {  	[sflag:s12] =	ssyncset.done $0x0  }
0x26c: {  	[sflag:s12] =	ssyncadd.s32 $0xFFFF8000  }
0x26d: {  	[spmem:s2] =	stream.indirect.scatter.add.f32 [tilespmem:s11], [sflag:$0x2], $0x40, s22, s10, $0xb8;
	[tilespmem:$0x19800] =	vst v63  }
0x26e: {  	_ =	swait.ge [sflag:s4], $0x8000  }
0x26f: {  	[sflag:s4] =	ssyncset.done $0x0  }
0x270: {  	[sflag:s4] =	ssyncadd.s32 $0xFFFF8000  }
0x271: {  	[tilespmem:s11], [sflag:$0x1] =	stream.indirect.gather [hbm4b:s14+s10], $0x40, s23, s10, $0xb8;
	[tilespmem:$0x19800] =	vst v63  }
0x272: {  	_ =	swait.ge [sflag:s12], $0x8000  }
0x273: {  	[sflag:s12] =	ssyncset.done $0x0  }
0x274: {  	[sflag:s12] =	ssyncadd.s32 $0xFFFF8000  }
0x275: {  	[spmem:s2] =	stream.indirect.scatter.add.f32 [tilespmem:s11], [sflag:$0x2], $0x40, s24, s10, $0xb8;
	[tilespmem:$0x19800] =	vst v63  }
0x276: {  	_ =	swait.ge [sflag:s4], $0x8000  }
0x277: {  	[sflag:s4] =	ssyncset.done $0x0  }
0x278: {  	[sflag:s4] =	ssyncadd.s32 $0xFFFF8000  }
0x279: {  	[tilespmem:s11], [sflag:$0x1] =	stream.indirect.gather [hbm4b:s14+s10], $0x40, s25, s10, $0xb8;
	[tilespmem:$0x19800] =	vst v63  }
0x27a: {  	_ =	swait.ge [sflag:s12], $0x8000  }
0x27b: {  	[sflag:s12] =	ssyncset.done $0x0  }
0x27c: {  	[sflag:s12] =	ssyncadd.s32 $0xFFFF8000  }
0x27d: {  	[spmem:s2] =	stream.indirect.scatter.add.f32 [tilespmem:s11], [sflag:$0x2], $0x40, s26, s10, $0xb8;
	[tilespmem:$0x19800] =	vst v63  }
0x27e: {  	_ =	swait.ge [sflag:s4], $0x8000  }
0x27f: {  	[sflag:s4] =	ssyncset.done $0x0  }
0x280: {  	[sflag:s4] =	ssyncadd.s32 $0xFFFF8000  }
0x281: {  	[tilespmem:s11], [sflag:$0x1] =	stream.indirect.gather [hbm4b:s14+s10], $0x40, s28, s10, $0xb8;
	[tilespmem:$0x19800] =	vst v63  }
0x282: {  	_ =	swait.ge [sflag:s12], $0x8000  }
0x283: {  	[sflag:s12] =	ssyncset.done $0x0  }
0x284: {  	[sflag:s12] =	ssyncadd.s32 $0xFFFF8000  }
0x285: {  	[spmem:s2] =	stream.indirect.scatter.add.f32 [tilespmem:s11], [sflag:$0x2], $0x40, s29, s10, $0xb8;
	[tilespmem:$0x19800] =	vst v63  }
0x286: {  	_ =	swait.ge [sflag:s4], $0x8000  }
0x287: {  	[sflag:s4] =	ssyncset.done $0x0  }
0x288: {  	[sflag:s4] =	ssyncadd.s32 $0xFFFF8000  }
0x289: {  	[tilespmem:s11], [sflag:$0x1] =	stream.indirect.gather [hbm4b:s14+s10], $0x40, s30, s10, $0xb8;
	[tilespmem:$0x19800] =	vst v63  }
0x28a: {  	_ =	swait.ge [sflag:s12], $0x8000  }
0x28b: {  	[sflag:s12] =	ssyncset.done $0x0  }
0x28c: {  	[sflag:s12] =	ssyncadd.s32 $0xFFFF8000  }
0x28d: {  	[spmem:s2] =	stream.indirect.scatter.add.f32 [tilespmem:s11], [sflag:$0x2], $0x40, s31, s10, $0xb8;
	[tilespmem:$0x19800] =	vst v63  }
0x28e: {  	_ =	swait.ge [sflag:s4], $0x8000  }
0x28f: {  	[sflag:s4] =	ssyncset.done $0x0  }
0x290: {  	[sflag:s4] =	ssyncadd.s32 $0xFFFF8000  }
0x291: {  	p0 =	sne.s32 s1, $0x1;
	[bflag:$0x0] =	sbarrier.arrive $0xFFFF  }
.Ltmp1:
0x292: {  	s0 =	rddreg [dreg:$0x7];
	(pc) =	sbr.rel @p0 .LBB2_1-.Ltmp1, $4  }
0x293: {  	[hbm:s0], [sflag:s7] =	dma.local [spmem:s8], $0x1400  }
0x294: {  	_ =	swait.ge [sflag:s4], $0x1400  }
0x295: {  	[sflag:s4] =	ssyncset.done $0x0  }
0x296: {  	s1 =	sadd.s32 $0xFFFFFFFF, s1;
	[sflag:s4] =	ssyncadd.s32 $0xFFFFEC00  }
.LBB2_2:
0x297: {  	[bflag:$0x0] =	sbarrier.arrive $0xFFFF  }
0x298: {  	_ =	sfence.sel $0x180000  }
0x299: {  	[bflag:$0x0] =	sbarrier.arrive $0xFFFF  }
0x29a: {  	_ =	strace $0x9000004D  }
0x29b: {  	s0 =	stileid.u32;
	[bflag:$0x2] =	sbarrier.arrive $0xFFFF  }
0x29c: {  	p0 =	sne.s32 s0, $0x0;
	s0 =	rddreg [dreg:$0x2]  }
0x29d: {  	s0 =	sadd.s32 @!p0 $0x100000, s0  }
0x29e: {  	[sflag:s0] =	ssyncadd.tile.s32 @!p0 $0x1;
	_ =	shalt  }
.Lfunc_end2:
_tile_overlayer_lowered:
.L_overlay_start_2:
0x29f: {  	(tag) =	ssettag $0x2  }
0x2a0: {  	s0 =	rddreg [dreg:$0x0];
	s2 =	stileid.u32  }
0x2a1: {  	s1 =	rddreg [dreg:$0x1];
	p0 =	sne.s32 s2, $0x0  }
0x2a2: {  	s3 =	rddreg [dreg:$0x2];
	[bflag:$0x3] =	sbarrier.arrive $0xFFFF;
	s2 =	simm.s32 @!p0 $0x1C02  }
0x2a3: {  	[timem:s3], [sflag:s2] =	dma.local @!p0 [hbm:s0], s1  }
0x2a4: {  	s0 =	simm.s32 @!p0 $0x2  }
0x2a5: {  	_ =	swait.ge @!p0 [sflag:s0], s1  }
0x2a6: {  	s1 =	ssub.s32 @!p0 $0x0, s1;
	[sflag:s0] =	ssyncset.done @!p0 $0x0  }
0x2a7: {  	[sflag:s0] =	ssyncadd.s32 @!p0 s1  }
0x2a8: {  	[bflag:$0x3] =	sbarrier.arrive $0xFFFF  }
0x2a9: {  	_ =	shalt  }

// kernel: kernel.21.cloned.1.call-start
scs
__scs_entry_jumppad:
0x0: {  	(pc) =	sbr.rel $0x88, $3  }
0x1: {  	(tag) =	ssettag $0x0;
	lr =	simm.s32 $0x1  }
0x2: {  	[smem:$0x3F8B] =	sst lr;
	_ =	strace $0xD0000000  }
0x3: {  	_ = 	snop  }
0x4: {  	_ = 	snop  }
0x5: {  	_ = 	snop  }
0x6: {  	_ = 	snop  }
0x7: {  	_ = 	snop  }
__scs_overlays_trampoline_lowered:
0x8: {  	[smem:$0x3F9A] =	sst s0  }
0x9: {  	[smem:$0x3F9B] =	sst s1  }
0xa: {  	[smem:$0x3F9C] =	sst s2  }
0xb: {  	[smem:$0x3F9D] =	sst s3  }
0xc: {  	[smem:$0x3F9E] =	sst s4  }
0xd: {  	[smem:$0x3F9F] =	sst s5  }
0xe: {  	[smem:$0x3FA0] =	sst s6  }
0xf: {  	[smem:$0x3FA1] =	sst s7  }
0x10: {  	[smem:$0x3FA2] =	sst s8  }
0x11: {  	[smem:$0x3FA3] =	sst s9;
	s0 =	simm.s32 @!p0 $0x0  }
0x12: {  	s1 =	sld [smem:$0x3F89];
	s0 =	simm.s32 @p0 $0x1  }
0x13: {  	[smem:$0x3FA4] =	sst s0;
	s0 =	simm.s32 @!p1 $0x0  }
0x14: {  	s2 =	sld [smem:$0x3F88];
	s0 =	simm.s32 @p1 $0x1  }
0x15: {  	[smem:$0x3FA5] =	sst s0;
	s0 =	simm.s32 @!p2 $0x0  }
0x16: {  	s3 =	sld [smem:$0x3FDB];
	s0 =	simm.s32 @p2 $0x1  }
0x17: {  	s4 =	simm.s32 $0x1BF5;
	[smem:$0x3FA7] =	sst s0  }
0x18: {  	s0 =	sld [smem:$0x3F8A];
	_ =	swait.ge [sflag:s4], $0x0  }
0x19: {  	s7 =	sld [smem:$0x3F8B]  }
0x1a: {  	s8 =	sadd.s32 $0xFFFFE003, lr  }
0x1b: {  	s9 =	sadd.s32 $0xFFFFFEF7, lr;
	s5 =	simm.s32 $0xFFFFFFFF;
	p2 =	slt.u32 s8, $0xFFFFF086  }
0x1c: {  	p1 =	slt.u32 s9, $0xF7A;
	s5 =	simm.s32 @!p2 $0x0  }
0x1d: {  	s5 =	simm.s32 @p1 $0x1;
	p0 =	seq.s32 s7, s2  }
0x1e: {  	s7 =	smul.u32 @!p0 $0xF7A, s2;
	p2 =	seq.s32 @!p0 s5, $0x0  }
0x1f: {  	s9 =	smul.u32 $0xF7A, s1;
	s8 =	simm.s32 @!p0 $0x1BF5;
	p2 =	por !p2, p0  }
0x20: {  	[sflag:s8] =	ssyncset.s32 @!p0 $0xFFFFF086;
	s6 =	sadd.s32 @!p0 s3, s7;
	s7 =	simm.s32 @!p0 $0x108  }
0x21: {  	s3 =	sadd.s32 s3, s9;
	s6 =	sadd.s32 @!p0 $0x88, s6;
	s7 =	simm.s32 @p2 $0x1082  }
0x22: {  	[simem:s7], [sflag:s8] =	dma.local @!p0 [hbm:s6], $0xF7A  }
0x23: {  	s9 =	sor.u32 $0xD0000000, s2;
	s6 =	simm.s32 $0x108;
	_ =	swait.ge @!p0 [sflag:s8], $0x0  }
0x24: {  	s3 =	sadd.s32 $0x88, s3;
	s6 =	simm.s32 @!p1 $0x1082;
	[sflag:s4] =	ssyncset.s32 $0xFFFFF086  }
0x25: {  	[simem:s6], [sflag:s4] =	dma.local [hbm:s3], $0xF7A  }
0x26: {  	[smem:$0x3F8B] =	sst s1;
	(tag) =	ssettag s2;
	_ =	strace s9  }
0x27: {  	s1 =	sld [smem:$0x3F9B]  }
0x28: {  	s2 =	sld [smem:$0x3F9C]  }
0x29: {  	s4 =	sld [smem:$0x3F9E]  }
0x2a: {  	p0 =	seq.s32 s5, $0x0;
	s5 =	sld [smem:$0x3F9F]  }
0x2b: {  	s6 =	sld [smem:$0x3FA0]  }
0x2c: {  	s7 =	sld [smem:$0x3FA1]  }
0x2d: {  	s3 =	simm.s32 $0x108;
	s8 =	sld [smem:$0x3FA2]  }
0x2e: {  	s3 =	simm.s32 @!p0 $0x1082;
	s9 =	sld [smem:$0x3FA3]  }
0x2f: {  	lr =	sadd.s32 s0, s3;
	s0 =	sld [smem:$0x3F9A]  }
0x30: {  	s3 =	sld [smem:$0x3F9D]  }
0x31: {  	[smem:$0x3FA6] =	sst s10  }
0x32: {  	s10 =	sld [smem:$0x3FA4];
	_ =	sdelay $0x3  }
0x33: {  	p0 =	seq.s32 s10, $0x1;
	s10 =	sld [smem:$0x3FA6];
	_ =	sdelay $0x3  }
0x34: {  	[smem:$0x3FA6] =	sst s10  }
0x35: {  	s10 =	sld [smem:$0x3FA5];
	_ =	sdelay $0x3  }
0x36: {  	p1 =	seq.s32 s10, $0x1;
	s10 =	sld [smem:$0x3FA6];
	_ =	sdelay $0x3  }
0x37: {  	[smem:$0x3FA6] =	sst s10  }
0x38: {  	s10 =	sld [smem:$0x3FA7]  }
0x39: {  	_ = 	snop;
	(pc) =	sbr.ind lr, $3  }
0x3a: {  	_ = 	snop  }
0x3b: {  	_ = 	snop  }
0x3c: {  	p2 =	seq.s32 s10, $0x1;
	s10 =	sld [smem:$0x3FA6]  }
0x3d: {  	_ =	shalt  }
0x3e: {  	_ =	shalt  }
0x3f: {  	_ =	shalt  }
0x40: {  	_ =	shalt  }
0x41: {  	_ =	shalt  }
0x42: {  	_ =	shalt  }
0x43: {  	_ =	shalt  }
0x44: {  	_ =	shalt  }
0x45: {  	_ =	shalt  }
0x46: {  	_ =	shalt  }
0x47: {  	_ =	shalt  }
0x48: {  	_ =	shalt  }
0x49: {  	_ =	shalt  }
0x4a: {  	_ =	shalt  }
0x4b: {  	_ =	shalt  }
0x4c: {  	_ =	shalt  }
0x4d: {  	_ =	shalt  }
0x4e: {  	_ =	shalt  }
0x4f: {  	_ =	shalt  }
0x50: {  	_ =	shalt  }
0x51: {  	_ =	shalt  }
0x52: {  	_ =	shalt  }
0x53: {  	_ =	shalt  }
0x54: {  	_ =	shalt  }
0x55: {  	_ =	shalt  }
0x56: {  	_ =	shalt  }
0x57: {  	_ =	shalt  }
0x58: {  	_ =	shalt  }
0x59: {  	_ =	shalt  }
0x5a: {  	_ =	shalt  }
0x5b: {  	_ =	shalt  }
0x5c: {  	_ =	shalt  }
0x5d: {  	_ =	shalt  }
0x5e: {  	_ =	shalt  }
0x5f: {  	_ =	shalt  }
0x60: {  	_ =	shalt  }
0x61: {  	_ =	shalt  }
0x62: {  	_ =	shalt  }
0x63: {  	_ =	shalt  }
0x64: {  	_ =	shalt  }
0x65: {  	_ =	shalt  }
0x66: {  	_ =	shalt  }
0x67: {  	_ =	shalt  }
0x68: {  	_ =	shalt  }
0x69: {  	_ =	shalt  }
0x6a: {  	_ =	shalt  }
0x6b: {  	_ =	shalt  }
0x6c: {  	_ =	shalt  }
0x6d: {  	_ =	shalt  }
0x6e: {  	_ =	shalt  }
0x6f: {  	_ =	shalt  }
0x70: {  	_ =	shalt  }
0x71: {  	_ =	shalt  }
0x72: {  	_ =	shalt  }
0x73: {  	_ =	shalt  }
0x74: {  	_ =	shalt  }
0x75: {  	_ =	shalt  }
0x76: {  	_ =	shalt  }
0x77: {  	_ =	shalt  }
0x78: {  	_ =	shalt  }
0x79: {  	_ =	shalt  }
0x7a: {  	_ =	shalt  }
0x7b: {  	_ =	shalt  }
0x7c: {  	_ =	shalt  }
0x7d: {  	_ =	shalt  }
0x7e: {  	_ =	shalt  }
0x7f: {  	_ =	shalt  }
0x80: {  	_ =	shalt  }
0x81: {  	_ =	shalt  }
0x82: {  	_ =	shalt  }
0x83: {  	_ =	shalt  }
0x84: {  	_ =	shalt  }
0x85: {  	_ =	shalt  }
0x86: {  	_ =	shalt  }
0x87: {  	_ =	shalt  }
.Lfunc_end0:
.L_simem_size_0:
called_computation.3_lowered:
.L_overlay_start_0:
0x88: {  	s2 =	sld [smem:$0x3FD9]  }
0x89: {  	s3 =	sld [smem:$0x3FFE];
	_ =	sdelay $0x1  }
0x8a: {  	s1 =	srdreg.scid  }
0x8b: {  	s0 =	sand.u32 $0x1, s1  }
0x8c: {  	s16 =	sshll.u32 s0, $0xA;
	s2 =	sadd.s32 s3, s2  }
0x8d: {  	s2 =	sadd.s32 s2, s16  }
0x8e: {  	[smem:$0x3FB2] =	sst s2  }
0x8f: {  	_ = 	snop  }
0x90: {  	(tm) =	ssettm $0x1  }
0x91: {  	s17 =	sld [smem:$0x3FFB];
	_ =	sdelay $0x3  }
0x92: {  	_ =	strace s17  }
0x93: {  	s2 =	sld [smem:$0x3FFC];
	_ =	sdelay $0x3  }
0x94: {  	_ =	strace s2  }
0x95: {  	s2 =	sld [smem:$0x3FFD];
	_ =	sdelay $0x3  }
0x96: {  	_ =	strace s2  }
0x97: {  	_ =	strace $0x8FFFFFFF  }
0x98: {  	s18 =	sld [smem:$0x3FDB];
	_ =	sdelay $0x1  }
0x99: {  	s19 =	simm.s32 $_scs_section_size  }
0x9a: {  	s4 =	simm.s32 $_size__tile_overlayer_lowered;
	s5 =	simm.s32 $_tile_overlayer_lowered  }
0x9b: {  	s22 =	simm.s32 $0x1BFF;
	s21 =	sshll.u32 s5, $0x1;
	s2 =	sadd.s32 s19, s18  }
0x9c: {  	s6 =	simm.s32 $0x0;
	s20 =	sshll.u32 s4, $0x1;
	s4 =	sadd.s32 s21, s2  }
0x9d: {  	[timem:s6], [sflag:s22] =	dma.local [hbm:s4], s20  }
0x9e: {  	_ =	swait.ge [sflag:s22], s20  }
0x9f: {  	s3 =	ssub.s32 $0x0, s20;
	[sflag:s22] =	ssyncset.done $0x0  }
0xa0: {  	[sflag:s22] =	ssyncadd.s32 s3;
	_ =	sdelay $0x1  }
0xa1: {  	s23 =	simm.s32 $0x1B8B  }
0xa2: {  	_ =	swait.ge [sflag:s23], $0x1  }
0xa3: {  	[sflag:s23] =	ssyncset.done $0x0  }
0xa4: {  	s25 =	simm.s32 $0x1B8E;
	s24 =	sld [smem:$0x3FFE];
	[sflag:s23] =	ssyncadd.s32 $0xFFFFFFFF  }
0xa5: {  	s26 =	simm.s32 $execute0_lowered;
	[smem:$0x3FD2] =	sst s25  }
0xa6: {  	s4 =	sshll.u32 s26, $0x1;
	_ =	strace $0x8000004F;
	[dreg:$0x1] =	wrdreg $0xFFFFFFFF  }
0xa7: {  	s28 =	simm.s32 $_size_execute0_lowered;
	s2 =	sadd.s32 s2, s4;
	[dreg:$0x0] =	wrdreg $0x0  }
0xa8: {  	s4 =	sshll.u32 s28, $0x1;
	[dreg:$0x2] =	wrdreg s2  }
0xa9: {  	[dreg:$0x3] =	wrdreg s4  }
0xaa: {  	[dreg:$0x4] =	wrdreg $0xC0  }
0xab: {  	_ =	task [dreg:s6], $0x5FFFF  }
0xac: {  	[dreg:$0x1] =	wrdreg $0xFFFFFFFF  }
0xad: {  	[dreg:$0x0] =	wrdreg $0x60  }
0xae: {  	[dreg:$0x2] =	wrdreg s24  }
0xaf: {  	[dreg:$0x3] =	wrdreg $0xF8000  }
0xb0: {  	[dreg:$0x4] =	wrdreg $0x9  }
0xb1: {  	_ =	task.clear_ibuf [dreg:s6], $0x5FFFF;
	_ =	strace $0x9000004F  }
0xb2: {  	s29 =	simm.s32 $0x9;
	_ =	strace $0x80000051  }
0xb3: {  	_ =	swait.ge [sflag:s29], $0x1  }
0xb4: {  	[sflag:s29] =	ssyncadd.s32 $0xFFFFFFFF  }
0xb5: {  	_ =	strace $0x90000051  }
0xb6: {  	_ =	sfence  }
0xb7: {  	s30 =	sld [smem:$0x0];
	_ =	sdelay $0x2  }
0xb8: {  	s31 =	sshll.u32 s1, $0xD;
	s1 =	sshrl.u32 s1, $0x2  }
0xb9: {  	s3 =	sand.u32 $0x4000, s31;
	s1 =	sadd.s32 s1, s30  }
0xba: {  	s0 =	sor.u32 s3, s0;
	s1 =	sshll.u32 s1, $0x11  }
0xbb: {  	s0 =	sor.u32 s1, s0  }
0xbc: {  	s0 =	sadd.s32 $0x8F2B, s0  }
0xbd: {  	[sflag:s0] =	ssyncadd.remote.s32 $0x1  }
0xbe: {  	_ =	sfence.sel $0xFFFF  }
0xbf: {  	[dreg:$0x0] =	wrdreg $0xFFFFFFFF;
	(pc) =	sbr.abs _section_cstart, $3  }
0xc0: {  	[dreg:$0x1] =	wrdreg $0xFFFFFFFF  }
0xc1: {  	_ =	task.clear_ibuf [dreg:s6], $0x2FFFF;
	_ =	strace $0x9FFFFFFF  }
0xc2: {  	(tm) =	ssettm $0x7FFFFFFF  }
0xc3: {  	_ =	shalt  }
tec
execute0_lowered:
.L_overlay_start_1:
0x0: {  	(tag) =	ssettag $0x1  }
0x1: {  	s0 =	srdreg.scid  }
0x2: {  	s14 =	rddreg [dreg:$0x0];
	s1 =	sand.u32 $0x1, s0  }
0x3: {  	s3 =	simm.s32 $0x0;
	s0 =	stileid.u32;
	s2 =	sshll.u32 s1, $0x4  }
0x4: {  	[smem:$0x7FF] =	sst s3;
	s2 =	sor.u32 s0, s2  }
0x5: {  	s17 =	simm.s32 $0x3E00;
	s4 =	smul.u32 $0x780, s2;
	s2 =	rddreg [dreg:$0x1]  }
0x6: {  	s18 =	simm.s32 $0x400;
	_ =	strace $0x80000050;
	[dreg:$0x8] =	wrdreg s17  }
0x7: {  	s19 =	simm.s32 $0x4000;
	[dreg:$0x9] =	wrdreg s18  }
0x8: {  	s20 =	simm.s32 $0x600;
	[dreg:$0xa] =	wrdreg s19  }
0x9: {  	s21 =	simm.s32 $0x4200;
	[dreg:$0xb] =	wrdreg s20  }
0xa: {  	s22 =	simm.s32 $0x800;
	[dreg:$0xc] =	wrdreg s21  }
0xb: {  	s23 =	simm.s32 $0x4400;
	[dreg:$0xd] =	wrdreg s22  }
0xc: {  	s24 =	simm.s32 $0xA00;
	[dreg:$0xe] =	wrdreg s23  }
0xd: {  	s25 =	simm.s32 $0x4600;
	[dreg:$0xf] =	wrdreg s24  }
0xe: {  	s26 =	simm.s32 $0xC00;
	[dreg:$0x10] =	wrdreg s25  }
0xf: {  	s8 =	simm.s32 $0x4A00;
	[dreg:$0x11] =	wrdreg s26  }
0x10: {  	s9 =	simm.s32 $0x1000;
	[dreg:$0x14] =	wrdreg s8  }
0x11: {  	s10 =	simm.s32 $0x4C00;
	[dreg:$0x15] =	wrdreg s9  }
0x12: {  	s11 =	simm.s32 $0x1200;
	[dreg:$0x16] =	wrdreg s10  }
0x13: {  	s12 =	simm.s32 $0x4E00;
	[dreg:$0x17] =	wrdreg s11  }
0x14: {  	[dreg:$0x18] =	wrdreg s12;
	s17 =	simm.s32 $0x5200  }
0x15: {  	s18 =	simm.s32 $0x1800;
	[dreg:$0x1c] =	wrdreg s17  }
0x16: {  	s19 =	simm.s32 $0x5400;
	[dreg:$0x1d] =	wrdreg s18  }
0x17: {  	s20 =	simm.s32 $0x1A00;
	[dreg:$0x1e] =	wrdreg s19  }
0x18: {  	s21 =	simm.s32 $0x5600;
	[dreg:$0x1f] =	wrdreg s20  }
0x19: {  	s22 =	simm.s32 $0x1C00;
	[smem:$0x7EC] =	sst s21  }
0x1a: {  	s23 =	simm.s32 $0x5800;
	[smem:$0x7ED] =	sst s22  }
0x1b: {  	s24 =	simm.s32 $0x1E00;
	[smem:$0x7EE] =	sst s23  }
0x1c: {  	s25 =	simm.s32 $0x5A00;
	[smem:$0x7EF] =	sst s24  }
0x1d: {  	s26 =	simm.s32 $0x2000;
	[smem:$0x7F0] =	sst s25  }
0x1e: {  	s8 =	simm.s32 $0x5E00;
	[smem:$0x7F1] =	sst s26  }
0x1f: {  	s6 =	smul.u32 $0xA000, s0;
	s9 =	simm.s32 $0x2400;
	[smem:$0x7F4] =	sst s8  }
0x20: {  	s5 =	smul.u32 $0xA0000, s1;
	s10 =	simm.s32 $0x6000;
	[smem:$0x7F5] =	sst s9  }
0x21: {  	s11 =	simm.s32 $0x2600;
	[smem:$0x7F6] =	sst s10  }
0x22: {  	s5 =	sadd.s32 s6, s5;
	s12 =	simm.s32 $0x6200;
	[smem:$0x7F7] =	sst s11  }
0x23: {  	[smem:$0x7F8] =	sst s12;
	s18 =	simm.s32 $0x6600;
	s4 =	sadd.s32 s4, s14  }
0x24: {  	s5 =	sshrl.u32 s5, $0x3;
	[smem:$0x7FC] =	sst s18;
	s7 =	sadd.s32 $0x61A00, s4  }
0x25: {  	s5 =	sadd.s32 s5, s14;
	s4 =	sadd.s32 $0x70A00, s4;
	[dreg:$0x3] =	wrdreg s7  }
0x26: {  	s13 =	sadd.s32 $0x25FA00, s5;
	[dreg:$0x4] =	wrdreg s4  }
0x27: {  	s15 =	sadd.s32 $0x287A00, s5;
	[dreg:$0x5] =	wrdreg s13  }
0x28: {  	s16 =	sadd.s32 $0x2AFA00, s5;
	[dreg:$0x6] =	wrdreg s15  }
0x29: {  	s5 =	simm.s32 $0x4800;
	[dreg:$0x7] =	wrdreg s16  }
0x2a: {  	[dreg:$0x12] =	wrdreg s5;
	s7 =	simm.s32 $0xE00  }
0x2b: {  	s13 =	simm.s32 $0x1400;
	[dreg:$0x13] =	wrdreg s7  }
0x2c: {  	s15 =	simm.s32 $0x5000;
	[dreg:$0x19] =	wrdreg s13  }
0x2d: {  	s16 =	simm.s32 $0x1600;
	[dreg:$0x1a] =	wrdreg s15  }
0x2e: {  	s5 =	simm.s32 $0x5C00;
	[dreg:$0x1b] =	wrdreg s16  }
0x2f: {  	[smem:$0x7F2] =	sst s5  }
0x30: {  	s7 =	simm.s32 $0x2200;
	s17 =	rddreg [dreg:$0x3]  }
0x31: {  	s13 =	simm.s32 $0x2800;
	[smem:$0x7F3] =	sst s7  }
0x32: {  	s15 =	simm.s32 $0x6400;
	[smem:$0x7F9] =	sst s13  }
0x33: {  	s16 =	simm.s32 $0x2A00;
	[smem:$0x7FA] =	sst s15  }
0x34: {  	s4 =	simm.s32 $0x2;
	[smem:$0x7FB] =	sst s16  }
0x35: {  	[tilespmem:s3], [sflag:$0x2] =	stream.linear.gather [hbm4b:s17+s3], $0x3C00, $0x38;
	[tilespmem:$0x19800] =	vst v63  }
0x36: {  	_ =	swait.ge [sflag:s4], $0x3C00  }
0x37: {  	s8 =	sshrl.u32 s6, $0x3;
	[sflag:s4] =	ssyncset.done $0x0  }
0x38: {  	s5 =	simm.s32 $0x3C00;
	s19 =	rddreg [dreg:$0x4];
	[sflag:s4] =	ssyncadd.s32 $0xFFFFC400  }
0x39: {  	[tilespmem:s5], [sflag:$0x2] =	stream.linear.gather [hbm4b:s19+s3], $0x3C00, $0x38;
	[tilespmem:$0x19800] =	vst v63  }
0x3a: {  	s21 =	sadd.s32 s6, s2;
	s22 =	sshll.u32 s0, $0x6;
	_ =	swait.ge [sflag:s4], $0x3C00  }
0x3b: {  	s20 =	sadd.s32 s8, s14;
	s8 =	sshrl.u32 s21, $0x3;
	[sflag:s4] =	ssyncset.done $0x0  }
0x3c: {  	s6 =	sadd.s32 $0x2A00, s20;
	s7 =	sor.u32 $0x1C02, s22;
	[sflag:s4] =	ssyncadd.s32 $0xFFFFC400  }
0x3d: {  	[spmem:s8], [sflag:s7] =	dma.local [hbm:s6], $0x1400  }
0x3e: {  	_ =	swait.ge [sflag:s4], $0x1400  }
0x3f: {  	[sflag:s4] =	ssyncset.done $0x0  }
0x40: {  	s9 =	sadd.s32 $0x16A00, s14;
	s10 =	simm.s32 $0x200;
	[sflag:s4] =	ssyncadd.s32 $0xFFFFEC00  }
0x41: {  	s11 =	simm.s32 $0x7800;
	s12 =	simm.s32 $0x1;
	[bflag:$0x0] =	sbarrier.arrive $0xFFFF  }
0x42: {  	[tilespmem:s11], [sflag:$0x1] =	stream.indirect.gather [hbm4b:s9+s10], $0x40, s3, s10, $0xb8;
	[tilespmem:$0x19800] =	vst v63  }
0x43: {  	_ =	swait.ge [sflag:s12], $0x8000  }
0x44: {  	[sflag:s12] =	ssyncset.done $0x0  }
0x45: {  	[sflag:s12] =	ssyncadd.s32 $0xFFFF8000  }
0x46: {  	[spmem:s2] =	stream.indirect.scatter.add.f32 [tilespmem:s11], [sflag:$0x2], $0x40, s5, s10, $0xb8;
	[tilespmem:$0x19800] =	vst v63  }
0x47: {  	_ =	swait.ge [sflag:s4], $0x8000  }
0x48: {  	[sflag:s4] =	ssyncset.done $0x0  }
0x49: {  	[sflag:s4] =	ssyncadd.s32 $0xFFFF8000  }
0x4a: {  	[tilespmem:s11], [sflag:$0x1] =	stream.indirect.gather [hbm4b:s9+s10], $0x40, s10, s10, $0xb8;
	[tilespmem:$0x19800] =	vst v63  }
0x4b: {  	_ =	swait.ge [sflag:s12], $0x8000  }
0x4c: {  	[sflag:s12] =	ssyncset.done $0x0  }
0x4d: {  	s13 =	rddreg [dreg:$0x8];
	[sflag:s12] =	ssyncadd.s32 $0xFFFF8000  }
0x4e: {  	[spmem:s2] =	stream.indirect.scatter.add.f32 [tilespmem:s11], [sflag:$0x2], $0x40, s13, s10, $0xb8;
	[tilespmem:$0x19800] =	vst v63  }
0x4f: {  	_ =	swait.ge [sflag:s4], $0x8000  }
0x50: {  	[sflag:s4] =	ssyncset.done $0x0  }
0x51: {  	s23 =	rddreg [dreg:$0x9];
	[sflag:s4] =	ssyncadd.s32 $0xFFFF8000  }
0x52: {  	[tilespmem:s11], [sflag:$0x1] =	stream.indirect.gather [hbm4b:s9+s10], $0x40, s23, s10, $0xb8;
	[tilespmem:$0x19800] =	vst v63  }
0x53: {  	_ =	swait.ge [sflag:s12], $0x8000  }
0x54: {  	[sflag:s12] =	ssyncset.done $0x0  }
0x55: {  	s24 =	rddreg [dreg:$0xa];
	[sflag:s12] =	ssyncadd.s32 $0xFFFF8000  }
0x56: {  	[spmem:s2] =	stream.indirect.scatter.add.f32 [tilespmem:s11], [sflag:$0x2], $0x40, s24, s10, $0xb8;
	[tilespmem:$0x19800] =	vst v63  }
0x57: {  	_ =	swait.ge [sflag:s4], $0x8000  }
0x58: {  	[sflag:s4] =	ssyncset.done $0x0  }
0x59: {  	s25 =	rddreg [dreg:$0xb];
	[sflag:s4] =	ssyncadd.s32 $0xFFFF8000  }
0x5a: {  	[tilespmem:s11], [sflag:$0x1] =	stream.indirect.gather [hbm4b:s9+s10], $0x40, s25, s10, $0xb8;
	[tilespmem:$0x19800] =	vst v63  }
0x5b: {  	_ =	swait.ge [sflag:s12], $0x8000  }
0x5c: {  	[sflag:s12] =	ssyncset.done $0x0  }
0x5d: {  	s26 =	rddreg [dreg:$0xc];
	[sflag:s12] =	ssyncadd.s32 $0xFFFF8000  }
0x5e: {  	[spmem:s2] =	stream.indirect.scatter.add.f32 [tilespmem:s11], [sflag:$0x2], $0x40, s26, s10, $0xb8;
	[tilespmem:$0x19800] =	vst v63  }
0x5f: {  	_ =	swait.ge [sflag:s4], $0x8000  }
0x60: {  	[sflag:s4] =	ssyncset.done $0x0  }
0x61: {  	s0 =	rddreg [dreg:$0xd];
	[sflag:s4] =	ssyncadd.s32 $0xFFFF8000  }
0x62: {  	[tilespmem:s11], [sflag:$0x1] =	stream.indirect.gather [hbm4b:s9+s10], $0x40, s0, s10, $0xb8;
	[tilespmem:$0x19800] =	vst v63  }
0x63: {  	_ =	swait.ge [sflag:s12], $0x8000  }
0x64: {  	[sflag:s12] =	ssyncset.done $0x0  }
0x65: {  	s15 =	rddreg [dreg:$0xe];
	[sflag:s12] =	ssyncadd.s32 $0xFFFF8000  }
0x66: {  	[spmem:s2] =	stream.indirect.scatter.add.f32 [tilespmem:s11], [sflag:$0x2], $0x40, s15, s10, $0xb8;
	[tilespmem:$0x19800] =	vst v63  }
0x67: {  	_ =	swait.ge [sflag:s4], $0x8000  }
0x68: {  	[sflag:s4] =	ssyncset.done $0x0  }
0x69: {  	s16 =	rddreg [dreg:$0xf];
	[sflag:s4] =	ssyncadd.s32 $0xFFFF8000  }
0x6a: {  	[tilespmem:s11], [sflag:$0x1] =	stream.indirect.gather [hbm4b:s9+s10], $0x40, s16, s10, $0xb8;
	[tilespmem:$0x19800] =	vst v63  }
0x6b: {  	_ =	swait.ge [sflag:s12], $0x8000  }
0x6c: {  	[sflag:s12] =	ssyncset.done $0x0  }
0x6d: {  	s17 =	rddreg [dreg:$0x10];
	[sflag:s12] =	ssyncadd.s32 $0xFFFF8000  }
0x6e: {  	[spmem:s2] =	stream.indirect.scatter.add.f32 [tilespmem:s11], [sflag:$0x2], $0x40, s17, s10, $0xb8;
	[tilespmem:$0x19800] =	vst v63  }
0x6f: {  	_ =	swait.ge [sflag:s4], $0x8000  }
0x70: {  	[sflag:s4] =	ssyncset.done $0x0  }
0x71: {  	s18 =	rddreg [dreg:$0x11];
	[sflag:s4] =	ssyncadd.s32 $0xFFFF8000  }
0x72: {  	[tilespmem:s11], [sflag:$0x1] =	stream.indirect.gather [hbm4b:s9+s10], $0x40, s18, s10, $0xb8;
	[tilespmem:$0x19800] =	vst v63  }
0x73: {  	_ =	swait.ge [sflag:s12], $0x8000  }
0x74: {  	[sflag:s12] =	ssyncset.done $0x0  }
0x75: {  	s19 =	rddreg [dreg:$0x12];
	[sflag:s12] =	ssyncadd.s32 $0xFFFF8000  }
0x76: {  	[spmem:s2] =	stream.indirect.scatter.add.f32 [tilespmem:s11], [sflag:$0x2], $0x40, s19, s10, $0xb8;
	[tilespmem:$0x19800] =	vst v63  }
0x77: {  	_ =	swait.ge [sflag:s4], $0x8000  }
0x78: {  	[sflag:s4] =	ssyncset.done $0x0  }
0x79: {  	s20 =	rddreg [dreg:$0x13];
	[sflag:s4] =	ssyncadd.s32 $0xFFFF8000  }
0x7a: {  	[tilespmem:s11], [sflag:$0x1] =	stream.indirect.gather [hbm4b:s9+s10], $0x40, s20, s10, $0xb8;
	[tilespmem:$0x19800] =	vst v63  }
0x7b: {  	_ =	swait.ge [sflag:s12], $0x8000  }
0x7c: {  	[sflag:s12] =	ssyncset.done $0x0  }
0x7d: {  	s21 =	rddreg [dreg:$0x14];
	[sflag:s12] =	ssyncadd.s32 $0xFFFF8000  }
0x7e: {  	[spmem:s2] =	stream.indirect.scatter.add.f32 [tilespmem:s11], [sflag:$0x2], $0x40, s21, s10, $0xb8;
	[tilespmem:$0x19800] =	vst v63  }
0x7f: {  	_ =	swait.ge [sflag:s4], $0x8000  }
0x80: {  	[sflag:s4] =	ssyncset.done $0x0  }
0x81: {  	s22 =	rddreg [dreg:$0x15];
	[sflag:s4] =	ssyncadd.s32 $0xFFFF8000  }
0x82: {  	[tilespmem:s11], [sflag:$0x1] =	stream.indirect.gather [hbm4b:s9+s10], $0x40, s22, s10, $0xb8;
	[tilespmem:$0x19800] =	vst v63  }
0x83: {  	_ =	swait.ge [sflag:s12], $0x8000  }
0x84: {  	[sflag:s12] =	ssyncset.done $0x0  }
0x85: {  	s23 =	rddreg [dreg:$0x16];
	[sflag:s12] =	ssyncadd.s32 $0xFFFF8000  }
0x86: {  	[spmem:s2] =	stream.indirect.scatter.add.f32 [tilespmem:s11], [sflag:$0x2], $0x40, s23, s10, $0xb8;
	[tilespmem:$0x19800] =	vst v63  }
0x87: {  	_ =	swait.ge [sflag:s4], $0x8000  }
0x88: {  	[sflag:s4] =	ssyncset.done $0x0  }
0x89: {  	s24 =	rddreg [dreg:$0x17];
	[sflag:s4] =	ssyncadd.s32 $0xFFFF8000  }
0x8a: {  	[tilespmem:s11], [sflag:$0x1] =	stream.indirect.gather [hbm4b:s9+s10], $0x40, s24, s10, $0xb8;
	[tilespmem:$0x19800] =	vst v63  }
0x8b: {  	_ =	swait.ge [sflag:s12], $0x8000  }
0x8c: {  	[sflag:s12] =	ssyncset.done $0x0  }
0x8d: {  	s25 =	rddreg [dreg:$0x18];
	[sflag:s12] =	ssyncadd.s32 $0xFFFF8000  }
0x8e: {  	[spmem:s2] =	stream.indirect.scatter.add.f32 [tilespmem:s11], [sflag:$0x2], $0x40, s25, s10, $0xb8;
	[tilespmem:$0x19800] =	vst v63  }
0x8f: {  	_ =	swait.ge [sflag:s4], $0x8000  }
0x90: {  	[sflag:s4] =	ssyncset.done $0x0  }
0x91: {  	[sflag:s4] =	ssyncadd.s32 $0xFFFF8000  }
0x92: {  	[bflag:$0x0] =	sbarrier.arrive $0xFFFF  }
0x93: {  	s26 =	rddreg [dreg:$0x5]  }
0x94: {  	[hbm:s26], [sflag:s7] =	dma.local [spmem:s8], $0x1400  }
0x95: {  	_ =	swait.ge [sflag:s4], $0x1400  }
0x96: {  	[sflag:s4] =	ssyncset.done $0x0  }
0x97: {  	[sflag:s4] =	ssyncadd.s32 $0xFFFFEC00  }
0x98: {  	[bflag:$0x0] =	sbarrier.arrive $0xFFFF  }
0x99: {  	[spmem:s8], [sflag:s7] =	dma.local [hbm:s6], $0x1400  }
0x9a: {  	_ =	swait.ge [sflag:s4], $0x1400  }
0x9b: {  	[sflag:s4] =	ssyncset.done $0x0  }
0x9c: {  	[sflag:s4] =	ssyncadd.s32 $0xFFFFEC00  }
0x9d: {  	[bflag:$0x0] =	sbarrier.arrive $0xFFFF  }
0x9e: {  	s13 =	sadd.s32 $0x2A280, s14;
	s15 =	rddreg [dreg:$0x19]  }
0x9f: {  	[tilespmem:s11], [sflag:$0x1] =	stream.indirect.gather [hbm4b:s13+s10], $0x40, s15, s10, $0xb8;
	[tilespmem:$0x19800] =	vst v63  }
0xa0: {  	_ =	swait.ge [sflag:s12], $0x8000  }
0xa1: {  	[sflag:s12] =	ssyncset.done $0x0  }
0xa2: {  	s0 =	rddreg [dreg:$0x1a];
	[sflag:s12] =	ssyncadd.s32 $0xFFFF8000  }
0xa3: {  	[spmem:s2] =	stream.indirect.scatter.add.f32 [tilespmem:s11], [sflag:$0x2], $0x40, s0, s10, $0xb8;
	[tilespmem:$0x19800] =	vst v63  }
0xa4: {  	_ =	swait.ge [sflag:s4], $0x8000  }
0xa5: {  	[sflag:s4] =	ssyncset.done $0x0  }
0xa6: {  	s16 =	rddreg [dreg:$0x1b];
	[sflag:s4] =	ssyncadd.s32 $0xFFFF8000  }
0xa7: {  	[tilespmem:s11], [sflag:$0x1] =	stream.indirect.gather [hbm4b:s13+s10], $0x40, s16, s10, $0xb8;
	[tilespmem:$0x19800] =	vst v63  }
0xa8: {  	_ =	swait.ge [sflag:s12], $0x8000  }
0xa9: {  	[sflag:s12] =	ssyncset.done $0x0  }
0xaa: {  	s17 =	rddreg [dreg:$0x1c];
	[sflag:s12] =	ssyncadd.s32 $0xFFFF8000  }
0xab: {  	[spmem:s2] =	stream.indirect.scatter.add.f32 [tilespmem:s11], [sflag:$0x2], $0x40, s17, s10, $0xb8;
	[tilespmem:$0x19800] =	vst v63  }
0xac: {  	_ =	swait.ge [sflag:s4], $0x8000  }
0xad: {  	[sflag:s4] =	ssyncset.done $0x0  }
0xae: {  	s18 =	rddreg [dreg:$0x1d];
	[sflag:s4] =	ssyncadd.s32 $0xFFFF8000  }
0xaf: {  	[tilespmem:s11], [sflag:$0x1] =	stream.indirect.gather [hbm4b:s13+s10], $0x40, s18, s10, $0xb8;
	[tilespmem:$0x19800] =	vst v63  }
0xb0: {  	_ =	swait.ge [sflag:s12], $0x8000  }
0xb1: {  	[sflag:s12] =	ssyncset.done $0x0  }
0xb2: {  	s19 =	rddreg [dreg:$0x1e];
	[sflag:s12] =	ssyncadd.s32 $0xFFFF8000  }
0xb3: {  	[spmem:s2] =	stream.indirect.scatter.add.f32 [tilespmem:s11], [sflag:$0x2], $0x40, s19, s10, $0xb8;
	[tilespmem:$0x19800] =	vst v63  }
0xb4: {  	_ =	swait.ge [sflag:s4], $0x8000  }
0xb5: {  	[sflag:s4] =	ssyncset.done $0x0  }
0xb6: {  	s20 =	rddreg [dreg:$0x1f];
	[sflag:s4] =	ssyncadd.s32 $0xFFFF8000  }
0xb7: {  	[tilespmem:s11], [sflag:$0x1] =	stream.indirect.gather [hbm4b:s13+s10], $0x40, s20, s10, $0xb8;
	[tilespmem:$0x19800] =	vst v63  }
0xb8: {  	_ =	swait.ge [sflag:s12], $0x8000  }
0xb9: {  	s21 =	sld [smem:$0x7EC]  }
0xba: {  	[sflag:s12] =	ssyncset.done $0x0  }
0xbb: {  	[sflag:s12] =	ssyncadd.s32 $0xFFFF8000  }
0xbc: {  	[spmem:s2] =	stream.indirect.scatter.add.f32 [tilespmem:s11], [sflag:$0x2], $0x40, s21, s10, $0xb8;
	[tilespmem:$0x19800] =	vst v63  }
0xbd: {  	_ =	swait.ge [sflag:s4], $0x8000  }
0xbe: {  	s22 =	sld [smem:$0x7ED]  }
0xbf: {  	[sflag:s4] =	ssyncset.done $0x0  }
0xc0: {  	[sflag:s4] =	ssyncadd.s32 $0xFFFF8000  }
0xc1: {  	[tilespmem:s11], [sflag:$0x1] =	stream.indirect.gather [hbm4b:s13+s10], $0x40, s22, s10, $0xb8;
	[tilespmem:$0x19800] =	vst v63  }
0xc2: {  	_ =	swait.ge [sflag:s12], $0x8000  }
0xc3: {  	s23 =	sld [smem:$0x7EE]  }
0xc4: {  	[sflag:s12] =	ssyncset.done $0x0  }
0xc5: {  	[sflag:s12] =	ssyncadd.s32 $0xFFFF8000  }
0xc6: {  	[spmem:s2] =	stream.indirect.scatter.add.f32 [tilespmem:s11], [sflag:$0x2], $0x40, s23, s10, $0xb8;
	[tilespmem:$0x19800] =	vst v63  }
0xc7: {  	_ =	swait.ge [sflag:s4], $0x8000  }
0xc8: {  	s24 =	sld [smem:$0x7EF]  }
0xc9: {  	[sflag:s4] =	ssyncset.done $0x0  }
0xca: {  	[sflag:s4] =	ssyncadd.s32 $0xFFFF8000  }
0xcb: {  	[tilespmem:s11], [sflag:$0x1] =	stream.indirect.gather [hbm4b:s13+s10], $0x40, s24, s10, $0xb8;
	[tilespmem:$0x19800] =	vst v63  }
0xcc: {  	_ =	swait.ge [sflag:s12], $0x8000  }
0xcd: {  	s25 =	sld [smem:$0x7F0]  }
0xce: {  	[sflag:s12] =	ssyncset.done $0x0  }
0xcf: {  	[sflag:s12] =	ssyncadd.s32 $0xFFFF8000  }
0xd0: {  	[spmem:s2] =	stream.indirect.scatter.add.f32 [tilespmem:s11], [sflag:$0x2], $0x40, s25, s10, $0xb8;
	[tilespmem:$0x19800] =	vst v63  }
0xd1: {  	_ =	swait.ge [sflag:s4], $0x8000  }
0xd2: {  	s26 =	sld [smem:$0x7F1]  }
0xd3: {  	[sflag:s4] =	ssyncset.done $0x0  }
0xd4: {  	[sflag:s4] =	ssyncadd.s32 $0xFFFF8000  }
0xd5: {  	[tilespmem:s11], [sflag:$0x1] =	stream.indirect.gather [hbm4b:s13+s10], $0x40, s26, s10, $0xb8;
	[tilespmem:$0x19800] =	vst v63  }
0xd6: {  	_ =	swait.ge [sflag:s12], $0x8000  }
0xd7: {  	s0 =	sld [smem:$0x7F2]  }
0xd8: {  	[sflag:s12] =	ssyncset.done $0x0  }
0xd9: {  	[sflag:s12] =	ssyncadd.s32 $0xFFFF8000  }
0xda: {  	[spmem:s2] =	stream.indirect.scatter.add.f32 [tilespmem:s11], [sflag:$0x2], $0x40, s0, s10, $0xb8;
	[tilespmem:$0x19800] =	vst v63  }
0xdb: {  	_ =	swait.ge [sflag:s4], $0x8000  }
0xdc: {  	s16 =	sld [smem:$0x7F3]  }
0xdd: {  	[sflag:s4] =	ssyncset.done $0x0  }
0xde: {  	[sflag:s4] =	ssyncadd.s32 $0xFFFF8000  }
0xdf: {  	[tilespmem:s11], [sflag:$0x1] =	stream.indirect.gather [hbm4b:s13+s10], $0x40, s16, s10, $0xb8;
	[tilespmem:$0x19800] =	vst v63  }
0xe0: {  	_ =	swait.ge [sflag:s12], $0x8000  }
0xe1: {  	s17 =	sld [smem:$0x7F4]  }
0xe2: {  	[sflag:s12] =	ssyncset.done $0x0  }
0xe3: {  	[sflag:s12] =	ssyncadd.s32 $0xFFFF8000  }
0xe4: {  	[spmem:s2] =	stream.indirect.scatter.add.f32 [tilespmem:s11], [sflag:$0x2], $0x40, s17, s10, $0xb8;
	[tilespmem:$0x19800] =	vst v63  }
0xe5: {  	_ =	swait.ge [sflag:s4], $0x8000  }
0xe6: {  	s18 =	sld [smem:$0x7F5]  }
0xe7: {  	[sflag:s4] =	ssyncset.done $0x0  }
0xe8: {  	[sflag:s4] =	ssyncadd.s32 $0xFFFF8000  }
0xe9: {  	[tilespmem:s11], [sflag:$0x1] =	stream.indirect.gather [hbm4b:s13+s10], $0x40, s18, s10, $0xb8;
	[tilespmem:$0x19800] =	vst v63  }
0xea: {  	_ =	swait.ge [sflag:s12], $0x8000  }
0xeb: {  	s19 =	sld [smem:$0x7F6]  }
0xec: {  	[sflag:s12] =	ssyncset.done $0x0  }
0xed: {  	[sflag:s12] =	ssyncadd.s32 $0xFFFF8000  }
0xee: {  	[spmem:s2] =	stream.indirect.scatter.add.f32 [tilespmem:s11], [sflag:$0x2], $0x40, s19, s10, $0xb8;
	[tilespmem:$0x19800] =	vst v63  }
0xef: {  	_ =	swait.ge [sflag:s4], $0x8000  }
0xf0: {  	s20 =	sld [smem:$0x7F7]  }
0xf1: {  	[sflag:s4] =	ssyncset.done $0x0  }
0xf2: {  	[sflag:s4] =	ssyncadd.s32 $0xFFFF8000  }
0xf3: {  	[tilespmem:s11], [sflag:$0x1] =	stream.indirect.gather [hbm4b:s13+s10], $0x40, s20, s10, $0xb8;
	[tilespmem:$0x19800] =	vst v63  }
0xf4: {  	_ =	swait.ge [sflag:s12], $0x8000  }
0xf5: {  	s21 =	sld [smem:$0x7F8]  }
0xf6: {  	[sflag:s12] =	ssyncset.done $0x0  }
0xf7: {  	[sflag:s12] =	ssyncadd.s32 $0xFFFF8000  }
0xf8: {  	[spmem:s2] =	stream.indirect.scatter.add.f32 [tilespmem:s11], [sflag:$0x2], $0x40, s21, s10, $0xb8;
	[tilespmem:$0x19800] =	vst v63  }
0xf9: {  	_ =	swait.ge [sflag:s4], $0x8000  }
0xfa: {  	[sflag:s4] =	ssyncset.done $0x0  }
0xfb: {  	[sflag:s4] =	ssyncadd.s32 $0xFFFF8000  }
0xfc: {  	[bflag:$0x0] =	sbarrier.arrive $0xFFFF  }
0xfd: {  	s22 =	rddreg [dreg:$0x6]  }
0xfe: {  	[hbm:s22], [sflag:s7] =	dma.local [spmem:s8], $0x1400  }
0xff: {  	_ =	swait.ge [sflag:s4], $0x1400  }
0x100: {  	[sflag:s4] =	ssyncset.done $0x0  }
0x101: {  	[sflag:s4] =	ssyncadd.s32 $0xFFFFEC00  }
0x102: {  	[bflag:$0x0] =	sbarrier.arrive $0xFFFF  }
0x103: {  	[spmem:s8], [sflag:s7] =	dma.local [hbm:s6], $0x1400  }
0x104: {  	_ =	swait.ge [sflag:s4], $0x1400  }
0x105: {  	[sflag:s4] =	ssyncset.done $0x0  }
0x106: {  	[sflag:s4] =	ssyncadd.s32 $0xFFFFEC00  }
0x107: {  	[bflag:$0x0] =	sbarrier.arrive $0xFFFF  }
0x108: {  	s23 =	sld [smem:$0x7F9];
	_ =	sdelay $0x1  }
0x109: {  	s14 =	sadd.s32 $0x3DB00, s14  }
0x10a: {  	[tilespmem:s11], [sflag:$0x1] =	stream.indirect.gather [hbm4b:s14+s10], $0x40, s23, s10, $0xb8;
	[tilespmem:$0x19800] =	vst v63  }
0x10b: {  	_ =	swait.ge [sflag:s12], $0x8000  }
0x10c: {  	s24 =	sld [smem:$0x7FA]  }
0x10d: {  	[sflag:s12] =	ssyncset.done $0x0  }
0x10e: {  	[sflag:s12] =	ssyncadd.s32 $0xFFFF8000  }
0x10f: {  	[spmem:s2] =	stream.indirect.scatter.add.f32 [tilespmem:s11], [sflag:$0x2], $0x40, s24, s10, $0xb8;
	[tilespmem:$0x19800] =	vst v63  }
0x110: {  	_ =	swait.ge [sflag:s4], $0x8000  }
0x111: {  	s25 =	sld [smem:$0x7FB]  }
0x112: {  	[sflag:s4] =	ssyncset.done $0x0  }
0x113: {  	[sflag:s4] =	ssyncadd.s32 $0xFFFF8000  }
0x114: {  	[tilespmem:s11], [sflag:$0x1] =	stream.indirect.gather [hbm4b:s14+s10], $0x40, s25, s10, $0xb8;
	[tilespmem:$0x19800] =	vst v63  }
0x115: {  	_ =	swait.ge [sflag:s12], $0x8000  }
0x116: {  	s26 =	sld [smem:$0x7FC]  }
0x117: {  	[sflag:s12] =	ssyncset.done $0x0  }
0x118: {  	[sflag:s12] =	ssyncadd.s32 $0xFFFF8000  }
0x119: {  	[spmem:s2] =	stream.indirect.scatter.add.f32 [tilespmem:s11], [sflag:$0x2], $0x40, s26, s10, $0xb8;
	[tilespmem:$0x19800] =	vst v63  }
0x11a: {  	_ =	swait.ge [sflag:s4], $0x8000  }
0x11b: {  	[sflag:s4] =	ssyncset.done $0x0  }
0x11c: {  	s15 =	simm.s32 $0x2C00;
	[sflag:s4] =	ssyncadd.s32 $0xFFFF8000  }
0x11d: {  	[tilespmem:s11], [sflag:$0x1] =	stream.indirect.gather [hbm4b:s14+s10], $0x40, s15, s10, $0xb8;
	[tilespmem:$0x19800] =	vst v63  }
0x11e: {  	_ =	swait.ge [sflag:s12], $0x8000  }
0x11f: {  	[sflag:s12] =	ssyncset.done $0x0  }
0x120: {  	s16 =	simm.s32 $0x6800;
	[sflag:s12] =	ssyncadd.s32 $0xFFFF8000  }
0x121: {  	[spmem:s2] =	stream.indirect.scatter.add.f32 [tilespmem:s11], [sflag:$0x2], $0x40, s16, s10, $0xb8;
	[tilespmem:$0x19800] =	vst v63  }
0x122: {  	_ =	swait.ge [sflag:s4], $0x8000  }
0x123: {  	[sflag:s4] =	ssyncset.done $0x0  }
0x124: {  	s17 =	simm.s32 $0x2E00;
	[sflag:s4] =	ssyncadd.s32 $0xFFFF8000  }
0x125: {  	[tilespmem:s11], [sflag:$0x1] =	stream.indirect.gather [hbm4b:s14+s10], $0x40, s17, s10, $0xb8;
	[tilespmem:$0x19800] =	vst v63  }
0x126: {  	_ =	swait.ge [sflag:s12], $0x8000  }
0x127: {  	[sflag:s12] =	ssyncset.done $0x0  }
0x128: {  	s18 =	simm.s32 $0x6A00;
	[sflag:s12] =	ssyncadd.s32 $0xFFFF8000  }
0x129: {  	[spmem:s2] =	stream.indirect.scatter.add.f32 [tilespmem:s11], [sflag:$0x2], $0x40, s18, s10, $0xb8;
	[tilespmem:$0x19800] =	vst v63  }
0x12a: {  	_ =	swait.ge [sflag:s4], $0x8000  }
0x12b: {  	[sflag:s4] =	ssyncset.done $0x0  }
0x12c: {  	s19 =	simm.s32 $0x3000;
	[sflag:s4] =	ssyncadd.s32 $0xFFFF8000  }
0x12d: {  	[tilespmem:s11], [sflag:$0x1] =	stream.indirect.gather [hbm4b:s14+s10], $0x40, s19, s10, $0xb8;
	[tilespmem:$0x19800] =	vst v63  }
0x12e: {  	_ =	swait.ge [sflag:s12], $0x8000  }
0x12f: {  	[sflag:s12] =	ssyncset.done $0x0  }
0x130: {  	s20 =	simm.s32 $0x6C00;
	[sflag:s12] =	ssyncadd.s32 $0xFFFF8000  }
0x131: {  	[spmem:s2] =	stream.indirect.scatter.add.f32 [tilespmem:s11], [sflag:$0x2], $0x40, s20, s10, $0xb8;
	[tilespmem:$0x19800] =	vst v63  }
0x132: {  	_ =	swait.ge [sflag:s4], $0x8000  }
0x133: {  	[sflag:s4] =	ssyncset.done $0x0  }
0x134: {  	s21 =	simm.s32 $0x3200;
	[sflag:s4] =	ssyncadd.s32 $0xFFFF8000  }
0x135: {  	[tilespmem:s11], [sflag:$0x1] =	stream.indirect.gather [hbm4b:s14+s10], $0x40, s21, s10, $0xb8;
	[tilespmem:$0x19800] =	vst v63  }
0x136: {  	_ =	swait.ge [sflag:s12], $0x8000  }
0x137: {  	[sflag:s12] =	ssyncset.done $0x0  }
0x138: {  	s22 =	simm.s32 $0x6E00;
	[sflag:s12] =	ssyncadd.s32 $0xFFFF8000  }
0x139: {  	[spmem:s2] =	stream.indirect.scatter.add.f32 [tilespmem:s11], [sflag:$0x2], $0x40, s22, s10, $0xb8;
	[tilespmem:$0x19800] =	vst v63  }
0x13a: {  	_ =	swait.ge [sflag:s4], $0x8000  }
0x13b: {  	[sflag:s4] =	ssyncset.done $0x0  }
0x13c: {  	s23 =	simm.s32 $0x3400;
	[sflag:s4] =	ssyncadd.s32 $0xFFFF8000  }
0x13d: {  	[tilespmem:s11], [sflag:$0x1] =	stream.indirect.gather [hbm4b:s14+s10], $0x40, s23, s10, $0xb8;
	[tilespmem:$0x19800] =	vst v63  }
0x13e: {  	_ =	swait.ge [sflag:s12], $0x8000  }
0x13f: {  	[sflag:s12] =	ssyncset.done $0x0  }
0x140: {  	s24 =	simm.s32 $0x7000;
	[sflag:s12] =	ssyncadd.s32 $0xFFFF8000  }
0x141: {  	[spmem:s2] =	stream.indirect.scatter.add.f32 [tilespmem:s11], [sflag:$0x2], $0x40, s24, s10, $0xb8;
	[tilespmem:$0x19800] =	vst v63  }
0x142: {  	_ =	swait.ge [sflag:s4], $0x8000  }
0x143: {  	[sflag:s4] =	ssyncset.done $0x0  }
0x144: {  	s25 =	simm.s32 $0x3600;
	[sflag:s4] =	ssyncadd.s32 $0xFFFF8000  }
0x145: {  	[tilespmem:s11], [sflag:$0x1] =	stream.indirect.gather [hbm4b:s14+s10], $0x40, s25, s10, $0xb8;
	[tilespmem:$0x19800] =	vst v63  }
0x146: {  	_ =	swait.ge [sflag:s12], $0x8000  }
0x147: {  	[sflag:s12] =	ssyncset.done $0x0  }
0x148: {  	s26 =	simm.s32 $0x7200;
	[sflag:s12] =	ssyncadd.s32 $0xFFFF8000  }
0x149: {  	[spmem:s2] =	stream.indirect.scatter.add.f32 [tilespmem:s11], [sflag:$0x2], $0x40, s26, s10, $0xb8;
	[tilespmem:$0x19800] =	vst v63  }
0x14a: {  	_ =	swait.ge [sflag:s4], $0x8000  }
0x14b: {  	[sflag:s4] =	ssyncset.done $0x0  }
0x14c: {  	s28 =	simm.s32 $0x3800;
	[sflag:s4] =	ssyncadd.s32 $0xFFFF8000  }
0x14d: {  	[tilespmem:s11], [sflag:$0x1] =	stream.indirect.gather [hbm4b:s14+s10], $0x40, s28, s10, $0xb8;
	[tilespmem:$0x19800] =	vst v63  }
0x14e: {  	_ =	swait.ge [sflag:s12], $0x8000  }
0x14f: {  	[sflag:s12] =	ssyncset.done $0x0  }
0x150: {  	s29 =	simm.s32 $0x7400;
	[sflag:s12] =	ssyncadd.s32 $0xFFFF8000  }
0x151: {  	[spmem:s2] =	stream.indirect.scatter.add.f32 [tilespmem:s11], [sflag:$0x2], $0x40, s29, s10, $0xb8;
	[tilespmem:$0x19800] =	vst v63  }
0x152: {  	_ =	swait.ge [sflag:s4], $0x8000  }
0x153: {  	[sflag:s4] =	ssyncset.done $0x0  }
0x154: {  	s30 =	simm.s32 $0x3A00;
	[sflag:s4] =	ssyncadd.s32 $0xFFFF8000  }
0x155: {  	[tilespmem:s11], [sflag:$0x1] =	stream.indirect.gather [hbm4b:s14+s10], $0x40, s30, s10, $0xb8;
	[tilespmem:$0x19800] =	vst v63  }
0x156: {  	_ =	swait.ge [sflag:s12], $0x8000  }
0x157: {  	[sflag:s12] =	ssyncset.done $0x0  }
0x158: {  	s31 =	simm.s32 $0x7600;
	[sflag:s12] =	ssyncadd.s32 $0xFFFF8000  }
0x159: {  	[spmem:s2] =	stream.indirect.scatter.add.f32 [tilespmem:s11], [sflag:$0x2], $0x40, s31, s10, $0xb8;
	[tilespmem:$0x19800] =	vst v63  }
0x15a: {  	_ =	swait.ge [sflag:s4], $0x8000  }
0x15b: {  	[sflag:s4] =	ssyncset.done $0x0  }
0x15c: {  	[sflag:s4] =	ssyncadd.s32 $0xFFFF8000  }
0x15d: {  	[bflag:$0x0] =	sbarrier.arrive $0xFFFF  }
0x15e: {  	s1 =	ssub.s32 $0x2, s1;
	s0 =	rddreg [dreg:$0x7]  }
0x15f: {  	[smem:$0x7FD] =	sst s0;
	s0 =	sshrl.u32 s1, $0x1  }
0x160: {  	s0 =	ssub.s32 s1, s0  }
0x161: {  	s1 =	sld [smem:$0x7FD];
	s0 =	smax.u32 s0, $0x1  }
0x162: {  	p0 =	sne.s32 s0, $0x1  }
.Ltmp0:
0x163: {  	_ = 	snop;
	(pc) =	sbr.rel @!p0 .LBB2_2-.Ltmp0, $4  }
0x164: {  	[hbm:s1], [sflag:s7] =	dma.local [spmem:s8], $0x1400  }
0x165: {  	_ =	swait.ge [sflag:s4], $0x1400  }
0x166: {  	[sflag:s4] =	ssyncset.done $0x0  }
0x167: {  	s1 =	sadd.s32 $0xFFFFFFFF, s0;
	[sflag:s4] =	ssyncadd.s32 $0xFFFFEC00  }
.LBB2_1:
0x168: {  	[bflag:$0x0] =	sbarrier.arrive $0xFFFF  }
0x169: {  	s0 =	rddreg [dreg:$0x3]  }
0x16a: {  	[tilespmem:s3], [sflag:$0x2] =	stream.linear.gather [hbm4b:s0+s3], $0x3C00, $0x38;
	[tilespmem:$0x19800] =	vst v63  }
0x16b: {  	_ =	swait.ge [sflag:s4], $0x3C00  }
0x16c: {  	[sflag:s4] =	ssyncset.done $0x0  }
0x16d: {  	s0 =	rddreg [dreg:$0x4];
	[sflag:s4] =	ssyncadd.s32 $0xFFFFC400  }
0x16e: {  	[tilespmem:s5], [sflag:$0x2] =	stream.linear.gather [hbm4b:s0+s3], $0x3C00, $0x38;
	[tilespmem:$0x19800] =	vst v63  }
0x16f: {  	_ =	swait.ge [sflag:s4], $0x3C00  }
0x170: {  	[sflag:s4] =	ssyncset.done $0x0  }
0x171: {  	[sflag:s4] =	ssyncadd.s32 $0xFFFFC400  }
0x172: {  	[spmem:s8], [sflag:s7] =	dma.local [hbm:s6], $0x1400  }
0x173: {  	_ =	swait.ge [sflag:s4], $0x1400  }
0x174: {  	[sflag:s4] =	ssyncset.done $0x0  }
0x175: {  	[sflag:s4] =	ssyncadd.s32 $0xFFFFEC00  }
0x176: {  	[bflag:$0x0] =	sbarrier.arrive $0xFFFF  }
0x177: {  	[tilespmem:s11], [sflag:$0x1] =	stream.indirect.gather [hbm4b:s9+s10], $0x40, s3, s10, $0xb8;
	[tilespmem:$0x19800] =	vst v63  }
0x178: {  	_ =	swait.ge [sflag:s12], $0x8000  }
0x179: {  	[sflag:s12] =	ssyncset.done $0x0  }
0x17a: {  	[sflag:s12] =	ssyncadd.s32 $0xFFFF8000  }
0x17b: {  	[spmem:s2] =	stream.indirect.scatter.add.f32 [tilespmem:s11], [sflag:$0x2], $0x40, s5, s10, $0xb8;
	[tilespmem:$0x19800] =	vst v63  }
0x17c: {  	_ =	swait.ge [sflag:s4], $0x8000  }
0x17d: {  	[sflag:s4] =	ssyncset.done $0x0  }
0x17e: {  	[sflag:s4] =	ssyncadd.s32 $0xFFFF8000  }
0x17f: {  	[tilespmem:s11], [sflag:$0x1] =	stream.indirect.gather [hbm4b:s9+s10], $0x40, s10, s10, $0xb8;
	[tilespmem:$0x19800] =	vst v63  }
0x180: {  	_ =	swait.ge [sflag:s12], $0x8000  }
0x181: {  	[sflag:s12] =	ssyncset.done $0x0  }
0x182: {  	s0 =	rddreg [dreg:$0x8];
	[sflag:s12] =	ssyncadd.s32 $0xFFFF8000  }
0x183: {  	[spmem:s2] =	stream.indirect.scatter.add.f32 [tilespmem:s11], [sflag:$0x2], $0x40, s0, s10, $0xb8;
	[tilespmem:$0x19800] =	vst v63  }
0x184: {  	_ =	swait.ge [sflag:s4], $0x8000  }
0x185: {  	[sflag:s4] =	ssyncset.done $0x0  }
0x186: {  	s0 =	rddreg [dreg:$0x9];
	[sflag:s4] =	ssyncadd.s32 $0xFFFF8000  }
0x187: {  	[tilespmem:s11], [sflag:$0x1] =	stream.indirect.gather [hbm4b:s9+s10], $0x40, s0, s10, $0xb8;
	[tilespmem:$0x19800] =	vst v63  }
0x188: {  	_ =	swait.ge [sflag:s12], $0x8000  }
0x189: {  	[sflag:s12] =	ssyncset.done $0x0  }
0x18a: {  	s0 =	rddreg [dreg:$0xa];
	[sflag:s12] =	ssyncadd.s32 $0xFFFF8000  }
0x18b: {  	[spmem:s2] =	stream.indirect.scatter.add.f32 [tilespmem:s11], [sflag:$0x2], $0x40, s0, s10, $0xb8;
	[tilespmem:$0x19800] =	vst v63  }
0x18c: {  	_ =	swait.ge [sflag:s4], $0x8000  }
0x18d: {  	[sflag:s4] =	ssyncset.done $0x0  }
0x18e: {  	s0 =	rddreg [dreg:$0xb];
	[sflag:s4] =	ssyncadd.s32 $0xFFFF8000  }
0x18f: {  	[tilespmem:s11], [sflag:$0x1] =	stream.indirect.gather [hbm4b:s9+s10], $0x40, s0, s10, $0xb8;
	[tilespmem:$0x19800] =	vst v63  }
0x190: {  	_ =	swait.ge [sflag:s12], $0x8000  }
0x191: {  	[sflag:s12] =	ssyncset.done $0x0  }
0x192: {  	s0 =	rddreg [dreg:$0xc];
	[sflag:s12] =	ssyncadd.s32 $0xFFFF8000  }
0x193: {  	[spmem:s2] =	stream.indirect.scatter.add.f32 [tilespmem:s11], [sflag:$0x2], $0x40, s0, s10, $0xb8;
	[tilespmem:$0x19800] =	vst v63  }
0x194: {  	_ =	swait.ge [sflag:s4], $0x8000  }
0x195: {  	[sflag:s4] =	ssyncset.done $0x0  }
0x196: {  	s0 =	rddreg [dreg:$0xd];
	[sflag:s4] =	ssyncadd.s32 $0xFFFF8000  }
0x197: {  	[tilespmem:s11], [sflag:$0x1] =	stream.indirect.gather [hbm4b:s9+s10], $0x40, s0, s10, $0xb8;
	[tilespmem:$0x19800] =	vst v63  }
0x198: {  	_ =	swait.ge [sflag:s12], $0x8000  }
0x199: {  	[sflag:s12] =	ssyncset.done $0x0  }
0x19a: {  	s0 =	rddreg [dreg:$0xe];
	[sflag:s12] =	ssyncadd.s32 $0xFFFF8000  }
0x19b: {  	[spmem:s2] =	stream.indirect.scatter.add.f32 [tilespmem:s11], [sflag:$0x2], $0x40, s0, s10, $0xb8;
	[tilespmem:$0x19800] =	vst v63  }
0x19c: {  	_ =	swait.ge [sflag:s4], $0x8000  }
0x19d: {  	[sflag:s4] =	ssyncset.done $0x0  }
0x19e: {  	s0 =	rddreg [dreg:$0xf];
	[sflag:s4] =	ssyncadd.s32 $0xFFFF8000  }
0x19f: {  	[tilespmem:s11], [sflag:$0x1] =	stream.indirect.gather [hbm4b:s9+s10], $0x40, s0, s10, $0xb8;
	[tilespmem:$0x19800] =	vst v63  }
0x1a0: {  	_ =	swait.ge [sflag:s12], $0x8000  }
0x1a1: {  	[sflag:s12] =	ssyncset.done $0x0  }
0x1a2: {  	s0 =	rddreg [dreg:$0x10];
	[sflag:s12] =	ssyncadd.s32 $0xFFFF8000  }
0x1a3: {  	[spmem:s2] =	stream.indirect.scatter.add.f32 [tilespmem:s11], [sflag:$0x2], $0x40, s0, s10, $0xb8;
	[tilespmem:$0x19800] =	vst v63  }
0x1a4: {  	_ =	swait.ge [sflag:s4], $0x8000  }
0x1a5: {  	[sflag:s4] =	ssyncset.done $0x0  }
0x1a6: {  	s0 =	rddreg [dreg:$0x11];
	[sflag:s4] =	ssyncadd.s32 $0xFFFF8000  }
0x1a7: {  	[tilespmem:s11], [sflag:$0x1] =	stream.indirect.gather [hbm4b:s9+s10], $0x40, s0, s10, $0xb8;
	[tilespmem:$0x19800] =	vst v63  }
0x1a8: {  	_ =	swait.ge [sflag:s12], $0x8000  }
0x1a9: {  	[sflag:s12] =	ssyncset.done $0x0  }
0x1aa: {  	s0 =	rddreg [dreg:$0x12];
	[sflag:s12] =	ssyncadd.s32 $0xFFFF8000  }
0x1ab: {  	[spmem:s2] =	stream.indirect.scatter.add.f32 [tilespmem:s11], [sflag:$0x2], $0x40, s0, s10, $0xb8;
	[tilespmem:$0x19800] =	vst v63  }
0x1ac: {  	_ =	swait.ge [sflag:s4], $0x8000  }
0x1ad: {  	[sflag:s4] =	ssyncset.done $0x0  }
0x1ae: {  	s0 =	rddreg [dreg:$0x13];
	[sflag:s4] =	ssyncadd.s32 $0xFFFF8000  }
0x1af: {  	[tilespmem:s11], [sflag:$0x1] =	stream.indirect.gather [hbm4b:s9+s10], $0x40, s0, s10, $0xb8;
	[tilespmem:$0x19800] =	vst v63  }
0x1b0: {  	_ =	swait.ge [sflag:s12], $0x8000  }
0x1b1: {  	[sflag:s12] =	ssyncset.done $0x0  }
0x1b2: {  	s0 =	rddreg [dreg:$0x14];
	[sflag:s12] =	ssyncadd.s32 $0xFFFF8000  }
0x1b3: {  	[spmem:s2] =	stream.indirect.scatter.add.f32 [tilespmem:s11], [sflag:$0x2], $0x40, s0, s10, $0xb8;
	[tilespmem:$0x19800] =	vst v63  }
0x1b4: {  	_ =	swait.ge [sflag:s4], $0x8000  }
0x1b5: {  	[sflag:s4] =	ssyncset.done $0x0  }
0x1b6: {  	s0 =	rddreg [dreg:$0x15];
	[sflag:s4] =	ssyncadd.s32 $0xFFFF8000  }
0x1b7: {  	[tilespmem:s11], [sflag:$0x1] =	stream.indirect.gather [hbm4b:s9+s10], $0x40, s0, s10, $0xb8;
	[tilespmem:$0x19800] =	vst v63  }
0x1b8: {  	_ =	swait.ge [sflag:s12], $0x8000  }
0x1b9: {  	[sflag:s12] =	ssyncset.done $0x0  }
0x1ba: {  	s0 =	rddreg [dreg:$0x16];
	[sflag:s12] =	ssyncadd.s32 $0xFFFF8000  }
0x1bb: {  	[spmem:s2] =	stream.indirect.scatter.add.f32 [tilespmem:s11], [sflag:$0x2], $0x40, s0, s10, $0xb8;
	[tilespmem:$0x19800] =	vst v63  }
0x1bc: {  	_ =	swait.ge [sflag:s4], $0x8000  }
0x1bd: {  	[sflag:s4] =	ssyncset.done $0x0  }
0x1be: {  	s0 =	rddreg [dreg:$0x17];
	[sflag:s4] =	ssyncadd.s32 $0xFFFF8000  }
0x1bf: {  	[tilespmem:s11], [sflag:$0x1] =	stream.indirect.gather [hbm4b:s9+s10], $0x40, s0, s10, $0xb8;
	[tilespmem:$0x19800] =	vst v63  }
0x1c0: {  	_ =	swait.ge [sflag:s12], $0x8000  }
0x1c1: {  	[sflag:s12] =	ssyncset.done $0x0  }
0x1c2: {  	s0 =	rddreg [dreg:$0x18];
	[sflag:s12] =	ssyncadd.s32 $0xFFFF8000  }
0x1c3: {  	[spmem:s2] =	stream.indirect.scatter.add.f32 [tilespmem:s11], [sflag:$0x2], $0x40, s0, s10, $0xb8;
	[tilespmem:$0x19800] =	vst v63  }
0x1c4: {  	_ =	swait.ge [sflag:s4], $0x8000  }
0x1c5: {  	[sflag:s4] =	ssyncset.done $0x0  }
0x1c6: {  	[sflag:s4] =	ssyncadd.s32 $0xFFFF8000  }
0x1c7: {  	[bflag:$0x0] =	sbarrier.arrive $0xFFFF  }
0x1c8: {  	s0 =	rddreg [dreg:$0x5]  }
0x1c9: {  	[hbm:s0], [sflag:s7] =	dma.local [spmem:s8], $0x1400  }
0x1ca: {  	_ =	swait.ge [sflag:s4], $0x1400  }
0x1cb: {  	[sflag:s4] =	ssyncset.done $0x0  }
0x1cc: {  	[sflag:s4] =	ssyncadd.s32 $0xFFFFEC00  }
0x1cd: {  	[bflag:$0x0] =	sbarrier.arrive $0xFFFF  }
0x1ce: {  	[spmem:s8], [sflag:s7] =	dma.local [hbm:s6], $0x1400  }
0x1cf: {  	_ =	swait.ge [sflag:s4], $0x1400  }
0x1d0: {  	[sflag:s4] =	ssyncset.done $0x0  }
0x1d1: {  	[sflag:s4] =	ssyncadd.s32 $0xFFFFEC00  }
0x1d2: {  	[bflag:$0x0] =	sbarrier.arrive $0xFFFF  }
0x1d3: {  	s0 =	rddreg [dreg:$0x19]  }
0x1d4: {  	[tilespmem:s11], [sflag:$0x1] =	stream.indirect.gather [hbm4b:s13+s10], $0x40, s0, s10, $0xb8;
	[tilespmem:$0x19800] =	vst v63  }
0x1d5: {  	_ =	swait.ge [sflag:s12], $0x8000  }
0x1d6: {  	[sflag:s12] =	ssyncset.done $0x0  }
0x1d7: {  	s0 =	rddreg [dreg:$0x1a];
	[sflag:s12] =	ssyncadd.s32 $0xFFFF8000  }
0x1d8: {  	[spmem:s2] =	stream.indirect.scatter.add.f32 [tilespmem:s11], [sflag:$0x2], $0x40, s0, s10, $0xb8;
	[tilespmem:$0x19800] =	vst v63  }
0x1d9: {  	_ =	swait.ge [sflag:s4], $0x8000  }
0x1da: {  	[sflag:s4] =	ssyncset.done $0x0  }
0x1db: {  	s0 =	rddreg [dreg:$0x1b];
	[sflag:s4] =	ssyncadd.s32 $0xFFFF8000  }
0x1dc: {  	[tilespmem:s11], [sflag:$0x1] =	stream.indirect.gather [hbm4b:s13+s10], $0x40, s0, s10, $0xb8;
	[tilespmem:$0x19800] =	vst v63  }
0x1dd: {  	_ =	swait.ge [sflag:s12], $0x8000  }
0x1de: {  	[sflag:s12] =	ssyncset.done $0x0  }
0x1df: {  	s0 =	rddreg [dreg:$0x1c];
	[sflag:s12] =	ssyncadd.s32 $0xFFFF8000  }
0x1e0: {  	[spmem:s2] =	stream.indirect.scatter.add.f32 [tilespmem:s11], [sflag:$0x2], $0x40, s0, s10, $0xb8;
	[tilespmem:$0x19800] =	vst v63  }
0x1e1: {  	_ =	swait.ge [sflag:s4], $0x8000  }
0x1e2: {  	[sflag:s4] =	ssyncset.done $0x0  }
0x1e3: {  	s0 =	rddreg [dreg:$0x1d];
	[sflag:s4] =	ssyncadd.s32 $0xFFFF8000  }
0x1e4: {  	[tilespmem:s11], [sflag:$0x1] =	stream.indirect.gather [hbm4b:s13+s10], $0x40, s0, s10, $0xb8;
	[tilespmem:$0x19800] =	vst v63  }
0x1e5: {  	_ =	swait.ge [sflag:s12], $0x8000  }
0x1e6: {  	[sflag:s12] =	ssyncset.done $0x0  }
0x1e7: {  	s0 =	rddreg [dreg:$0x1e];
	[sflag:s12] =	ssyncadd.s32 $0xFFFF8000  }
0x1e8: {  	[spmem:s2] =	stream.indirect.scatter.add.f32 [tilespmem:s11], [sflag:$0x2], $0x40, s0, s10, $0xb8;
	[tilespmem:$0x19800] =	vst v63  }
0x1e9: {  	_ =	swait.ge [sflag:s4], $0x8000  }
0x1ea: {  	[sflag:s4] =	ssyncset.done $0x0  }
0x1eb: {  	s0 =	rddreg [dreg:$0x1f];
	[sflag:s4] =	ssyncadd.s32 $0xFFFF8000  }
0x1ec: {  	[tilespmem:s11], [sflag:$0x1] =	stream.indirect.gather [hbm4b:s13+s10], $0x40, s0, s10, $0xb8;
	[tilespmem:$0x19800] =	vst v63  }
0x1ed: {  	_ =	swait.ge [sflag:s12], $0x8000  }
0x1ee: {  	s0 =	sld [smem:$0x7EC]  }
0x1ef: {  	[sflag:s12] =	ssyncset.done $0x0  }
0x1f0: {  	[sflag:s12] =	ssyncadd.s32 $0xFFFF8000  }
0x1f1: {  	[spmem:s2] =	stream.indirect.scatter.add.f32 [tilespmem:s11], [sflag:$0x2], $0x40, s0, s10, $0xb8;
	[tilespmem:$0x19800] =	vst v63  }
0x1f2: {  	_ =	swait.ge [sflag:s4], $0x8000  }
0x1f3: {  	s0 =	sld [smem:$0x7ED]  }
0x1f4: {  	[sflag:s4] =	ssyncset.done $0x0  }
0x1f5: {  	[sflag:s4] =	ssyncadd.s32 $0xFFFF8000  }
0x1f6: {  	[tilespmem:s11], [sflag:$0x1] =	stream.indirect.gather [hbm4b:s13+s10], $0x40, s0, s10, $0xb8;
	[tilespmem:$0x19800] =	vst v63  }
0x1f7: {  	_ =	swait.ge [sflag:s12], $0x8000  }
0x1f8: {  	s0 =	sld [smem:$0x7EE]  }
0x1f9: {  	[sflag:s12] =	ssyncset.done $0x0  }
0x1fa: {  	[sflag:s12] =	ssyncadd.s32 $0xFFFF8000  }
0x1fb: {  	[spmem:s2] =	stream.indirect.scatter.add.f32 [tilespmem:s11], [sflag:$0x2], $0x40, s0, s10, $0xb8;
	[tilespmem:$0x19800] =	vst v63  }
0x1fc: {  	_ =	swait.ge [sflag:s4], $0x8000  }
0x1fd: {  	s0 =	sld [smem:$0x7EF]  }
0x1fe: {  	[sflag:s4] =	ssyncset.done $0x0  }
0x1ff: {  	[sflag:s4] =	ssyncadd.s32 $0xFFFF8000  }
0x200: {  	[tilespmem:s11], [sflag:$0x1] =	stream.indirect.gather [hbm4b:s13+s10], $0x40, s0, s10, $0xb8;
	[tilespmem:$0x19800] =	vst v63  }
0x201: {  	_ =	swait.ge [sflag:s12], $0x8000  }
0x202: {  	s0 =	sld [smem:$0x7F0]  }
0x203: {  	[sflag:s12] =	ssyncset.done $0x0  }
0x204: {  	[sflag:s12] =	ssyncadd.s32 $0xFFFF8000  }
0x205: {  	[spmem:s2] =	stream.indirect.scatter.add.f32 [tilespmem:s11], [sflag:$0x2], $0x40, s0, s10, $0xb8;
	[tilespmem:$0x19800] =	vst v63  }
0x206: {  	_ =	swait.ge [sflag:s4], $0x8000  }
0x207: {  	s0 =	sld [smem:$0x7F1]  }
0x208: {  	[sflag:s4] =	ssyncset.done $0x0  }
0x209: {  	[sflag:s4] =	ssyncadd.s32 $0xFFFF8000  }
0x20a: {  	[tilespmem:s11], [sflag:$0x1] =	stream.indirect.gather [hbm4b:s13+s10], $0x40, s0, s10, $0xb8;
	[tilespmem:$0x19800] =	vst v63  }
0x20b: {  	_ =	swait.ge [sflag:s12], $0x8000  }
0x20c: {  	s0 =	sld [smem:$0x7F2]  }
0x20d: {  	[sflag:s12] =	ssyncset.done $0x0  }
0x20e: {  	[sflag:s12] =	ssyncadd.s32 $0xFFFF8000  }
0x20f: {  	[spmem:s2] =	stream.indirect.scatter.add.f32 [tilespmem:s11], [sflag:$0x2], $0x40, s0, s10, $0xb8;
	[tilespmem:$0x19800] =	vst v63  }
0x210: {  	_ =	swait.ge [sflag:s4], $0x8000  }
0x211: {  	s0 =	sld [smem:$0x7F3]  }
0x212: {  	[sflag:s4] =	ssyncset.done $0x0  }
0x213: {  	[sflag:s4] =	ssyncadd.s32 $0xFFFF8000  }
0x214: {  	[tilespmem:s11], [sflag:$0x1] =	stream.indirect.gather [hbm4b:s13+s10], $0x40, s0, s10, $0xb8;
	[tilespmem:$0x19800] =	vst v63  }
0x215: {  	_ =	swait.ge [sflag:s12], $0x8000  }
0x216: {  	s0 =	sld [smem:$0x7F4]  }
0x217: {  	[sflag:s12] =	ssyncset.done $0x0  }
0x218: {  	[sflag:s12] =	ssyncadd.s32 $0xFFFF8000  }
0x219: {  	[spmem:s2] =	stream.indirect.scatter.add.f32 [tilespmem:s11], [sflag:$0x2], $0x40, s0, s10, $0xb8;
	[tilespmem:$0x19800] =	vst v63  }
0x21a: {  	_ =	swait.ge [sflag:s4], $0x8000  }
0x21b: {  	s0 =	sld [smem:$0x7F5]  }
0x21c: {  	[sflag:s4] =	ssyncset.done $0x0  }
0x21d: {  	[sflag:s4] =	ssyncadd.s32 $0xFFFF8000  }
0x21e: {  	[tilespmem:s11], [sflag:$0x1] =	stream.indirect.gather [hbm4b:s13+s10], $0x40, s0, s10, $0xb8;
	[tilespmem:$0x19800] =	vst v63  }
0x21f: {  	_ =	swait.ge [sflag:s12], $0x8000  }
0x220: {  	s0 =	sld [smem:$0x7F6]  }
0x221: {  	[sflag:s12] =	ssyncset.done $0x0  }
0x222: {  	[sflag:s12] =	ssyncadd.s32 $0xFFFF8000  }
0x223: {  	[spmem:s2] =	stream.indirect.scatter.add.f32 [tilespmem:s11], [sflag:$0x2], $0x40, s0, s10, $0xb8;
	[tilespmem:$0x19800] =	vst v63  }
0x224: {  	_ =	swait.ge [sflag:s4], $0x8000  }
0x225: {  	s0 =	sld [smem:$0x7F7]  }
0x226: {  	[sflag:s4] =	ssyncset.done $0x0  }
0x227: {  	[sflag:s4] =	ssyncadd.s32 $0xFFFF8000  }
0x228: {  	[tilespmem:s11], [sflag:$0x1] =	stream.indirect.gather [hbm4b:s13+s10], $0x40, s0, s10, $0xb8;
	[tilespmem:$0x19800] =	vst v63  }
0x229: {  	_ =	swait.ge [sflag:s12], $0x8000  }
0x22a: {  	s0 =	sld [smem:$0x7F8]  }
0x22b: {  	[sflag:s12] =	ssyncset.done $0x0  }
0x22c: {  	[sflag:s12] =	ssyncadd.s32 $0xFFFF8000  }
0x22d: {  	[spmem:s2] =	stream.indirect.scatter.add.f32 [tilespmem:s11], [sflag:$0x2], $0x40, s0, s10, $0xb8;
	[tilespmem:$0x19800] =	vst v63  }
0x22e: {  	_ =	swait.ge [sflag:s4], $0x8000  }
0x22f: {  	[sflag:s4] =	ssyncset.done $0x0  }
0x230: {  	[sflag:s4] =	ssyncadd.s32 $0xFFFF8000  }
0x231: {  	[bflag:$0x0] =	sbarrier.arrive $0xFFFF  }
0x232: {  	s0 =	rddreg [dreg:$0x6]  }
0x233: {  	[hbm:s0], [sflag:s7] =	dma.local [spmem:s8], $0x1400  }
0x234: {  	_ =	swait.ge [sflag:s4], $0x1400  }
0x235: {  	[sflag:s4] =	ssyncset.done $0x0  }
0x236: {  	[sflag:s4] =	ssyncadd.s32 $0xFFFFEC00  }
0x237: {  	[bflag:$0x0] =	sbarrier.arrive $0xFFFF  }
0x238: {  	[spmem:s8], [sflag:s7] =	dma.local [hbm:s6], $0x1400  }
0x239: {  	_ =	swait.ge [sflag:s4], $0x1400  }
0x23a: {  	[sflag:s4] =	ssyncset.done $0x0  }
0x23b: {  	[sflag:s4] =	ssyncadd.s32 $0xFFFFEC00  }
0x23c: {  	[bflag:$0x0] =	sbarrier.arrive $0xFFFF  }
0x23d: {  	s0 =	sld [smem:$0x7F9];
	_ =	sdelay $0x2  }
0x23e: {  	[tilespmem:s11], [sflag:$0x1] =	stream.indirect.gather [hbm4b:s14+s10], $0x40, s0, s10, $0xb8;
	[tilespmem:$0x19800] =	vst v63  }
0x23f: {  	_ =	swait.ge [sflag:s12], $0x8000  }
0x240: {  	s0 =	sld [smem:$0x7FA]  }
0x241: {  	[sflag:s12] =	ssyncset.done $0x0  }
0x242: {  	[sflag:s12] =	ssyncadd.s32 $0xFFFF8000  }
0x243: {  	[spmem:s2] =	stream.indirect.scatter.add.f32 [tilespmem:s11], [sflag:$0x2], $0x40, s0, s10, $0xb8;
	[tilespmem:$0x19800] =	vst v63  }
0x244: {  	_ =	swait.ge [sflag:s4], $0x8000  }
0x245: {  	s0 =	sld [smem:$0x7FB]  }
0x246: {  	[sflag:s4] =	ssyncset.done $0x0  }
0x247: {  	[sflag:s4] =	ssyncadd.s32 $0xFFFF8000  }
0x248: {  	[tilespmem:s11], [sflag:$0x1] =	stream.indirect.gather [hbm4b:s14+s10], $0x40, s0, s10, $0xb8;
	[tilespmem:$0x19800] =	vst v63  }
0x249: {  	_ =	swait.ge [sflag:s12], $0x8000  }
0x24a: {  	s0 =	sld [smem:$0x7FC]  }
0x24b: {  	[sflag:s12] =	ssyncset.done $0x0  }
0x24c: {  	[sflag:s12] =	ssyncadd.s32 $0xFFFF8000  }
0x24d: {  	[spmem:s2] =	stream.indirect.scatter.add.f32 [tilespmem:s11], [sflag:$0x2], $0x40, s0, s10, $0xb8;
	[tilespmem:$0x19800] =	vst v63  }
0x24e: {  	_ =	swait.ge [sflag:s4], $0x8000  }
0x24f: {  	[sflag:s4] =	ssyncset.done $0x0  }
0x250: {  	[sflag:s4] =	ssyncadd.s32 $0xFFFF8000  }
0x251: {  	[tilespmem:s11], [sflag:$0x1] =	stream.indirect.gather [hbm4b:s14+s10], $0x40, s15, s10, $0xb8;
	[tilespmem:$0x19800] =	vst v63  }
0x252: {  	_ =	swait.ge [sflag:s12], $0x8000  }
0x253: {  	[sflag:s12] =	ssyncset.done $0x0  }
0x254: {  	[sflag:s12] =	ssyncadd.s32 $0xFFFF8000  }
0x255: {  	[spmem:s2] =	stream.indirect.scatter.add.f32 [tilespmem:s11], [sflag:$0x2], $0x40, s16, s10, $0xb8;
	[tilespmem:$0x19800] =	vst v63  }
0x256: {  	_ =	swait.ge [sflag:s4], $0x8000  }
0x257: {  	[sflag:s4] =	ssyncset.done $0x0  }
0x258: {  	[sflag:s4] =	ssyncadd.s32 $0xFFFF8000  }
0x259: {  	[tilespmem:s11], [sflag:$0x1] =	stream.indirect.gather [hbm4b:s14+s10], $0x40, s17, s10, $0xb8;
	[tilespmem:$0x19800] =	vst v63  }
0x25a: {  	_ =	swait.ge [sflag:s12], $0x8000  }
0x25b: {  	[sflag:s12] =	ssyncset.done $0x0  }
0x25c: {  	[sflag:s12] =	ssyncadd.s32 $0xFFFF8000  }
0x25d: {  	[spmem:s2] =	stream.indirect.scatter.add.f32 [tilespmem:s11], [sflag:$0x2], $0x40, s18, s10, $0xb8;
	[tilespmem:$0x19800] =	vst v63  }
0x25e: {  	_ =	swait.ge [sflag:s4], $0x8000  }
0x25f: {  	[sflag:s4] =	ssyncset.done $0x0  }
0x260: {  	[sflag:s4] =	ssyncadd.s32 $0xFFFF8000  }
0x261: {  	[tilespmem:s11], [sflag:$0x1] =	stream.indirect.gather [hbm4b:s14+s10], $0x40, s19, s10, $0xb8;
	[tilespmem:$0x19800] =	vst v63  }
0x262: {  	_ =	swait.ge [sflag:s12], $0x8000  }
0x263: {  	[sflag:s12] =	ssyncset.done $0x0  }
0x264: {  	[sflag:s12] =	ssyncadd.s32 $0xFFFF8000  }
0x265: {  	[spmem:s2] =	stream.indirect.scatter.add.f32 [tilespmem:s11], [sflag:$0x2], $0x40, s20, s10, $0xb8;
	[tilespmem:$0x19800] =	vst v63  }
0x266: {  	_ =	swait.ge [sflag:s4], $0x8000  }
0x267: {  	[sflag:s4] =	ssyncset.done $0x0  }
0x268: {  	[sflag:s4] =	ssyncadd.s32 $0xFFFF8000  }
0x269: {  	[tilespmem:s11], [sflag:$0x1] =	stream.indirect.gather [hbm4b:s14+s10], $0x40, s21, s10, $0xb8;
	[tilespmem:$0x19800] =	vst v63  }
0x26a: {  	_ =	swait.ge [sflag:s12], $0x8000  }
0x26b: {  	[sflag:s12] =	ssyncset.done $0x0  }
0x26c: {  	[sflag:s12] =	ssyncadd.s32 $0xFFFF8000  }
0x26d: {  	[spmem:s2] =	stream.indirect.scatter.add.f32 [tilespmem:s11], [sflag:$0x2], $0x40, s22, s10, $0xb8;
	[tilespmem:$0x19800] =	vst v63  }
0x26e: {  	_ =	swait.ge [sflag:s4], $0x8000  }
0x26f: {  	[sflag:s4] =	ssyncset.done $0x0  }
0x270: {  	[sflag:s4] =	ssyncadd.s32 $0xFFFF8000  }
0x271: {  	[tilespmem:s11], [sflag:$0x1] =	stream.indirect.gather [hbm4b:s14+s10], $0x40, s23, s10, $0xb8;
	[tilespmem:$0x19800] =	vst v63  }
0x272: {  	_ =	swait.ge [sflag:s12], $0x8000  }
0x273: {  	[sflag:s12] =	ssyncset.done $0x0  }
0x274: {  	[sflag:s12] =	ssyncadd.s32 $0xFFFF8000  }
0x275: {  	[spmem:s2] =	stream.indirect.scatter.add.f32 [tilespmem:s11], [sflag:$0x2], $0x40, s24, s10, $0xb8;
	[tilespmem:$0x19800] =	vst v63  }
0x276: {  	_ =	swait.ge [sflag:s4], $0x8000  }
0x277: {  	[sflag:s4] =	ssyncset.done $0x0  }
0x278: {  	[sflag:s4] =	ssyncadd.s32 $0xFFFF8000  }
0x279: {  	[tilespmem:s11], [sflag:$0x1] =	stream.indirect.gather [hbm4b:s14+s10], $0x40, s25, s10, $0xb8;
	[tilespmem:$0x19800] =	vst v63  }
0x27a: {  	_ =	swait.ge [sflag:s12], $0x8000  }
0x27b: {  	[sflag:s12] =	ssyncset.done $0x0  }
0x27c: {  	[sflag:s12] =	ssyncadd.s32 $0xFFFF8000  }
0x27d: {  	[spmem:s2] =	stream.indirect.scatter.add.f32 [tilespmem:s11], [sflag:$0x2], $0x40, s26, s10, $0xb8;
	[tilespmem:$0x19800] =	vst v63  }
0x27e: {  	_ =	swait.ge [sflag:s4], $0x8000  }
0x27f: {  	[sflag:s4] =	ssyncset.done $0x0  }
0x280: {  	[sflag:s4] =	ssyncadd.s32 $0xFFFF8000  }
0x281: {  	[tilespmem:s11], [sflag:$0x1] =	stream.indirect.gather [hbm4b:s14+s10], $0x40, s28, s10, $0xb8;
	[tilespmem:$0x19800] =	vst v63  }
0x282: {  	_ =	swait.ge [sflag:s12], $0x8000  }
0x283: {  	[sflag:s12] =	ssyncset.done $0x0  }
0x284: {  	[sflag:s12] =	ssyncadd.s32 $0xFFFF8000  }
0x285: {  	[spmem:s2] =	stream.indirect.scatter.add.f32 [tilespmem:s11], [sflag:$0x2], $0x40, s29, s10, $0xb8;
	[tilespmem:$0x19800] =	vst v63  }
0x286: {  	_ =	swait.ge [sflag:s4], $0x8000  }
0x287: {  	[sflag:s4] =	ssyncset.done $0x0  }
0x288: {  	[sflag:s4] =	ssyncadd.s32 $0xFFFF8000  }
0x289: {  	[tilespmem:s11], [sflag:$0x1] =	stream.indirect.gather [hbm4b:s14+s10], $0x40, s30, s10, $0xb8;
	[tilespmem:$0x19800] =	vst v63  }
0x28a: {  	_ =	swait.ge [sflag:s12], $0x8000  }
0x28b: {  	[sflag:s12] =	ssyncset.done $0x0  }
0x28c: {  	[sflag:s12] =	ssyncadd.s32 $0xFFFF8000  }
0x28d: {  	[spmem:s2] =	stream.indirect.scatter.add.f32 [tilespmem:s11], [sflag:$0x2], $0x40, s31, s10, $0xb8;
	[tilespmem:$0x19800] =	vst v63  }
0x28e: {  	_ =	swait.ge [sflag:s4], $0x8000  }
0x28f: {  	[sflag:s4] =	ssyncset.done $0x0  }
0x290: {  	[sflag:s4] =	ssyncadd.s32 $0xFFFF8000  }
0x291: {  	p0 =	sne.s32 s1, $0x1;
	[bflag:$0x0] =	sbarrier.arrive $0xFFFF  }
.Ltmp1:
0x292: {  	s0 =	rddreg [dreg:$0x7];
	(pc) =	sbr.rel @p0 .LBB2_1-.Ltmp1, $4  }
0x293: {  	[hbm:s0], [sflag:s7] =	dma.local [spmem:s8], $0x1400  }
0x294: {  	_ =	swait.ge [sflag:s4], $0x1400  }
0x295: {  	[sflag:s4] =	ssyncset.done $0x0  }
0x296: {  	s1 =	sadd.s32 $0xFFFFFFFF, s1;
	[sflag:s4] =	ssyncadd.s32 $0xFFFFEC00  }
.LBB2_2:
0x297: {  	[bflag:$0x0] =	sbarrier.arrive $0xFFFF  }
0x298: {  	_ =	sfence.sel $0x180000  }
0x299: {  	[bflag:$0x0] =	sbarrier.arrive $0xFFFF  }
0x29a: {  	_ =	strace $0x90000050  }
0x29b: {  	s0 =	stileid.u32;
	[bflag:$0x2] =	sbarrier.arrive $0xFFFF  }
0x29c: {  	p0 =	sne.s32 s0, $0x0;
	s0 =	rddreg [dreg:$0x2]  }
0x29d: {  	s0 =	sadd.s32 @!p0 $0x100000, s0  }
0x29e: {  	[sflag:s0] =	ssyncadd.tile.s32 @!p0 $0x1;
	_ =	shalt  }
.Lfunc_end2:
_tile_overlayer_lowered:
.L_overlay_start_2:
0x29f: {  	(tag) =	ssettag $0x2  }
0x2a0: {  	s0 =	rddreg [dreg:$0x0];
	s2 =	stileid.u32  }
0x2a1: {  	s1 =	rddreg [dreg:$0x1];
	p0 =	sne.s32 s2, $0x0  }
0x2a2: {  	s3 =	rddreg [dreg:$0x2];
	[bflag:$0x3] =	sbarrier.arrive $0xFFFF;
	s2 =	simm.s32 @!p0 $0x1C02  }
0x2a3: {  	[timem:s3], [sflag:s2] =	dma.local @!p0 [hbm:s0], s1  }
0x2a4: {  	s0 =	simm.s32 @!p0 $0x2  }
0x2a5: {  	_ =	swait.ge @!p0 [sflag:s0], s1  }
0x2a6: {  	s1 =	ssub.s32 @!p0 $0x0, s1;
	[sflag:s0] =	ssyncset.done @!p0 $0x0  }
0x2a7: {  	[sflag:s0] =	ssyncadd.s32 @!p0 s1  }
0x2a8: {  	[bflag:$0x3] =	sbarrier.arrive $0xFFFF  }
0x2a9: {  	_ =	shalt  }

</sc_bundles>
